<compile_context>
chip_gen: v7x
topology: tpu7x:2x2x1
jax: 0.10.2.dev20260603
libtpu: 0.0.44.dev20260713+nightly
codegen_flags: <defaults>
</compile_context>

<pallas_src>
import jax
import jax.numpy as jnp
from jax import lax
from jax.experimental import pallas as pl
from jax.experimental.pallas import tpu as pltpu
from jax.experimental.pallas import tpu_sc as plsc

HID = 1024
INTER = 512
NE = 8
T = 4096
P = 2 * T
BG = 256
G = 40
QP = G * BG
RB = 512
NW = 32


def _router_kernel(x_ref, gw_ref, logits_ref, ep_ref, wp_ref):
    x = x_ref[...]
    logits = jnp.dot(x, gw_ref[...], preferred_element_type=jnp.float32)
    logits_ref[...] = logits
    m = jnp.max(logits, axis=-1, keepdims=True)
    p = jnp.exp(logits - m)
    rw = p / jnp.sum(p, axis=-1, keepdims=True)
    ids = lax.broadcasted_iota(jnp.int32, rw.shape, 1)
    i1 = jnp.argmax(rw, axis=-1, keepdims=True)
    v1 = jnp.max(rw, axis=-1, keepdims=True)
    masked = jnp.where(ids == i1, -1.0, rw)
    i2 = jnp.argmax(masked, axis=-1, keepdims=True)
    v2 = jnp.max(masked, axis=-1, keepdims=True)
    denom = v1 + v2
    ep_ref[...] = jnp.concatenate([i1, i2], axis=1)
    wp_ref[...] = jnp.concatenate([v1 / denom, v2 / denom], axis=1)


def _run_router(x, gate_w):
    return pl.pallas_call(
        _router_kernel,
        grid=(T // RB,),
        in_specs=[
            pl.BlockSpec((RB, HID), lambda t: (t, 0)),
            pl.BlockSpec((HID, NE), lambda t: (0, 0)),
        ],
        out_specs=[
            pl.BlockSpec((RB, NE), lambda t: (t, 0)),
            pl.BlockSpec((RB, 2), lambda t: (t, 0)),
            pl.BlockSpec((RB, 2), lambda t: (t, 0)),
        ],
        out_shape=[
            jax.ShapeDtypeStruct((T, NE), jnp.float32),
            jax.ShapeDtypeStruct((T, 2), jnp.int32),
            jax.ShapeDtypeStruct((T, 2), jnp.float32),
        ],
    )(x, gate_w)


_NPB = 2 * T // RB


def _pair_cols(ep_ref, wp_ref, j):
    lane2 = lax.broadcasted_iota(jnp.int32, (RB, 2), 1)
    sel = (lane2 == j).astype(jnp.float32)
    e_col = jnp.sum(ep_ref[...].astype(jnp.float32) * sel, axis=1, keepdims=True)
    w_col = jnp.sum(wp_ref[...] * sel, axis=1, keepdims=True)
    lane8 = lax.broadcasted_iota(jnp.int32, (RB, NE), 1).astype(jnp.float32)
    oh = (e_col == lane8).astype(jnp.float32)
    return e_col, w_col, oh


def _scan_kernel(
    ep_ref, wp_ref, tri_ref, dest_ref, wj_ref, meta_ref, cnt_ref, cpre_ref, offs_ref
):
    b = pl.program_id(0)

    @pl.when(b == 0)
    def _init():
        cnt_ref[...] = jnp.zeros((1, NE), jnp.float32)

    @pl.when(b < _NPB)
    def _pass1():
        j = b // (T // RB)
        _, _, oh = _pair_cols(ep_ref, wp_ref, j)
        cpre_ref[pl.ds(b, 1), :] = cnt_ref[...]
        cnt_ref[...] += jnp.sum(oh, axis=0, keepdims=True)

    @pl.when(b == _NPB - 1)
    def _finish():
        counts = cnt_ref[...]
        padded = jnp.floor((counts + (BG - 1)) / BG) * BG
        acc = jnp.zeros((1, 1), jnp.float32)
        cols = []
        for e in range(NE):
            acc = acc + padded[:, e : e + 1]
            cols.append(acc)
        ends = jnp.concatenate(cols, axis=1)
        offs_ref[...] = ends - padded
        lane128 = lax.broadcasted_iota(jnp.int32, (1, 128), 1)
        bpos = lane128.astype(jnp.float32) * BG
        be = jnp.zeros((1, 128), jnp.float32)
        for e in range(NE):
            be += (bpos >= ends[:, e : e + 1]).astype(jnp.float32)
        be = jnp.clip(be, 0.0, NE - 1.0)
        used = jnp.floor((ends[:, NE - 1 : NE] + (BG - 1)) / BG)
        nblk = jnp.broadcast_to(used, (1, 128))
        meta_ref[...] = jnp.concatenate([be, nblk], axis=0).astype(jnp.int32)

    @pl.when(b >= _NPB)
    def _pass2():
        b2 = b - _NPB
        j = b2 // (T // RB)
        _, w_col, oh = _pair_cols(ep_ref, wp_ref, j)
        excl = jnp.dot(tri_ref[...], oh, preferred_element_type=jnp.float32)
        rank_local = jnp.sum(oh * excl, axis=1, keepdims=True)
        carried = jnp.sum(oh * cpre_ref[pl.ds(b2, 1), :], axis=1, keepdims=True)
        obase = jnp.sum(oh * offs_ref[...], axis=1, keepdims=True)
        dest_ref[...] = (rank_local + carried + obase).astype(jnp.int32)
        wj_ref[...] = w_col


def _run_scan(e_pair, w_pair):
    tri = (
        lax.broadcasted_iota(jnp.int32, (RB, RB), 0)
        > lax.broadcasted_iota(jnp.int32, (RB, RB), 1)
    ).astype(jnp.float32)
    return pl.pallas_call(
        _scan_kernel,
        grid=(2 * _NPB,),
        in_specs=[
            pl.BlockSpec((RB, 2), lambda b: (b % (T // RB), 0)),
            pl.BlockSpec((RB, 2), lambda b: (b % (T // RB), 0)),
            pl.BlockSpec((RB, RB), lambda b: (0, 0)),
        ],
        out_specs=[
            pl.BlockSpec((RB, 1), lambda b: (jnp.maximum(b - _NPB, 0), 0)),
            pl.BlockSpec((RB, 1), lambda b: (jnp.maximum(b - _NPB, 0), 0)),
            pl.BlockSpec((2, 128), lambda b: (0, 0)),
        ],
        out_shape=[
            jax.ShapeDtypeStruct((P, 1), jnp.int32),
            jax.ShapeDtypeStruct((P, 1), jnp.float32),
            jax.ShapeDtypeStruct((2, 128), jnp.int32),
        ],
        scratch_shapes=[
            pltpu.VMEM((1, NE), jnp.float32),
            pltpu.VMEM((_NPB, NE), jnp.float32),
            pltpu.VMEM((1, NE), jnp.float32),
        ],
        compiler_params=pltpu.CompilerParams(
            dimension_semantics=("arbitrary",),
        ),
    )(e_pair, w_pair, tri)


def _sc_mesh():
    return plsc.VectorSubcoreMesh(core_axis_name="c", subcore_axis_name="s")


_PPW = P // 16
_SPW = QP // 16


def _sc_scatter_body(
    dest_hbm, wj_hbm,
    tok_hbm, ws_hbm,
    dest_v, w_v, tok_v, zi_v, zf_v, tok_s, ws_s,
):
    cid = lax.axis_index("c")
    sid = lax.axis_index("s")

    @pl.when(cid == 0)
    def _zero():
        for c in range(_SPW // 16):
            zi_v[pl.ds(c * 16, 16)] = jnp.zeros((16,), jnp.int32)
            zf_v[pl.ds(c * 16, 16)] = jnp.zeros((16,), jnp.float32)
        slot = sid * _SPW
        pltpu.sync_copy(zi_v, tok_s.at[pl.ds(slot, _SPW)])
        pltpu.sync_copy(zf_v, ws_s.at[pl.ds(slot, _SPW)])

    plsc.subcore_barrier()

    @pl.when(cid == 0)
    def _scatter():
        base = sid * _PPW
        pltpu.sync_copy(dest_hbm.at[pl.ds(base, _PPW)], dest_v)
        pltpu.sync_copy(wj_hbm.at[pl.ds(base, _PPW)], w_v)
        for c in range(_PPW // 16):
            pvec = base + c * 16 + lax.iota(jnp.int32, 16)
            tok_v[pl.ds(c * 16, 16)] = jnp.bitwise_and(pvec, T - 1)
        pltpu.sync_copy(tok_v, tok_s.at[dest_v], add=True)
        pltpu.sync_copy(w_v, ws_s.at[dest_v], add=True)

    plsc.subcore_barrier()

    @pl.when(cid == 0)
    def _emit():
        slot = sid * _SPW
        pltpu.sync_copy(tok_s.at[pl.ds(slot, _SPW)], tok_hbm.at[pl.ds(slot, _SPW)])
        pltpu.sync_copy(ws_s.at[pl.ds(slot, _SPW)], ws_hbm.at[pl.ds(slot, _SPW)])


def _run_scatter(dest, w_j):
    f = pl.kernel(
        _sc_scatter_body,
        out_type=(
            jax.ShapeDtypeStruct((QP,), jnp.int32),
            jax.ShapeDtypeStruct((QP,), jnp.float32),
        ),
        mesh=_sc_mesh(),
        scratch_types=[
            pltpu.VMEM((_PPW,), jnp.int32),
            pltpu.VMEM((_PPW,), jnp.float32),
            pltpu.VMEM((_PPW,), jnp.int32),
            pltpu.VMEM((_SPW,), jnp.int32),
            pltpu.VMEM((_SPW,), jnp.float32),
            pltpu.VMEM_SHARED((QP,), jnp.int32),
            pltpu.VMEM_SHARED((QP,), jnp.float32),
        ],
    )
    return f(dest, w_j)


_RPW = QP // NW
_GCH = 16


def _sc_gather_body(
    x_hbm, tok_hbm, xs_hbm, idx_v, r0, r1, r2, r3, sem_g, sem_w
):
    cid = lax.axis_index("c")
    sid = lax.axis_index("s")
    wid = sid * 2 + cid
    rbase = wid * _RPW
    nch = _RPW // _GCH
    bufs = (r0, r1, r2, r3)
    pltpu.sync_copy(tok_hbm.at[pl.ds(rbase, _RPW)], idx_v)

    def _start(k):
        return pltpu.async_copy(
            x_hbm.at[idx_v.at[pl.ds(k * _GCH, _GCH)]], bufs[k % 4], sem_g
        )

    gathers = [None] * nch
    writes = [None] * nch
    for k in range(3):
        gathers[k] = _start(k)
    for k in range(nch):
        gathers[k].wait()
        if k >= 1:
            writes[k - 1].wait()
        if k + 3 < nch:
            gathers[k + 3] = _start(k + 3)
        writes[k] = pltpu.async_copy(
            bufs[k % 4], xs_hbm.at[pl.ds(rbase + k * _GCH, _GCH)], sem_w
        )
    writes[nch - 1].wait()


def _run_gather(x, tok):
    f = pl.kernel(
        _sc_gather_body,
        out_type=jax.ShapeDtypeStruct((QP, HID), jnp.float32),
        mesh=_sc_mesh(),
        scratch_types=[
            pltpu.VMEM((_RPW,), jnp.int32),
            pltpu.VMEM((_GCH, HID), jnp.float32),
            pltpu.VMEM((_GCH, HID), jnp.float32),
            pltpu.VMEM((_GCH, HID), jnp.float32),
            pltpu.VMEM((_GCH, HID), jnp.float32),
            pltpu.SemaphoreType.DMA,
            pltpu.SemaphoreType.DMA,
        ],
    )
    return f(x, tok)


def _gmm_kernel(m_ref, xs_ref, ws_ref, gp_ref, up_ref, dp_ref, ys_ref):
    b = pl.program_id(0)
    nblk = m_ref[1, 0]

    @pl.when(b < nblk)
    def _compute():
        x = xs_ref[...]
        g = jnp.dot(x, gp_ref[0], preferred_element_type=jnp.float32)
        u = jnp.dot(x, up_ref[0], preferred_element_type=jnp.float32)
        h = (g * jax.nn.sigmoid(g)) * u * ws_ref[...]
        ys_ref[...] = jnp.dot(h, dp_ref[0], preferred_element_type=jnp.float32)


def _run_gmm(meta, xs, ws_col, gate_proj_w, up_proj_w, down_proj_w):
    grid_spec = pltpu.PrefetchScalarGridSpec(
        num_scalar_prefetch=1,
        grid=(G,),
        in_specs=[
            pl.BlockSpec((BG, HID), lambda b, m: (b, 0)),
            pl.BlockSpec((BG, 1), lambda b, m: (b, 0)),
            pl.BlockSpec((1, HID, INTER), lambda b, m: (m[0, b], 0, 0)),
            pl.BlockSpec((1, HID, INTER), lambda b, m: (m[0, b], 0, 0)),
            pl.BlockSpec((1, INTER, HID), lambda b, m: (m[0, b], 0, 0)),
        ],
        out_specs=pl.BlockSpec((BG, HID), lambda b, m: (b, 0)),
    )
    return pl.pallas_call(
        _gmm_kernel,
        grid_spec=grid_spec,
        out_shape=jax.ShapeDtypeStruct((QP, HID), jnp.float32),
        compiler_params=pltpu.CompilerParams(
            dimension_semantics=("arbitrary",),
        ),
    )(meta, xs, ws_col, gate_proj_w, up_proj_w, down_proj_w)


_TPW = T // NW
_MCH = 16


def _sc_mix_body(
    ys_hbm, dest_hbm, out_hbm, i0_v, i1_v, a0_v, b0_v, a1_v, b1_v, sem_g, sem_w
):
    cid = lax.axis_index("c")
    sid = lax.axis_index("s")
    wid = sid * 2 + cid
    tbase = wid * _TPW
    nch = _TPW // _MCH
    abufs = (a0_v, a1_v)
    bbufs = (b0_v, b1_v)
    pltpu.sync_copy(dest_hbm.at[pl.ds(tbase, _TPW)], i0_v)
    pltpu.sync_copy(dest_hbm.at[pl.ds(T + tbase, _TPW)], i1_v)

    def _start(k):
        ds = pl.ds(k * _MCH, _MCH)
        ga = pltpu.async_copy(ys_hbm.at[i0_v.at[ds]], abufs[k % 2], sem_g)
        gb = pltpu.async_copy(ys_hbm.at[i1_v.at[ds]], bbufs[k % 2], sem_g)
        return ga, gb

    gathers = [None] * nch
    writes = [None] * nch
    gathers[0] = _start(0)
    for k in range(nch):
        a_v = abufs[k % 2]
        b_v = bbufs[k % 2]
        gathers[k][0].wait()
        gathers[k][1].wait()
        if k >= 1:
            writes[k - 1].wait()
        if k + 1 < nch:
            gathers[k + 1] = _start(k + 1)

        def _add(i, carry):
            r = i // 16
            g = i - r * 16
            for u in range(4):
                ds = pl.ds((g * 4 + u) * 16, 16)
                a_v[r, ds] = a_v[r, ds] + b_v[r, ds]
            return carry

        lax.fori_loop(0, _MCH * 16, _add, 0)
        writes[k] = pltpu.async_copy(
            a_v, out_hbm.at[pl.ds(tbase + k * _MCH, _MCH)], sem_w
        )
    writes[nch - 1].wait()


def _run_mix(ys, dest):
    f = pl.kernel(
        _sc_mix_body,
        out_type=jax.ShapeDtypeStruct((T, HID), jnp.float32),
        mesh=_sc_mesh(),
        scratch_types=[
            pltpu.VMEM((_TPW,), jnp.int32),
            pltpu.VMEM((_TPW,), jnp.int32),
            pltpu.VMEM((_MCH, HID), jnp.float32),
            pltpu.VMEM((_MCH, HID), jnp.float32),
            pltpu.VMEM((_MCH, HID), jnp.float32),
            pltpu.VMEM((_MCH, HID), jnp.float32),
            pltpu.SemaphoreType.DMA,
            pltpu.SemaphoreType.DMA,
        ],
    )
    return f(ys, dest)


def kernel(hidden_states, gate_w, gate_proj_w, up_proj_w, down_proj_w):
    batch, seq_len, dim = hidden_states.shape
    x = hidden_states.reshape(-1, dim)

    logits, e_pair, w_pair = _run_router(x, gate_w)
    dest, w_j, meta = _run_scan(e_pair, w_pair)
    tok, ws = _run_scatter(dest.reshape(P), w_j.reshape(P))
    xs = _run_gather(x, tok)
    ys = _run_gmm(meta, xs, ws.reshape(QP, 1), gate_proj_w, up_proj_w, down_proj_w)
    out = _run_mix(ys, dest.reshape(P))
    return out.reshape(batch, seq_len, dim), logits

# --- scband reference (transcript-rebuilt; emitter-appended) ---
"""Pipeline reference for scband-flax-qwen3-moe-sparse-moe-block-85933705659129 (READ-ONLY COPY).

The authoritative reference and input builder live on the scoring server;
editing this copy changes nothing except your own understanding.
"""

import jax, jax.numpy as jnp
import numpy as np

HIDDEN = 1024
MOE_INTER = 512
NUM_EXPERTS = 8
TOP_K = 2
NORM_TOPK_PROB = True
INIT_RANGE = 0.02


def setup_inputs(seed: int = 0) -> dict:
    key = jax.random.key(seed)
    k0, k1, k2, k3, k4 = jax.random.split(key, 5)
    hidden_states = jax.random.normal(k0, (2, 2048, HIDDEN), dtype=jnp.float32)
    gate_w = jax.random.normal(k1, (HIDDEN, NUM_EXPERTS), dtype=jnp.float32) * INIT_RANGE
    gate_proj_w = jax.random.normal(k2, (NUM_EXPERTS, HIDDEN, MOE_INTER), dtype=jnp.float32) * INIT_RANGE
    up_proj_w = jax.random.normal(k3, (NUM_EXPERTS, HIDDEN, MOE_INTER), dtype=jnp.float32) * INIT_RANGE
    down_proj_w = jax.random.normal(k4, (NUM_EXPERTS, MOE_INTER, HIDDEN), dtype=jnp.float32) * INIT_RANGE
    return {
        "hidden_states": hidden_states,
        "gate_w": gate_w,
        "gate_proj_w": gate_proj_w,
        "up_proj_w": up_proj_w,
        "down_proj_w": down_proj_w,
    }


def reference(hidden_states, gate_w, gate_proj_w, up_proj_w, down_proj_w):
    batch, seq_len, dim = hidden_states.shape
    flat_states = hidden_states.reshape(-1, dim)  # [T, d]
    T = flat_states.shape[0]

    # router
    router_logits = flat_states @ gate_w  # [T, E]
    routing_weights = jax.nn.softmax(router_logits, axis=-1)

    if TOP_K < NUM_EXPERTS:
        topk_val, topk_idx = jax.lax.top_k(routing_weights, TOP_K)
        if NORM_TOPK_PROB:
            topk_val = topk_val / topk_val.sum(axis=-1, keepdims=True)
        routing_weights = jnp.zeros_like(routing_weights).at[
            jnp.arange(T)[:, None], topk_idx
        ].set(topk_val)

    # dense evaluation of all experts (faithful to the flax reference, which
    # stacks expert(flat_states) for every expert)
    up = jnp.einsum('td,edf->etf', flat_states, up_proj_w)            # [E, T, f]
    gate = jax.nn.silu(jnp.einsum('td,edf->etf', flat_states, gate_proj_w))
    expert_outputs = jnp.einsum('etf,efd->etd', up * gate, down_proj_w)  # [E, T, d]

    # original: expert_outputs stacked to [T, E, d]; einsum('bn,bnd->bd')
    flat_output = jnp.einsum('te,etd->td', routing_weights, expert_outputs)
    out = flat_output.reshape(batch, seq_len, dim)
    return (out, router_logits)

if __name__ == "__main__":
    import jax
    _d = setup_inputs()
    print(jax.jit(kernel)(*tuple(_d.values())))

</pallas_src>

<mosaic_0001>
#map = affine_map<(d0, d1) -> (0)>
module attributes {stable_mosaic.version = 14 : i64} {
  func.func @_sc_scatter_body(%arg0: i32, %arg1: i32, %arg2: memref<8192xi32, #tpu.memory_space<hbm>>, %arg3: memref<8192xf32, #tpu.memory_space<hbm>>, %arg4: memref<10240xi32, #tpu.memory_space<hbm>>, %arg5: memref<10240xf32, #tpu.memory_space<hbm>>, %arg6: memref<512xi32, #tpu.memory_space<vmem>>, %arg7: memref<512xf32, #tpu.memory_space<vmem>>, %arg8: memref<512xi32, #tpu.memory_space<vmem>>, %arg9: memref<640xi32, #tpu.memory_space<vmem>>, %arg10: memref<640xf32, #tpu.memory_space<vmem>>, %arg11: memref<10240xi32, #tpu.memory_space<vmem_shared>>, %arg12: memref<10240xf32, #tpu.memory_space<vmem_shared>>) attributes {dimension_semantics = [#tpu.dimension_semantics<core_parallel>, #tpu.dimension_semantics<subcore_parallel>], iteration_bounds = array<i64: 2, 16>, scalar_prefetch = 0 : i64, scratch_operands = 7 : i64, tpu.core_type = #tpu.core_type<sc_vector_subcore>, window_params = [{transform_indices = #map}, {transform_indices = #map}, {transform_indices = #map}, {transform_indices = #map}]} {
    %eq3A = arith.constant 0 : i32
    %eq3A_0 = arith.cmpi eq, %arg0, %eq3A : i32
    %convert_element_type3A = arith.extui %eq3A_0 : i1 to i32
    %cond3A = arith.constant 0 : i32
    %cond3A_1 = arith.cmpi ne, %convert_element_type3A, %cond3A : i32
    scf.if %cond3A_1 {
      %broadcast_in_dim3A = arith.constant 0 : i32
      %broadcast_in_dim3A_13 = vector.broadcast %broadcast_in_dim3A : i32 to vector<16xi32>
      %swap3A = arith.constant 0 : index
      %swap3A_14 = tpu.vector_load %arg9[%swap3A] {strides = array<i32>} : memref<640xi32, #tpu.memory_space<vmem>>, vector<16xi32>,
      %swap3A_15 = vector.shape_cast %swap3A_14 : vector<16xi32> to vector<16xi32>
      %swap3A_16 = vector.shape_cast %broadcast_in_dim3A_13 : vector<16xi32> to vector<16xi32>
      tpu.vector_store %arg9[%swap3A], %swap3A_16 {strides = array<i32>} : memref<640xi32, #tpu.memory_space<vmem>>, vector<16xi32>,
      %broadcast_in_dim3A_17 = arith.constant 0.000000e+00 : f32
      %broadcast_in_dim3A_18 = vector.broadcast %broadcast_in_dim3A_17 : f32 to vector<16xf32>
      %swap3A_19 = arith.constant 0 : index
      %swap3A_20 = tpu.vector_load %arg10[%swap3A_19] {strides = array<i32>} : memref<640xf32, #tpu.memory_space<vmem>>, vector<16xf32>,
      %swap3A_21 = vector.shape_cast %swap3A_20 : vector<16xf32> to vector<16xf32>
      %swap3A_22 = vector.shape_cast %broadcast_in_dim3A_18 : vector<16xf32> to vector<16xf32>
      tpu.vector_store %arg10[%swap3A_19], %swap3A_22 {strides = array<i32>} : memref<640xf32, #tpu.memory_space<vmem>>, vector<16xf32>,
      %broadcast_in_dim3A_23 = arith.constant 0 : i32
      %broadcast_in_dim3A_24 = vector.broadcast %broadcast_in_dim3A_23 : i32 to vector<16xi32>
      %swap3A_25 = arith.constant 16 : index
      %swap3A_26 = tpu.vector_load %arg9[%swap3A_25] {strides = array<i32>} : memref<640xi32, #tpu.memory_space<vmem>>, vector<16xi32>,
      %swap3A_27 = vector.shape_cast %swap3A_26 : vector<16xi32> to vector<16xi32>
      %swap3A_28 = vector.shape_cast %broadcast_in_dim3A_24 : vector<16xi32> to vector<16xi32>
      tpu.vector_store %arg9[%swap3A_25], %swap3A_28 {strides = array<i32>} : memref<640xi32, #tpu.memory_space<vmem>>, vector<16xi32>,
      %broadcast_in_dim3A_29 = arith.constant 0.000000e+00 : f32
      %broadcast_in_dim3A_30 = vector.broadcast %broadcast_in_dim3A_29 : f32 to vector<16xf32>
      %swap3A_31 = arith.constant 16 : index
      %swap3A_32 = tpu.vector_load %arg10[%swap3A_31] {strides = array<i32>} : memref<640xf32, #tpu.memory_space<vmem>>, vector<16xf32>,
      %swap3A_33 = vector.shape_cast %swap3A_32 : vector<16xf32> to vector<16xf32>
      %swap3A_34 = vector.shape_cast %broadcast_in_dim3A_30 : vector<16xf32> to vector<16xf32>
      tpu.vector_store %arg10[%swap3A_31], %swap3A_34 {strides = array<i32>} : memref<640xf32, #tpu.memory_space<vmem>>, vector<16xf32>,
      %broadcast_in_dim3A_35 = arith.constant 0 : i32
      %broadcast_in_dim3A_36 = vector.broadcast %broadcast_in_dim3A_35 : i32 to vector<16xi32>
      %swap3A_37 = arith.constant 32 : index
      %swap3A_38 = tpu.vector_load %arg9[%swap3A_37] {strides = array<i32>} : memref<640xi32, #tpu.memory_space<vmem>>, vector<16xi32>,
      %swap3A_39 = vector.shape_cast %swap3A_38 : vector<16xi32> to vector<16xi32>
      %swap3A_40 = vector.shape_cast %broadcast_in_dim3A_36 : vector<16xi32> to vector<16xi32>
      tpu.vector_store %arg9[%swap3A_37], %swap3A_40 {strides = array<i32>} : memref<640xi32, #tpu.memory_space<vmem>>, vector<16xi32>,
      %broadcast_in_dim3A_41 = arith.constant 0.000000e+00 : f32
      %broadcast_in_dim3A_42 = vector.broadcast %broadcast_in_dim3A_41 : f32 to vector<16xf32>
      %swap3A_43 = arith.constant 32 : index
      %swap3A_44 = tpu.vector_load %arg10[%swap3A_43] {strides = array<i32>} : memref<640xf32, #tpu.memory_space<vmem>>, vector<16xf32>,
      %swap3A_45 = vector.shape_cast %swap3A_44 : vector<16xf32> to vector<16xf32>
      %swap3A_46 = vector.shape_cast %broadcast_in_dim3A_42 : vector<16xf32> to vector<16xf32>
      tpu.vector_store %arg10[%swap3A_43], %swap3A_46 {strides = array<i32>} : memref<640xf32, #tpu.memory_space<vmem>>, vector<16xf32>,
      %broadcast_in_dim3A_47 = arith.constant 0 : i32
      %broadcast_in_dim3A_48 = vector.broadcast %broadcast_in_dim3A_47 : i32 to vector<16xi32>
      %swap3A_49 = arith.constant 48 : index
      %swap3A_50 = tpu.vector_load %arg9[%swap3A_49] {strides = array<i32>} : memref<640xi32, #tpu.memory_space<vmem>>, vector<16xi32>,
      %swap3A_51 = vector.shape_cast %swap3A_50 : vector<16xi32> to vector<16xi32>
      %swap3A_52 = vector.shape_cast %broadcast_in_dim3A_48 : vector<16xi32> to vector<16xi32>
      tpu.vector_store %arg9[%swap3A_49], %swap3A_52 {strides = array<i32>} : memref<640xi32, #tpu.memory_space<vmem>>, vector<16xi32>,
      %broadcast_in_dim3A_53 = arith.constant 0.000000e+00 : f32
      %broadcast_in_dim3A_54 = vector.broadcast %broadcast_in_dim3A_53 : f32 to vector<16xf32>
      %swap3A_55 = arith.constant 48 : index
      %swap3A_56 = tpu.vector_load %arg10[%swap3A_55] {strides = array<i32>} : memref<640xf32, #tpu.memory_space<vmem>>, vector<16xf32>,
      %swap3A_57 = vector.shape_cast %swap3A_56 : vector<16xf32> to vector<16xf32>
      %swap3A_58 = vector.shape_cast %broadcast_in_dim3A_54 : vector<16xf32> to vector<16xf32>
      tpu.vector_store %arg10[%swap3A_55], %swap3A_58 {strides = array<i32>} : memref<640xf32, #tpu.memory_space<vmem>>, vector<16xf32>,
      %broadcast_in_dim3A_59 = arith.constant 0 : i32
      %broadcast_in_dim3A_60 = vector.broadcast %broadcast_in_dim3A_59 : i32 to vector<16xi32>
      %swap3A_61 = arith.constant 64 : index
      %swap3A_62 = tpu.vector_load %arg9[%swap3A_61] {strides = array<i32>} : memref<640xi32, #tpu.memory_space<vmem>>, vector<16xi32>,
      %swap3A_63 = vector.shape_cast %swap3A_62 : vector<16xi32> to vector<16xi32>
      %swap3A_64 = vector.shape_cast %broadcast_in_dim3A_60 : vector<16xi32> to vector<16xi32>
      tpu.vector_store %arg9[%swap3A_61], %swap3A_64 {strides = array<i32>} : memref<640xi32, #tpu.memory_space<vmem>>, vector<16xi32>,
      %broadcast_in_dim3A_65 = arith.constant 0.000000e+00 : f32
      %broadcast_in_dim3A_66 = vector.broadcast %broadcast_in_dim3A_65 : f32 to vector<16xf32>
      %swap3A_67 = arith.constant 64 : index
      %swap3A_68 = tpu.vector_load %arg10[%swap3A_67] {strides = array<i32>} : memref<640xf32, #tpu.memory_space<vmem>>, vector<16xf32>,
      %swap3A_69 = vector.shape_cast %swap3A_68 : vector<16xf32> to vector<16xf32>
      %swap3A_70 = vector.shape_cast %broadcast_in_dim3A_66 : vector<16xf32> to vector<16xf32>
      tpu.vector_store %arg10[%swap3A_67], %swap3A_70 {strides = array<i32>} : memref<640xf32, #tpu.memory_space<vmem>>, vector<16xf32>,
      %broadcast_in_dim3A_71 = arith.constant 0 : i32
      %broadcast_in_dim3A_72 = vector.broadcast %broadcast_in_dim3A_71 : i32 to vector<16xi32>
      %swap3A_73 = arith.constant 80 : index
      %swap3A_74 = tpu.vector_load %arg9[%swap3A_73] {strides = array<i32>} : memref<640xi32, #tpu.memory_space<vmem>>, vector<16xi32>,
      %swap3A_75 = vector.shape_cast %swap3A_74 : vector<16xi32> to vector<16xi32>
      %swap3A_76 = vector.shape_cast %broadcast_in_dim3A_72 : vector<16xi32> to vector<16xi32>
      tpu.vector_store %arg9[%swap3A_73], %swap3A_76 {strides = array<i32>} : memref<640xi32, #tpu.memory_space<vmem>>, vector<16xi32>,
      %broadcast_in_dim3A_77 = arith.constant 0.000000e+00 : f32
      %broadcast_in_dim3A_78 = vector.broadcast %broadcast_in_dim3A_77 : f32 to vector<16xf32>
      %swap3A_79 = arith.constant 80 : index
      %swap3A_80 = tpu.vector_load %arg10[%swap3A_79] {strides = array<i32>} : memref<640xf32, #tpu.memory_space<vmem>>, vector<16xf32>,
      %swap3A_81 = vector.shape_cast %swap3A_80 : vector<16xf32> to vector<16xf32>
      %swap3A_82 = vector.shape_cast %broadcast_in_dim3A_78 : vector<16xf32> to vector<16xf32>
      tpu.vector_store %arg10[%swap3A_79], %swap3A_82 {strides = array<i32>} : memref<640xf32, #tpu.memory_space<vmem>>, vector<16xf32>,
      %broadcast_in_dim3A_83 = arith.constant 0 : i32
      %broadcast_in_dim3A_84 = vector.broadcast %broadcast_in_dim3A_83 : i32 to vector<16xi32>
      %swap3A_85 = arith.constant 96 : index
      %swap3A_86 = tpu.vector_load %arg9[%swap3A_85] {strides = array<i32>} : memref<640xi32, #tpu.memory_space<vmem>>, vector<16xi32>,
      %swap3A_87 = vector.shape_cast %swap3A_86 : vector<16xi32> to vector<16xi32>
      %swap3A_88 = vector.shape_cast %broadcast_in_dim3A_84 : vector<16xi32> to vector<16xi32>
      tpu.vector_store %arg9[%swap3A_85], %swap3A_88 {strides = array<i32>} : memref<640xi32, #tpu.memory_space<vmem>>, vector<16xi32>,
      %broadcast_in_dim3A_89 = arith.constant 0.000000e+00 : f32
      %broadcast_in_dim3A_90 = vector.broadcast %broadcast_in_dim3A_89 : f32 to vector<16xf32>
      %swap3A_91 = arith.constant 96 : index
      %swap3A_92 = tpu.vector_load %arg10[%swap3A_91] {strides = array<i32>} : memref<640xf32, #tpu.memory_space<vmem>>, vector<16xf32>,
      %swap3A_93 = vector.shape_cast %swap3A_92 : vector<16xf32> to vector<16xf32>
      %swap3A_94 = vector.shape_cast %broadcast_in_dim3A_90 : vector<16xf32> to vector<16xf32>
      tpu.vector_store %arg10[%swap3A_91], %swap3A_94 {strides = array<i32>} : memref<640xf32, #tpu.memory_space<vmem>>, vector<16xf32>,
      %broadcast_in_dim3A_95 = arith.constant 0 : i32
      %broadcast_in_dim3A_96 = vector.broadcast %broadcast_in_dim3A_95 : i32 to vector<16xi32>
      %swap3A_97 = arith.constant 112 : index
      %swap3A_98 = tpu.vector_load %arg9[%swap3A_97] {strides = array<i32>} : memref<640xi32, #tpu.memory_space<vmem>>, vector<16xi32>,
      %swap3A_99 = vector.shape_cast %swap3A_98 : vector<16xi32> to vector<16xi32>
      %swap3A_100 = vector.shape_cast %broadcast_in_dim3A_96 : vector<16xi32> to vector<16xi32>
      tpu.vector_store %arg9[%swap3A_97], %swap3A_100 {strides = array<i32>} : memref<640xi32, #tpu.memory_space<vmem>>, vector<16xi32>,
      %broadcast_in_dim3A_101 = arith.constant 0.000000e+00 : f32
      %broadcast_in_dim3A_102 = vector.broadcast %broadcast_in_dim3A_101 : f32 to vector<16xf32>
      %swap3A_103 = arith.constant 112 : index
      %swap3A_104 = tpu.vector_load %arg10[%swap3A_103] {strides = array<i32>} : memref<640xf32, #tpu.memory_space<vmem>>, vector<16xf32>,
      %swap3A_105 = vector.shape_cast %swap3A_104 : vector<16xf32> to vector<16xf32>
      %swap3A_106 = vector.shape_cast %broadcast_in_dim3A_102 : vector<16xf32> to vector<16xf32>
      tpu.vector_store %arg10[%swap3A_103], %swap3A_106 {strides = array<i32>} : memref<640xf32, #tpu.memory_space<vmem>>, vector<16xf32>,
      %broadcast_in_dim3A_107 = arith.constant 0 : i32
      %broadcast_in_dim3A_108 = vector.broadcast %broadcast_in_dim3A_107 : i32 to vector<16xi32>
      %swap3A_109 = arith.constant 128 : index
      %swap3A_110 = tpu.vector_load %arg9[%swap3A_109] {strides = array<i32>} : memref<640xi32, #tpu.memory_space<vmem>>, vector<16xi32>,
      %swap3A_111 = vector.shape_cast %swap3A_110 : vector<16xi32> to vector<16xi32>
      %swap3A_112 = vector.shape_cast %broadcast_in_dim3A_108 : vector<16xi32> to vector<16xi32>
      tpu.vector_store %arg9[%swap3A_109], %swap3A_112 {strides = array<i32>} : memref<640xi32, #tpu.memory_space<vmem>>, vector<16xi32>,
      %broadcast_in_dim3A_113 = arith.constant 0.000000e+00 : f32
      %broadcast_in_dim3A_114 = vector.broadcast %broadcast_in_dim3A_113 : f32 to vector<16xf32>
      %swap3A_115 = arith.constant 128 : index
      %swap3A_116 = tpu.vector_load %arg10[%swap3A_115] {strides = array<i32>} : memref<640xf32, #tpu.memory_space<vmem>>, vector<16xf32>,
      %swap3A_117 = vector.shape_cast %swap3A_116 : vector<16xf32> to vector<16xf32>
      %swap3A_118 = vector.shape_cast %broadcast_in_dim3A_114 : vector<16xf32> to vector<16xf32>
      tpu.vector_store %arg10[%swap3A_115], %swap3A_118 {strides = array<i32>} : memref<640xf32, #tpu.memory_space<vmem>>, vector<16xf32>,
      %broadcast_in_dim3A_119 = arith.constant 0 : i32
      %broadcast_in_dim3A_120 = vector.broadcast %broadcast_in_dim3A_119 : i32 to vector<16xi32>
      %swap3A_121 = arith.constant 144 : index
      %swap3A_122 = tpu.vector_load %arg9[%swap3A_121] {strides = array<i32>} : memref<640xi32, #tpu.memory_space<vmem>>, vector<16xi32>,
      %swap3A_123 = vector.shape_cast %swap3A_122 : vector<16xi32> to vector<16xi32>
      %swap3A_124 = vector.shape_cast %broadcast_in_dim3A_120 : vector<16xi32> to vector<16xi32>
      tpu.vector_store %arg9[%swap3A_121], %swap3A_124 {strides = array<i32>} : memref<640xi32, #tpu.memory_space<vmem>>, vector<16xi32>,
      %broadcast_in_dim3A_125 = arith.constant 0.000000e+00 : f32
      %broadcast_in_dim3A_126 = vector.broadcast %broadcast_in_dim3A_125 : f32 to vector<16xf32>
      %swap3A_127 = arith.constant 144 : index
      %swap3A_128 = tpu.vector_load %arg10[%swap3A_127] {strides = array<i32>} : memref<640xf32, #tpu.memory_space<vmem>>, vector<16xf32>,
      %swap3A_129 = vector.shape_cast %swap3A_128 : vector<16xf32> to vector<16xf32>
      %swap3A_130 = vector.shape_cast %broadcast_in_dim3A_126 : vector<16xf32> to vector<16xf32>
      tpu.vector_store %arg10[%swap3A_127], %swap3A_130 {strides = array<i32>} : memref<640xf32, #tpu.memory_space<vmem>>, vector<16xf32>,
      %broadcast_in_dim3A_131 = arith.constant 0 : i32
      %broadcast_in_dim3A_132 = vector.broadcast %broadcast_in_dim3A_131 : i32 to vector<16xi32>
      %swap3A_133 = arith.constant 160 : index
      %swap3A_134 = tpu.vector_load %arg9[%swap3A_133] {strides = array<i32>} : memref<640xi32, #tpu.memory_space<vmem>>, vector<16xi32>,
      %swap3A_135 = vector.shape_cast %swap3A_134 : vector<16xi32> to vector<16xi32>
      %swap3A_136 = vector.shape_cast %broadcast_in_dim3A_132 : vector<16xi32> to vector<16xi32>
      tpu.vector_store %arg9[%swap3A_133], %swap3A_136 {strides = array<i32>} : memref<640xi32, #tpu.memory_space<vmem>>, vector<16xi32>,
      %broadcast_in_dim3A_137 = arith.constant 0.000000e+00 : f32
      %broadcast_in_dim3A_138 = vector.broadcast %broadcast_in_dim3A_137 : f32 to vector<16xf32>
      %swap3A_139 = arith.constant 160 : index
      %swap3A_140 = tpu.vector_load %arg10[%swap3A_139] {strides = array<i32>} : memref<640xf32, #tpu.memory_space<vmem>>, vector<16xf32>,
      %swap3A_141 = vector.shape_cast %swap3A_140 : vector<16xf32> to vector<16xf32>
      %swap3A_142 = vector.shape_cast %broadcast_in_dim3A_138 : vector<16xf32> to vector<16xf32>
      tpu.vector_store %arg10[%swap3A_139], %swap3A_142 {strides = array<i32>} : memref<640xf32, #tpu.memory_space<vmem>>, vector<16xf32>,
      %broadcast_in_dim3A_143 = arith.constant 0 : i32
      %broadcast_in_dim3A_144 = vector.broadcast %broadcast_in_dim3A_143 : i32 to vector<16xi32>
      %swap3A_145 = arith.constant 176 : index
      %swap3A_146 = tpu.vector_load %arg9[%swap3A_145] {strides = array<i32>} : memref<640xi32, #tpu.memory_space<vmem>>, vector<16xi32>,
      %swap3A_147 = vector.shape_cast %swap3A_146 : vector<16xi32> to vector<16xi32>
      %swap3A_148 = vector.shape_cast %broadcast_in_dim3A_144 : vector<16xi32> to vector<16xi32>
      tpu.vector_store %arg9[%swap3A_145], %swap3A_148 {strides = array<i32>} : memref<640xi32, #tpu.memory_space<vmem>>, vector<16xi32>,
      %broadcast_in_dim3A_149 = arith.constant 0.000000e+00 : f32
      %broadcast_in_dim3A_150 = vector.broadcast %broadcast_in_dim3A_149 : f32 to vector<16xf32>
      %swap3A_151 = arith.constant 176 : index
      %swap3A_152 = tpu.vector_load %arg10[%swap3A_151] {strides = array<i32>} : memref<640xf32, #tpu.memory_space<vmem>>, vector<16xf32>,
      %swap3A_153 = vector.shape_cast %swap3A_152 : vector<16xf32> to vector<16xf32>
      %swap3A_154 = vector.shape_cast %broadcast_in_dim3A_150 : vector<16xf32> to vector<16xf32>
      tpu.vector_store %arg10[%swap3A_151], %swap3A_154 {strides = array<i32>} : memref<640xf32, #tpu.memory_space<vmem>>, vector<16xf32>,
      %broadcast_in_dim3A_155 = arith.constant 0 : i32
      %broadcast_in_dim3A_156 = vector.broadcast %broadcast_in_dim3A_155 : i32 to vector<16xi32>
      %swap3A_157 = arith.constant 192 : index
      %swap3A_158 = tpu.vector_load %arg9[%swap3A_157] {strides = array<i32>} : memref<640xi32, #tpu.memory_space<vmem>>, vector<16xi32>,
      %swap3A_159 = vector.shape_cast %swap3A_158 : vector<16xi32> to vector<16xi32>
      %swap3A_160 = vector.shape_cast %broadcast_in_dim3A_156 : vector<16xi32> to vector<16xi32>
      tpu.vector_store %arg9[%swap3A_157], %swap3A_160 {strides = array<i32>} : memref<640xi32, #tpu.memory_space<vmem>>, vector<16xi32>,
      %broadcast_in_dim3A_161 = arith.constant 0.000000e+00 : f32
      %broadcast_in_dim3A_162 = vector.broadcast %broadcast_in_dim3A_161 : f32 to vector<16xf32>
      %swap3A_163 = arith.constant 192 : index
      %swap3A_164 = tpu.vector_load %arg10[%swap3A_163] {strides = array<i32>} : memref<640xf32, #tpu.memory_space<vmem>>, vector<16xf32>,
      %swap3A_165 = vector.shape_cast %swap3A_164 : vector<16xf32> to vector<16xf32>
      %swap3A_166 = vector.shape_cast %broadcast_in_dim3A_162 : vector<16xf32> to vector<16xf32>
      tpu.vector_store %arg10[%swap3A_163], %swap3A_166 {strides = array<i32>} : memref<640xf32, #tpu.memory_space<vmem>>, vector<16xf32>,
      %broadcast_in_dim3A_167 = arith.constant 0 : i32
      %broadcast_in_dim3A_168 = vector.broadcast %broadcast_in_dim3A_167 : i32 to vector<16xi32>
      %swap3A_169 = arith.constant 208 : index
      %swap3A_170 = tpu.vector_load %arg9[%swap3A_169] {strides = array<i32>} : memref<640xi32, #tpu.memory_space<vmem>>, vector<16xi32>,
      %swap3A_171 = vector.shape_cast %swap3A_170 : vector<16xi32> to vector<16xi32>
      %swap3A_172 = vector.shape_cast %broadcast_in_dim3A_168 : vector<16xi32> to vector<16xi32>
      tpu.vector_store %arg9[%swap3A_169], %swap3A_172 {strides = array<i32>} : memref<640xi32, #tpu.memory_space<vmem>>, vector<16xi32>,
      %broadcast_in_dim3A_173 = arith.constant 0.000000e+00 : f32
      %broadcast_in_dim3A_174 = vector.broadcast %broadcast_in_dim3A_173 : f32 to vector<16xf32>
      %swap3A_175 = arith.constant 208 : index
      %swap3A_176 = tpu.vector_load %arg10[%swap3A_175] {strides = array<i32>} : memref<640xf32, #tpu.memory_space<vmem>>, vector<16xf32>,
      %swap3A_177 = vector.shape_cast %swap3A_176 : vector<16xf32> to vector<16xf32>
      %swap3A_178 = vector.shape_cast %broadcast_in_dim3A_174 : vector<16xf32> to vector<16xf32>
      tpu.vector_store %arg10[%swap3A_175], %swap3A_178 {strides = array<i32>} : memref<640xf32, #tpu.memory_space<vmem>>, vector<16xf32>,
      %broadcast_in_dim3A_179 = arith.constant 0 : i32
      %broadcast_in_dim3A_180 = vector.broadcast %broadcast_in_dim3A_179 : i32 to vector<16xi32>
      %swap3A_181 = arith.constant 224 : index
      %swap3A_182 = tpu.vector_load %arg9[%swap3A_181] {strides = array<i32>} : memref<640xi32, #tpu.memory_space<vmem>>, vector<16xi32>,
      %swap3A_183 = vector.shape_cast %swap3A_182 : vector<16xi32> to vector<16xi32>
      %swap3A_184 = vector.shape_cast %broadcast_in_dim3A_180 : vector<16xi32> to vector<16xi32>
      tpu.vector_store %arg9[%swap3A_181], %swap3A_184 {strides = array<i32>} : memref<640xi32, #tpu.memory_space<vmem>>, vector<16xi32>,
      %broadcast_in_dim3A_185 = arith.constant 0.000000e+00 : f32
      %broadcast_in_dim3A_186 = vector.broadcast %broadcast_in_dim3A_185 : f32 to vector<16xf32>
      %swap3A_187 = arith.constant 224 : index
      %swap3A_188 = tpu.vector_load %arg10[%swap3A_187] {strides = array<i32>} : memref<640xf32, #tpu.memory_space<vmem>>, vector<16xf32>,
      %swap3A_189 = vector.shape_cast %swap3A_188 : vector<16xf32> to vector<16xf32>
      %swap3A_190 = vector.shape_cast %broadcast_in_dim3A_186 : vector<16xf32> to vector<16xf32>
      tpu.vector_store %arg10[%swap3A_187], %swap3A_190 {strides = array<i32>} : memref<640xf32, #tpu.memory_space<vmem>>, vector<16xf32>,
      %broadcast_in_dim3A_191 = arith.constant 0 : i32
      %broadcast_in_dim3A_192 = vector.broadcast %broadcast_in_dim3A_191 : i32 to vector<16xi32>
      %swap3A_193 = arith.constant 240 : index
      %swap3A_194 = tpu.vector_load %arg9[%swap3A_193] {strides = array<i32>} : memref<640xi32, #tpu.memory_space<vmem>>, vector<16xi32>,
      %swap3A_195 = vector.shape_cast %swap3A_194 : vector<16xi32> to vector<16xi32>
      %swap3A_196 = vector.shape_cast %broadcast_in_dim3A_192 : vector<16xi32> to vector<16xi32>
      tpu.vector_store %arg9[%swap3A_193], %swap3A_196 {strides = array<i32>} : memref<640xi32, #tpu.memory_space<vmem>>, vector<16xi32>,
      %broadcast_in_dim3A_197 = arith.constant 0.000000e+00 : f32
      %broadcast_in_dim3A_198 = vector.broadcast %broadcast_in_dim3A_197 : f32 to vector<16xf32>
      %swap3A_199 = arith.constant 240 : index
      %swap3A_200 = tpu.vector_load %arg10[%swap3A_199] {strides = array<i32>} : memref<640xf32, #tpu.memory_space<vmem>>, vector<16xf32>,
      %swap3A_201 = vector.shape_cast %swap3A_200 : vector<16xf32> to vector<16xf32>
      %swap3A_202 = vector.shape_cast %broadcast_in_dim3A_198 : vector<16xf32> to vector<16xf32>
      tpu.vector_store %arg10[%swap3A_199], %swap3A_202 {strides = array<i32>} : memref<640xf32, #tpu.memory_space<vmem>>, vector<16xf32>,
      %broadcast_in_dim3A_203 = arith.constant 0 : i32
      %broadcast_in_dim3A_204 = vector.broadcast %broadcast_in_dim3A_203 : i32 to vector<16xi32>
      %swap3A_205 = arith.constant 256 : index
      %swap3A_206 = tpu.vector_load %arg9[%swap3A_205] {strides = array<i32>} : memref<640xi32, #tpu.memory_space<vmem>>, vector<16xi32>,
      %swap3A_207 = vector.shape_cast %swap3A_206 : vector<16xi32> to vector<16xi32>
      %swap3A_208 = vector.shape_cast %broadcast_in_dim3A_204 : vector<16xi32> to vector<16xi32>
      tpu.vector_store %arg9[%swap3A_205], %swap3A_208 {strides = array<i32>} : memref<640xi32, #tpu.memory_space<vmem>>, vector<16xi32>,
      %broadcast_in_dim3A_209 = arith.constant 0.000000e+00 : f32
      %broadcast_in_dim3A_210 = vector.broadcast %broadcast_in_dim3A_209 : f32 to vector<16xf32>
      %swap3A_211 = arith.constant 256 : index
      %swap3A_212 = tpu.vector_load %arg10[%swap3A_211] {strides = array<i32>} : memref<640xf32, #tpu.memory_space<vmem>>, vector<16xf32>,
      %swap3A_213 = vector.shape_cast %swap3A_212 : vector<16xf32> to vector<16xf32>
      %swap3A_214 = vector.shape_cast %broadcast_in_dim3A_210 : vector<16xf32> to vector<16xf32>
      tpu.vector_store %arg10[%swap3A_211], %swap3A_214 {strides = array<i32>} : memref<640xf32, #tpu.memory_space<vmem>>, vector<16xf32>,
      %broadcast_in_dim3A_215 = arith.constant 0 : i32
      %broadcast_in_dim3A_216 = vector.broadcast %broadcast_in_dim3A_215 : i32 to vector<16xi32>
      %swap3A_217 = arith.constant 272 : index
      %swap3A_218 = tpu.vector_load %arg9[%swap3A_217] {strides = array<i32>} : memref<640xi32, #tpu.memory_space<vmem>>, vector<16xi32>,
      %swap3A_219 = vector.shape_cast %swap3A_218 : vector<16xi32> to vector<16xi32>
      %swap3A_220 = vector.shape_cast %broadcast_in_dim3A_216 : vector<16xi32> to vector<16xi32>
      tpu.vector_store %arg9[%swap3A_217], %swap3A_220 {strides = array<i32>} : memref<640xi32, #tpu.memory_space<vmem>>, vector<16xi32>,
      %broadcast_in_dim3A_221 = arith.constant 0.000000e+00 : f32
      %broadcast_in_dim3A_222 = vector.broadcast %broadcast_in_dim3A_221 : f32 to vector<16xf32>
      %swap3A_223 = arith.constant 272 : index
      %swap3A_224 = tpu.vector_load %arg10[%swap3A_223] {strides = array<i32>} : memref<640xf32, #tpu.memory_space<vmem>>, vector<16xf32>,
      %swap3A_225 = vector.shape_cast %swap3A_224 : vector<16xf32> to vector<16xf32>
      %swap3A_226 = vector.shape_cast %broadcast_in_dim3A_222 : vector<16xf32> to vector<16xf32>
      tpu.vector_store %arg10[%swap3A_223], %swap3A_226 {strides = array<i32>} : memref<640xf32, #tpu.memory_space<vmem>>, vector<16xf32>,
      %broadcast_in_dim3A_227 = arith.constant 0 : i32
      %broadcast_in_dim3A_228 = vector.broadcast %broadcast_in_dim3A_227 : i32 to vector<16xi32>
      %swap3A_229 = arith.constant 288 : index
      %swap3A_230 = tpu.vector_load %arg9[%swap3A_229] {strides = array<i32>} : memref<640xi32, #tpu.memory_space<vmem>>, vector<16xi32>,
      %swap3A_231 = vector.shape_cast %swap3A_230 : vector<16xi32> to vector<16xi32>
      %swap3A_232 = vector.shape_cast %broadcast_in_dim3A_228 : vector<16xi32> to vector<16xi32>
      tpu.vector_store %arg9[%swap3A_229], %swap3A_232 {strides = array<i32>} : memref<640xi32, #tpu.memory_space<vmem>>, vector<16xi32>,
      %broadcast_in_dim3A_233 = arith.constant 0.000000e+00 : f32
      %broadcast_in_dim3A_234 = vector.broadcast %broadcast_in_dim3A_233 : f32 to vector<16xf32>
      %swap3A_235 = arith.constant 288 : index
      %swap3A_236 = tpu.vector_load %arg10[%swap3A_235] {strides = array<i32>} : memref<640xf32, #tpu.memory_space<vmem>>, vector<16xf32>,
      %swap3A_237 = vector.shape_cast %swap3A_236 : vector<16xf32> to vector<16xf32>
      %swap3A_238 = vector.shape_cast %broadcast_in_dim3A_234 : vector<16xf32> to vector<16xf32>
      tpu.vector_store %arg10[%swap3A_235], %swap3A_238 {strides = array<i32>} : memref<640xf32, #tpu.memory_space<vmem>>, vector<16xf32>,
      %broadcast_in_dim3A_239 = arith.constant 0 : i32
      %broadcast_in_dim3A_240 = vector.broadcast %broadcast_in_dim3A_239 : i32 to vector<16xi32>
      %swap3A_241 = arith.constant 304 : index
      %swap3A_242 = tpu.vector_load %arg9[%swap3A_241] {strides = array<i32>} : memref<640xi32, #tpu.memory_space<vmem>>, vector<16xi32>,
      %swap3A_243 = vector.shape_cast %swap3A_242 : vector<16xi32> to vector<16xi32>
      %swap3A_244 = vector.shape_cast %broadcast_in_dim3A_240 : vector<16xi32> to vector<16xi32>
      tpu.vector_store %arg9[%swap3A_241], %swap3A_244 {strides = array<i32>} : memref<640xi32, #tpu.memory_space<vmem>>, vector<16xi32>,
      %broadcast_in_dim3A_245 = arith.constant 0.000000e+00 : f32
      %broadcast_in_dim3A_246 = vector.broadcast %broadcast_in_dim3A_245 : f32 to vector<16xf32>
      %swap3A_247 = arith.constant 304 : index
      %swap3A_248 = tpu.vector_load %arg10[%swap3A_247] {strides = array<i32>} : memref<640xf32, #tpu.memory_space<vmem>>, vector<16xf32>,
      %swap3A_249 = vector.shape_cast %swap3A_248 : vector<16xf32> to vector<16xf32>
      %swap3A_250 = vector.shape_cast %broadcast_in_dim3A_246 : vector<16xf32> to vector<16xf32>
      tpu.vector_store %arg10[%swap3A_247], %swap3A_250 {strides = array<i32>} : memref<640xf32, #tpu.memory_space<vmem>>, vector<16xf32>,
      %broadcast_in_dim3A_251 = arith.constant 0 : i32
      %broadcast_in_dim3A_252 = vector.broadcast %broadcast_in_dim3A_251 : i32 to vector<16xi32>
      %swap3A_253 = arith.constant 320 : index
      %swap3A_254 = tpu.vector_load %arg9[%swap3A_253] {strides = array<i32>} : memref<640xi32, #tpu.memory_space<vmem>>, vector<16xi32>,
      %swap3A_255 = vector.shape_cast %swap3A_254 : vector<16xi32> to vector<16xi32>
      %swap3A_256 = vector.shape_cast %broadcast_in_dim3A_252 : vector<16xi32> to vector<16xi32>
      tpu.vector_store %arg9[%swap3A_253], %swap3A_256 {strides = array<i32>} : memref<640xi32, #tpu.memory_space<vmem>>, vector<16xi32>,
      %broadcast_in_dim3A_257 = arith.constant 0.000000e+00 : f32
      %broadcast_in_dim3A_258 = vector.broadcast %broadcast_in_dim3A_257 : f32 to vector<16xf32>
      %swap3A_259 = arith.constant 320 : index
      %swap3A_260 = tpu.vector_load %arg10[%swap3A_259] {strides = array<i32>} : memref<640xf32, #tpu.memory_space<vmem>>, vector<16xf32>,
      %swap3A_261 = vector.shape_cast %swap3A_260 : vector<16xf32> to vector<16xf32>
      %swap3A_262 = vector.shape_cast %broadcast_in_dim3A_258 : vector<16xf32> to vector<16xf32>
      tpu.vector_store %arg10[%swap3A_259], %swap3A_262 {strides = array<i32>} : memref<640xf32, #tpu.memory_space<vmem>>, vector<16xf32>,
      %broadcast_in_dim3A_263 = arith.constant 0 : i32
      %broadcast_in_dim3A_264 = vector.broadcast %broadcast_in_dim3A_263 : i32 to vector<16xi32>
      %swap3A_265 = arith.constant 336 : index
      %swap3A_266 = tpu.vector_load %arg9[%swap3A_265] {strides = array<i32>} : memref<640xi32, #tpu.memory_space<vmem>>, vector<16xi32>,
      %swap3A_267 = vector.shape_cast %swap3A_266 : vector<16xi32> to vector<16xi32>
      %swap3A_268 = vector.shape_cast %broadcast_in_dim3A_264 : vector<16xi32> to vector<16xi32>
      tpu.vector_store %arg9[%swap3A_265], %swap3A_268 {strides = array<i32>} : memref<640xi32, #tpu.memory_space<vmem>>, vector<16xi32>,
      %broadcast_in_dim3A_269 = arith.constant 0.000000e+00 : f32
      %broadcast_in_dim3A_270 = vector.broadcast %broadcast_in_dim3A_269 : f32 to vector<16xf32>
      %swap3A_271 = arith.constant 336 : index
      %swap3A_272 = tpu.vector_load %arg10[%swap3A_271] {strides = array<i32>} : memref<640xf32, #tpu.memory_space<vmem>>, vector<16xf32>,
      %swap3A_273 = vector.shape_cast %swap3A_272 : vector<16xf32> to vector<16xf32>
      %swap3A_274 = vector.shape_cast %broadcast_in_dim3A_270 : vector<16xf32> to vector<16xf32>
      tpu.vector_store %arg10[%swap3A_271], %swap3A_274 {strides = array<i32>} : memref<640xf32, #tpu.memory_space<vmem>>, vector<16xf32>,
      %broadcast_in_dim3A_275 = arith.constant 0 : i32
      %broadcast_in_dim3A_276 = vector.broadcast %broadcast_in_dim3A_275 : i32 to vector<16xi32>
      %swap3A_277 = arith.constant 352 : index
      %swap3A_278 = tpu.vector_load %arg9[%swap3A_277] {strides = array<i32>} : memref<640xi32, #tpu.memory_space<vmem>>, vector<16xi32>,
      %swap3A_279 = vector.shape_cast %swap3A_278 : vector<16xi32> to vector<16xi32>
      %swap3A_280 = vector.shape_cast %broadcast_in_dim3A_276 : vector<16xi32> to vector<16xi32>
      tpu.vector_store %arg9[%swap3A_277], %swap3A_280 {strides = array<i32>} : memref<640xi32, #tpu.memory_space<vmem>>, vector<16xi32>,
      %broadcast_in_dim3A_281 = arith.constant 0.000000e+00 : f32
      %broadcast_in_dim3A_282 = vector.broadcast %broadcast_in_dim3A_281 : f32 to vector<16xf32>
      %swap3A_283 = arith.constant 352 : index
      %swap3A_284 = tpu.vector_load %arg10[%swap3A_283] {strides = array<i32>} : memref<640xf32, #tpu.memory_space<vmem>>, vector<16xf32>,
      %swap3A_285 = vector.shape_cast %swap3A_284 : vector<16xf32> to vector<16xf32>
      %swap3A_286 = vector.shape_cast %broadcast_in_dim3A_282 : vector<16xf32> to vector<16xf32>
      tpu.vector_store %arg10[%swap3A_283], %swap3A_286 {strides = array<i32>} : memref<640xf32, #tpu.memory_space<vmem>>, vector<16xf32>,
      %broadcast_in_dim3A_287 = arith.constant 0 : i32
      %broadcast_in_dim3A_288 = vector.broadcast %broadcast_in_dim3A_287 : i32 to vector<16xi32>
      %swap3A_289 = arith.constant 368 : index
      %swap3A_290 = tpu.vector_load %arg9[%swap3A_289] {strides = array<i32>} : memref<640xi32, #tpu.memory_space<vmem>>, vector<16xi32>,
      %swap3A_291 = vector.shape_cast %swap3A_290 : vector<16xi32> to vector<16xi32>
      %swap3A_292 = vector.shape_cast %broadcast_in_dim3A_288 : vector<16xi32> to vector<16xi32>
      tpu.vector_store %arg9[%swap3A_289], %swap3A_292 {strides = array<i32>} : memref<640xi32, #tpu.memory_space<vmem>>, vector<16xi32>,
      %broadcast_in_dim3A_293 = arith.constant 0.000000e+00 : f32
      %broadcast_in_dim3A_294 = vector.broadcast %broadcast_in_dim3A_293 : f32 to vector<16xf32>
      %swap3A_295 = arith.constant 368 : index
      %swap3A_296 = tpu.vector_load %arg10[%swap3A_295] {strides = array<i32>} : memref<640xf32, #tpu.memory_space<vmem>>, vector<16xf32>,
      %swap3A_297 = vector.shape_cast %swap3A_296 : vector<16xf32> to vector<16xf32>
      %swap3A_298 = vector.shape_cast %broadcast_in_dim3A_294 : vector<16xf32> to vector<16xf32>
      tpu.vector_store %arg10[%swap3A_295], %swap3A_298 {strides = array<i32>} : memref<640xf32, #tpu.memory_space<vmem>>, vector<16xf32>,
      %broadcast_in_dim3A_299 = arith.constant 0 : i32
      %broadcast_in_dim3A_300 = vector.broadcast %broadcast_in_dim3A_299 : i32 to vector<16xi32>
      %swap3A_301 = arith.constant 384 : index
      %swap3A_302 = tpu.vector_load %arg9[%swap3A_301] {strides = array<i32>} : memref<640xi32, #tpu.memory_space<vmem>>, vector<16xi32>,
      %swap3A_303 = vector.shape_cast %swap3A_302 : vector<16xi32> to vector<16xi32>
      %swap3A_304 = vector.shape_cast %broadcast_in_dim3A_300 : vector<16xi32> to vector<16xi32>
      tpu.vector_store %arg9[%swap3A_301], %swap3A_304 {strides = array<i32>} : memref<640xi32, #tpu.memory_space<vmem>>, vector<16xi32>,
      %broadcast_in_dim3A_305 = arith.constant 0.000000e+00 : f32
      %broadcast_in_dim3A_306 = vector.broadcast %broadcast_in_dim3A_305 : f32 to vector<16xf32>
      %swap3A_307 = arith.constant 384 : index
      %swap3A_308 = tpu.vector_load %arg10[%swap3A_307] {strides = array<i32>} : memref<640xf32, #tpu.memory_space<vmem>>, vector<16xf32>,
      %swap3A_309 = vector.shape_cast %swap3A_308 : vector<16xf32> to vector<16xf32>
      %swap3A_310 = vector.shape_cast %broadcast_in_dim3A_306 : vector<16xf32> to vector<16xf32>
      tpu.vector_store %arg10[%swap3A_307], %swap3A_310 {strides = array<i32>} : memref<640xf32, #tpu.memory_space<vmem>>, vector<16xf32>,
      %broadcast_in_dim3A_311 = arith.constant 0 : i32
      %broadcast_in_dim3A_312 = vector.broadcast %broadcast_in_dim3A_311 : i32 to vector<16xi32>
      %swap3A_313 = arith.constant 400 : index
      %swap3A_314 = tpu.vector_load %arg9[%swap3A_313] {strides = array<i32>} : memref<640xi32, #tpu.memory_space<vmem>>, vector<16xi32>,
      %swap3A_315 = vector.shape_cast %swap3A_314 : vector<16xi32> to vector<16xi32>
      %swap3A_316 = vector.shape_cast %broadcast_in_dim3A_312 : vector<16xi32> to vector<16xi32>
      tpu.vector_store %arg9[%swap3A_313], %swap3A_316 {strides = array<i32>} : memref<640xi32, #tpu.memory_space<vmem>>, vector<16xi32>,
      %broadcast_in_dim3A_317 = arith.constant 0.000000e+00 : f32
      %broadcast_in_dim3A_318 = vector.broadcast %broadcast_in_dim3A_317 : f32 to vector<16xf32>
      %swap3A_319 = arith.constant 400 : index
      %swap3A_320 = tpu.vector_load %arg10[%swap3A_319] {strides = array<i32>} : memref<640xf32, #tpu.memory_space<vmem>>, vector<16xf32>,
      %swap3A_321 = vector.shape_cast %swap3A_320 : vector<16xf32> to vector<16xf32>
      %swap3A_322 = vector.shape_cast %broadcast_in_dim3A_318 : vector<16xf32> to vector<16xf32>
      tpu.vector_store %arg10[%swap3A_319], %swap3A_322 {strides = array<i32>} : memref<640xf32, #tpu.memory_space<vmem>>, vector<16xf32>,
      %broadcast_in_dim3A_323 = arith.constant 0 : i32
      %broadcast_in_dim3A_324 = vector.broadcast %broadcast_in_dim3A_323 : i32 to vector<16xi32>
      %swap3A_325 = arith.constant 416 : index
      %swap3A_326 = tpu.vector_load %arg9[%swap3A_325] {strides = array<i32>} : memref<640xi32, #tpu.memory_space<vmem>>, vector<16xi32>,
      %swap3A_327 = vector.shape_cast %swap3A_326 : vector<16xi32> to vector<16xi32>
      %swap3A_328 = vector.shape_cast %broadcast_in_dim3A_324 : vector<16xi32> to vector<16xi32>
      tpu.vector_store %arg9[%swap3A_325], %swap3A_328 {strides = array<i32>} : memref<640xi32, #tpu.memory_space<vmem>>, vector<16xi32>,
      %broadcast_in_dim3A_329 = arith.constant 0.000000e+00 : f32
      %broadcast_in_dim3A_330 = vector.broadcast %broadcast_in_dim3A_329 : f32 to vector<16xf32>
      %swap3A_331 = arith.constant 416 : index
      %swap3A_332 = tpu.vector_load %arg10[%swap3A_331] {strides = array<i32>} : memref<640xf32, #tpu.memory_space<vmem>>, vector<16xf32>,
      %swap3A_333 = vector.shape_cast %swap3A_332 : vector<16xf32> to vector<16xf32>
      %swap3A_334 = vector.shape_cast %broadcast_in_dim3A_330 : vector<16xf32> to vector<16xf32>
      tpu.vector_store %arg10[%swap3A_331], %swap3A_334 {strides = array<i32>} : memref<640xf32, #tpu.memory_space<vmem>>, vector<16xf32>,
      %broadcast_in_dim3A_335 = arith.constant 0 : i32
      %broadcast_in_dim3A_336 = vector.broadcast %broadcast_in_dim3A_335 : i32 to vector<16xi32>
      %swap3A_337 = arith.constant 432 : index
      %swap3A_338 = tpu.vector_load %arg9[%swap3A_337] {strides = array<i32>} : memref<640xi32, #tpu.memory_space<vmem>>, vector<16xi32>,
      %swap3A_339 = vector.shape_cast %swap3A_338 : vector<16xi32> to vector<16xi32>
      %swap3A_340 = vector.shape_cast %broadcast_in_dim3A_336 : vector<16xi32> to vector<16xi32>
      tpu.vector_store %arg9[%swap3A_337], %swap3A_340 {strides = array<i32>} : memref<640xi32, #tpu.memory_space<vmem>>, vector<16xi32>,
      %broadcast_in_dim3A_341 = arith.constant 0.000000e+00 : f32
      %broadcast_in_dim3A_342 = vector.broadcast %broadcast_in_dim3A_341 : f32 to vector<16xf32>
      %swap3A_343 = arith.constant 432 : index
      %swap3A_344 = tpu.vector_load %arg10[%swap3A_343] {strides = array<i32>} : memref<640xf32, #tpu.memory_space<vmem>>, vector<16xf32>,
      %swap3A_345 = vector.shape_cast %swap3A_344 : vector<16xf32> to vector<16xf32>
      %swap3A_346 = vector.shape_cast %broadcast_in_dim3A_342 : vector<16xf32> to vector<16xf32>
      tpu.vector_store %arg10[%swap3A_343], %swap3A_346 {strides = array<i32>} : memref<640xf32, #tpu.memory_space<vmem>>, vector<16xf32>,
      %broadcast_in_dim3A_347 = arith.constant 0 : i32
      %broadcast_in_dim3A_348 = vector.broadcast %broadcast_in_dim3A_347 : i32 to vector<16xi32>
      %swap3A_349 = arith.constant 448 : index
      %swap3A_350 = tpu.vector_load %arg9[%swap3A_349] {strides = array<i32>} : memref<640xi32, #tpu.memory_space<vmem>>, vector<16xi32>,
      %swap3A_351 = vector.shape_cast %swap3A_350 : vector<16xi32> to vector<16xi32>
      %swap3A_352 = vector.shape_cast %broadcast_in_dim3A_348 : vector<16xi32> to vector<16xi32>
      tpu.vector_store %arg9[%swap3A_349], %swap3A_352 {strides = array<i32>} : memref<640xi32, #tpu.memory_space<vmem>>, vector<16xi32>,
      %broadcast_in_dim3A_353 = arith.constant 0.000000e+00 : f32
      %broadcast_in_dim3A_354 = vector.broadcast %broadcast_in_dim3A_353 : f32 to vector<16xf32>
      %swap3A_355 = arith.constant 448 : index
      %swap3A_356 = tpu.vector_load %arg10[%swap3A_355] {strides = array<i32>} : memref<640xf32, #tpu.memory_space<vmem>>, vector<16xf32>,
      %swap3A_357 = vector.shape_cast %swap3A_356 : vector<16xf32> to vector<16xf32>
      %swap3A_358 = vector.shape_cast %broadcast_in_dim3A_354 : vector<16xf32> to vector<16xf32>
      tpu.vector_store %arg10[%swap3A_355], %swap3A_358 {strides = array<i32>} : memref<640xf32, #tpu.memory_space<vmem>>, vector<16xf32>,
      %broadcast_in_dim3A_359 = arith.constant 0 : i32
      %broadcast_in_dim3A_360 = vector.broadcast %broadcast_in_dim3A_359 : i32 to vector<16xi32>
      %swap3A_361 = arith.constant 464 : index
      %swap3A_362 = tpu.vector_load %arg9[%swap3A_361] {strides = array<i32>} : memref<640xi32, #tpu.memory_space<vmem>>, vector<16xi32>,
      %swap3A_363 = vector.shape_cast %swap3A_362 : vector<16xi32> to vector<16xi32>
      %swap3A_364 = vector.shape_cast %broadcast_in_dim3A_360 : vector<16xi32> to vector<16xi32>
      tpu.vector_store %arg9[%swap3A_361], %swap3A_364 {strides = array<i32>} : memref<640xi32, #tpu.memory_space<vmem>>, vector<16xi32>,
      %broadcast_in_dim3A_365 = arith.constant 0.000000e+00 : f32
      %broadcast_in_dim3A_366 = vector.broadcast %broadcast_in_dim3A_365 : f32 to vector<16xf32>
      %swap3A_367 = arith.constant 464 : index
      %swap3A_368 = tpu.vector_load %arg10[%swap3A_367] {strides = array<i32>} : memref<640xf32, #tpu.memory_space<vmem>>, vector<16xf32>,
      %swap3A_369 = vector.shape_cast %swap3A_368 : vector<16xf32> to vector<16xf32>
      %swap3A_370 = vector.shape_cast %broadcast_in_dim3A_366 : vector<16xf32> to vector<16xf32>
      tpu.vector_store %arg10[%swap3A_367], %swap3A_370 {strides = array<i32>} : memref<640xf32, #tpu.memory_space<vmem>>, vector<16xf32>,
      %broadcast_in_dim3A_371 = arith.constant 0 : i32
      %broadcast_in_dim3A_372 = vector.broadcast %broadcast_in_dim3A_371 : i32 to vector<16xi32>
      %swap3A_373 = arith.constant 480 : index
      %swap3A_374 = tpu.vector_load %arg9[%swap3A_373] {strides = array<i32>} : memref<640xi32, #tpu.memory_space<vmem>>, vector<16xi32>,
      %swap3A_375 = vector.shape_cast %swap3A_374 : vector<16xi32> to vector<16xi32>
      %swap3A_376 = vector.shape_cast %broadcast_in_dim3A_372 : vector<16xi32> to vector<16xi32>
      tpu.vector_store %arg9[%swap3A_373], %swap3A_376 {strides = array<i32>} : memref<640xi32, #tpu.memory_space<vmem>>, vector<16xi32>,
      %broadcast_in_dim3A_377 = arith.constant 0.000000e+00 : f32
      %broadcast_in_dim3A_378 = vector.broadcast %broadcast_in_dim3A_377 : f32 to vector<16xf32>
      %swap3A_379 = arith.constant 480 : index
      %swap3A_380 = tpu.vector_load %arg10[%swap3A_379] {strides = array<i32>} : memref<640xf32, #tpu.memory_space<vmem>>, vector<16xf32>,
      %swap3A_381 = vector.shape_cast %swap3A_380 : vector<16xf32> to vector<16xf32>
      %swap3A_382 = vector.shape_cast %broadcast_in_dim3A_378 : vector<16xf32> to vector<16xf32>
      tpu.vector_store %arg10[%swap3A_379], %swap3A_382 {strides = array<i32>} : memref<640xf32, #tpu.memory_space<vmem>>, vector<16xf32>,
      %broadcast_in_dim3A_383 = arith.constant 0 : i32
      %broadcast_in_dim3A_384 = vector.broadcast %broadcast_in_dim3A_383 : i32 to vector<16xi32>
      %swap3A_385 = arith.constant 496 : index
      %swap3A_386 = tpu.vector_load %arg9[%swap3A_385] {strides = array<i32>} : memref<640xi32, #tpu.memory_space<vmem>>, vector<16xi32>,
      %swap3A_387 = vector.shape_cast %swap3A_386 : vector<16xi32> to vector<16xi32>
      %swap3A_388 = vector.shape_cast %broadcast_in_dim3A_384 : vector<16xi32> to vector<16xi32>
      tpu.vector_store %arg9[%swap3A_385], %swap3A_388 {strides = array<i32>} : memref<640xi32, #tpu.memory_space<vmem>>, vector<16xi32>,
      %broadcast_in_dim3A_389 = arith.constant 0.000000e+00 : f32
      %broadcast_in_dim3A_390 = vector.broadcast %broadcast_in_dim3A_389 : f32 to vector<16xf32>
      %swap3A_391 = arith.constant 496 : index
      %swap3A_392 = tpu.vector_load %arg10[%swap3A_391] {strides = array<i32>} : memref<640xf32, #tpu.memory_space<vmem>>, vector<16xf32>,
      %swap3A_393 = vector.shape_cast %swap3A_392 : vector<16xf32> to vector<16xf32>
      %swap3A_394 = vector.shape_cast %broadcast_in_dim3A_390 : vector<16xf32> to vector<16xf32>
      tpu.vector_store %arg10[%swap3A_391], %swap3A_394 {strides = array<i32>} : memref<640xf32, #tpu.memory_space<vmem>>, vector<16xf32>,
      %broadcast_in_dim3A_395 = arith.constant 0 : i32
      %broadcast_in_dim3A_396 = vector.broadcast %broadcast_in_dim3A_395 : i32 to vector<16xi32>
      %swap3A_397 = arith.constant 512 : index
      %swap3A_398 = tpu.vector_load %arg9[%swap3A_397] {strides = array<i32>} : memref<640xi32, #tpu.memory_space<vmem>>, vector<16xi32>,
      %swap3A_399 = vector.shape_cast %swap3A_398 : vector<16xi32> to vector<16xi32>
      %swap3A_400 = vector.shape_cast %broadcast_in_dim3A_396 : vector<16xi32> to vector<16xi32>
      tpu.vector_store %arg9[%swap3A_397], %swap3A_400 {strides = array<i32>} : memref<640xi32, #tpu.memory_space<vmem>>, vector<16xi32>,
      %broadcast_in_dim3A_401 = arith.constant 0.000000e+00 : f32
      %broadcast_in_dim3A_402 = vector.broadcast %broadcast_in_dim3A_401 : f32 to vector<16xf32>
      %swap3A_403 = arith.constant 512 : index
      %swap3A_404 = tpu.vector_load %arg10[%swap3A_403] {strides = array<i32>} : memref<640xf32, #tpu.memory_space<vmem>>, vector<16xf32>,
      %swap3A_405 = vector.shape_cast %swap3A_404 : vector<16xf32> to vector<16xf32>
      %swap3A_406 = vector.shape_cast %broadcast_in_dim3A_402 : vector<16xf32> to vector<16xf32>
      tpu.vector_store %arg10[%swap3A_403], %swap3A_406 {strides = array<i32>} : memref<640xf32, #tpu.memory_space<vmem>>, vector<16xf32>,
      %broadcast_in_dim3A_407 = arith.constant 0 : i32
      %broadcast_in_dim3A_408 = vector.broadcast %broadcast_in_dim3A_407 : i32 to vector<16xi32>
      %swap3A_409 = arith.constant 528 : index
      %swap3A_410 = tpu.vector_load %arg9[%swap3A_409] {strides = array<i32>} : memref<640xi32, #tpu.memory_space<vmem>>, vector<16xi32>,
      %swap3A_411 = vector.shape_cast %swap3A_410 : vector<16xi32> to vector<16xi32>
      %swap3A_412 = vector.shape_cast %broadcast_in_dim3A_408 : vector<16xi32> to vector<16xi32>
      tpu.vector_store %arg9[%swap3A_409], %swap3A_412 {strides = array<i32>} : memref<640xi32, #tpu.memory_space<vmem>>, vector<16xi32>,
      %broadcast_in_dim3A_413 = arith.constant 0.000000e+00 : f32
      %broadcast_in_dim3A_414 = vector.broadcast %broadcast_in_dim3A_413 : f32 to vector<16xf32>
      %swap3A_415 = arith.constant 528 : index
      %swap3A_416 = tpu.vector_load %arg10[%swap3A_415] {strides = array<i32>} : memref<640xf32, #tpu.memory_space<vmem>>, vector<16xf32>,
      %swap3A_417 = vector.shape_cast %swap3A_416 : vector<16xf32> to vector<16xf32>
      %swap3A_418 = vector.shape_cast %broadcast_in_dim3A_414 : vector<16xf32> to vector<16xf32>
      tpu.vector_store %arg10[%swap3A_415], %swap3A_418 {strides = array<i32>} : memref<640xf32, #tpu.memory_space<vmem>>, vector<16xf32>,
      %broadcast_in_dim3A_419 = arith.constant 0 : i32
      %broadcast_in_dim3A_420 = vector.broadcast %broadcast_in_dim3A_419 : i32 to vector<16xi32>
      %swap3A_421 = arith.constant 544 : index
      %swap3A_422 = tpu.vector_load %arg9[%swap3A_421] {strides = array<i32>} : memref<640xi32, #tpu.memory_space<vmem>>, vector<16xi32>,
      %swap3A_423 = vector.shape_cast %swap3A_422 : vector<16xi32> to vector<16xi32>
      %swap3A_424 = vector.shape_cast %broadcast_in_dim3A_420 : vector<16xi32> to vector<16xi32>
      tpu.vector_store %arg9[%swap3A_421], %swap3A_424 {strides = array<i32>} : memref<640xi32, #tpu.memory_space<vmem>>, vector<16xi32>,
      %broadcast_in_dim3A_425 = arith.constant 0.000000e+00 : f32
      %broadcast_in_dim3A_426 = vector.broadcast %broadcast_in_dim3A_425 : f32 to vector<16xf32>
      %swap3A_427 = arith.constant 544 : index
      %swap3A_428 = tpu.vector_load %arg10[%swap3A_427] {strides = array<i32>} : memref<640xf32, #tpu.memory_space<vmem>>, vector<16xf32>,
      %swap3A_429 = vector.shape_cast %swap3A_428 : vector<16xf32> to vector<16xf32>
      %swap3A_430 = vector.shape_cast %broadcast_in_dim3A_426 : vector<16xf32> to vector<16xf32>
      tpu.vector_store %arg10[%swap3A_427], %swap3A_430 {strides = array<i32>} : memref<640xf32, #tpu.memory_space<vmem>>, vector<16xf32>,
      %broadcast_in_dim3A_431 = arith.constant 0 : i32
      %broadcast_in_dim3A_432 = vector.broadcast %broadcast_in_dim3A_431 : i32 to vector<16xi32>
      %swap3A_433 = arith.constant 560 : index
      %swap3A_434 = tpu.vector_load %arg9[%swap3A_433] {strides = array<i32>} : memref<640xi32, #tpu.memory_space<vmem>>, vector<16xi32>,
      %swap3A_435 = vector.shape_cast %swap3A_434 : vector<16xi32> to vector<16xi32>
      %swap3A_436 = vector.shape_cast %broadcast_in_dim3A_432 : vector<16xi32> to vector<16xi32>
      tpu.vector_store %arg9[%swap3A_433], %swap3A_436 {strides = array<i32>} : memref<640xi32, #tpu.memory_space<vmem>>, vector<16xi32>,
      %broadcast_in_dim3A_437 = arith.constant 0.000000e+00 : f32
      %broadcast_in_dim3A_438 = vector.broadcast %broadcast_in_dim3A_437 : f32 to vector<16xf32>
      %swap3A_439 = arith.constant 560 : index
      %swap3A_440 = tpu.vector_load %arg10[%swap3A_439] {strides = array<i32>} : memref<640xf32, #tpu.memory_space<vmem>>, vector<16xf32>,
      %swap3A_441 = vector.shape_cast %swap3A_440 : vector<16xf32> to vector<16xf32>
      %swap3A_442 = vector.shape_cast %broadcast_in_dim3A_438 : vector<16xf32> to vector<16xf32>
      tpu.vector_store %arg10[%swap3A_439], %swap3A_442 {strides = array<i32>} : memref<640xf32, #tpu.memory_space<vmem>>, vector<16xf32>,
      %broadcast_in_dim3A_443 = arith.constant 0 : i32
      %broadcast_in_dim3A_444 = vector.broadcast %broadcast_in_dim3A_443 : i32 to vector<16xi32>
      %swap3A_445 = arith.constant 576 : index
      %swap3A_446 = tpu.vector_load %arg9[%swap3A_445] {strides = array<i32>} : memref<640xi32, #tpu.memory_space<vmem>>, vector<16xi32>,
      %swap3A_447 = vector.shape_cast %swap3A_446 : vector<16xi32> to vector<16xi32>
      %swap3A_448 = vector.shape_cast %broadcast_in_dim3A_444 : vector<16xi32> to vector<16xi32>
      tpu.vector_store %arg9[%swap3A_445], %swap3A_448 {strides = array<i32>} : memref<640xi32, #tpu.memory_space<vmem>>, vector<16xi32>,
      %broadcast_in_dim3A_449 = arith.constant 0.000000e+00 : f32
      %broadcast_in_dim3A_450 = vector.broadcast %broadcast_in_dim3A_449 : f32 to vector<16xf32>
      %swap3A_451 = arith.constant 576 : index
      %swap3A_452 = tpu.vector_load %arg10[%swap3A_451] {strides = array<i32>} : memref<640xf32, #tpu.memory_space<vmem>>, vector<16xf32>,
      %swap3A_453 = vector.shape_cast %swap3A_452 : vector<16xf32> to vector<16xf32>
      %swap3A_454 = vector.shape_cast %broadcast_in_dim3A_450 : vector<16xf32> to vector<16xf32>
      tpu.vector_store %arg10[%swap3A_451], %swap3A_454 {strides = array<i32>} : memref<640xf32, #tpu.memory_space<vmem>>, vector<16xf32>,
      %broadcast_in_dim3A_455 = arith.constant 0 : i32
      %broadcast_in_dim3A_456 = vector.broadcast %broadcast_in_dim3A_455 : i32 to vector<16xi32>
      %swap3A_457 = arith.constant 592 : index
      %swap3A_458 = tpu.vector_load %arg9[%swap3A_457] {strides = array<i32>} : memref<640xi32, #tpu.memory_space<vmem>>, vector<16xi32>,
      %swap3A_459 = vector.shape_cast %swap3A_458 : vector<16xi32> to vector<16xi32>
      %swap3A_460 = vector.shape_cast %broadcast_in_dim3A_456 : vector<16xi32> to vector<16xi32>
      tpu.vector_store %arg9[%swap3A_457], %swap3A_460 {strides = array<i32>} : memref<640xi32, #tpu.memory_space<vmem>>, vector<16xi32>,
      %broadcast_in_dim3A_461 = arith.constant 0.000000e+00 : f32
      %broadcast_in_dim3A_462 = vector.broadcast %broadcast_in_dim3A_461 : f32 to vector<16xf32>
      %swap3A_463 = arith.constant 592 : index
      %swap3A_464 = tpu.vector_load %arg10[%swap3A_463] {strides = array<i32>} : memref<640xf32, #tpu.memory_space<vmem>>, vector<16xf32>,
      %swap3A_465 = vector.shape_cast %swap3A_464 : vector<16xf32> to vector<16xf32>
      %swap3A_466 = vector.shape_cast %broadcast_in_dim3A_462 : vector<16xf32> to vector<16xf32>
      tpu.vector_store %arg10[%swap3A_463], %swap3A_466 {strides = array<i32>} : memref<640xf32, #tpu.memory_space<vmem>>, vector<16xf32>,
      %broadcast_in_dim3A_467 = arith.constant 0 : i32
      %broadcast_in_dim3A_468 = vector.broadcast %broadcast_in_dim3A_467 : i32 to vector<16xi32>
      %swap3A_469 = arith.constant 608 : index
      %swap3A_470 = tpu.vector_load %arg9[%swap3A_469] {strides = array<i32>} : memref<640xi32, #tpu.memory_space<vmem>>, vector<16xi32>,
      %swap3A_471 = vector.shape_cast %swap3A_470 : vector<16xi32> to vector<16xi32>
      %swap3A_472 = vector.shape_cast %broadcast_in_dim3A_468 : vector<16xi32> to vector<16xi32>
      tpu.vector_store %arg9[%swap3A_469], %swap3A_472 {strides = array<i32>} : memref<640xi32, #tpu.memory_space<vmem>>, vector<16xi32>,
      %broadcast_in_dim3A_473 = arith.constant 0.000000e+00 : f32
      %broadcast_in_dim3A_474 = vector.broadcast %broadcast_in_dim3A_473 : f32 to vector<16xf32>
      %swap3A_475 = arith.constant 608 : index
      %swap3A_476 = tpu.vector_load %arg10[%swap3A_475] {strides = array<i32>} : memref<640xf32, #tpu.memory_space<vmem>>, vector<16xf32>,
      %swap3A_477 = vector.shape_cast %swap3A_476 : vector<16xf32> to vector<16xf32>
      %swap3A_478 = vector.shape_cast %broadcast_in_dim3A_474 : vector<16xf32> to vector<16xf32>
      tpu.vector_store %arg10[%swap3A_475], %swap3A_478 {strides = array<i32>} : memref<640xf32, #tpu.memory_space<vmem>>, vector<16xf32>,
      %broadcast_in_dim3A_479 = arith.constant 0 : i32
      %broadcast_in_dim3A_480 = vector.broadcast %broadcast_in_dim3A_479 : i32 to vector<16xi32>
      %swap3A_481 = arith.constant 624 : index
      %swap3A_482 = tpu.vector_load %arg9[%swap3A_481] {strides = array<i32>} : memref<640xi32, #tpu.memory_space<vmem>>, vector<16xi32>,
      %swap3A_483 = vector.shape_cast %swap3A_482 : vector<16xi32> to vector<16xi32>
      %swap3A_484 = vector.shape_cast %broadcast_in_dim3A_480 : vector<16xi32> to vector<16xi32>
      tpu.vector_store %arg9[%swap3A_481], %swap3A_484 {strides = array<i32>} : memref<640xi32, #tpu.memory_space<vmem>>, vector<16xi32>,
      %broadcast_in_dim3A_485 = arith.constant 0.000000e+00 : f32
      %broadcast_in_dim3A_486 = vector.broadcast %broadcast_in_dim3A_485 : f32 to vector<16xf32>
      %swap3A_487 = arith.constant 624 : index
      %swap3A_488 = tpu.vector_load %arg10[%swap3A_487] {strides = array<i32>} : memref<640xf32, #tpu.memory_space<vmem>>, vector<16xf32>,
      %swap3A_489 = vector.shape_cast %swap3A_488 : vector<16xf32> to vector<16xf32>
      %swap3A_490 = vector.shape_cast %broadcast_in_dim3A_486 : vector<16xf32> to vector<16xf32>
      tpu.vector_store %arg10[%swap3A_487], %swap3A_490 {strides = array<i32>} : memref<640xf32, #tpu.memory_space<vmem>>, vector<16xf32>,
      %mul3A = arith.constant 640 : i32
      %mul3A_491 = arith.muli %arg1, %mul3A : i32
      "tpu.region"() ({
        %run_scoped3A = tpu.sem_alloc : memref<!tpu.dma_semaphore, #tpu.memory_space<semaphore_mem>>
        %dma_start3A = tpu.memref_slice %arg11[%mul3A_491] : memref<10240xi32, #tpu.memory_space<vmem_shared>> -> memref<640xi32, #tpu.memory_space<vmem_shared>>
        %dma_start3A_492 = tpu.memref_slice %arg11[%mul3A_491] : memref<10240xi32, #tpu.memory_space<vmem_shared>> -> memref<640xi32, #tpu.memory_space<vmem_shared>>
        tpu.enqueue_dma source(%arg9 : memref<640xi32, #tpu.memory_space<vmem>>) target(%dma_start3A_492 : memref<640xi32, #tpu.memory_space<vmem_shared>>) target_semaphore(%run_scoped3A : memref<!tpu.dma_semaphore, #tpu.memory_space<semaphore_mem>>)
        %dma_wait3A = tpu.memref_slice %arg11[%mul3A_491] : memref<10240xi32, #tpu.memory_space<vmem_shared>> -> memref<640xi32, #tpu.memory_space<vmem_shared>>
        %dma_wait3A_493 = tpu.memref_slice %arg11[%mul3A_491] : memref<10240xi32, #tpu.memory_space<vmem_shared>> -> memref<640xi32, #tpu.memory_space<vmem_shared>>
        tpu.wait_dma2 semaphore(%run_scoped3A : memref<!tpu.dma_semaphore, #tpu.memory_space<semaphore_mem>>) src(%arg9 : memref<640xi32, #tpu.memory_space<vmem>>) dst(%dma_wait3A_493 : memref<640xi32, #tpu.memory_space<vmem_shared>>)
        tpu.yield
      }) : () -> ()
      "tpu.region"() ({
        %run_scoped3A = tpu.sem_alloc : memref<!tpu.dma_semaphore, #tpu.memory_space<semaphore_mem>>
        %dma_start3A = tpu.memref_slice %arg12[%mul3A_491] : memref<10240xf32, #tpu.memory_space<vmem_shared>> -> memref<640xf32, #tpu.memory_space<vmem_shared>>
        %dma_start3A_492 = tpu.memref_slice %arg12[%mul3A_491] : memref<10240xf32, #tpu.memory_space<vmem_shared>> -> memref<640xf32, #tpu.memory_space<vmem_shared>>
        tpu.enqueue_dma source(%arg10 : memref<640xf32, #tpu.memory_space<vmem>>) target(%dma_start3A_492 : memref<640xf32, #tpu.memory_space<vmem_shared>>) target_semaphore(%run_scoped3A : memref<!tpu.dma_semaphore, #tpu.memory_space<semaphore_mem>>)
        %dma_wait3A = tpu.memref_slice %arg12[%mul3A_491] : memref<10240xf32, #tpu.memory_space<vmem_shared>> -> memref<640xf32, #tpu.memory_space<vmem_shared>>
        %dma_wait3A_493 = tpu.memref_slice %arg12[%mul3A_491] : memref<10240xf32, #tpu.memory_space<vmem_shared>> -> memref<640xf32, #tpu.memory_space<vmem_shared>>
        tpu.wait_dma2 semaphore(%run_scoped3A : memref<!tpu.dma_semaphore, #tpu.memory_space<semaphore_mem>>) src(%arg10 : memref<640xf32, #tpu.memory_space<vmem>>) dst(%dma_wait3A_493 : memref<640xf32, #tpu.memory_space<vmem_shared>>)
        tpu.yield
      }) : () -> ()
    } else {
    }
    %barrier3A = arith.constant 0 : index
    tpu.barrier barrier_id(%barrier3A)
    %eq3A_2 = arith.constant 0 : i32
    %eq3A_3 = arith.cmpi eq, %arg0, %eq3A_2 : i32
    %convert_element_type3A_4 = arith.extui %eq3A_3 : i1 to i32
    %cond3A_5 = arith.constant 0 : i32
    %cond3A_6 = arith.cmpi ne, %convert_element_type3A_4, %cond3A_5 : i32
    scf.if %cond3A_6 {
      %mul3A = arith.constant 512 : i32
      %mul3A_13 = arith.muli %arg1, %mul3A : i32
      "tpu.region"() ({
        %run_scoped3A = tpu.sem_alloc : memref<!tpu.dma_semaphore, #tpu.memory_space<semaphore_mem>>
        %dma_start3A = tpu.memref_slice %arg2[%mul3A_13] : memref<8192xi32, #tpu.memory_space<hbm>> -> memref<512xi32, #tpu.memory_space<hbm>>
        %dma_start3A_394 = tpu.memref_slice %arg2[%mul3A_13] : memref<8192xi32, #tpu.memory_space<hbm>> -> memref<512xi32, #tpu.memory_space<hbm>>
        tpu.enqueue_dma source(%dma_start3A_394 : memref<512xi32, #tpu.memory_space<hbm>>) target(%arg6 : memref<512xi32, #tpu.memory_space<vmem>>) target_semaphore(%run_scoped3A : memref<!tpu.dma_semaphore, #tpu.memory_space<semaphore_mem>>)
        %dma_wait3A = tpu.memref_slice %arg2[%mul3A_13] : memref<8192xi32, #tpu.memory_space<hbm>> -> memref<512xi32, #tpu.memory_space<hbm>>
        %dma_wait3A_395 = tpu.memref_slice %arg2[%mul3A_13] : memref<8192xi32, #tpu.memory_space<hbm>> -> memref<512xi32, #tpu.memory_space<hbm>>
        tpu.wait_dma2 semaphore(%run_scoped3A : memref<!tpu.dma_semaphore, #tpu.memory_space<semaphore_mem>>) src(%dma_wait3A_395 : memref<512xi32, #tpu.memory_space<hbm>>) dst(%arg6 : memref<512xi32, #tpu.memory_space<vmem>>)
        tpu.yield
      }) : () -> ()
      "tpu.region"() ({
        %run_scoped3A = tpu.sem_alloc : memref<!tpu.dma_semaphore, #tpu.memory_space<semaphore_mem>>
        %dma_start3A = tpu.memref_slice %arg3[%mul3A_13] : memref<8192xf32, #tpu.memory_space<hbm>> -> memref<512xf32, #tpu.memory_space<hbm>>
        %dma_start3A_394 = tpu.memref_slice %arg3[%mul3A_13] : memref<8192xf32, #tpu.memory_space<hbm>> -> memref<512xf32, #tpu.memory_space<hbm>>
        tpu.enqueue_dma source(%dma_start3A_394 : memref<512xf32, #tpu.memory_space<hbm>>) target(%arg7 : memref<512xf32, #tpu.memory_space<vmem>>) target_semaphore(%run_scoped3A : memref<!tpu.dma_semaphore, #tpu.memory_space<semaphore_mem>>)
        %dma_wait3A = tpu.memref_slice %arg3[%mul3A_13] : memref<8192xf32, #tpu.memory_space<hbm>> -> memref<512xf32, #tpu.memory_space<hbm>>
        %dma_wait3A_395 = tpu.memref_slice %arg3[%mul3A_13] : memref<8192xf32, #tpu.memory_space<hbm>> -> memref<512xf32, #tpu.memory_space<hbm>>
        tpu.wait_dma2 semaphore(%run_scoped3A : memref<!tpu.dma_semaphore, #tpu.memory_space<semaphore_mem>>) src(%dma_wait3A_395 : memref<512xf32, #tpu.memory_space<hbm>>) dst(%arg7 : memref<512xf32, #tpu.memory_space<vmem>>)
        tpu.yield
      }) : () -> ()
      %add3A = arith.constant 0 : i32
      %add3A_14 = arith.addi %mul3A_13, %add3A : i32
      %iota3A = tpu.iota {dimensions = array<i32: 0>} : vector<16xi32>
      %add3A_15 = vector.broadcast %add3A_14 : i32 to vector<16xi32>
      %add3A_16 = arith.addi %add3A_15, %iota3A : vector<16xi32>
      %and3A = arith.constant 4095 : i32
      %and3A_17 = vector.broadcast %and3A : i32 to vector<16xi32>
      %and3A_18 = arith.andi %add3A_16, %and3A_17 : vector<16xi32>
      %swap3A = arith.constant 0 : index
      %swap3A_19 = tpu.vector_load %arg8[%swap3A] {strides = array<i32>} : memref<512xi32, #tpu.memory_space<vmem>>, vector<16xi32>,
      %swap3A_20 = vector.shape_cast %swap3A_19 : vector<16xi32> to vector<16xi32>
      %swap3A_21 = vector.shape_cast %and3A_18 : vector<16xi32> to vector<16xi32>
      tpu.vector_store %arg8[%swap3A], %swap3A_21 {strides = array<i32>} : memref<512xi32, #tpu.memory_space<vmem>>, vector<16xi32>,
      %add3A_22 = arith.constant 16 : i32
      %add3A_23 = arith.addi %mul3A_13, %add3A_22 : i32
      %iota3A_24 = tpu.iota {dimensions = array<i32: 0>} : vector<16xi32>
      %add3A_25 = vector.broadcast %add3A_23 : i32 to vector<16xi32>
      %add3A_26 = arith.addi %add3A_25, %iota3A_24 : vector<16xi32>
      %and3A_27 = arith.constant 4095 : i32
      %and3A_28 = vector.broadcast %and3A_27 : i32 to vector<16xi32>
      %and3A_29 = arith.andi %add3A_26, %and3A_28 : vector<16xi32>
      %swap3A_30 = arith.constant 16 : index
      %swap3A_31 = tpu.vector_load %arg8[%swap3A_30] {strides = array<i32>} : memref<512xi32, #tpu.memory_space<vmem>>, vector<16xi32>,
      %swap3A_32 = vector.shape_cast %swap3A_31 : vector<16xi32> to vector<16xi32>
      %swap3A_33 = vector.shape_cast %and3A_29 : vector<16xi32> to vector<16xi32>
      tpu.vector_store %arg8[%swap3A_30], %swap3A_33 {strides = array<i32>} : memref<512xi32, #tpu.memory_space<vmem>>, vector<16xi32>,
      %add3A_34 = arith.constant 32 : i32
      %add3A_35 = arith.addi %mul3A_13, %add3A_34 : i32
      %iota3A_36 = tpu.iota {dimensions = array<i32: 0>} : vector<16xi32>
      %add3A_37 = vector.broadcast %add3A_35 : i32 to vector<16xi32>
      %add3A_38 = arith.addi %add3A_37, %iota3A_36 : vector<16xi32>
      %and3A_39 = arith.constant 4095 : i32
      %and3A_40 = vector.broadcast %and3A_39 : i32 to vector<16xi32>
      %and3A_41 = arith.andi %add3A_38, %and3A_40 : vector<16xi32>
      %swap3A_42 = arith.constant 32 : index
      %swap3A_43 = tpu.vector_load %arg8[%swap3A_42] {strides = array<i32>} : memref<512xi32, #tpu.memory_space<vmem>>, vector<16xi32>,
      %swap3A_44 = vector.shape_cast %swap3A_43 : vector<16xi32> to vector<16xi32>
      %swap3A_45 = vector.shape_cast %and3A_41 : vector<16xi32> to vector<16xi32>
      tpu.vector_store %arg8[%swap3A_42], %swap3A_45 {strides = array<i32>} : memref<512xi32, #tpu.memory_space<vmem>>, vector<16xi32>,
      %add3A_46 = arith.constant 48 : i32
      %add3A_47 = arith.addi %mul3A_13, %add3A_46 : i32
      %iota3A_48 = tpu.iota {dimensions = array<i32: 0>} : vector<16xi32>
      %add3A_49 = vector.broadcast %add3A_47 : i32 to vector<16xi32>
      %add3A_50 = arith.addi %add3A_49, %iota3A_48 : vector<16xi32>
      %and3A_51 = arith.constant 4095 : i32
      %and3A_52 = vector.broadcast %and3A_51 : i32 to vector<16xi32>
      %and3A_53 = arith.andi %add3A_50, %and3A_52 : vector<16xi32>
      %swap3A_54 = arith.constant 48 : index
      %swap3A_55 = tpu.vector_load %arg8[%swap3A_54] {strides = array<i32>} : memref<512xi32, #tpu.memory_space<vmem>>, vector<16xi32>,
      %swap3A_56 = vector.shape_cast %swap3A_55 : vector<16xi32> to vector<16xi32>
      %swap3A_57 = vector.shape_cast %and3A_53 : vector<16xi32> to vector<16xi32>
      tpu.vector_store %arg8[%swap3A_54], %swap3A_57 {strides = array<i32>} : memref<512xi32, #tpu.memory_space<vmem>>, vector<16xi32>,
      %add3A_58 = arith.constant 64 : i32
      %add3A_59 = arith.addi %mul3A_13, %add3A_58 : i32
      %iota3A_60 = tpu.iota {dimensions = array<i32: 0>} : vector<16xi32>
      %add3A_61 = vector.broadcast %add3A_59 : i32 to vector<16xi32>
      %add3A_62 = arith.addi %add3A_61, %iota3A_60 : vector<16xi32>
      %and3A_63 = arith.constant 4095 : i32
      %and3A_64 = vector.broadcast %and3A_63 : i32 to vector<16xi32>
      %and3A_65 = arith.andi %add3A_62, %and3A_64 : vector<16xi32>
      %swap3A_66 = arith.constant 64 : index
      %swap3A_67 = tpu.vector_load %arg8[%swap3A_66] {strides = array<i32>} : memref<512xi32, #tpu.memory_space<vmem>>, vector<16xi32>,
      %swap3A_68 = vector.shape_cast %swap3A_67 : vector<16xi32> to vector<16xi32>
      %swap3A_69 = vector.shape_cast %and3A_65 : vector<16xi32> to vector<16xi32>
      tpu.vector_store %arg8[%swap3A_66], %swap3A_69 {strides = array<i32>} : memref<512xi32, #tpu.memory_space<vmem>>, vector<16xi32>,
      %add3A_70 = arith.constant 80 : i32
      %add3A_71 = arith.addi %mul3A_13, %add3A_70 : i32
      %iota3A_72 = tpu.iota {dimensions = array<i32: 0>} : vector<16xi32>
      %add3A_73 = vector.broadcast %add3A_71 : i32 to vector<16xi32>
      %add3A_74 = arith.addi %add3A_73, %iota3A_72 : vector<16xi32>
      %and3A_75 = arith.constant 4095 : i32
      %and3A_76 = vector.broadcast %and3A_75 : i32 to vector<16xi32>
      %and3A_77 = arith.andi %add3A_74, %and3A_76 : vector<16xi32>
      %swap3A_78 = arith.constant 80 : index
      %swap3A_79 = tpu.vector_load %arg8[%swap3A_78] {strides = array<i32>} : memref<512xi32, #tpu.memory_space<vmem>>, vector<16xi32>,
      %swap3A_80 = vector.shape_cast %swap3A_79 : vector<16xi32> to vector<16xi32>
      %swap3A_81 = vector.shape_cast %and3A_77 : vector<16xi32> to vector<16xi32>
      tpu.vector_store %arg8[%swap3A_78], %swap3A_81 {strides = array<i32>} : memref<512xi32, #tpu.memory_space<vmem>>, vector<16xi32>,
      %add3A_82 = arith.constant 96 : i32
      %add3A_83 = arith.addi %mul3A_13, %add3A_82 : i32
      %iota3A_84 = tpu.iota {dimensions = array<i32: 0>} : vector<16xi32>
      %add3A_85 = vector.broadcast %add3A_83 : i32 to vector<16xi32>
      %add3A_86 = arith.addi %add3A_85, %iota3A_84 : vector<16xi32>
      %and3A_87 = arith.constant 4095 : i32
      %and3A_88 = vector.broadcast %and3A_87 : i32 to vector<16xi32>
      %and3A_89 = arith.andi %add3A_86, %and3A_88 : vector<16xi32>
      %swap3A_90 = arith.constant 96 : index
      %swap3A_91 = tpu.vector_load %arg8[%swap3A_90] {strides = array<i32>} : memref<512xi32, #tpu.memory_space<vmem>>, vector<16xi32>,
      %swap3A_92 = vector.shape_cast %swap3A_91 : vector<16xi32> to vector<16xi32>
      %swap3A_93 = vector.shape_cast %and3A_89 : vector<16xi32> to vector<16xi32>
      tpu.vector_store %arg8[%swap3A_90], %swap3A_93 {strides = array<i32>} : memref<512xi32, #tpu.memory_space<vmem>>, vector<16xi32>,
      %add3A_94 = arith.constant 112 : i32
      %add3A_95 = arith.addi %mul3A_13, %add3A_94 : i32
      %iota3A_96 = tpu.iota {dimensions = array<i32: 0>} : vector<16xi32>
      %add3A_97 = vector.broadcast %add3A_95 : i32 to vector<16xi32>
      %add3A_98 = arith.addi %add3A_97, %iota3A_96 : vector<16xi32>
      %and3A_99 = arith.constant 4095 : i32
      %and3A_100 = vector.broadcast %and3A_99 : i32 to vector<16xi32>
      %and3A_101 = arith.andi %add3A_98, %and3A_100 : vector<16xi32>
      %swap3A_102 = arith.constant 112 : index
      %swap3A_103 = tpu.vector_load %arg8[%swap3A_102] {strides = array<i32>} : memref<512xi32, #tpu.memory_space<vmem>>, vector<16xi32>,
      %swap3A_104 = vector.shape_cast %swap3A_103 : vector<16xi32> to vector<16xi32>
      %swap3A_105 = vector.shape_cast %and3A_101 : vector<16xi32> to vector<16xi32>
      tpu.vector_store %arg8[%swap3A_102], %swap3A_105 {strides = array<i32>} : memref<512xi32, #tpu.memory_space<vmem>>, vector<16xi32>,
      %add3A_106 = arith.constant 128 : i32
      %add3A_107 = arith.addi %mul3A_13, %add3A_106 : i32
      %iota3A_108 = tpu.iota {dimensions = array<i32: 0>} : vector<16xi32>
      %add3A_109 = vector.broadcast %add3A_107 : i32 to vector<16xi32>
      %add3A_110 = arith.addi %add3A_109, %iota3A_108 : vector<16xi32>
      %and3A_111 = arith.constant 4095 : i32
      %and3A_112 = vector.broadcast %and3A_111 : i32 to vector<16xi32>
      %and3A_113 = arith.andi %add3A_110, %and3A_112 : vector<16xi32>
      %swap3A_114 = arith.constant 128 : index
      %swap3A_115 = tpu.vector_load %arg8[%swap3A_114] {strides = array<i32>} : memref<512xi32, #tpu.memory_space<vmem>>, vector<16xi32>,
      %swap3A_116 = vector.shape_cast %swap3A_115 : vector<16xi32> to vector<16xi32>
      %swap3A_117 = vector.shape_cast %and3A_113 : vector<16xi32> to vector<16xi32>
      tpu.vector_store %arg8[%swap3A_114], %swap3A_117 {strides = array<i32>} : memref<512xi32, #tpu.memory_space<vmem>>, vector<16xi32>,
      %add3A_118 = arith.constant 144 : i32
      %add3A_119 = arith.addi %mul3A_13, %add3A_118 : i32
      %iota3A_120 = tpu.iota {dimensions = array<i32: 0>} : vector<16xi32>
      %add3A_121 = vector.broadcast %add3A_119 : i32 to vector<16xi32>
      %add3A_122 = arith.addi %add3A_121, %iota3A_120 : vector<16xi32>
      %and3A_123 = arith.constant 4095 : i32
      %and3A_124 = vector.broadcast %and3A_123 : i32 to vector<16xi32>
      %and3A_125 = arith.andi %add3A_122, %and3A_124 : vector<16xi32>
      %swap3A_126 = arith.constant 144 : index
      %swap3A_127 = tpu.vector_load %arg8[%swap3A_126] {strides = array<i32>} : memref<512xi32, #tpu.memory_space<vmem>>, vector<16xi32>,
      %swap3A_128 = vector.shape_cast %swap3A_127 : vector<16xi32> to vector<16xi32>
      %swap3A_129 = vector.shape_cast %and3A_125 : vector<16xi32> to vector<16xi32>
      tpu.vector_store %arg8[%swap3A_126], %swap3A_129 {strides = array<i32>} : memref<512xi32, #tpu.memory_space<vmem>>, vector<16xi32>,
      %add3A_130 = arith.constant 160 : i32
      %add3A_131 = arith.addi %mul3A_13, %add3A_130 : i32
      %iota3A_132 = tpu.iota {dimensions = array<i32: 0>} : vector<16xi32>
      %add3A_133 = vector.broadcast %add3A_131 : i32 to vector<16xi32>
      %add3A_134 = arith.addi %add3A_133, %iota3A_132 : vector<16xi32>
      %and3A_135 = arith.constant 4095 : i32
      %and3A_136 = vector.broadcast %and3A_135 : i32 to vector<16xi32>
      %and3A_137 = arith.andi %add3A_134, %and3A_136 : vector<16xi32>
      %swap3A_138 = arith.constant 160 : index
      %swap3A_139 = tpu.vector_load %arg8[%swap3A_138] {strides = array<i32>} : memref<512xi32, #tpu.memory_space<vmem>>, vector<16xi32>,
      %swap3A_140 = vector.shape_cast %swap3A_139 : vector<16xi32> to vector<16xi32>
      %swap3A_141 = vector.shape_cast %and3A_137 : vector<16xi32> to vector<16xi32>
      tpu.vector_store %arg8[%swap3A_138], %swap3A_141 {strides = array<i32>} : memref<512xi32, #tpu.memory_space<vmem>>, vector<16xi32>,
      %add3A_142 = arith.constant 176 : i32
      %add3A_143 = arith.addi %mul3A_13, %add3A_142 : i32
      %iota3A_144 = tpu.iota {dimensions = array<i32: 0>} : vector<16xi32>
      %add3A_145 = vector.broadcast %add3A_143 : i32 to vector<16xi32>
      %add3A_146 = arith.addi %add3A_145, %iota3A_144 : vector<16xi32>
      %and3A_147 = arith.constant 4095 : i32
      %and3A_148 = vector.broadcast %and3A_147 : i32 to vector<16xi32>
      %and3A_149 = arith.andi %add3A_146, %and3A_148 : vector<16xi32>
      %swap3A_150 = arith.constant 176 : index
      %swap3A_151 = tpu.vector_load %arg8[%swap3A_150] {strides = array<i32>} : memref<512xi32, #tpu.memory_space<vmem>>, vector<16xi32>,
      %swap3A_152 = vector.shape_cast %swap3A_151 : vector<16xi32> to vector<16xi32>
      %swap3A_153 = vector.shape_cast %and3A_149 : vector<16xi32> to vector<16xi32>
      tpu.vector_store %arg8[%swap3A_150], %swap3A_153 {strides = array<i32>} : memref<512xi32, #tpu.memory_space<vmem>>, vector<16xi32>,
      %add3A_154 = arith.constant 192 : i32
      %add3A_155 = arith.addi %mul3A_13, %add3A_154 : i32
      %iota3A_156 = tpu.iota {dimensions = array<i32: 0>} : vector<16xi32>
      %add3A_157 = vector.broadcast %add3A_155 : i32 to vector<16xi32>
      %add3A_158 = arith.addi %add3A_157, %iota3A_156 : vector<16xi32>
      %and3A_159 = arith.constant 4095 : i32
      %and3A_160 = vector.broadcast %and3A_159 : i32 to vector<16xi32>
      %and3A_161 = arith.andi %add3A_158, %and3A_160 : vector<16xi32>
      %swap3A_162 = arith.constant 192 : index
      %swap3A_163 = tpu.vector_load %arg8[%swap3A_162] {strides = array<i32>} : memref<512xi32, #tpu.memory_space<vmem>>, vector<16xi32>,
      %swap3A_164 = vector.shape_cast %swap3A_163 : vector<16xi32> to vector<16xi32>
      %swap3A_165 = vector.shape_cast %and3A_161 : vector<16xi32> to vector<16xi32>
      tpu.vector_store %arg8[%swap3A_162], %swap3A_165 {strides = array<i32>} : memref<512xi32, #tpu.memory_space<vmem>>, vector<16xi32>,
      %add3A_166 = arith.constant 208 : i32
      %add3A_167 = arith.addi %mul3A_13, %add3A_166 : i32
      %iota3A_168 = tpu.iota {dimensions = array<i32: 0>} : vector<16xi32>
      %add3A_169 = vector.broadcast %add3A_167 : i32 to vector<16xi32>
      %add3A_170 = arith.addi %add3A_169, %iota3A_168 : vector<16xi32>
      %and3A_171 = arith.constant 4095 : i32
      %and3A_172 = vector.broadcast %and3A_171 : i32 to vector<16xi32>
      %and3A_173 = arith.andi %add3A_170, %and3A_172 : vector<16xi32>
      %swap3A_174 = arith.constant 208 : index
      %swap3A_175 = tpu.vector_load %arg8[%swap3A_174] {strides = array<i32>} : memref<512xi32, #tpu.memory_space<vmem>>, vector<16xi32>,
      %swap3A_176 = vector.shape_cast %swap3A_175 : vector<16xi32> to vector<16xi32>
      %swap3A_177 = vector.shape_cast %and3A_173 : vector<16xi32> to vector<16xi32>
      tpu.vector_store %arg8[%swap3A_174], %swap3A_177 {strides = array<i32>} : memref<512xi32, #tpu.memory_space<vmem>>, vector<16xi32>,
      %add3A_178 = arith.constant 224 : i32
      %add3A_179 = arith.addi %mul3A_13, %add3A_178 : i32
      %iota3A_180 = tpu.iota {dimensions = array<i32: 0>} : vector<16xi32>
      %add3A_181 = vector.broadcast %add3A_179 : i32 to vector<16xi32>
      %add3A_182 = arith.addi %add3A_181, %iota3A_180 : vector<16xi32>
      %and3A_183 = arith.constant 4095 : i32
      %and3A_184 = vector.broadcast %and3A_183 : i32 to vector<16xi32>
      %and3A_185 = arith.andi %add3A_182, %and3A_184 : vector<16xi32>
      %swap3A_186 = arith.constant 224 : index
      %swap3A_187 = tpu.vector_load %arg8[%swap3A_186] {strides = array<i32>} : memref<512xi32, #tpu.memory_space<vmem>>, vector<16xi32>,
      %swap3A_188 = vector.shape_cast %swap3A_187 : vector<16xi32> to vector<16xi32>
      %swap3A_189 = vector.shape_cast %and3A_185 : vector<16xi32> to vector<16xi32>
      tpu.vector_store %arg8[%swap3A_186], %swap3A_189 {strides = array<i32>} : memref<512xi32, #tpu.memory_space<vmem>>, vector<16xi32>,
      %add3A_190 = arith.constant 240 : i32
      %add3A_191 = arith.addi %mul3A_13, %add3A_190 : i32
      %iota3A_192 = tpu.iota {dimensions = array<i32: 0>} : vector<16xi32>
      %add3A_193 = vector.broadcast %add3A_191 : i32 to vector<16xi32>
      %add3A_194 = arith.addi %add3A_193, %iota3A_192 : vector<16xi32>
      %and3A_195 = arith.constant 4095 : i32
      %and3A_196 = vector.broadcast %and3A_195 : i32 to vector<16xi32>
      %and3A_197 = arith.andi %add3A_194, %and3A_196 : vector<16xi32>
      %swap3A_198 = arith.constant 240 : index
      %swap3A_199 = tpu.vector_load %arg8[%swap3A_198] {strides = array<i32>} : memref<512xi32, #tpu.memory_space<vmem>>, vector<16xi32>,
      %swap3A_200 = vector.shape_cast %swap3A_199 : vector<16xi32> to vector<16xi32>
      %swap3A_201 = vector.shape_cast %and3A_197 : vector<16xi32> to vector<16xi32>
      tpu.vector_store %arg8[%swap3A_198], %swap3A_201 {strides = array<i32>} : memref<512xi32, #tpu.memory_space<vmem>>, vector<16xi32>,
      %add3A_202 = arith.constant 256 : i32
      %add3A_203 = arith.addi %mul3A_13, %add3A_202 : i32
      %iota3A_204 = tpu.iota {dimensions = array<i32: 0>} : vector<16xi32>
      %add3A_205 = vector.broadcast %add3A_203 : i32 to vector<16xi32>
      %add3A_206 = arith.addi %add3A_205, %iota3A_204 : vector<16xi32>
      %and3A_207 = arith.constant 4095 : i32
      %and3A_208 = vector.broadcast %and3A_207 : i32 to vector<16xi32>
      %and3A_209 = arith.andi %add3A_206, %and3A_208 : vector<16xi32>
      %swap3A_210 = arith.constant 256 : index
      %swap3A_211 = tpu.vector_load %arg8[%swap3A_210] {strides = array<i32>} : memref<512xi32, #tpu.memory_space<vmem>>, vector<16xi32>,
      %swap3A_212 = vector.shape_cast %swap3A_211 : vector<16xi32> to vector<16xi32>
      %swap3A_213 = vector.shape_cast %and3A_209 : vector<16xi32> to vector<16xi32>
      tpu.vector_store %arg8[%swap3A_210], %swap3A_213 {strides = array<i32>} : memref<512xi32, #tpu.memory_space<vmem>>, vector<16xi32>,
      %add3A_214 = arith.constant 272 : i32
      %add3A_215 = arith.addi %mul3A_13, %add3A_214 : i32
      %iota3A_216 = tpu.iota {dimensions = array<i32: 0>} : vector<16xi32>
      %add3A_217 = vector.broadcast %add3A_215 : i32 to vector<16xi32>
      %add3A_218 = arith.addi %add3A_217, %iota3A_216 : vector<16xi32>
      %and3A_219 = arith.constant 4095 : i32
      %and3A_220 = vector.broadcast %and3A_219 : i32 to vector<16xi32>
      %and3A_221 = arith.andi %add3A_218, %and3A_220 : vector<16xi32>
      %swap3A_222 = arith.constant 272 : index
      %swap3A_223 = tpu.vector_load %arg8[%swap3A_222] {strides = array<i32>} : memref<512xi32, #tpu.memory_space<vmem>>, vector<16xi32>,
      %swap3A_224 = vector.shape_cast %swap3A_223 : vector<16xi32> to vector<16xi32>
      %swap3A_225 = vector.shape_cast %and3A_221 : vector<16xi32> to vector<16xi32>
      tpu.vector_store %arg8[%swap3A_222], %swap3A_225 {strides = array<i32>} : memref<512xi32, #tpu.memory_space<vmem>>, vector<16xi32>,
      %add3A_226 = arith.constant 288 : i32
      %add3A_227 = arith.addi %mul3A_13, %add3A_226 : i32
      %iota3A_228 = tpu.iota {dimensions = array<i32: 0>} : vector<16xi32>
      %add3A_229 = vector.broadcast %add3A_227 : i32 to vector<16xi32>
      %add3A_230 = arith.addi %add3A_229, %iota3A_228 : vector<16xi32>
      %and3A_231 = arith.constant 4095 : i32
      %and3A_232 = vector.broadcast %and3A_231 : i32 to vector<16xi32>
      %and3A_233 = arith.andi %add3A_230, %and3A_232 : vector<16xi32>
      %swap3A_234 = arith.constant 288 : index
      %swap3A_235 = tpu.vector_load %arg8[%swap3A_234] {strides = array<i32>} : memref<512xi32, #tpu.memory_space<vmem>>, vector<16xi32>,
      %swap3A_236 = vector.shape_cast %swap3A_235 : vector<16xi32> to vector<16xi32>
      %swap3A_237 = vector.shape_cast %and3A_233 : vector<16xi32> to vector<16xi32>
      tpu.vector_store %arg8[%swap3A_234], %swap3A_237 {strides = array<i32>} : memref<512xi32, #tpu.memory_space<vmem>>, vector<16xi32>,
      %add3A_238 = arith.constant 304 : i32
      %add3A_239 = arith.addi %mul3A_13, %add3A_238 : i32
      %iota3A_240 = tpu.iota {dimensions = array<i32: 0>} : vector<16xi32>
      %add3A_241 = vector.broadcast %add3A_239 : i32 to vector<16xi32>
      %add3A_242 = arith.addi %add3A_241, %iota3A_240 : vector<16xi32>
      %and3A_243 = arith.constant 4095 : i32
      %and3A_244 = vector.broadcast %and3A_243 : i32 to vector<16xi32>
      %and3A_245 = arith.andi %add3A_242, %and3A_244 : vector<16xi32>
      %swap3A_246 = arith.constant 304 : index
      %swap3A_247 = tpu.vector_load %arg8[%swap3A_246] {strides = array<i32>} : memref<512xi32, #tpu.memory_space<vmem>>, vector<16xi32>,
      %swap3A_248 = vector.shape_cast %swap3A_247 : vector<16xi32> to vector<16xi32>
      %swap3A_249 = vector.shape_cast %and3A_245 : vector<16xi32> to vector<16xi32>
      tpu.vector_store %arg8[%swap3A_246], %swap3A_249 {strides = array<i32>} : memref<512xi32, #tpu.memory_space<vmem>>, vector<16xi32>,
      %add3A_250 = arith.constant 320 : i32
      %add3A_251 = arith.addi %mul3A_13, %add3A_250 : i32
      %iota3A_252 = tpu.iota {dimensions = array<i32: 0>} : vector<16xi32>
      %add3A_253 = vector.broadcast %add3A_251 : i32 to vector<16xi32>
      %add3A_254 = arith.addi %add3A_253, %iota3A_252 : vector<16xi32>
      %and3A_255 = arith.constant 4095 : i32
      %and3A_256 = vector.broadcast %and3A_255 : i32 to vector<16xi32>
      %and3A_257 = arith.andi %add3A_254, %and3A_256 : vector<16xi32>
      %swap3A_258 = arith.constant 320 : index
      %swap3A_259 = tpu.vector_load %arg8[%swap3A_258] {strides = array<i32>} : memref<512xi32, #tpu.memory_space<vmem>>, vector<16xi32>,
      %swap3A_260 = vector.shape_cast %swap3A_259 : vector<16xi32> to vector<16xi32>
      %swap3A_261 = vector.shape_cast %and3A_257 : vector<16xi32> to vector<16xi32>
      tpu.vector_store %arg8[%swap3A_258], %swap3A_261 {strides = array<i32>} : memref<512xi32, #tpu.memory_space<vmem>>, vector<16xi32>,
      %add3A_262 = arith.constant 336 : i32
      %add3A_263 = arith.addi %mul3A_13, %add3A_262 : i32
      %iota3A_264 = tpu.iota {dimensions = array<i32: 0>} : vector<16xi32>
      %add3A_265 = vector.broadcast %add3A_263 : i32 to vector<16xi32>
      %add3A_266 = arith.addi %add3A_265, %iota3A_264 : vector<16xi32>
      %and3A_267 = arith.constant 4095 : i32
      %and3A_268 = vector.broadcast %and3A_267 : i32 to vector<16xi32>
      %and3A_269 = arith.andi %add3A_266, %and3A_268 : vector<16xi32>
      %swap3A_270 = arith.constant 336 : index
      %swap3A_271 = tpu.vector_load %arg8[%swap3A_270] {strides = array<i32>} : memref<512xi32, #tpu.memory_space<vmem>>, vector<16xi32>,
      %swap3A_272 = vector.shape_cast %swap3A_271 : vector<16xi32> to vector<16xi32>
      %swap3A_273 = vector.shape_cast %and3A_269 : vector<16xi32> to vector<16xi32>
      tpu.vector_store %arg8[%swap3A_270], %swap3A_273 {strides = array<i32>} : memref<512xi32, #tpu.memory_space<vmem>>, vector<16xi32>,
      %add3A_274 = arith.constant 352 : i32
      %add3A_275 = arith.addi %mul3A_13, %add3A_274 : i32
      %iota3A_276 = tpu.iota {dimensions = array<i32: 0>} : vector<16xi32>
      %add3A_277 = vector.broadcast %add3A_275 : i32 to vector<16xi32>
      %add3A_278 = arith.addi %add3A_277, %iota3A_276 : vector<16xi32>
      %and3A_279 = arith.constant 4095 : i32
      %and3A_280 = vector.broadcast %and3A_279 : i32 to vector<16xi32>
      %and3A_281 = arith.andi %add3A_278, %and3A_280 : vector<16xi32>
      %swap3A_282 = arith.constant 352 : index
      %swap3A_283 = tpu.vector_load %arg8[%swap3A_282] {strides = array<i32>} : memref<512xi32, #tpu.memory_space<vmem>>, vector<16xi32>,
      %swap3A_284 = vector.shape_cast %swap3A_283 : vector<16xi32> to vector<16xi32>
      %swap3A_285 = vector.shape_cast %and3A_281 : vector<16xi32> to vector<16xi32>
      tpu.vector_store %arg8[%swap3A_282], %swap3A_285 {strides = array<i32>} : memref<512xi32, #tpu.memory_space<vmem>>, vector<16xi32>,
      %add3A_286 = arith.constant 368 : i32
      %add3A_287 = arith.addi %mul3A_13, %add3A_286 : i32
      %iota3A_288 = tpu.iota {dimensions = array<i32: 0>} : vector<16xi32>
      %add3A_289 = vector.broadcast %add3A_287 : i32 to vector<16xi32>
      %add3A_290 = arith.addi %add3A_289, %iota3A_288 : vector<16xi32>
      %and3A_291 = arith.constant 4095 : i32
      %and3A_292 = vector.broadcast %and3A_291 : i32 to vector<16xi32>
      %and3A_293 = arith.andi %add3A_290, %and3A_292 : vector<16xi32>
      %swap3A_294 = arith.constant 368 : index
      %swap3A_295 = tpu.vector_load %arg8[%swap3A_294] {strides = array<i32>} : memref<512xi32, #tpu.memory_space<vmem>>, vector<16xi32>,
      %swap3A_296 = vector.shape_cast %swap3A_295 : vector<16xi32> to vector<16xi32>
      %swap3A_297 = vector.shape_cast %and3A_293 : vector<16xi32> to vector<16xi32>
      tpu.vector_store %arg8[%swap3A_294], %swap3A_297 {strides = array<i32>} : memref<512xi32, #tpu.memory_space<vmem>>, vector<16xi32>,
      %add3A_298 = arith.constant 384 : i32
      %add3A_299 = arith.addi %mul3A_13, %add3A_298 : i32
      %iota3A_300 = tpu.iota {dimensions = array<i32: 0>} : vector<16xi32>
      %add3A_301 = vector.broadcast %add3A_299 : i32 to vector<16xi32>
      %add3A_302 = arith.addi %add3A_301, %iota3A_300 : vector<16xi32>
      %and3A_303 = arith.constant 4095 : i32
      %and3A_304 = vector.broadcast %and3A_303 : i32 to vector<16xi32>
      %and3A_305 = arith.andi %add3A_302, %and3A_304 : vector<16xi32>
      %swap3A_306 = arith.constant 384 : index
      %swap3A_307 = tpu.vector_load %arg8[%swap3A_306] {strides = array<i32>} : memref<512xi32, #tpu.memory_space<vmem>>, vector<16xi32>,
      %swap3A_308 = vector.shape_cast %swap3A_307 : vector<16xi32> to vector<16xi32>
      %swap3A_309 = vector.shape_cast %and3A_305 : vector<16xi32> to vector<16xi32>
      tpu.vector_store %arg8[%swap3A_306], %swap3A_309 {strides = array<i32>} : memref<512xi32, #tpu.memory_space<vmem>>, vector<16xi32>,
      %add3A_310 = arith.constant 400 : i32
      %add3A_311 = arith.addi %mul3A_13, %add3A_310 : i32
      %iota3A_312 = tpu.iota {dimensions = array<i32: 0>} : vector<16xi32>
      %add3A_313 = vector.broadcast %add3A_311 : i32 to vector<16xi32>
      %add3A_314 = arith.addi %add3A_313, %iota3A_312 : vector<16xi32>
      %and3A_315 = arith.constant 4095 : i32
      %and3A_316 = vector.broadcast %and3A_315 : i32 to vector<16xi32>
      %and3A_317 = arith.andi %add3A_314, %and3A_316 : vector<16xi32>
      %swap3A_318 = arith.constant 400 : index
      %swap3A_319 = tpu.vector_load %arg8[%swap3A_318] {strides = array<i32>} : memref<512xi32, #tpu.memory_space<vmem>>, vector<16xi32>,
      %swap3A_320 = vector.shape_cast %swap3A_319 : vector<16xi32> to vector<16xi32>
      %swap3A_321 = vector.shape_cast %and3A_317 : vector<16xi32> to vector<16xi32>
      tpu.vector_store %arg8[%swap3A_318], %swap3A_321 {strides = array<i32>} : memref<512xi32, #tpu.memory_space<vmem>>, vector<16xi32>,
      %add3A_322 = arith.constant 416 : i32
      %add3A_323 = arith.addi %mul3A_13, %add3A_322 : i32
      %iota3A_324 = tpu.iota {dimensions = array<i32: 0>} : vector<16xi32>
      %add3A_325 = vector.broadcast %add3A_323 : i32 to vector<16xi32>
      %add3A_326 = arith.addi %add3A_325, %iota3A_324 : vector<16xi32>
      %and3A_327 = arith.constant 4095 : i32
      %and3A_328 = vector.broadcast %and3A_327 : i32 to vector<16xi32>
      %and3A_329 = arith.andi %add3A_326, %and3A_328 : vector<16xi32>
      %swap3A_330 = arith.constant 416 : index
      %swap3A_331 = tpu.vector_load %arg8[%swap3A_330] {strides = array<i32>} : memref<512xi32, #tpu.memory_space<vmem>>, vector<16xi32>,
      %swap3A_332 = vector.shape_cast %swap3A_331 : vector<16xi32> to vector<16xi32>
      %swap3A_333 = vector.shape_cast %and3A_329 : vector<16xi32> to vector<16xi32>
      tpu.vector_store %arg8[%swap3A_330], %swap3A_333 {strides = array<i32>} : memref<512xi32, #tpu.memory_space<vmem>>, vector<16xi32>,
      %add3A_334 = arith.constant 432 : i32
      %add3A_335 = arith.addi %mul3A_13, %add3A_334 : i32
      %iota3A_336 = tpu.iota {dimensions = array<i32: 0>} : vector<16xi32>
      %add3A_337 = vector.broadcast %add3A_335 : i32 to vector<16xi32>
      %add3A_338 = arith.addi %add3A_337, %iota3A_336 : vector<16xi32>
      %and3A_339 = arith.constant 4095 : i32
      %and3A_340 = vector.broadcast %and3A_339 : i32 to vector<16xi32>
      %and3A_341 = arith.andi %add3A_338, %and3A_340 : vector<16xi32>
      %swap3A_342 = arith.constant 432 : index
      %swap3A_343 = tpu.vector_load %arg8[%swap3A_342] {strides = array<i32>} : memref<512xi32, #tpu.memory_space<vmem>>, vector<16xi32>,
      %swap3A_344 = vector.shape_cast %swap3A_343 : vector<16xi32> to vector<16xi32>
      %swap3A_345 = vector.shape_cast %and3A_341 : vector<16xi32> to vector<16xi32>
      tpu.vector_store %arg8[%swap3A_342], %swap3A_345 {strides = array<i32>} : memref<512xi32, #tpu.memory_space<vmem>>, vector<16xi32>,
      %add3A_346 = arith.constant 448 : i32
      %add3A_347 = arith.addi %mul3A_13, %add3A_346 : i32
      %iota3A_348 = tpu.iota {dimensions = array<i32: 0>} : vector<16xi32>
      %add3A_349 = vector.broadcast %add3A_347 : i32 to vector<16xi32>
      %add3A_350 = arith.addi %add3A_349, %iota3A_348 : vector<16xi32>
      %and3A_351 = arith.constant 4095 : i32
      %and3A_352 = vector.broadcast %and3A_351 : i32 to vector<16xi32>
      %and3A_353 = arith.andi %add3A_350, %and3A_352 : vector<16xi32>
      %swap3A_354 = arith.constant 448 : index
      %swap3A_355 = tpu.vector_load %arg8[%swap3A_354] {strides = array<i32>} : memref<512xi32, #tpu.memory_space<vmem>>, vector<16xi32>,
      %swap3A_356 = vector.shape_cast %swap3A_355 : vector<16xi32> to vector<16xi32>
      %swap3A_357 = vector.shape_cast %and3A_353 : vector<16xi32> to vector<16xi32>
      tpu.vector_store %arg8[%swap3A_354], %swap3A_357 {strides = array<i32>} : memref<512xi32, #tpu.memory_space<vmem>>, vector<16xi32>,
      %add3A_358 = arith.constant 464 : i32
      %add3A_359 = arith.addi %mul3A_13, %add3A_358 : i32
      %iota3A_360 = tpu.iota {dimensions = array<i32: 0>} : vector<16xi32>
      %add3A_361 = vector.broadcast %add3A_359 : i32 to vector<16xi32>
      %add3A_362 = arith.addi %add3A_361, %iota3A_360 : vector<16xi32>
      %and3A_363 = arith.constant 4095 : i32
      %and3A_364 = vector.broadcast %and3A_363 : i32 to vector<16xi32>
      %and3A_365 = arith.andi %add3A_362, %and3A_364 : vector<16xi32>
      %swap3A_366 = arith.constant 464 : index
      %swap3A_367 = tpu.vector_load %arg8[%swap3A_366] {strides = array<i32>} : memref<512xi32, #tpu.memory_space<vmem>>, vector<16xi32>,
      %swap3A_368 = vector.shape_cast %swap3A_367 : vector<16xi32> to vector<16xi32>
      %swap3A_369 = vector.shape_cast %and3A_365 : vector<16xi32> to vector<16xi32>
      tpu.vector_store %arg8[%swap3A_366], %swap3A_369 {strides = array<i32>} : memref<512xi32, #tpu.memory_space<vmem>>, vector<16xi32>,
      %add3A_370 = arith.constant 480 : i32
      %add3A_371 = arith.addi %mul3A_13, %add3A_370 : i32
      %iota3A_372 = tpu.iota {dimensions = array<i32: 0>} : vector<16xi32>
      %add3A_373 = vector.broadcast %add3A_371 : i32 to vector<16xi32>
      %add3A_374 = arith.addi %add3A_373, %iota3A_372 : vector<16xi32>
      %and3A_375 = arith.constant 4095 : i32
      %and3A_376 = vector.broadcast %and3A_375 : i32 to vector<16xi32>
      %and3A_377 = arith.andi %add3A_374, %and3A_376 : vector<16xi32>
      %swap3A_378 = arith.constant 480 : index
      %swap3A_379 = tpu.vector_load %arg8[%swap3A_378] {strides = array<i32>} : memref<512xi32, #tpu.memory_space<vmem>>, vector<16xi32>,
      %swap3A_380 = vector.shape_cast %swap3A_379 : vector<16xi32> to vector<16xi32>
      %swap3A_381 = vector.shape_cast %and3A_377 : vector<16xi32> to vector<16xi32>
      tpu.vector_store %arg8[%swap3A_378], %swap3A_381 {strides = array<i32>} : memref<512xi32, #tpu.memory_space<vmem>>, vector<16xi32>,
      %add3A_382 = arith.constant 496 : i32
      %add3A_383 = arith.addi %mul3A_13, %add3A_382 : i32
      %iota3A_384 = tpu.iota {dimensions = array<i32: 0>} : vector<16xi32>
      %add3A_385 = vector.broadcast %add3A_383 : i32 to vector<16xi32>
      %add3A_386 = arith.addi %add3A_385, %iota3A_384 : vector<16xi32>
      %and3A_387 = arith.constant 4095 : i32
      %and3A_388 = vector.broadcast %and3A_387 : i32 to vector<16xi32>
      %and3A_389 = arith.andi %add3A_386, %and3A_388 : vector<16xi32>
      %swap3A_390 = arith.constant 496 : index
      %swap3A_391 = tpu.vector_load %arg8[%swap3A_390] {strides = array<i32>} : memref<512xi32, #tpu.memory_space<vmem>>, vector<16xi32>,
      %swap3A_392 = vector.shape_cast %swap3A_391 : vector<16xi32> to vector<16xi32>
      %swap3A_393 = vector.shape_cast %and3A_389 : vector<16xi32> to vector<16xi32>
      tpu.vector_store %arg8[%swap3A_390], %swap3A_393 {strides = array<i32>} : memref<512xi32, #tpu.memory_space<vmem>>, vector<16xi32>,
      "tpu.region"() ({
        %run_scoped3A = tpu.sem_alloc : memref<!tpu.dma_semaphore, #tpu.memory_space<semaphore_mem>>
        %dma_start3A = arith.constant 0 : i32
        %dma_start3A_394 = tpu.memref_slice %arg11[%dma_start3A] : memref<10240xi32, #tpu.memory_space<vmem_shared>> -> memref<10240xi32, #tpu.memory_space<vmem_shared>>
        tpu.enqueue_indirect_dma source(%arg8 : memref<512xi32, #tpu.memory_space<vmem>>) target(%dma_start3A_394 : memref<10240xi32, #tpu.memory_space<vmem_shared>>) offsets(%arg6 : memref<512xi32, #tpu.memory_space<vmem>>) semaphore(%run_scoped3A : memref<!tpu.dma_semaphore, #tpu.memory_space<semaphore_mem>>) {add = true}
        %dma_wait3A = arith.constant 0 : i32
        %dma_wait3A_395 = tpu.memref_slice %arg11[%dma_wait3A] : memref<10240xi32, #tpu.memory_space<vmem_shared>> -> memref<10240xi32, #tpu.memory_space<vmem_shared>>
        tpu.wait_indirect_dma semaphore(%run_scoped3A : memref<!tpu.dma_semaphore, #tpu.memory_space<semaphore_mem>>) src(%arg8 : memref<512xi32, #tpu.memory_space<vmem>>) dst(%dma_wait3A_395 : memref<10240xi32, #tpu.memory_space<vmem_shared>>)
        tpu.yield
      }) : () -> ()
      "tpu.region"() ({
        %run_scoped3A = tpu.sem_alloc : memref<!tpu.dma_semaphore, #tpu.memory_space<semaphore_mem>>
        %dma_start3A = arith.constant 0 : i32
        %dma_start3A_394 = tpu.memref_slice %arg12[%dma_start3A] : memref<10240xf32, #tpu.memory_space<vmem_shared>> -> memref<10240xf32, #tpu.memory_space<vmem_shared>>
        tpu.enqueue_indirect_dma source(%arg7 : memref<512xf32, #tpu.memory_space<vmem>>) target(%dma_start3A_394 : memref<10240xf32, #tpu.memory_space<vmem_shared>>) offsets(%arg6 : memref<512xi32, #tpu.memory_space<vmem>>) semaphore(%run_scoped3A : memref<!tpu.dma_semaphore, #tpu.memory_space<semaphore_mem>>) {add = true}
        %dma_wait3A = arith.constant 0 : i32
        %dma_wait3A_395 = tpu.memref_slice %arg12[%dma_wait3A] : memref<10240xf32, #tpu.memory_space<vmem_shared>> -> memref<10240xf32, #tpu.memory_space<vmem_shared>>
        tpu.wait_indirect_dma semaphore(%run_scoped3A : memref<!tpu.dma_semaphore, #tpu.memory_space<semaphore_mem>>) src(%arg7 : memref<512xf32, #tpu.memory_space<vmem>>) dst(%dma_wait3A_395 : memref<10240xf32, #tpu.memory_space<vmem_shared>>)
        tpu.yield
      }) : () -> ()
    } else {
    }
    %barrier3A_7 = arith.constant 0 : index
    tpu.barrier barrier_id(%barrier3A_7)
    %eq3A_8 = arith.constant 0 : i32
    %eq3A_9 = arith.cmpi eq, %arg0, %eq3A_8 : i32
    %convert_element_type3A_10 = arith.extui %eq3A_9 : i1 to i32
    %cond3A_11 = arith.constant 0 : i32
    %cond3A_12 = arith.cmpi ne, %convert_element_type3A_10, %cond3A_11 : i32
    scf.if %cond3A_12 {
      %mul3A = arith.constant 640 : i32
      %mul3A_13 = arith.muli %arg1, %mul3A : i32
      "tpu.region"() ({
        %run_scoped3A = tpu.sem_alloc : memref<!tpu.dma_semaphore, #tpu.memory_space<semaphore_mem>>
        %dma_start3A = tpu.memref_slice %arg4[%mul3A_13] : memref<10240xi32, #tpu.memory_space<hbm>> -> memref<640xi32, #tpu.memory_space<hbm>>
        %dma_start3A_14 = tpu.memref_slice %arg11[%mul3A_13] : memref<10240xi32, #tpu.memory_space<vmem_shared>> -> memref<640xi32, #tpu.memory_space<vmem_shared>>
        tpu.enqueue_dma source(%dma_start3A_14 : memref<640xi32, #tpu.memory_space<vmem_shared>>) target(%dma_start3A : memref<640xi32, #tpu.memory_space<hbm>>) target_semaphore(%run_scoped3A : memref<!tpu.dma_semaphore, #tpu.memory_space<semaphore_mem>>)
        %dma_wait3A = tpu.memref_slice %arg4[%mul3A_13] : memref<10240xi32, #tpu.memory_space<hbm>> -> memref<640xi32, #tpu.memory_space<hbm>>
        %dma_wait3A_15 = tpu.memref_slice %arg11[%mul3A_13] : memref<10240xi32, #tpu.memory_space<vmem_shared>> -> memref<640xi32, #tpu.memory_space<vmem_shared>>
        tpu.wait_dma2 semaphore(%run_scoped3A : memref<!tpu.dma_semaphore, #tpu.memory_space<semaphore_mem>>) src(%dma_wait3A_15 : memref<640xi32, #tpu.memory_space<vmem_shared>>) dst(%dma_wait3A : memref<640xi32, #tpu.memory_space<hbm>>)
        tpu.yield
      }) : () -> ()
      "tpu.region"() ({
        %run_scoped3A = tpu.sem_alloc : memref<!tpu.dma_semaphore, #tpu.memory_space<semaphore_mem>>
        %dma_start3A = tpu.memref_slice %arg5[%mul3A_13] : memref<10240xf32, #tpu.memory_space<hbm>> -> memref<640xf32, #tpu.memory_space<hbm>>
        %dma_start3A_14 = tpu.memref_slice %arg12[%mul3A_13] : memref<10240xf32, #tpu.memory_space<vmem_shared>> -> memref<640xf32, #tpu.memory_space<vmem_shared>>
        tpu.enqueue_dma source(%dma_start3A_14 : memref<640xf32, #tpu.memory_space<vmem_shared>>) target(%dma_start3A : memref<640xf32, #tpu.memory_space<hbm>>) target_semaphore(%run_scoped3A : memref<!tpu.dma_semaphore, #tpu.memory_space<semaphore_mem>>)
        %dma_wait3A = tpu.memref_slice %arg5[%mul3A_13] : memref<10240xf32, #tpu.memory_space<hbm>> -> memref<640xf32, #tpu.memory_space<hbm>>
        %dma_wait3A_15 = tpu.memref_slice %arg12[%mul3A_13] : memref<10240xf32, #tpu.memory_space<vmem_shared>> -> memref<640xf32, #tpu.memory_space<vmem_shared>>
        tpu.wait_dma2 semaphore(%run_scoped3A : memref<!tpu.dma_semaphore, #tpu.memory_space<semaphore_mem>>) src(%dma_wait3A_15 : memref<640xf32, #tpu.memory_space<vmem_shared>>) dst(%dma_wait3A : memref<640xf32, #tpu.memory_space<hbm>>)
        tpu.yield
      }) : () -> ()
    } else {
    }
    return
  }
}

#map = affine_map<(d0, d1) -> (0, 0)>
#map1 = affine_map<(d0, d1) -> (0)>
module attributes {stable_mosaic.version = 14 : i64} {
  func.func @_sc_gather_body(%arg0: i32, %arg1: i32, %arg2: memref<4096x1024xf32, #tpu.memory_space<hbm>>, %arg3: memref<10240xi32, #tpu.memory_space<hbm>>, %arg4: memref<10240x1024xf32, #tpu.memory_space<hbm>>, %arg5: memref<320xi32, #tpu.memory_space<vmem>>, %arg6: memref<16x1024xf32, #tpu.memory_space<vmem>>, %arg7: memref<16x1024xf32, #tpu.memory_space<vmem>>, %arg8: memref<16x1024xf32, #tpu.memory_space<vmem>>, %arg9: memref<16x1024xf32, #tpu.memory_space<vmem>>, %arg10: memref<!tpu.dma_semaphore, #tpu.memory_space<semaphore_mem>>, %arg11: memref<!tpu.dma_semaphore, #tpu.memory_space<semaphore_mem>>) attributes {dimension_semantics = [#tpu.dimension_semantics<core_parallel>, #tpu.dimension_semantics<subcore_parallel>], iteration_bounds = array<i64: 2, 16>, scalar_prefetch = 0 : i64, scratch_operands = 7 : i64, tpu.core_type = #tpu.core_type<sc_vector_subcore>, window_params = [{transform_indices = #map}, {transform_indices = #map1}, {transform_indices = #map}]} {
    %mul3A = arith.constant 2 : i32
    %mul3A_0 = arith.muli %arg1, %mul3A : i32
    %add3A = arith.addi %mul3A_0, %arg0 : i32
    %mul3A_1 = arith.constant 320 : i32
    %mul3A_2 = arith.muli %add3A, %mul3A_1 : i32
    "tpu.region"() ({
      %run_scoped3A = tpu.sem_alloc : memref<!tpu.dma_semaphore, #tpu.memory_space<semaphore_mem>>
      %dma_start3A_401 = tpu.memref_slice %arg3[%mul3A_2] : memref<10240xi32, #tpu.memory_space<hbm>> -> memref<320xi32, #tpu.memory_space<hbm>>
      %dma_start3A_402 = tpu.memref_slice %arg3[%mul3A_2] : memref<10240xi32, #tpu.memory_space<hbm>> -> memref<320xi32, #tpu.memory_space<hbm>>
      tpu.enqueue_dma source(%dma_start3A_402 : memref<320xi32, #tpu.memory_space<hbm>>) target(%arg5 : memref<320xi32, #tpu.memory_space<vmem>>) target_semaphore(%run_scoped3A : memref<!tpu.dma_semaphore, #tpu.memory_space<semaphore_mem>>)
      %dma_wait3A_403 = tpu.memref_slice %arg3[%mul3A_2] : memref<10240xi32, #tpu.memory_space<hbm>> -> memref<320xi32, #tpu.memory_space<hbm>>
      %dma_wait3A_404 = tpu.memref_slice %arg3[%mul3A_2] : memref<10240xi32, #tpu.memory_space<hbm>> -> memref<320xi32, #tpu.memory_space<hbm>>
      tpu.wait_dma2 semaphore(%run_scoped3A : memref<!tpu.dma_semaphore, #tpu.memory_space<semaphore_mem>>) src(%dma_wait3A_404 : memref<320xi32, #tpu.memory_space<hbm>>) dst(%arg5 : memref<320xi32, #tpu.memory_space<vmem>>)
      tpu.yield
    }) : () -> ()
    %dma_start3A = arith.constant 0 : i32
    %dma_start3A_3 = tpu.memref_slice %arg5[%dma_start3A] : memref<320xi32, #tpu.memory_space<vmem>> -> memref<16xi32, #tpu.memory_space<vmem>>
    %dma_start3A_4 = arith.constant 0 : i32
    %dma_start3A_5 = arith.constant 0 : i32
    %dma_start3A_6 = tpu.memref_slice %arg2[%dma_start3A_4, %dma_start3A_5] : memref<4096x1024xf32, #tpu.memory_space<hbm>> -> memref<4096x1024xf32, #tpu.memory_space<hbm>>
    tpu.enqueue_indirect_dma source(%dma_start3A_6 : memref<4096x1024xf32, #tpu.memory_space<hbm>>) target(%arg6 : memref<16x1024xf32, #tpu.memory_space<vmem>>) offsets(%dma_start3A_3 : memref<16xi32, #tpu.memory_space<vmem>>) semaphore(%arg10 : memref<!tpu.dma_semaphore, #tpu.memory_space<semaphore_mem>>)
    %dma_start3A_7 = arith.constant 16 : i32
    %dma_start3A_8 = tpu.memref_slice %arg5[%dma_start3A_7] : memref<320xi32, #tpu.memory_space<vmem>> -> memref<16xi32, #tpu.memory_space<vmem>>
    %dma_start3A_9 = arith.constant 0 : i32
    %dma_start3A_10 = arith.constant 0 : i32
    %dma_start3A_11 = tpu.memref_slice %arg2[%dma_start3A_9, %dma_start3A_10] : memref<4096x1024xf32, #tpu.memory_space<hbm>> -> memref<4096x1024xf32, #tpu.memory_space<hbm>>
    tpu.enqueue_indirect_dma source(%dma_start3A_11 : memref<4096x1024xf32, #tpu.memory_space<hbm>>) target(%arg7 : memref<16x1024xf32, #tpu.memory_space<vmem>>) offsets(%dma_start3A_8 : memref<16xi32, #tpu.memory_space<vmem>>) semaphore(%arg10 : memref<!tpu.dma_semaphore, #tpu.memory_space<semaphore_mem>>)
    %dma_start3A_12 = arith.constant 32 : i32
    %dma_start3A_13 = tpu.memref_slice %arg5[%dma_start3A_12] : memref<320xi32, #tpu.memory_space<vmem>> -> memref<16xi32, #tpu.memory_space<vmem>>
    %dma_start3A_14 = arith.constant 0 : i32
    %dma_start3A_15 = arith.constant 0 : i32
    %dma_start3A_16 = tpu.memref_slice %arg2[%dma_start3A_14, %dma_start3A_15] : memref<4096x1024xf32, #tpu.memory_space<hbm>> -> memref<4096x1024xf32, #tpu.memory_space<hbm>>
    tpu.enqueue_indirect_dma source(%dma_start3A_16 : memref<4096x1024xf32, #tpu.memory_space<hbm>>) target(%arg8 : memref<16x1024xf32, #tpu.memory_space<vmem>>) offsets(%dma_start3A_13 : memref<16xi32, #tpu.memory_space<vmem>>) semaphore(%arg10 : memref<!tpu.dma_semaphore, #tpu.memory_space<semaphore_mem>>)
    %dma_wait3A = arith.constant 0 : i32
    %dma_wait3A_17 = tpu.memref_slice %arg5[%dma_wait3A] : memref<320xi32, #tpu.memory_space<vmem>> -> memref<16xi32, #tpu.memory_space<vmem>>
    %dma_wait3A_18 = arith.constant 0 : i32
    %dma_wait3A_19 = arith.constant 0 : i32
    %dma_wait3A_20 = tpu.memref_slice %arg2[%dma_wait3A_18, %dma_wait3A_19] : memref<4096x1024xf32, #tpu.memory_space<hbm>> -> memref<4096x1024xf32, #tpu.memory_space<hbm>>
    tpu.wait_indirect_dma semaphore(%arg10 : memref<!tpu.dma_semaphore, #tpu.memory_space<semaphore_mem>>) src(%dma_wait3A_20 : memref<4096x1024xf32, #tpu.memory_space<hbm>>) dst(%arg6 : memref<16x1024xf32, #tpu.memory_space<vmem>>)
    %dma_start3A_21 = arith.constant 48 : i32
    %dma_start3A_22 = tpu.memref_slice %arg5[%dma_start3A_21] : memref<320xi32, #tpu.memory_space<vmem>> -> memref<16xi32, #tpu.memory_space<vmem>>
    %dma_start3A_23 = arith.constant 0 : i32
    %dma_start3A_24 = arith.constant 0 : i32
    %dma_start3A_25 = tpu.memref_slice %arg2[%dma_start3A_23, %dma_start3A_24] : memref<4096x1024xf32, #tpu.memory_space<hbm>> -> memref<4096x1024xf32, #tpu.memory_space<hbm>>
    tpu.enqueue_indirect_dma source(%dma_start3A_25 : memref<4096x1024xf32, #tpu.memory_space<hbm>>) target(%arg9 : memref<16x1024xf32, #tpu.memory_space<vmem>>) offsets(%dma_start3A_22 : memref<16xi32, #tpu.memory_space<vmem>>) semaphore(%arg10 : memref<!tpu.dma_semaphore, #tpu.memory_space<semaphore_mem>>)
    %add3A_26 = arith.constant 0 : i32
    %add3A_27 = arith.addi %mul3A_2, %add3A_26 : i32
    %dma_start3A_28 = arith.constant 0 : i32
    %dma_start3A_29 = tpu.memref_slice %arg4[%add3A_27, %dma_start3A_28] : memref<10240x1024xf32, #tpu.memory_space<hbm>> -> memref<16x1024xf32, #tpu.memory_space<hbm>>
    %dma_start3A_30 = arith.constant 0 : i32
    %dma_start3A_31 = tpu.memref_slice %arg4[%add3A_27, %dma_start3A_30] : memref<10240x1024xf32, #tpu.memory_space<hbm>> -> memref<16x1024xf32, #tpu.memory_space<hbm>>
    tpu.enqueue_dma source(%arg6 : memref<16x1024xf32, #tpu.memory_space<vmem>>) target(%dma_start3A_31 : memref<16x1024xf32, #tpu.memory_space<hbm>>) target_semaphore(%arg11 : memref<!tpu.dma_semaphore, #tpu.memory_space<semaphore_mem>>)
    %dma_wait3A_32 = arith.constant 16 : i32
    %dma_wait3A_33 = tpu.memref_slice %arg5[%dma_wait3A_32] : memref<320xi32, #tpu.memory_space<vmem>> -> memref<16xi32, #tpu.memory_space<vmem>>
    %dma_wait3A_34 = arith.constant 0 : i32
    %dma_wait3A_35 = arith.constant 0 : i32
    %dma_wait3A_36 = tpu.memref_slice %arg2[%dma_wait3A_34, %dma_wait3A_35] : memref<4096x1024xf32, #tpu.memory_space<hbm>> -> memref<4096x1024xf32, #tpu.memory_space<hbm>>
    tpu.wait_indirect_dma semaphore(%arg10 : memref<!tpu.dma_semaphore, #tpu.memory_space<semaphore_mem>>) src(%dma_wait3A_36 : memref<4096x1024xf32, #tpu.memory_space<hbm>>) dst(%arg7 : memref<16x1024xf32, #tpu.memory_space<vmem>>)
    %dma_wait3A_37 = arith.constant 0 : i32
    %dma_wait3A_38 = tpu.memref_slice %arg4[%add3A_27, %dma_wait3A_37] : memref<10240x1024xf32, #tpu.memory_space<hbm>> -> memref<16x1024xf32, #tpu.memory_space<hbm>>
    %dma_wait3A_39 = arith.constant 0 : i32
    %dma_wait3A_40 = tpu.memref_slice %arg4[%add3A_27, %dma_wait3A_39] : memref<10240x1024xf32, #tpu.memory_space<hbm>> -> memref<16x1024xf32, #tpu.memory_space<hbm>>
    tpu.wait_dma2 semaphore(%arg11 : memref<!tpu.dma_semaphore, #tpu.memory_space<semaphore_mem>>) src(%arg6 : memref<16x1024xf32, #tpu.memory_space<vmem>>) dst(%dma_wait3A_40 : memref<16x1024xf32, #tpu.memory_space<hbm>>)
    %dma_start3A_41 = arith.constant 64 : i32
    %dma_start3A_42 = tpu.memref_slice %arg5[%dma_start3A_41] : memref<320xi32, #tpu.memory_space<vmem>> -> memref<16xi32, #tpu.memory_space<vmem>>
    %dma_start3A_43 = arith.constant 0 : i32
    %dma_start3A_44 = arith.constant 0 : i32
    %dma_start3A_45 = tpu.memref_slice %arg2[%dma_start3A_43, %dma_start3A_44] : memref<4096x1024xf32, #tpu.memory_space<hbm>> -> memref<4096x1024xf32, #tpu.memory_space<hbm>>
    tpu.enqueue_indirect_dma source(%dma_start3A_45 : memref<4096x1024xf32, #tpu.memory_space<hbm>>) target(%arg6 : memref<16x1024xf32, #tpu.memory_space<vmem>>) offsets(%dma_start3A_42 : memref<16xi32, #tpu.memory_space<vmem>>) semaphore(%arg10 : memref<!tpu.dma_semaphore, #tpu.memory_space<semaphore_mem>>)
    %add3A_46 = arith.constant 16 : i32
    %add3A_47 = arith.addi %mul3A_2, %add3A_46 : i32
    %dma_start3A_48 = arith.constant 0 : i32
    %dma_start3A_49 = tpu.memref_slice %arg4[%add3A_47, %dma_start3A_48] : memref<10240x1024xf32, #tpu.memory_space<hbm>> -> memref<16x1024xf32, #tpu.memory_space<hbm>>
    %dma_start3A_50 = arith.constant 0 : i32
    %dma_start3A_51 = tpu.memref_slice %arg4[%add3A_47, %dma_start3A_50] : memref<10240x1024xf32, #tpu.memory_space<hbm>> -> memref<16x1024xf32, #tpu.memory_space<hbm>>
    tpu.enqueue_dma source(%arg7 : memref<16x1024xf32, #tpu.memory_space<vmem>>) target(%dma_start3A_51 : memref<16x1024xf32, #tpu.memory_space<hbm>>) target_semaphore(%arg11 : memref<!tpu.dma_semaphore, #tpu.memory_space<semaphore_mem>>)
    %dma_wait3A_52 = arith.constant 32 : i32
    %dma_wait3A_53 = tpu.memref_slice %arg5[%dma_wait3A_52] : memref<320xi32, #tpu.memory_space<vmem>> -> memref<16xi32, #tpu.memory_space<vmem>>
    %dma_wait3A_54 = arith.constant 0 : i32
    %dma_wait3A_55 = arith.constant 0 : i32
    %dma_wait3A_56 = tpu.memref_slice %arg2[%dma_wait3A_54, %dma_wait3A_55] : memref<4096x1024xf32, #tpu.memory_space<hbm>> -> memref<4096x1024xf32, #tpu.memory_space<hbm>>
    tpu.wait_indirect_dma semaphore(%arg10 : memref<!tpu.dma_semaphore, #tpu.memory_space<semaphore_mem>>) src(%dma_wait3A_56 : memref<4096x1024xf32, #tpu.memory_space<hbm>>) dst(%arg8 : memref<16x1024xf32, #tpu.memory_space<vmem>>)
    %dma_wait3A_57 = arith.constant 0 : i32
    %dma_wait3A_58 = tpu.memref_slice %arg4[%add3A_47, %dma_wait3A_57] : memref<10240x1024xf32, #tpu.memory_space<hbm>> -> memref<16x1024xf32, #tpu.memory_space<hbm>>
    %dma_wait3A_59 = arith.constant 0 : i32
    %dma_wait3A_60 = tpu.memref_slice %arg4[%add3A_47, %dma_wait3A_59] : memref<10240x1024xf32, #tpu.memory_space<hbm>> -> memref<16x1024xf32, #tpu.memory_space<hbm>>
    tpu.wait_dma2 semaphore(%arg11 : memref<!tpu.dma_semaphore, #tpu.memory_space<semaphore_mem>>) src(%arg7 : memref<16x1024xf32, #tpu.memory_space<vmem>>) dst(%dma_wait3A_60 : memref<16x1024xf32, #tpu.memory_space<hbm>>)
    %dma_start3A_61 = arith.constant 80 : i32
    %dma_start3A_62 = tpu.memref_slice %arg5[%dma_start3A_61] : memref<320xi32, #tpu.memory_space<vmem>> -> memref<16xi32, #tpu.memory_space<vmem>>
    %dma_start3A_63 = arith.constant 0 : i32
    %dma_start3A_64 = arith.constant 0 : i32
    %dma_start3A_65 = tpu.memref_slice %arg2[%dma_start3A_63, %dma_start3A_64] : memref<4096x1024xf32, #tpu.memory_space<hbm>> -> memref<4096x1024xf32, #tpu.memory_space<hbm>>
    tpu.enqueue_indirect_dma source(%dma_start3A_65 : memref<4096x1024xf32, #tpu.memory_space<hbm>>) target(%arg7 : memref<16x1024xf32, #tpu.memory_space<vmem>>) offsets(%dma_start3A_62 : memref<16xi32, #tpu.memory_space<vmem>>) semaphore(%arg10 : memref<!tpu.dma_semaphore, #tpu.memory_space<semaphore_mem>>)
    %add3A_66 = arith.constant 32 : i32
    %add3A_67 = arith.addi %mul3A_2, %add3A_66 : i32
    %dma_start3A_68 = arith.constant 0 : i32
    %dma_start3A_69 = tpu.memref_slice %arg4[%add3A_67, %dma_start3A_68] : memref<10240x1024xf32, #tpu.memory_space<hbm>> -> memref<16x1024xf32, #tpu.memory_space<hbm>>
    %dma_start3A_70 = arith.constant 0 : i32
    %dma_start3A_71 = tpu.memref_slice %arg4[%add3A_67, %dma_start3A_70] : memref<10240x1024xf32, #tpu.memory_space<hbm>> -> memref<16x1024xf32, #tpu.memory_space<hbm>>
    tpu.enqueue_dma source(%arg8 : memref<16x1024xf32, #tpu.memory_space<vmem>>) target(%dma_start3A_71 : memref<16x1024xf32, #tpu.memory_space<hbm>>) target_semaphore(%arg11 : memref<!tpu.dma_semaphore, #tpu.memory_space<semaphore_mem>>)
    %dma_wait3A_72 = arith.constant 48 : i32
    %dma_wait3A_73 = tpu.memref_slice %arg5[%dma_wait3A_72] : memref<320xi32, #tpu.memory_space<vmem>> -> memref<16xi32, #tpu.memory_space<vmem>>
    %dma_wait3A_74 = arith.constant 0 : i32
    %dma_wait3A_75 = arith.constant 0 : i32
    %dma_wait3A_76 = tpu.memref_slice %arg2[%dma_wait3A_74, %dma_wait3A_75] : memref<4096x1024xf32, #tpu.memory_space<hbm>> -> memref<4096x1024xf32, #tpu.memory_space<hbm>>
    tpu.wait_indirect_dma semaphore(%arg10 : memref<!tpu.dma_semaphore, #tpu.memory_space<semaphore_mem>>) src(%dma_wait3A_76 : memref<4096x1024xf32, #tpu.memory_space<hbm>>) dst(%arg9 : memref<16x1024xf32, #tpu.memory_space<vmem>>)
    %dma_wait3A_77 = arith.constant 0 : i32
    %dma_wait3A_78 = tpu.memref_slice %arg4[%add3A_67, %dma_wait3A_77] : memref<10240x1024xf32, #tpu.memory_space<hbm>> -> memref<16x1024xf32, #tpu.memory_space<hbm>>
    %dma_wait3A_79 = arith.constant 0 : i32
    %dma_wait3A_80 = tpu.memref_slice %arg4[%add3A_67, %dma_wait3A_79] : memref<10240x1024xf32, #tpu.memory_space<hbm>> -> memref<16x1024xf32, #tpu.memory_space<hbm>>
    tpu.wait_dma2 semaphore(%arg11 : memref<!tpu.dma_semaphore, #tpu.memory_space<semaphore_mem>>) src(%arg8 : memref<16x1024xf32, #tpu.memory_space<vmem>>) dst(%dma_wait3A_80 : memref<16x1024xf32, #tpu.memory_space<hbm>>)
    %dma_start3A_81 = arith.constant 96 : i32
    %dma_start3A_82 = tpu.memref_slice %arg5[%dma_start3A_81] : memref<320xi32, #tpu.memory_space<vmem>> -> memref<16xi32, #tpu.memory_space<vmem>>
    %dma_start3A_83 = arith.constant 0 : i32
    %dma_start3A_84 = arith.constant 0 : i32
    %dma_start3A_85 = tpu.memref_slice %arg2[%dma_start3A_83, %dma_start3A_84] : memref<4096x1024xf32, #tpu.memory_space<hbm>> -> memref<4096x1024xf32, #tpu.memory_space<hbm>>
    tpu.enqueue_indirect_dma source(%dma_start3A_85 : memref<4096x1024xf32, #tpu.memory_space<hbm>>) target(%arg8 : memref<16x1024xf32, #tpu.memory_space<vmem>>) offsets(%dma_start3A_82 : memref<16xi32, #tpu.memory_space<vmem>>) semaphore(%arg10 : memref<!tpu.dma_semaphore, #tpu.memory_space<semaphore_mem>>)
    %add3A_86 = arith.constant 48 : i32
    %add3A_87 = arith.addi %mul3A_2, %add3A_86 : i32
    %dma_start3A_88 = arith.constant 0 : i32
    %dma_start3A_89 = tpu.memref_slice %arg4[%add3A_87, %dma_start3A_88] : memref<10240x1024xf32, #tpu.memory_space<hbm>> -> memref<16x1024xf32, #tpu.memory_space<hbm>>
    %dma_start3A_90 = arith.constant 0 : i32
    %dma_start3A_91 = tpu.memref_slice %arg4[%add3A_87, %dma_start3A_90] : memref<10240x1024xf32, #tpu.memory_space<hbm>> -> memref<16x1024xf32, #tpu.memory_space<hbm>>
    tpu.enqueue_dma source(%arg9 : memref<16x1024xf32, #tpu.memory_space<vmem>>) target(%dma_start3A_91 : memref<16x1024xf32, #tpu.memory_space<hbm>>) target_semaphore(%arg11 : memref<!tpu.dma_semaphore, #tpu.memory_space<semaphore_mem>>)
    %dma_wait3A_92 = arith.constant 64 : i32
    %dma_wait3A_93 = tpu.memref_slice %arg5[%dma_wait3A_92] : memref<320xi32, #tpu.memory_space<vmem>> -> memref<16xi32, #tpu.memory_space<vmem>>
    %dma_wait3A_94 = arith.constant 0 : i32
    %dma_wait3A_95 = arith.constant 0 : i32
    %dma_wait3A_96 = tpu.memref_slice %arg2[%dma_wait3A_94, %dma_wait3A_95] : memref<4096x1024xf32, #tpu.memory_space<hbm>> -> memref<4096x1024xf32, #tpu.memory_space<hbm>>
    tpu.wait_indirect_dma semaphore(%arg10 : memref<!tpu.dma_semaphore, #tpu.memory_space<semaphore_mem>>) src(%dma_wait3A_96 : memref<4096x1024xf32, #tpu.memory_space<hbm>>) dst(%arg6 : memref<16x1024xf32, #tpu.memory_space<vmem>>)
    %dma_wait3A_97 = arith.constant 0 : i32
    %dma_wait3A_98 = tpu.memref_slice %arg4[%add3A_87, %dma_wait3A_97] : memref<10240x1024xf32, #tpu.memory_space<hbm>> -> memref<16x1024xf32, #tpu.memory_space<hbm>>
    %dma_wait3A_99 = arith.constant 0 : i32
    %dma_wait3A_100 = tpu.memref_slice %arg4[%add3A_87, %dma_wait3A_99] : memref<10240x1024xf32, #tpu.memory_space<hbm>> -> memref<16x1024xf32, #tpu.memory_space<hbm>>
    tpu.wait_dma2 semaphore(%arg11 : memref<!tpu.dma_semaphore, #tpu.memory_space<semaphore_mem>>) src(%arg9 : memref<16x1024xf32, #tpu.memory_space<vmem>>) dst(%dma_wait3A_100 : memref<16x1024xf32, #tpu.memory_space<hbm>>)
    %dma_start3A_101 = arith.constant 112 : i32
    %dma_start3A_102 = tpu.memref_slice %arg5[%dma_start3A_101] : memref<320xi32, #tpu.memory_space<vmem>> -> memref<16xi32, #tpu.memory_space<vmem>>
    %dma_start3A_103 = arith.constant 0 : i32
    %dma_start3A_104 = arith.constant 0 : i32
    %dma_start3A_105 = tpu.memref_slice %arg2[%dma_start3A_103, %dma_start3A_104] : memref<4096x1024xf32, #tpu.memory_space<hbm>> -> memref<4096x1024xf32, #tpu.memory_space<hbm>>
    tpu.enqueue_indirect_dma source(%dma_start3A_105 : memref<4096x1024xf32, #tpu.memory_space<hbm>>) target(%arg9 : memref<16x1024xf32, #tpu.memory_space<vmem>>) offsets(%dma_start3A_102 : memref<16xi32, #tpu.memory_space<vmem>>) semaphore(%arg10 : memref<!tpu.dma_semaphore, #tpu.memory_space<semaphore_mem>>)
    %add3A_106 = arith.constant 64 : i32
    %add3A_107 = arith.addi %mul3A_2, %add3A_106 : i32
    %dma_start3A_108 = arith.constant 0 : i32
    %dma_start3A_109 = tpu.memref_slice %arg4[%add3A_107, %dma_start3A_108] : memref<10240x1024xf32, #tpu.memory_space<hbm>> -> memref<16x1024xf32, #tpu.memory_space<hbm>>
    %dma_start3A_110 = arith.constant 0 : i32
    %dma_start3A_111 = tpu.memref_slice %arg4[%add3A_107, %dma_start3A_110] : memref<10240x1024xf32, #tpu.memory_space<hbm>> -> memref<16x1024xf32, #tpu.memory_space<hbm>>
    tpu.enqueue_dma source(%arg6 : memref<16x1024xf32, #tpu.memory_space<vmem>>) target(%dma_start3A_111 : memref<16x1024xf32, #tpu.memory_space<hbm>>) target_semaphore(%arg11 : memref<!tpu.dma_semaphore, #tpu.memory_space<semaphore_mem>>)
    %dma_wait3A_112 = arith.constant 80 : i32
    %dma_wait3A_113 = tpu.memref_slice %arg5[%dma_wait3A_112] : memref<320xi32, #tpu.memory_space<vmem>> -> memref<16xi32, #tpu.memory_space<vmem>>
    %dma_wait3A_114 = arith.constant 0 : i32
    %dma_wait3A_115 = arith.constant 0 : i32
    %dma_wait3A_116 = tpu.memref_slice %arg2[%dma_wait3A_114, %dma_wait3A_115] : memref<4096x1024xf32, #tpu.memory_space<hbm>> -> memref<4096x1024xf32, #tpu.memory_space<hbm>>
    tpu.wait_indirect_dma semaphore(%arg10 : memref<!tpu.dma_semaphore, #tpu.memory_space<semaphore_mem>>) src(%dma_wait3A_116 : memref<4096x1024xf32, #tpu.memory_space<hbm>>) dst(%arg7 : memref<16x1024xf32, #tpu.memory_space<vmem>>)
    %dma_wait3A_117 = arith.constant 0 : i32
    %dma_wait3A_118 = tpu.memref_slice %arg4[%add3A_107, %dma_wait3A_117] : memref<10240x1024xf32, #tpu.memory_space<hbm>> -> memref<16x1024xf32, #tpu.memory_space<hbm>>
    %dma_wait3A_119 = arith.constant 0 : i32
    %dma_wait3A_120 = tpu.memref_slice %arg4[%add3A_107, %dma_wait3A_119] : memref<10240x1024xf32, #tpu.memory_space<hbm>> -> memref<16x1024xf32, #tpu.memory_space<hbm>>
    tpu.wait_dma2 semaphore(%arg11 : memref<!tpu.dma_semaphore, #tpu.memory_space<semaphore_mem>>) src(%arg6 : memref<16x1024xf32, #tpu.memory_space<vmem>>) dst(%dma_wait3A_120 : memref<16x1024xf32, #tpu.memory_space<hbm>>)
    %dma_start3A_121 = arith.constant 128 : i32
    %dma_start3A_122 = tpu.memref_slice %arg5[%dma_start3A_121] : memref<320xi32, #tpu.memory_space<vmem>> -> memref<16xi32, #tpu.memory_space<vmem>>
    %dma_start3A_123 = arith.constant 0 : i32
    %dma_start3A_124 = arith.constant 0 : i32
    %dma_start3A_125 = tpu.memref_slice %arg2[%dma_start3A_123, %dma_start3A_124] : memref<4096x1024xf32, #tpu.memory_space<hbm>> -> memref<4096x1024xf32, #tpu.memory_space<hbm>>
    tpu.enqueue_indirect_dma source(%dma_start3A_125 : memref<4096x1024xf32, #tpu.memory_space<hbm>>) target(%arg6 : memref<16x1024xf32, #tpu.memory_space<vmem>>) offsets(%dma_start3A_122 : memref<16xi32, #tpu.memory_space<vmem>>) semaphore(%arg10 : memref<!tpu.dma_semaphore, #tpu.memory_space<semaphore_mem>>)
    %add3A_126 = arith.constant 80 : i32
    %add3A_127 = arith.addi %mul3A_2, %add3A_126 : i32
    %dma_start3A_128 = arith.constant 0 : i32
    %dma_start3A_129 = tpu.memref_slice %arg4[%add3A_127, %dma_start3A_128] : memref<10240x1024xf32, #tpu.memory_space<hbm>> -> memref<16x1024xf32, #tpu.memory_space<hbm>>
    %dma_start3A_130 = arith.constant 0 : i32
    %dma_start3A_131 = tpu.memref_slice %arg4[%add3A_127, %dma_start3A_130] : memref<10240x1024xf32, #tpu.memory_space<hbm>> -> memref<16x1024xf32, #tpu.memory_space<hbm>>
    tpu.enqueue_dma source(%arg7 : memref<16x1024xf32, #tpu.memory_space<vmem>>) target(%dma_start3A_131 : memref<16x1024xf32, #tpu.memory_space<hbm>>) target_semaphore(%arg11 : memref<!tpu.dma_semaphore, #tpu.memory_space<semaphore_mem>>)
    %dma_wait3A_132 = arith.constant 96 : i32
    %dma_wait3A_133 = tpu.memref_slice %arg5[%dma_wait3A_132] : memref<320xi32, #tpu.memory_space<vmem>> -> memref<16xi32, #tpu.memory_space<vmem>>
    %dma_wait3A_134 = arith.constant 0 : i32
    %dma_wait3A_135 = arith.constant 0 : i32
    %dma_wait3A_136 = tpu.memref_slice %arg2[%dma_wait3A_134, %dma_wait3A_135] : memref<4096x1024xf32, #tpu.memory_space<hbm>> -> memref<4096x1024xf32, #tpu.memory_space<hbm>>
    tpu.wait_indirect_dma semaphore(%arg10 : memref<!tpu.dma_semaphore, #tpu.memory_space<semaphore_mem>>) src(%dma_wait3A_136 : memref<4096x1024xf32, #tpu.memory_space<hbm>>) dst(%arg8 : memref<16x1024xf32, #tpu.memory_space<vmem>>)
    %dma_wait3A_137 = arith.constant 0 : i32
    %dma_wait3A_138 = tpu.memref_slice %arg4[%add3A_127, %dma_wait3A_137] : memref<10240x1024xf32, #tpu.memory_space<hbm>> -> memref<16x1024xf32, #tpu.memory_space<hbm>>
    %dma_wait3A_139 = arith.constant 0 : i32
    %dma_wait3A_140 = tpu.memref_slice %arg4[%add3A_127, %dma_wait3A_139] : memref<10240x1024xf32, #tpu.memory_space<hbm>> -> memref<16x1024xf32, #tpu.memory_space<hbm>>
    tpu.wait_dma2 semaphore(%arg11 : memref<!tpu.dma_semaphore, #tpu.memory_space<semaphore_mem>>) src(%arg7 : memref<16x1024xf32, #tpu.memory_space<vmem>>) dst(%dma_wait3A_140 : memref<16x1024xf32, #tpu.memory_space<hbm>>)
    %dma_start3A_141 = arith.constant 144 : i32
    %dma_start3A_142 = tpu.memref_slice %arg5[%dma_start3A_141] : memref<320xi32, #tpu.memory_space<vmem>> -> memref<16xi32, #tpu.memory_space<vmem>>
    %dma_start3A_143 = arith.constant 0 : i32
    %dma_start3A_144 = arith.constant 0 : i32
    %dma_start3A_145 = tpu.memref_slice %arg2[%dma_start3A_143, %dma_start3A_144] : memref<4096x1024xf32, #tpu.memory_space<hbm>> -> memref<4096x1024xf32, #tpu.memory_space<hbm>>
    tpu.enqueue_indirect_dma source(%dma_start3A_145 : memref<4096x1024xf32, #tpu.memory_space<hbm>>) target(%arg7 : memref<16x1024xf32, #tpu.memory_space<vmem>>) offsets(%dma_start3A_142 : memref<16xi32, #tpu.memory_space<vmem>>) semaphore(%arg10 : memref<!tpu.dma_semaphore, #tpu.memory_space<semaphore_mem>>)
    %add3A_146 = arith.constant 96 : i32
    %add3A_147 = arith.addi %mul3A_2, %add3A_146 : i32
    %dma_start3A_148 = arith.constant 0 : i32
    %dma_start3A_149 = tpu.memref_slice %arg4[%add3A_147, %dma_start3A_148] : memref<10240x1024xf32, #tpu.memory_space<hbm>> -> memref<16x1024xf32, #tpu.memory_space<hbm>>
    %dma_start3A_150 = arith.constant 0 : i32
    %dma_start3A_151 = tpu.memref_slice %arg4[%add3A_147, %dma_start3A_150] : memref<10240x1024xf32, #tpu.memory_space<hbm>> -> memref<16x1024xf32, #tpu.memory_space<hbm>>
    tpu.enqueue_dma source(%arg8 : memref<16x1024xf32, #tpu.memory_space<vmem>>) target(%dma_start3A_151 : memref<16x1024xf32, #tpu.memory_space<hbm>>) target_semaphore(%arg11 : memref<!tpu.dma_semaphore, #tpu.memory_space<semaphore_mem>>)
    %dma_wait3A_152 = arith.constant 112 : i32
    %dma_wait3A_153 = tpu.memref_slice %arg5[%dma_wait3A_152] : memref<320xi32, #tpu.memory_space<vmem>> -> memref<16xi32, #tpu.memory_space<vmem>>
    %dma_wait3A_154 = arith.constant 0 : i32
    %dma_wait3A_155 = arith.constant 0 : i32
    %dma_wait3A_156 = tpu.memref_slice %arg2[%dma_wait3A_154, %dma_wait3A_155] : memref<4096x1024xf32, #tpu.memory_space<hbm>> -> memref<4096x1024xf32, #tpu.memory_space<hbm>>
    tpu.wait_indirect_dma semaphore(%arg10 : memref<!tpu.dma_semaphore, #tpu.memory_space<semaphore_mem>>) src(%dma_wait3A_156 : memref<4096x1024xf32, #tpu.memory_space<hbm>>) dst(%arg9 : memref<16x1024xf32, #tpu.memory_space<vmem>>)
    %dma_wait3A_157 = arith.constant 0 : i32
    %dma_wait3A_158 = tpu.memref_slice %arg4[%add3A_147, %dma_wait3A_157] : memref<10240x1024xf32, #tpu.memory_space<hbm>> -> memref<16x1024xf32, #tpu.memory_space<hbm>>
    %dma_wait3A_159 = arith.constant 0 : i32
    %dma_wait3A_160 = tpu.memref_slice %arg4[%add3A_147, %dma_wait3A_159] : memref<10240x1024xf32, #tpu.memory_space<hbm>> -> memref<16x1024xf32, #tpu.memory_space<hbm>>
    tpu.wait_dma2 semaphore(%arg11 : memref<!tpu.dma_semaphore, #tpu.memory_space<semaphore_mem>>) src(%arg8 : memref<16x1024xf32, #tpu.memory_space<vmem>>) dst(%dma_wait3A_160 : memref<16x1024xf32, #tpu.memory_space<hbm>>)
    %dma_start3A_161 = arith.constant 160 : i32
    %dma_start3A_162 = tpu.memref_slice %arg5[%dma_start3A_161] : memref<320xi32, #tpu.memory_space<vmem>> -> memref<16xi32, #tpu.memory_space<vmem>>
    %dma_start3A_163 = arith.constant 0 : i32
    %dma_start3A_164 = arith.constant 0 : i32
    %dma_start3A_165 = tpu.memref_slice %arg2[%dma_start3A_163, %dma_start3A_164] : memref<4096x1024xf32, #tpu.memory_space<hbm>> -> memref<4096x1024xf32, #tpu.memory_space<hbm>>
    tpu.enqueue_indirect_dma source(%dma_start3A_165 : memref<4096x1024xf32, #tpu.memory_space<hbm>>) target(%arg8 : memref<16x1024xf32, #tpu.memory_space<vmem>>) offsets(%dma_start3A_162 : memref<16xi32, #tpu.memory_space<vmem>>) semaphore(%arg10 : memref<!tpu.dma_semaphore, #tpu.memory_space<semaphore_mem>>)
    %add3A_166 = arith.constant 112 : i32
    %add3A_167 = arith.addi %mul3A_2, %add3A_166 : i32
    %dma_start3A_168 = arith.constant 0 : i32
    %dma_start3A_169 = tpu.memref_slice %arg4[%add3A_167, %dma_start3A_168] : memref<10240x1024xf32, #tpu.memory_space<hbm>> -> memref<16x1024xf32, #tpu.memory_space<hbm>>
    %dma_start3A_170 = arith.constant 0 : i32
    %dma_start3A_171 = tpu.memref_slice %arg4[%add3A_167, %dma_start3A_170] : memref<10240x1024xf32, #tpu.memory_space<hbm>> -> memref<16x1024xf32, #tpu.memory_space<hbm>>
    tpu.enqueue_dma source(%arg9 : memref<16x1024xf32, #tpu.memory_space<vmem>>) target(%dma_start3A_171 : memref<16x1024xf32, #tpu.memory_space<hbm>>) target_semaphore(%arg11 : memref<!tpu.dma_semaphore, #tpu.memory_space<semaphore_mem>>)
    %dma_wait3A_172 = arith.constant 128 : i32
    %dma_wait3A_173 = tpu.memref_slice %arg5[%dma_wait3A_172] : memref<320xi32, #tpu.memory_space<vmem>> -> memref<16xi32, #tpu.memory_space<vmem>>
    %dma_wait3A_174 = arith.constant 0 : i32
    %dma_wait3A_175 = arith.constant 0 : i32
    %dma_wait3A_176 = tpu.memref_slice %arg2[%dma_wait3A_174, %dma_wait3A_175] : memref<4096x1024xf32, #tpu.memory_space<hbm>> -> memref<4096x1024xf32, #tpu.memory_space<hbm>>
    tpu.wait_indirect_dma semaphore(%arg10 : memref<!tpu.dma_semaphore, #tpu.memory_space<semaphore_mem>>) src(%dma_wait3A_176 : memref<4096x1024xf32, #tpu.memory_space<hbm>>) dst(%arg6 : memref<16x1024xf32, #tpu.memory_space<vmem>>)
    %dma_wait3A_177 = arith.constant 0 : i32
    %dma_wait3A_178 = tpu.memref_slice %arg4[%add3A_167, %dma_wait3A_177] : memref<10240x1024xf32, #tpu.memory_space<hbm>> -> memref<16x1024xf32, #tpu.memory_space<hbm>>
    %dma_wait3A_179 = arith.constant 0 : i32
    %dma_wait3A_180 = tpu.memref_slice %arg4[%add3A_167, %dma_wait3A_179] : memref<10240x1024xf32, #tpu.memory_space<hbm>> -> memref<16x1024xf32, #tpu.memory_space<hbm>>
    tpu.wait_dma2 semaphore(%arg11 : memref<!tpu.dma_semaphore, #tpu.memory_space<semaphore_mem>>) src(%arg9 : memref<16x1024xf32, #tpu.memory_space<vmem>>) dst(%dma_wait3A_180 : memref<16x1024xf32, #tpu.memory_space<hbm>>)
    %dma_start3A_181 = arith.constant 176 : i32
    %dma_start3A_182 = tpu.memref_slice %arg5[%dma_start3A_181] : memref<320xi32, #tpu.memory_space<vmem>> -> memref<16xi32, #tpu.memory_space<vmem>>
    %dma_start3A_183 = arith.constant 0 : i32
    %dma_start3A_184 = arith.constant 0 : i32
    %dma_start3A_185 = tpu.memref_slice %arg2[%dma_start3A_183, %dma_start3A_184] : memref<4096x1024xf32, #tpu.memory_space<hbm>> -> memref<4096x1024xf32, #tpu.memory_space<hbm>>
    tpu.enqueue_indirect_dma source(%dma_start3A_185 : memref<4096x1024xf32, #tpu.memory_space<hbm>>) target(%arg9 : memref<16x1024xf32, #tpu.memory_space<vmem>>) offsets(%dma_start3A_182 : memref<16xi32, #tpu.memory_space<vmem>>) semaphore(%arg10 : memref<!tpu.dma_semaphore, #tpu.memory_space<semaphore_mem>>)
    %add3A_186 = arith.constant 128 : i32
    %add3A_187 = arith.addi %mul3A_2, %add3A_186 : i32
    %dma_start3A_188 = arith.constant 0 : i32
    %dma_start3A_189 = tpu.memref_slice %arg4[%add3A_187, %dma_start3A_188] : memref<10240x1024xf32, #tpu.memory_space<hbm>> -> memref<16x1024xf32, #tpu.memory_space<hbm>>
    %dma_start3A_190 = arith.constant 0 : i32
    %dma_start3A_191 = tpu.memref_slice %arg4[%add3A_187, %dma_start3A_190] : memref<10240x1024xf32, #tpu.memory_space<hbm>> -> memref<16x1024xf32, #tpu.memory_space<hbm>>
    tpu.enqueue_dma source(%arg6 : memref<16x1024xf32, #tpu.memory_space<vmem>>) target(%dma_start3A_191 : memref<16x1024xf32, #tpu.memory_space<hbm>>) target_semaphore(%arg11 : memref<!tpu.dma_semaphore, #tpu.memory_space<semaphore_mem>>)
    %dma_wait3A_192 = arith.constant 144 : i32
    %dma_wait3A_193 = tpu.memref_slice %arg5[%dma_wait3A_192] : memref<320xi32, #tpu.memory_space<vmem>> -> memref<16xi32, #tpu.memory_space<vmem>>
    %dma_wait3A_194 = arith.constant 0 : i32
    %dma_wait3A_195 = arith.constant 0 : i32
    %dma_wait3A_196 = tpu.memref_slice %arg2[%dma_wait3A_194, %dma_wait3A_195] : memref<4096x1024xf32, #tpu.memory_space<hbm>> -> memref<4096x1024xf32, #tpu.memory_space<hbm>>
    tpu.wait_indirect_dma semaphore(%arg10 : memref<!tpu.dma_semaphore, #tpu.memory_space<semaphore_mem>>) src(%dma_wait3A_196 : memref<4096x1024xf32, #tpu.memory_space<hbm>>) dst(%arg7 : memref<16x1024xf32, #tpu.memory_space<vmem>>)
    %dma_wait3A_197 = arith.constant 0 : i32
    %dma_wait3A_198 = tpu.memref_slice %arg4[%add3A_187, %dma_wait3A_197] : memref<10240x1024xf32, #tpu.memory_space<hbm>> -> memref<16x1024xf32, #tpu.memory_space<hbm>>
    %dma_wait3A_199 = arith.constant 0 : i32
    %dma_wait3A_200 = tpu.memref_slice %arg4[%add3A_187, %dma_wait3A_199] : memref<10240x1024xf32, #tpu.memory_space<hbm>> -> memref<16x1024xf32, #tpu.memory_space<hbm>>
    tpu.wait_dma2 semaphore(%arg11 : memref<!tpu.dma_semaphore, #tpu.memory_space<semaphore_mem>>) src(%arg6 : memref<16x1024xf32, #tpu.memory_space<vmem>>) dst(%dma_wait3A_200 : memref<16x1024xf32, #tpu.memory_space<hbm>>)
    %dma_start3A_201 = arith.constant 192 : i32
    %dma_start3A_202 = tpu.memref_slice %arg5[%dma_start3A_201] : memref<320xi32, #tpu.memory_space<vmem>> -> memref<16xi32, #tpu.memory_space<vmem>>
    %dma_start3A_203 = arith.constant 0 : i32
    %dma_start3A_204 = arith.constant 0 : i32
    %dma_start3A_205 = tpu.memref_slice %arg2[%dma_start3A_203, %dma_start3A_204] : memref<4096x1024xf32, #tpu.memory_space<hbm>> -> memref<4096x1024xf32, #tpu.memory_space<hbm>>
    tpu.enqueue_indirect_dma source(%dma_start3A_205 : memref<4096x1024xf32, #tpu.memory_space<hbm>>) target(%arg6 : memref<16x1024xf32, #tpu.memory_space<vmem>>) offsets(%dma_start3A_202 : memref<16xi32, #tpu.memory_space<vmem>>) semaphore(%arg10 : memref<!tpu.dma_semaphore, #tpu.memory_space<semaphore_mem>>)
    %add3A_206 = arith.constant 144 : i32
    %add3A_207 = arith.addi %mul3A_2, %add3A_206 : i32
    %dma_start3A_208 = arith.constant 0 : i32
    %dma_start3A_209 = tpu.memref_slice %arg4[%add3A_207, %dma_start3A_208] : memref<10240x1024xf32, #tpu.memory_space<hbm>> -> memref<16x1024xf32, #tpu.memory_space<hbm>>
    %dma_start3A_210 = arith.constant 0 : i32
    %dma_start3A_211 = tpu.memref_slice %arg4[%add3A_207, %dma_start3A_210] : memref<10240x1024xf32, #tpu.memory_space<hbm>> -> memref<16x1024xf32, #tpu.memory_space<hbm>>
    tpu.enqueue_dma source(%arg7 : memref<16x1024xf32, #tpu.memory_space<vmem>>) target(%dma_start3A_211 : memref<16x1024xf32, #tpu.memory_space<hbm>>) target_semaphore(%arg11 : memref<!tpu.dma_semaphore, #tpu.memory_space<semaphore_mem>>)
    %dma_wait3A_212 = arith.constant 160 : i32
    %dma_wait3A_213 = tpu.memref_slice %arg5[%dma_wait3A_212] : memref<320xi32, #tpu.memory_space<vmem>> -> memref<16xi32, #tpu.memory_space<vmem>>
    %dma_wait3A_214 = arith.constant 0 : i32
    %dma_wait3A_215 = arith.constant 0 : i32
    %dma_wait3A_216 = tpu.memref_slice %arg2[%dma_wait3A_214, %dma_wait3A_215] : memref<4096x1024xf32, #tpu.memory_space<hbm>> -> memref<4096x1024xf32, #tpu.memory_space<hbm>>
    tpu.wait_indirect_dma semaphore(%arg10 : memref<!tpu.dma_semaphore, #tpu.memory_space<semaphore_mem>>) src(%dma_wait3A_216 : memref<4096x1024xf32, #tpu.memory_space<hbm>>) dst(%arg8 : memref<16x1024xf32, #tpu.memory_space<vmem>>)
    %dma_wait3A_217 = arith.constant 0 : i32
    %dma_wait3A_218 = tpu.memref_slice %arg4[%add3A_207, %dma_wait3A_217] : memref<10240x1024xf32, #tpu.memory_space<hbm>> -> memref<16x1024xf32, #tpu.memory_space<hbm>>
    %dma_wait3A_219 = arith.constant 0 : i32
    %dma_wait3A_220 = tpu.memref_slice %arg4[%add3A_207, %dma_wait3A_219] : memref<10240x1024xf32, #tpu.memory_space<hbm>> -> memref<16x1024xf32, #tpu.memory_space<hbm>>
    tpu.wait_dma2 semaphore(%arg11 : memref<!tpu.dma_semaphore, #tpu.memory_space<semaphore_mem>>) src(%arg7 : memref<16x1024xf32, #tpu.memory_space<vmem>>) dst(%dma_wait3A_220 : memref<16x1024xf32, #tpu.memory_space<hbm>>)
    %dma_start3A_221 = arith.constant 208 : i32
    %dma_start3A_222 = tpu.memref_slice %arg5[%dma_start3A_221] : memref<320xi32, #tpu.memory_space<vmem>> -> memref<16xi32, #tpu.memory_space<vmem>>
    %dma_start3A_223 = arith.constant 0 : i32
    %dma_start3A_224 = arith.constant 0 : i32
    %dma_start3A_225 = tpu.memref_slice %arg2[%dma_start3A_223, %dma_start3A_224] : memref<4096x1024xf32, #tpu.memory_space<hbm>> -> memref<4096x1024xf32, #tpu.memory_space<hbm>>
    tpu.enqueue_indirect_dma source(%dma_start3A_225 : memref<4096x1024xf32, #tpu.memory_space<hbm>>) target(%arg7 : memref<16x1024xf32, #tpu.memory_space<vmem>>) offsets(%dma_start3A_222 : memref<16xi32, #tpu.memory_space<vmem>>) semaphore(%arg10 : memref<!tpu.dma_semaphore, #tpu.memory_space<semaphore_mem>>)
    %add3A_226 = arith.constant 160 : i32
    %add3A_227 = arith.addi %mul3A_2, %add3A_226 : i32
    %dma_start3A_228 = arith.constant 0 : i32
    %dma_start3A_229 = tpu.memref_slice %arg4[%add3A_227, %dma_start3A_228] : memref<10240x1024xf32, #tpu.memory_space<hbm>> -> memref<16x1024xf32, #tpu.memory_space<hbm>>
    %dma_start3A_230 = arith.constant 0 : i32
    %dma_start3A_231 = tpu.memref_slice %arg4[%add3A_227, %dma_start3A_230] : memref<10240x1024xf32, #tpu.memory_space<hbm>> -> memref<16x1024xf32, #tpu.memory_space<hbm>>
    tpu.enqueue_dma source(%arg8 : memref<16x1024xf32, #tpu.memory_space<vmem>>) target(%dma_start3A_231 : memref<16x1024xf32, #tpu.memory_space<hbm>>) target_semaphore(%arg11 : memref<!tpu.dma_semaphore, #tpu.memory_space<semaphore_mem>>)
    %dma_wait3A_232 = arith.constant 176 : i32
    %dma_wait3A_233 = tpu.memref_slice %arg5[%dma_wait3A_232] : memref<320xi32, #tpu.memory_space<vmem>> -> memref<16xi32, #tpu.memory_space<vmem>>
    %dma_wait3A_234 = arith.constant 0 : i32
    %dma_wait3A_235 = arith.constant 0 : i32
    %dma_wait3A_236 = tpu.memref_slice %arg2[%dma_wait3A_234, %dma_wait3A_235] : memref<4096x1024xf32, #tpu.memory_space<hbm>> -> memref<4096x1024xf32, #tpu.memory_space<hbm>>
    tpu.wait_indirect_dma semaphore(%arg10 : memref<!tpu.dma_semaphore, #tpu.memory_space<semaphore_mem>>) src(%dma_wait3A_236 : memref<4096x1024xf32, #tpu.memory_space<hbm>>) dst(%arg9 : memref<16x1024xf32, #tpu.memory_space<vmem>>)
    %dma_wait3A_237 = arith.constant 0 : i32
    %dma_wait3A_238 = tpu.memref_slice %arg4[%add3A_227, %dma_wait3A_237] : memref<10240x1024xf32, #tpu.memory_space<hbm>> -> memref<16x1024xf32, #tpu.memory_space<hbm>>
    %dma_wait3A_239 = arith.constant 0 : i32
    %dma_wait3A_240 = tpu.memref_slice %arg4[%add3A_227, %dma_wait3A_239] : memref<10240x1024xf32, #tpu.memory_space<hbm>> -> memref<16x1024xf32, #tpu.memory_space<hbm>>
    tpu.wait_dma2 semaphore(%arg11 : memref<!tpu.dma_semaphore, #tpu.memory_space<semaphore_mem>>) src(%arg8 : memref<16x1024xf32, #tpu.memory_space<vmem>>) dst(%dma_wait3A_240 : memref<16x1024xf32, #tpu.memory_space<hbm>>)
    %dma_start3A_241 = arith.constant 224 : i32
    %dma_start3A_242 = tpu.memref_slice %arg5[%dma_start3A_241] : memref<320xi32, #tpu.memory_space<vmem>> -> memref<16xi32, #tpu.memory_space<vmem>>
    %dma_start3A_243 = arith.constant 0 : i32
    %dma_start3A_244 = arith.constant 0 : i32
    %dma_start3A_245 = tpu.memref_slice %arg2[%dma_start3A_243, %dma_start3A_244] : memref<4096x1024xf32, #tpu.memory_space<hbm>> -> memref<4096x1024xf32, #tpu.memory_space<hbm>>
    tpu.enqueue_indirect_dma source(%dma_start3A_245 : memref<4096x1024xf32, #tpu.memory_space<hbm>>) target(%arg8 : memref<16x1024xf32, #tpu.memory_space<vmem>>) offsets(%dma_start3A_242 : memref<16xi32, #tpu.memory_space<vmem>>) semaphore(%arg10 : memref<!tpu.dma_semaphore, #tpu.memory_space<semaphore_mem>>)
    %add3A_246 = arith.constant 176 : i32
    %add3A_247 = arith.addi %mul3A_2, %add3A_246 : i32
    %dma_start3A_248 = arith.constant 0 : i32
    %dma_start3A_249 = tpu.memref_slice %arg4[%add3A_247, %dma_start3A_248] : memref<10240x1024xf32, #tpu.memory_space<hbm>> -> memref<16x1024xf32, #tpu.memory_space<hbm>>
    %dma_start3A_250 = arith.constant 0 : i32
    %dma_start3A_251 = tpu.memref_slice %arg4[%add3A_247, %dma_start3A_250] : memref<10240x1024xf32, #tpu.memory_space<hbm>> -> memref<16x1024xf32, #tpu.memory_space<hbm>>
    tpu.enqueue_dma source(%arg9 : memref<16x1024xf32, #tpu.memory_space<vmem>>) target(%dma_start3A_251 : memref<16x1024xf32, #tpu.memory_space<hbm>>) target_semaphore(%arg11 : memref<!tpu.dma_semaphore, #tpu.memory_space<semaphore_mem>>)
    %dma_wait3A_252 = arith.constant 192 : i32
    %dma_wait3A_253 = tpu.memref_slice %arg5[%dma_wait3A_252] : memref<320xi32, #tpu.memory_space<vmem>> -> memref<16xi32, #tpu.memory_space<vmem>>
    %dma_wait3A_254 = arith.constant 0 : i32
    %dma_wait3A_255 = arith.constant 0 : i32
    %dma_wait3A_256 = tpu.memref_slice %arg2[%dma_wait3A_254, %dma_wait3A_255] : memref<4096x1024xf32, #tpu.memory_space<hbm>> -> memref<4096x1024xf32, #tpu.memory_space<hbm>>
    tpu.wait_indirect_dma semaphore(%arg10 : memref<!tpu.dma_semaphore, #tpu.memory_space<semaphore_mem>>) src(%dma_wait3A_256 : memref<4096x1024xf32, #tpu.memory_space<hbm>>) dst(%arg6 : memref<16x1024xf32, #tpu.memory_space<vmem>>)
    %dma_wait3A_257 = arith.constant 0 : i32
    %dma_wait3A_258 = tpu.memref_slice %arg4[%add3A_247, %dma_wait3A_257] : memref<10240x1024xf32, #tpu.memory_space<hbm>> -> memref<16x1024xf32, #tpu.memory_space<hbm>>
    %dma_wait3A_259 = arith.constant 0 : i32
    %dma_wait3A_260 = tpu.memref_slice %arg4[%add3A_247, %dma_wait3A_259] : memref<10240x1024xf32, #tpu.memory_space<hbm>> -> memref<16x1024xf32, #tpu.memory_space<hbm>>
    tpu.wait_dma2 semaphore(%arg11 : memref<!tpu.dma_semaphore, #tpu.memory_space<semaphore_mem>>) src(%arg9 : memref<16x1024xf32, #tpu.memory_space<vmem>>) dst(%dma_wait3A_260 : memref<16x1024xf32, #tpu.memory_space<hbm>>)
    %dma_start3A_261 = arith.constant 240 : i32
    %dma_start3A_262 = tpu.memref_slice %arg5[%dma_start3A_261] : memref<320xi32, #tpu.memory_space<vmem>> -> memref<16xi32, #tpu.memory_space<vmem>>
    %dma_start3A_263 = arith.constant 0 : i32
    %dma_start3A_264 = arith.constant 0 : i32
    %dma_start3A_265 = tpu.memref_slice %arg2[%dma_start3A_263, %dma_start3A_264] : memref<4096x1024xf32, #tpu.memory_space<hbm>> -> memref<4096x1024xf32, #tpu.memory_space<hbm>>
    tpu.enqueue_indirect_dma source(%dma_start3A_265 : memref<4096x1024xf32, #tpu.memory_space<hbm>>) target(%arg9 : memref<16x1024xf32, #tpu.memory_space<vmem>>) offsets(%dma_start3A_262 : memref<16xi32, #tpu.memory_space<vmem>>) semaphore(%arg10 : memref<!tpu.dma_semaphore, #tpu.memory_space<semaphore_mem>>)
    %add3A_266 = arith.constant 192 : i32
    %add3A_267 = arith.addi %mul3A_2, %add3A_266 : i32
    %dma_start3A_268 = arith.constant 0 : i32
    %dma_start3A_269 = tpu.memref_slice %arg4[%add3A_267, %dma_start3A_268] : memref<10240x1024xf32, #tpu.memory_space<hbm>> -> memref<16x1024xf32, #tpu.memory_space<hbm>>
    %dma_start3A_270 = arith.constant 0 : i32
    %dma_start3A_271 = tpu.memref_slice %arg4[%add3A_267, %dma_start3A_270] : memref<10240x1024xf32, #tpu.memory_space<hbm>> -> memref<16x1024xf32, #tpu.memory_space<hbm>>
    tpu.enqueue_dma source(%arg6 : memref<16x1024xf32, #tpu.memory_space<vmem>>) target(%dma_start3A_271 : memref<16x1024xf32, #tpu.memory_space<hbm>>) target_semaphore(%arg11 : memref<!tpu.dma_semaphore, #tpu.memory_space<semaphore_mem>>)
    %dma_wait3A_272 = arith.constant 208 : i32
    %dma_wait3A_273 = tpu.memref_slice %arg5[%dma_wait3A_272] : memref<320xi32, #tpu.memory_space<vmem>> -> memref<16xi32, #tpu.memory_space<vmem>>
    %dma_wait3A_274 = arith.constant 0 : i32
    %dma_wait3A_275 = arith.constant 0 : i32
    %dma_wait3A_276 = tpu.memref_slice %arg2[%dma_wait3A_274, %dma_wait3A_275] : memref<4096x1024xf32, #tpu.memory_space<hbm>> -> memref<4096x1024xf32, #tpu.memory_space<hbm>>
    tpu.wait_indirect_dma semaphore(%arg10 : memref<!tpu.dma_semaphore, #tpu.memory_space<semaphore_mem>>) src(%dma_wait3A_276 : memref<4096x1024xf32, #tpu.memory_space<hbm>>) dst(%arg7 : memref<16x1024xf32, #tpu.memory_space<vmem>>)
    %dma_wait3A_277 = arith.constant 0 : i32
    %dma_wait3A_278 = tpu.memref_slice %arg4[%add3A_267, %dma_wait3A_277] : memref<10240x1024xf32, #tpu.memory_space<hbm>> -> memref<16x1024xf32, #tpu.memory_space<hbm>>
    %dma_wait3A_279 = arith.constant 0 : i32
    %dma_wait3A_280 = tpu.memref_slice %arg4[%add3A_267, %dma_wait3A_279] : memref<10240x1024xf32, #tpu.memory_space<hbm>> -> memref<16x1024xf32, #tpu.memory_space<hbm>>
    tpu.wait_dma2 semaphore(%arg11 : memref<!tpu.dma_semaphore, #tpu.memory_space<semaphore_mem>>) src(%arg6 : memref<16x1024xf32, #tpu.memory_space<vmem>>) dst(%dma_wait3A_280 : memref<16x1024xf32, #tpu.memory_space<hbm>>)
    %dma_start3A_281 = arith.constant 256 : i32
    %dma_start3A_282 = tpu.memref_slice %arg5[%dma_start3A_281] : memref<320xi32, #tpu.memory_space<vmem>> -> memref<16xi32, #tpu.memory_space<vmem>>
    %dma_start3A_283 = arith.constant 0 : i32
    %dma_start3A_284 = arith.constant 0 : i32
    %dma_start3A_285 = tpu.memref_slice %arg2[%dma_start3A_283, %dma_start3A_284] : memref<4096x1024xf32, #tpu.memory_space<hbm>> -> memref<4096x1024xf32, #tpu.memory_space<hbm>>
    tpu.enqueue_indirect_dma source(%dma_start3A_285 : memref<4096x1024xf32, #tpu.memory_space<hbm>>) target(%arg6 : memref<16x1024xf32, #tpu.memory_space<vmem>>) offsets(%dma_start3A_282 : memref<16xi32, #tpu.memory_space<vmem>>) semaphore(%arg10 : memref<!tpu.dma_semaphore, #tpu.memory_space<semaphore_mem>>)
    %add3A_286 = arith.constant 208 : i32
    %add3A_287 = arith.addi %mul3A_2, %add3A_286 : i32
    %dma_start3A_288 = arith.constant 0 : i32
    %dma_start3A_289 = tpu.memref_slice %arg4[%add3A_287, %dma_start3A_288] : memref<10240x1024xf32, #tpu.memory_space<hbm>> -> memref<16x1024xf32, #tpu.memory_space<hbm>>
    %dma_start3A_290 = arith.constant 0 : i32
    %dma_start3A_291 = tpu.memref_slice %arg4[%add3A_287, %dma_start3A_290] : memref<10240x1024xf32, #tpu.memory_space<hbm>> -> memref<16x1024xf32, #tpu.memory_space<hbm>>
    tpu.enqueue_dma source(%arg7 : memref<16x1024xf32, #tpu.memory_space<vmem>>) target(%dma_start3A_291 : memref<16x1024xf32, #tpu.memory_space<hbm>>) target_semaphore(%arg11 : memref<!tpu.dma_semaphore, #tpu.memory_space<semaphore_mem>>)
    %dma_wait3A_292 = arith.constant 224 : i32
    %dma_wait3A_293 = tpu.memref_slice %arg5[%dma_wait3A_292] : memref<320xi32, #tpu.memory_space<vmem>> -> memref<16xi32, #tpu.memory_space<vmem>>
    %dma_wait3A_294 = arith.constant 0 : i32
    %dma_wait3A_295 = arith.constant 0 : i32
    %dma_wait3A_296 = tpu.memref_slice %arg2[%dma_wait3A_294, %dma_wait3A_295] : memref<4096x1024xf32, #tpu.memory_space<hbm>> -> memref<4096x1024xf32, #tpu.memory_space<hbm>>
    tpu.wait_indirect_dma semaphore(%arg10 : memref<!tpu.dma_semaphore, #tpu.memory_space<semaphore_mem>>) src(%dma_wait3A_296 : memref<4096x1024xf32, #tpu.memory_space<hbm>>) dst(%arg8 : memref<16x1024xf32, #tpu.memory_space<vmem>>)
    %dma_wait3A_297 = arith.constant 0 : i32
    %dma_wait3A_298 = tpu.memref_slice %arg4[%add3A_287, %dma_wait3A_297] : memref<10240x1024xf32, #tpu.memory_space<hbm>> -> memref<16x1024xf32, #tpu.memory_space<hbm>>
    %dma_wait3A_299 = arith.constant 0 : i32
    %dma_wait3A_300 = tpu.memref_slice %arg4[%add3A_287, %dma_wait3A_299] : memref<10240x1024xf32, #tpu.memory_space<hbm>> -> memref<16x1024xf32, #tpu.memory_space<hbm>>
    tpu.wait_dma2 semaphore(%arg11 : memref<!tpu.dma_semaphore, #tpu.memory_space<semaphore_mem>>) src(%arg7 : memref<16x1024xf32, #tpu.memory_space<vmem>>) dst(%dma_wait3A_300 : memref<16x1024xf32, #tpu.memory_space<hbm>>)
    %dma_start3A_301 = arith.constant 272 : i32
    %dma_start3A_302 = tpu.memref_slice %arg5[%dma_start3A_301] : memref<320xi32, #tpu.memory_space<vmem>> -> memref<16xi32, #tpu.memory_space<vmem>>
    %dma_start3A_303 = arith.constant 0 : i32
    %dma_start3A_304 = arith.constant 0 : i32
    %dma_start3A_305 = tpu.memref_slice %arg2[%dma_start3A_303, %dma_start3A_304] : memref<4096x1024xf32, #tpu.memory_space<hbm>> -> memref<4096x1024xf32, #tpu.memory_space<hbm>>
    tpu.enqueue_indirect_dma source(%dma_start3A_305 : memref<4096x1024xf32, #tpu.memory_space<hbm>>) target(%arg7 : memref<16x1024xf32, #tpu.memory_space<vmem>>) offsets(%dma_start3A_302 : memref<16xi32, #tpu.memory_space<vmem>>) semaphore(%arg10 : memref<!tpu.dma_semaphore, #tpu.memory_space<semaphore_mem>>)
    %add3A_306 = arith.constant 224 : i32
    %add3A_307 = arith.addi %mul3A_2, %add3A_306 : i32
    %dma_start3A_308 = arith.constant 0 : i32
    %dma_start3A_309 = tpu.memref_slice %arg4[%add3A_307, %dma_start3A_308] : memref<10240x1024xf32, #tpu.memory_space<hbm>> -> memref<16x1024xf32, #tpu.memory_space<hbm>>
    %dma_start3A_310 = arith.constant 0 : i32
    %dma_start3A_311 = tpu.memref_slice %arg4[%add3A_307, %dma_start3A_310] : memref<10240x1024xf32, #tpu.memory_space<hbm>> -> memref<16x1024xf32, #tpu.memory_space<hbm>>
    tpu.enqueue_dma source(%arg8 : memref<16x1024xf32, #tpu.memory_space<vmem>>) target(%dma_start3A_311 : memref<16x1024xf32, #tpu.memory_space<hbm>>) target_semaphore(%arg11 : memref<!tpu.dma_semaphore, #tpu.memory_space<semaphore_mem>>)
    %dma_wait3A_312 = arith.constant 240 : i32
    %dma_wait3A_313 = tpu.memref_slice %arg5[%dma_wait3A_312] : memref<320xi32, #tpu.memory_space<vmem>> -> memref<16xi32, #tpu.memory_space<vmem>>
    %dma_wait3A_314 = arith.constant 0 : i32
    %dma_wait3A_315 = arith.constant 0 : i32
    %dma_wait3A_316 = tpu.memref_slice %arg2[%dma_wait3A_314, %dma_wait3A_315] : memref<4096x1024xf32, #tpu.memory_space<hbm>> -> memref<4096x1024xf32, #tpu.memory_space<hbm>>
    tpu.wait_indirect_dma semaphore(%arg10 : memref<!tpu.dma_semaphore, #tpu.memory_space<semaphore_mem>>) src(%dma_wait3A_316 : memref<4096x1024xf32, #tpu.memory_space<hbm>>) dst(%arg9 : memref<16x1024xf32, #tpu.memory_space<vmem>>)
    %dma_wait3A_317 = arith.constant 0 : i32
    %dma_wait3A_318 = tpu.memref_slice %arg4[%add3A_307, %dma_wait3A_317] : memref<10240x1024xf32, #tpu.memory_space<hbm>> -> memref<16x1024xf32, #tpu.memory_space<hbm>>
    %dma_wait3A_319 = arith.constant 0 : i32
    %dma_wait3A_320 = tpu.memref_slice %arg4[%add3A_307, %dma_wait3A_319] : memref<10240x1024xf32, #tpu.memory_space<hbm>> -> memref<16x1024xf32, #tpu.memory_space<hbm>>
    tpu.wait_dma2 semaphore(%arg11 : memref<!tpu.dma_semaphore, #tpu.memory_space<semaphore_mem>>) src(%arg8 : memref<16x1024xf32, #tpu.memory_space<vmem>>) dst(%dma_wait3A_320 : memref<16x1024xf32, #tpu.memory_space<hbm>>)
    %dma_start3A_321 = arith.constant 288 : i32
    %dma_start3A_322 = tpu.memref_slice %arg5[%dma_start3A_321] : memref<320xi32, #tpu.memory_space<vmem>> -> memref<16xi32, #tpu.memory_space<vmem>>
    %dma_start3A_323 = arith.constant 0 : i32
    %dma_start3A_324 = arith.constant 0 : i32
    %dma_start3A_325 = tpu.memref_slice %arg2[%dma_start3A_323, %dma_start3A_324] : memref<4096x1024xf32, #tpu.memory_space<hbm>> -> memref<4096x1024xf32, #tpu.memory_space<hbm>>
    tpu.enqueue_indirect_dma source(%dma_start3A_325 : memref<4096x1024xf32, #tpu.memory_space<hbm>>) target(%arg8 : memref<16x1024xf32, #tpu.memory_space<vmem>>) offsets(%dma_start3A_322 : memref<16xi32, #tpu.memory_space<vmem>>) semaphore(%arg10 : memref<!tpu.dma_semaphore, #tpu.memory_space<semaphore_mem>>)
    %add3A_326 = arith.constant 240 : i32
    %add3A_327 = arith.addi %mul3A_2, %add3A_326 : i32
    %dma_start3A_328 = arith.constant 0 : i32
    %dma_start3A_329 = tpu.memref_slice %arg4[%add3A_327, %dma_start3A_328] : memref<10240x1024xf32, #tpu.memory_space<hbm>> -> memref<16x1024xf32, #tpu.memory_space<hbm>>
    %dma_start3A_330 = arith.constant 0 : i32
    %dma_start3A_331 = tpu.memref_slice %arg4[%add3A_327, %dma_start3A_330] : memref<10240x1024xf32, #tpu.memory_space<hbm>> -> memref<16x1024xf32, #tpu.memory_space<hbm>>
    tpu.enqueue_dma source(%arg9 : memref<16x1024xf32, #tpu.memory_space<vmem>>) target(%dma_start3A_331 : memref<16x1024xf32, #tpu.memory_space<hbm>>) target_semaphore(%arg11 : memref<!tpu.dma_semaphore, #tpu.memory_space<semaphore_mem>>)
    %dma_wait3A_332 = arith.constant 256 : i32
    %dma_wait3A_333 = tpu.memref_slice %arg5[%dma_wait3A_332] : memref<320xi32, #tpu.memory_space<vmem>> -> memref<16xi32, #tpu.memory_space<vmem>>
    %dma_wait3A_334 = arith.constant 0 : i32
    %dma_wait3A_335 = arith.constant 0 : i32
    %dma_wait3A_336 = tpu.memref_slice %arg2[%dma_wait3A_334, %dma_wait3A_335] : memref<4096x1024xf32, #tpu.memory_space<hbm>> -> memref<4096x1024xf32, #tpu.memory_space<hbm>>
    tpu.wait_indirect_dma semaphore(%arg10 : memref<!tpu.dma_semaphore, #tpu.memory_space<semaphore_mem>>) src(%dma_wait3A_336 : memref<4096x1024xf32, #tpu.memory_space<hbm>>) dst(%arg6 : memref<16x1024xf32, #tpu.memory_space<vmem>>)
    %dma_wait3A_337 = arith.constant 0 : i32
    %dma_wait3A_338 = tpu.memref_slice %arg4[%add3A_327, %dma_wait3A_337] : memref<10240x1024xf32, #tpu.memory_space<hbm>> -> memref<16x1024xf32, #tpu.memory_space<hbm>>
    %dma_wait3A_339 = arith.constant 0 : i32
    %dma_wait3A_340 = tpu.memref_slice %arg4[%add3A_327, %dma_wait3A_339] : memref<10240x1024xf32, #tpu.memory_space<hbm>> -> memref<16x1024xf32, #tpu.memory_space<hbm>>
    tpu.wait_dma2 semaphore(%arg11 : memref<!tpu.dma_semaphore, #tpu.memory_space<semaphore_mem>>) src(%arg9 : memref<16x1024xf32, #tpu.memory_space<vmem>>) dst(%dma_wait3A_340 : memref<16x1024xf32, #tpu.memory_space<hbm>>)
    %dma_start3A_341 = arith.constant 304 : i32
    %dma_start3A_342 = tpu.memref_slice %arg5[%dma_start3A_341] : memref<320xi32, #tpu.memory_space<vmem>> -> memref<16xi32, #tpu.memory_space<vmem>>
    %dma_start3A_343 = arith.constant 0 : i32
    %dma_start3A_344 = arith.constant 0 : i32
    %dma_start3A_345 = tpu.memref_slice %arg2[%dma_start3A_343, %dma_start3A_344] : memref<4096x1024xf32, #tpu.memory_space<hbm>> -> memref<4096x1024xf32, #tpu.memory_space<hbm>>
    tpu.enqueue_indirect_dma source(%dma_start3A_345 : memref<4096x1024xf32, #tpu.memory_space<hbm>>) target(%arg9 : memref<16x1024xf32, #tpu.memory_space<vmem>>) offsets(%dma_start3A_342 : memref<16xi32, #tpu.memory_space<vmem>>) semaphore(%arg10 : memref<!tpu.dma_semaphore, #tpu.memory_space<semaphore_mem>>)
    %add3A_346 = arith.constant 256 : i32
    %add3A_347 = arith.addi %mul3A_2, %add3A_346 : i32
    %dma_start3A_348 = arith.constant 0 : i32
    %dma_start3A_349 = tpu.memref_slice %arg4[%add3A_347, %dma_start3A_348] : memref<10240x1024xf32, #tpu.memory_space<hbm>> -> memref<16x1024xf32, #tpu.memory_space<hbm>>
    %dma_start3A_350 = arith.constant 0 : i32
    %dma_start3A_351 = tpu.memref_slice %arg4[%add3A_347, %dma_start3A_350] : memref<10240x1024xf32, #tpu.memory_space<hbm>> -> memref<16x1024xf32, #tpu.memory_space<hbm>>
    tpu.enqueue_dma source(%arg6 : memref<16x1024xf32, #tpu.memory_space<vmem>>) target(%dma_start3A_351 : memref<16x1024xf32, #tpu.memory_space<hbm>>) target_semaphore(%arg11 : memref<!tpu.dma_semaphore, #tpu.memory_space<semaphore_mem>>)
    %dma_wait3A_352 = arith.constant 272 : i32
    %dma_wait3A_353 = tpu.memref_slice %arg5[%dma_wait3A_352] : memref<320xi32, #tpu.memory_space<vmem>> -> memref<16xi32, #tpu.memory_space<vmem>>
    %dma_wait3A_354 = arith.constant 0 : i32
    %dma_wait3A_355 = arith.constant 0 : i32
    %dma_wait3A_356 = tpu.memref_slice %arg2[%dma_wait3A_354, %dma_wait3A_355] : memref<4096x1024xf32, #tpu.memory_space<hbm>> -> memref<4096x1024xf32, #tpu.memory_space<hbm>>
    tpu.wait_indirect_dma semaphore(%arg10 : memref<!tpu.dma_semaphore, #tpu.memory_space<semaphore_mem>>) src(%dma_wait3A_356 : memref<4096x1024xf32, #tpu.memory_space<hbm>>) dst(%arg7 : memref<16x1024xf32, #tpu.memory_space<vmem>>)
    %dma_wait3A_357 = arith.constant 0 : i32
    %dma_wait3A_358 = tpu.memref_slice %arg4[%add3A_347, %dma_wait3A_357] : memref<10240x1024xf32, #tpu.memory_space<hbm>> -> memref<16x1024xf32, #tpu.memory_space<hbm>>
    %dma_wait3A_359 = arith.constant 0 : i32
    %dma_wait3A_360 = tpu.memref_slice %arg4[%add3A_347, %dma_wait3A_359] : memref<10240x1024xf32, #tpu.memory_space<hbm>> -> memref<16x1024xf32, #tpu.memory_space<hbm>>
    tpu.wait_dma2 semaphore(%arg11 : memref<!tpu.dma_semaphore, #tpu.memory_space<semaphore_mem>>) src(%arg6 : memref<16x1024xf32, #tpu.memory_space<vmem>>) dst(%dma_wait3A_360 : memref<16x1024xf32, #tpu.memory_space<hbm>>)
    %add3A_361 = arith.constant 272 : i32
    %add3A_362 = arith.addi %mul3A_2, %add3A_361 : i32
    %dma_start3A_363 = arith.constant 0 : i32
    %dma_start3A_364 = tpu.memref_slice %arg4[%add3A_362, %dma_start3A_363] : memref<10240x1024xf32, #tpu.memory_space<hbm>> -> memref<16x1024xf32, #tpu.memory_space<hbm>>
    %dma_start3A_365 = arith.constant 0 : i32
    %dma_start3A_366 = tpu.memref_slice %arg4[%add3A_362, %dma_start3A_365] : memref<10240x1024xf32, #tpu.memory_space<hbm>> -> memref<16x1024xf32, #tpu.memory_space<hbm>>
    tpu.enqueue_dma source(%arg7 : memref<16x1024xf32, #tpu.memory_space<vmem>>) target(%dma_start3A_366 : memref<16x1024xf32, #tpu.memory_space<hbm>>) target_semaphore(%arg11 : memref<!tpu.dma_semaphore, #tpu.memory_space<semaphore_mem>>)
    %dma_wait3A_367 = arith.constant 288 : i32
    %dma_wait3A_368 = tpu.memref_slice %arg5[%dma_wait3A_367] : memref<320xi32, #tpu.memory_space<vmem>> -> memref<16xi32, #tpu.memory_space<vmem>>
    %dma_wait3A_369 = arith.constant 0 : i32
    %dma_wait3A_370 = arith.constant 0 : i32
    %dma_wait3A_371 = tpu.memref_slice %arg2[%dma_wait3A_369, %dma_wait3A_370] : memref<4096x1024xf32, #tpu.memory_space<hbm>> -> memref<4096x1024xf32, #tpu.memory_space<hbm>>
    tpu.wait_indirect_dma semaphore(%arg10 : memref<!tpu.dma_semaphore, #tpu.memory_space<semaphore_mem>>) src(%dma_wait3A_371 : memref<4096x1024xf32, #tpu.memory_space<hbm>>) dst(%arg8 : memref<16x1024xf32, #tpu.memory_space<vmem>>)
    %dma_wait3A_372 = arith.constant 0 : i32
    %dma_wait3A_373 = tpu.memref_slice %arg4[%add3A_362, %dma_wait3A_372] : memref<10240x1024xf32, #tpu.memory_space<hbm>> -> memref<16x1024xf32, #tpu.memory_space<hbm>>
    %dma_wait3A_374 = arith.constant 0 : i32
    %dma_wait3A_375 = tpu.memref_slice %arg4[%add3A_362, %dma_wait3A_374] : memref<10240x1024xf32, #tpu.memory_space<hbm>> -> memref<16x1024xf32, #tpu.memory_space<hbm>>
    tpu.wait_dma2 semaphore(%arg11 : memref<!tpu.dma_semaphore, #tpu.memory_space<semaphore_mem>>) src(%arg7 : memref<16x1024xf32, #tpu.memory_space<vmem>>) dst(%dma_wait3A_375 : memref<16x1024xf32, #tpu.memory_space<hbm>>)
    %add3A_376 = arith.constant 288 : i32
    %add3A_377 = arith.addi %mul3A_2, %add3A_376 : i32
    %dma_start3A_378 = arith.constant 0 : i32
    %dma_start3A_379 = tpu.memref_slice %arg4[%add3A_377, %dma_start3A_378] : memref<10240x1024xf32, #tpu.memory_space<hbm>> -> memref<16x1024xf32, #tpu.memory_space<hbm>>
    %dma_start3A_380 = arith.constant 0 : i32
    %dma_start3A_381 = tpu.memref_slice %arg4[%add3A_377, %dma_start3A_380] : memref<10240x1024xf32, #tpu.memory_space<hbm>> -> memref<16x1024xf32, #tpu.memory_space<hbm>>
    tpu.enqueue_dma source(%arg8 : memref<16x1024xf32, #tpu.memory_space<vmem>>) target(%dma_start3A_381 : memref<16x1024xf32, #tpu.memory_space<hbm>>) target_semaphore(%arg11 : memref<!tpu.dma_semaphore, #tpu.memory_space<semaphore_mem>>)
    %dma_wait3A_382 = arith.constant 304 : i32
    %dma_wait3A_383 = tpu.memref_slice %arg5[%dma_wait3A_382] : memref<320xi32, #tpu.memory_space<vmem>> -> memref<16xi32, #tpu.memory_space<vmem>>
    %dma_wait3A_384 = arith.constant 0 : i32
    %dma_wait3A_385 = arith.constant 0 : i32
    %dma_wait3A_386 = tpu.memref_slice %arg2[%dma_wait3A_384, %dma_wait3A_385] : memref<4096x1024xf32, #tpu.memory_space<hbm>> -> memref<4096x1024xf32, #tpu.memory_space<hbm>>
    tpu.wait_indirect_dma semaphore(%arg10 : memref<!tpu.dma_semaphore, #tpu.memory_space<semaphore_mem>>) src(%dma_wait3A_386 : memref<4096x1024xf32, #tpu.memory_space<hbm>>) dst(%arg9 : memref<16x1024xf32, #tpu.memory_space<vmem>>)
    %dma_wait3A_387 = arith.constant 0 : i32
    %dma_wait3A_388 = tpu.memref_slice %arg4[%add3A_377, %dma_wait3A_387] : memref<10240x1024xf32, #tpu.memory_space<hbm>> -> memref<16x1024xf32, #tpu.memory_space<hbm>>
    %dma_wait3A_389 = arith.constant 0 : i32
    %dma_wait3A_390 = tpu.memref_slice %arg4[%add3A_377, %dma_wait3A_389] : memref<10240x1024xf32, #tpu.memory_space<hbm>> -> memref<16x1024xf32, #tpu.memory_space<hbm>>
    tpu.wait_dma2 semaphore(%arg11 : memref<!tpu.dma_semaphore, #tpu.memory_space<semaphore_mem>>) src(%arg8 : memref<16x1024xf32, #tpu.memory_space<vmem>>) dst(%dma_wait3A_390 : memref<16x1024xf32, #tpu.memory_space<hbm>>)
    %add3A_391 = arith.constant 304 : i32
    %add3A_392 = arith.addi %mul3A_2, %add3A_391 : i32
    %dma_start3A_393 = arith.constant 0 : i32
    %dma_start3A_394 = tpu.memref_slice %arg4[%add3A_392, %dma_start3A_393] : memref<10240x1024xf32, #tpu.memory_space<hbm>> -> memref<16x1024xf32, #tpu.memory_space<hbm>>
    %dma_start3A_395 = arith.constant 0 : i32
    %dma_start3A_396 = tpu.memref_slice %arg4[%add3A_392, %dma_start3A_395] : memref<10240x1024xf32, #tpu.memory_space<hbm>> -> memref<16x1024xf32, #tpu.memory_space<hbm>>
    tpu.enqueue_dma source(%arg9 : memref<16x1024xf32, #tpu.memory_space<vmem>>) target(%dma_start3A_396 : memref<16x1024xf32, #tpu.memory_space<hbm>>) target_semaphore(%arg11 : memref<!tpu.dma_semaphore, #tpu.memory_space<semaphore_mem>>)
    %dma_wait3A_397 = arith.constant 0 : i32
    %dma_wait3A_398 = tpu.memref_slice %arg4[%add3A_392, %dma_wait3A_397] : memref<10240x1024xf32, #tpu.memory_space<hbm>> -> memref<16x1024xf32, #tpu.memory_space<hbm>>
    %dma_wait3A_399 = arith.constant 0 : i32
    %dma_wait3A_400 = tpu.memref_slice %arg4[%add3A_392, %dma_wait3A_399] : memref<10240x1024xf32, #tpu.memory_space<hbm>> -> memref<16x1024xf32, #tpu.memory_space<hbm>>
    tpu.wait_dma2 semaphore(%arg11 : memref<!tpu.dma_semaphore, #tpu.memory_space<semaphore_mem>>) src(%arg9 : memref<16x1024xf32, #tpu.memory_space<vmem>>) dst(%dma_wait3A_400 : memref<16x1024xf32, #tpu.memory_space<hbm>>)
    return
  }
}

#map = affine_map<(d0, d1) -> (0, 0)>
#map1 = affine_map<(d0, d1) -> (0)>
module attributes {stable_mosaic.version = 14 : i64} {
  func.func @_sc_mix_body(%arg0: i32, %arg1: i32, %arg2: memref<10240x1024xf32, #tpu.memory_space<hbm>>, %arg3: memref<8192xi32, #tpu.memory_space<hbm>>, %arg4: memref<4096x1024xf32, #tpu.memory_space<hbm>>, %arg5: memref<128xi32, #tpu.memory_space<vmem>>, %arg6: memref<128xi32, #tpu.memory_space<vmem>>, %arg7: memref<16x1024xf32, #tpu.memory_space<vmem>>, %arg8: memref<16x1024xf32, #tpu.memory_space<vmem>>, %arg9: memref<16x1024xf32, #tpu.memory_space<vmem>>, %arg10: memref<16x1024xf32, #tpu.memory_space<vmem>>, %arg11: memref<!tpu.dma_semaphore, #tpu.memory_space<semaphore_mem>>, %arg12: memref<!tpu.dma_semaphore, #tpu.memory_space<semaphore_mem>>) attributes {dimension_semantics = [#tpu.dimension_semantics<core_parallel>, #tpu.dimension_semantics<subcore_parallel>], iteration_bounds = array<i64: 2, 16>, scalar_prefetch = 0 : i64, scratch_operands = 8 : i64, tpu.core_type = #tpu.core_type<sc_vector_subcore>, window_params = [{transform_indices = #map}, {transform_indices = #map1}, {transform_indices = #map}]} {
    %mul3A = arith.constant 2 : i32
    %mul3A_0 = arith.muli %arg1, %mul3A : i32
    %add3A = arith.addi %mul3A_0, %arg0 : i32
    %mul3A_1 = arith.constant 128 : i32
    %mul3A_2 = arith.muli %add3A, %mul3A_1 : i32
    "tpu.region"() ({
      %run_scoped3A = tpu.sem_alloc : memref<!tpu.dma_semaphore, #tpu.memory_space<semaphore_mem>>
      %dma_start3A_290 = tpu.memref_slice %arg3[%mul3A_2] : memref<8192xi32, #tpu.memory_space<hbm>> -> memref<128xi32, #tpu.memory_space<hbm>>
      %dma_start3A_291 = tpu.memref_slice %arg3[%mul3A_2] : memref<8192xi32, #tpu.memory_space<hbm>> -> memref<128xi32, #tpu.memory_space<hbm>>
      tpu.enqueue_dma source(%dma_start3A_291 : memref<128xi32, #tpu.memory_space<hbm>>) target(%arg5 : memref<128xi32, #tpu.memory_space<vmem>>) target_semaphore(%run_scoped3A : memref<!tpu.dma_semaphore, #tpu.memory_space<semaphore_mem>>)
      %dma_wait3A_292 = tpu.memref_slice %arg3[%mul3A_2] : memref<8192xi32, #tpu.memory_space<hbm>> -> memref<128xi32, #tpu.memory_space<hbm>>
      %dma_wait3A_293 = tpu.memref_slice %arg3[%mul3A_2] : memref<8192xi32, #tpu.memory_space<hbm>> -> memref<128xi32, #tpu.memory_space<hbm>>
      tpu.wait_dma2 semaphore(%run_scoped3A : memref<!tpu.dma_semaphore, #tpu.memory_space<semaphore_mem>>) src(%dma_wait3A_293 : memref<128xi32, #tpu.memory_space<hbm>>) dst(%arg5 : memref<128xi32, #tpu.memory_space<vmem>>)
      tpu.yield
    }) : () -> ()
    %add3A_3 = arith.constant 4096 : i32
    %add3A_4 = arith.addi %add3A_3, %mul3A_2 : i32
    "tpu.region"() ({
      %run_scoped3A = tpu.sem_alloc : memref<!tpu.dma_semaphore, #tpu.memory_space<semaphore_mem>>
      %dma_start3A_290 = tpu.memref_slice %arg3[%add3A_4] : memref<8192xi32, #tpu.memory_space<hbm>> -> memref<128xi32, #tpu.memory_space<hbm>>
      %dma_start3A_291 = tpu.memref_slice %arg3[%add3A_4] : memref<8192xi32, #tpu.memory_space<hbm>> -> memref<128xi32, #tpu.memory_space<hbm>>
      tpu.enqueue_dma source(%dma_start3A_291 : memref<128xi32, #tpu.memory_space<hbm>>) target(%arg6 : memref<128xi32, #tpu.memory_space<vmem>>) target_semaphore(%run_scoped3A : memref<!tpu.dma_semaphore, #tpu.memory_space<semaphore_mem>>)
      %dma_wait3A_292 = tpu.memref_slice %arg3[%add3A_4] : memref<8192xi32, #tpu.memory_space<hbm>> -> memref<128xi32, #tpu.memory_space<hbm>>
      %dma_wait3A_293 = tpu.memref_slice %arg3[%add3A_4] : memref<8192xi32, #tpu.memory_space<hbm>> -> memref<128xi32, #tpu.memory_space<hbm>>
      tpu.wait_dma2 semaphore(%run_scoped3A : memref<!tpu.dma_semaphore, #tpu.memory_space<semaphore_mem>>) src(%dma_wait3A_293 : memref<128xi32, #tpu.memory_space<hbm>>) dst(%arg6 : memref<128xi32, #tpu.memory_space<vmem>>)
      tpu.yield
    }) : () -> ()
    %dma_start3A = arith.constant 0 : i32
    %dma_start3A_5 = tpu.memref_slice %arg5[%dma_start3A] : memref<128xi32, #tpu.memory_space<vmem>> -> memref<16xi32, #tpu.memory_space<vmem>>
    %dma_start3A_6 = arith.constant 0 : i32
    %dma_start3A_7 = arith.constant 0 : i32
    %dma_start3A_8 = tpu.memref_slice %arg2[%dma_start3A_6, %dma_start3A_7] : memref<10240x1024xf32, #tpu.memory_space<hbm>> -> memref<10240x1024xf32, #tpu.memory_space<hbm>>
    tpu.enqueue_indirect_dma source(%dma_start3A_8 : memref<10240x1024xf32, #tpu.memory_space<hbm>>) target(%arg7 : memref<16x1024xf32, #tpu.memory_space<vmem>>) offsets(%dma_start3A_5 : memref<16xi32, #tpu.memory_space<vmem>>) semaphore(%arg11 : memref<!tpu.dma_semaphore, #tpu.memory_space<semaphore_mem>>)
    %dma_start3A_9 = arith.constant 0 : i32
    %dma_start3A_10 = tpu.memref_slice %arg6[%dma_start3A_9] : memref<128xi32, #tpu.memory_space<vmem>> -> memref<16xi32, #tpu.memory_space<vmem>>
    %dma_start3A_11 = arith.constant 0 : i32
    %dma_start3A_12 = arith.constant 0 : i32
    %dma_start3A_13 = tpu.memref_slice %arg2[%dma_start3A_11, %dma_start3A_12] : memref<10240x1024xf32, #tpu.memory_space<hbm>> -> memref<10240x1024xf32, #tpu.memory_space<hbm>>
    tpu.enqueue_indirect_dma source(%dma_start3A_13 : memref<10240x1024xf32, #tpu.memory_space<hbm>>) target(%arg8 : memref<16x1024xf32, #tpu.memory_space<vmem>>) offsets(%dma_start3A_10 : memref<16xi32, #tpu.memory_space<vmem>>) semaphore(%arg11 : memref<!tpu.dma_semaphore, #tpu.memory_space<semaphore_mem>>)
    %dma_wait3A = arith.constant 0 : i32
    %dma_wait3A_14 = tpu.memref_slice %arg5[%dma_wait3A] : memref<128xi32, #tpu.memory_space<vmem>> -> memref<16xi32, #tpu.memory_space<vmem>>
    %dma_wait3A_15 = arith.constant 0 : i32
    %dma_wait3A_16 = arith.constant 0 : i32
    %dma_wait3A_17 = tpu.memref_slice %arg2[%dma_wait3A_15, %dma_wait3A_16] : memref<10240x1024xf32, #tpu.memory_space<hbm>> -> memref<10240x1024xf32, #tpu.memory_space<hbm>>
    tpu.wait_indirect_dma semaphore(%arg11 : memref<!tpu.dma_semaphore, #tpu.memory_space<semaphore_mem>>) src(%dma_wait3A_17 : memref<10240x1024xf32, #tpu.memory_space<hbm>>) dst(%arg7 : memref<16x1024xf32, #tpu.memory_space<vmem>>)
    %dma_wait3A_18 = arith.constant 0 : i32
    %dma_wait3A_19 = tpu.memref_slice %arg6[%dma_wait3A_18] : memref<128xi32, #tpu.memory_space<vmem>> -> memref<16xi32, #tpu.memory_space<vmem>>
    %dma_wait3A_20 = arith.constant 0 : i32
    %dma_wait3A_21 = arith.constant 0 : i32
    %dma_wait3A_22 = tpu.memref_slice %arg2[%dma_wait3A_20, %dma_wait3A_21] : memref<10240x1024xf32, #tpu.memory_space<hbm>> -> memref<10240x1024xf32, #tpu.memory_space<hbm>>
    tpu.wait_indirect_dma semaphore(%arg11 : memref<!tpu.dma_semaphore, #tpu.memory_space<semaphore_mem>>) src(%dma_wait3A_22 : memref<10240x1024xf32, #tpu.memory_space<hbm>>) dst(%arg8 : memref<16x1024xf32, #tpu.memory_space<vmem>>)
    %dma_start3A_23 = arith.constant 16 : i32
    %dma_start3A_24 = tpu.memref_slice %arg5[%dma_start3A_23] : memref<128xi32, #tpu.memory_space<vmem>> -> memref<16xi32, #tpu.memory_space<vmem>>
    %dma_start3A_25 = arith.constant 0 : i32
    %dma_start3A_26 = arith.constant 0 : i32
    %dma_start3A_27 = tpu.memref_slice %arg2[%dma_start3A_25, %dma_start3A_26] : memref<10240x1024xf32, #tpu.memory_space<hbm>> -> memref<10240x1024xf32, #tpu.memory_space<hbm>>
    tpu.enqueue_indirect_dma source(%dma_start3A_27 : memref<10240x1024xf32, #tpu.memory_space<hbm>>) target(%arg9 : memref<16x1024xf32, #tpu.memory_space<vmem>>) offsets(%dma_start3A_24 : memref<16xi32, #tpu.memory_space<vmem>>) semaphore(%arg11 : memref<!tpu.dma_semaphore, #tpu.memory_space<semaphore_mem>>)
    %dma_start3A_28 = arith.constant 16 : i32
    %dma_start3A_29 = tpu.memref_slice %arg6[%dma_start3A_28] : memref<128xi32, #tpu.memory_space<vmem>> -> memref<16xi32, #tpu.memory_space<vmem>>
    %dma_start3A_30 = arith.constant 0 : i32
    %dma_start3A_31 = arith.constant 0 : i32
    %dma_start3A_32 = tpu.memref_slice %arg2[%dma_start3A_30, %dma_start3A_31] : memref<10240x1024xf32, #tpu.memory_space<hbm>> -> memref<10240x1024xf32, #tpu.memory_space<hbm>>
    tpu.enqueue_indirect_dma source(%dma_start3A_32 : memref<10240x1024xf32, #tpu.memory_space<hbm>>) target(%arg10 : memref<16x1024xf32, #tpu.memory_space<vmem>>) offsets(%dma_start3A_29 : memref<16xi32, #tpu.memory_space<vmem>>) semaphore(%arg11 : memref<!tpu.dma_semaphore, #tpu.memory_space<semaphore_mem>>)
    %scan3A = arith.constant 0 : i32
    %scan3A_33 = arith.constant 0 : i32
    %scan3A_34 = arith.constant 256 : i32
    %scan3A_35 = arith.addi %scan3A_33, %scan3A_34 : i32
    %scan3A_36 = arith.constant 1 : i32
    scf.for %scan3A_290 = %scan3A_33 to %scan3A_35 step %scan3A_36  : i32 {
      %jit3A = arith.constant 16 : i32
      %div3A = arith.divsi %scan3A_290, %jit3A : i32
      %sign3A = arith.constant 0 : i32
      %sign3A_291 = arith.cmpi sgt, %scan3A_290, %sign3A : i32
      %sign3A_292 = arith.extui %sign3A_291 : i1 to i32
      %sign3A_293 = arith.constant 0 : i32
      %sign3A_294 = arith.cmpi slt, %scan3A_290, %sign3A_293 : i32
      %sign3A_295 = arith.extui %sign3A_294 : i1 to i32
      %sign3A_296 = arith.subi %sign3A_292, %sign3A_295 : i32
      %sign3A_297 = arith.constant 0 : i32
      %sign3A_298 = arith.cmpi sgt, %jit3A, %sign3A_297 : i32
      %sign3A_299 = arith.extui %sign3A_298 : i1 to i32
      %sign3A_300 = arith.constant 0 : i32
      %sign3A_301 = arith.cmpi slt, %jit3A, %sign3A_300 : i32
      %sign3A_302 = arith.extui %sign3A_301 : i1 to i32
      %sign3A_303 = arith.subi %sign3A_299, %sign3A_302 : i32
      %ne3A = arith.cmpi ne, %sign3A_296, %sign3A_303 : i32
      %rem3A = arith.remsi %scan3A_290, %jit3A : i32
      %ne3A_304 = arith.constant 0 : i32
      %ne3A_305 = arith.cmpi ne, %rem3A, %ne3A_304 : i32
      %and3A = arith.andi %ne3A, %ne3A_305 : i1
      %sub3A = arith.constant 1 : i32
      %sub3A_306 = arith.subi %div3A, %sub3A : i32
      %select_n3A = arith.select %and3A, %sub3A_306, %div3A : i32
      %mul3A_307 = arith.constant 16 : i32
      %mul3A_308 = arith.muli %select_n3A, %mul3A_307 : i32
      %sub3A_309 = arith.subi %scan3A_290, %mul3A_308 : i32
      %mul3A_310 = arith.constant 4 : i32
      %mul3A_311 = arith.muli %sub3A_309, %mul3A_310 : i32
      %add3A_312 = arith.constant 0 : i32
      %add3A_313 = arith.addi %mul3A_311, %add3A_312 : i32
      %mul3A_314 = arith.constant 16 : i32
      %mul3A_315 = arith.muli %add3A_313, %mul3A_314 : i32
      %get3A = arith.index_cast %select_n3A : i32 to index
      %get3A_316 = arith.index_cast %mul3A_315 : i32 to index
      %get3A_317 = tpu.vector_load %arg7[%get3A, %get3A_316] {strides = array<i32>} : memref<16x1024xf32, #tpu.memory_space<vmem>>, vector<1x16xf32>,
      %get3A_318 = vector.shape_cast %get3A_317 : vector<1x16xf32> to vector<16xf32>
      %get3A_319 = arith.index_cast %select_n3A : i32 to index
      %get3A_320 = arith.index_cast %mul3A_315 : i32 to index
      %get3A_321 = tpu.vector_load %arg8[%get3A_319, %get3A_320] {strides = array<i32>} : memref<16x1024xf32, #tpu.memory_space<vmem>>, vector<1x16xf32>,
      %get3A_322 = vector.shape_cast %get3A_321 : vector<1x16xf32> to vector<16xf32>
      %add3A_323 = arith.addf %get3A_318, %get3A_322 : vector<16xf32>
      %swap3A = arith.index_cast %select_n3A : i32 to index
      %swap3A_324 = arith.index_cast %mul3A_315 : i32 to index
      %swap3A_325 = tpu.vector_load %arg7[%swap3A, %swap3A_324] {strides = array<i32>} : memref<16x1024xf32, #tpu.memory_space<vmem>>, vector<1x16xf32>,
      %swap3A_326 = vector.shape_cast %swap3A_325 : vector<1x16xf32> to vector<16xf32>
      %swap3A_327 = vector.shape_cast %add3A_323 : vector<16xf32> to vector<1x16xf32>
      tpu.vector_store %arg7[%swap3A, %swap3A_324], %swap3A_327 {strides = array<i32>} : memref<16x1024xf32, #tpu.memory_space<vmem>>, vector<1x16xf32>,
      %mul3A_328 = arith.constant 4 : i32
      %mul3A_329 = arith.muli %sub3A_309, %mul3A_328 : i32
      %add3A_330 = arith.constant 1 : i32
      %add3A_331 = arith.addi %mul3A_329, %add3A_330 : i32
      %mul3A_332 = arith.constant 16 : i32
      %mul3A_333 = arith.muli %add3A_331, %mul3A_332 : i32
      %get3A_334 = arith.index_cast %select_n3A : i32 to index
      %get3A_335 = arith.index_cast %mul3A_333 : i32 to index
      %get3A_336 = tpu.vector_load %arg7[%get3A_334, %get3A_335] {strides = array<i32>} : memref<16x1024xf32, #tpu.memory_space<vmem>>, vector<1x16xf32>,
      %get3A_337 = vector.shape_cast %get3A_336 : vector<1x16xf32> to vector<16xf32>
      %get3A_338 = arith.index_cast %select_n3A : i32 to index
      %get3A_339 = arith.index_cast %mul3A_333 : i32 to index
      %get3A_340 = tpu.vector_load %arg8[%get3A_338, %get3A_339] {strides = array<i32>} : memref<16x1024xf32, #tpu.memory_space<vmem>>, vector<1x16xf32>,
      %get3A_341 = vector.shape_cast %get3A_340 : vector<1x16xf32> to vector<16xf32>
      %add3A_342 = arith.addf %get3A_337, %get3A_341 : vector<16xf32>
      %swap3A_343 = arith.index_cast %select_n3A : i32 to index
      %swap3A_344 = arith.index_cast %mul3A_333 : i32 to index
      %swap3A_345 = tpu.vector_load %arg7[%swap3A_343, %swap3A_344] {strides = array<i32>} : memref<16x1024xf32, #tpu.memory_space<vmem>>, vector<1x16xf32>,
      %swap3A_346 = vector.shape_cast %swap3A_345 : vector<1x16xf32> to vector<16xf32>
      %swap3A_347 = vector.shape_cast %add3A_342 : vector<16xf32> to vector<1x16xf32>
      tpu.vector_store %arg7[%swap3A_343, %swap3A_344], %swap3A_347 {strides = array<i32>} : memref<16x1024xf32, #tpu.memory_space<vmem>>, vector<1x16xf32>,
      %mul3A_348 = arith.constant 4 : i32
      %mul3A_349 = arith.muli %sub3A_309, %mul3A_348 : i32
      %add3A_350 = arith.constant 2 : i32
      %add3A_351 = arith.addi %mul3A_349, %add3A_350 : i32
      %mul3A_352 = arith.constant 16 : i32
      %mul3A_353 = arith.muli %add3A_351, %mul3A_352 : i32
      %get3A_354 = arith.index_cast %select_n3A : i32 to index
      %get3A_355 = arith.index_cast %mul3A_353 : i32 to index
      %get3A_356 = tpu.vector_load %arg7[%get3A_354, %get3A_355] {strides = array<i32>} : memref<16x1024xf32, #tpu.memory_space<vmem>>, vector<1x16xf32>,
      %get3A_357 = vector.shape_cast %get3A_356 : vector<1x16xf32> to vector<16xf32>
      %get3A_358 = arith.index_cast %select_n3A : i32 to index
      %get3A_359 = arith.index_cast %mul3A_353 : i32 to index
      %get3A_360 = tpu.vector_load %arg8[%get3A_358, %get3A_359] {strides = array<i32>} : memref<16x1024xf32, #tpu.memory_space<vmem>>, vector<1x16xf32>,
      %get3A_361 = vector.shape_cast %get3A_360 : vector<1x16xf32> to vector<16xf32>
      %add3A_362 = arith.addf %get3A_357, %get3A_361 : vector<16xf32>
      %swap3A_363 = arith.index_cast %select_n3A : i32 to index
      %swap3A_364 = arith.index_cast %mul3A_353 : i32 to index
      %swap3A_365 = tpu.vector_load %arg7[%swap3A_363, %swap3A_364] {strides = array<i32>} : memref<16x1024xf32, #tpu.memory_space<vmem>>, vector<1x16xf32>,
      %swap3A_366 = vector.shape_cast %swap3A_365 : vector<1x16xf32> to vector<16xf32>
      %swap3A_367 = vector.shape_cast %add3A_362 : vector<16xf32> to vector<1x16xf32>
      tpu.vector_store %arg7[%swap3A_363, %swap3A_364], %swap3A_367 {strides = array<i32>} : memref<16x1024xf32, #tpu.memory_space<vmem>>, vector<1x16xf32>,
      %mul3A_368 = arith.constant 4 : i32
      %mul3A_369 = arith.muli %sub3A_309, %mul3A_368 : i32
      %add3A_370 = arith.constant 3 : i32
      %add3A_371 = arith.addi %mul3A_369, %add3A_370 : i32
      %mul3A_372 = arith.constant 16 : i32
      %mul3A_373 = arith.muli %add3A_371, %mul3A_372 : i32
      %get3A_374 = arith.index_cast %select_n3A : i32 to index
      %get3A_375 = arith.index_cast %mul3A_373 : i32 to index
      %get3A_376 = tpu.vector_load %arg7[%get3A_374, %get3A_375] {strides = array<i32>} : memref<16x1024xf32, #tpu.memory_space<vmem>>, vector<1x16xf32>,
      %get3A_377 = vector.shape_cast %get3A_376 : vector<1x16xf32> to vector<16xf32>
      %get3A_378 = arith.index_cast %select_n3A : i32 to index
      %get3A_379 = arith.index_cast %mul3A_373 : i32 to index
      %get3A_380 = tpu.vector_load %arg8[%get3A_378, %get3A_379] {strides = array<i32>} : memref<16x1024xf32, #tpu.memory_space<vmem>>, vector<1x16xf32>,
      %get3A_381 = vector.shape_cast %get3A_380 : vector<1x16xf32> to vector<16xf32>
      %add3A_382 = arith.addf %get3A_377, %get3A_381 : vector<16xf32>
      %swap3A_383 = arith.index_cast %select_n3A : i32 to index
      %swap3A_384 = arith.index_cast %mul3A_373 : i32 to index
      %swap3A_385 = tpu.vector_load %arg7[%swap3A_383, %swap3A_384] {strides = array<i32>} : memref<16x1024xf32, #tpu.memory_space<vmem>>, vector<1x16xf32>,
      %swap3A_386 = vector.shape_cast %swap3A_385 : vector<1x16xf32> to vector<16xf32>
      %swap3A_387 = vector.shape_cast %add3A_382 : vector<16xf32> to vector<1x16xf32>
      tpu.vector_store %arg7[%swap3A_383, %swap3A_384], %swap3A_387 {strides = array<i32>} : memref<16x1024xf32, #tpu.memory_space<vmem>>, vector<1x16xf32>,
    }
    %scan3A_37 = arith.constant 256 : i32
    %add3A_38 = arith.constant 0 : i32
    %add3A_39 = arith.addi %mul3A_2, %add3A_38 : i32
    %dma_start3A_40 = arith.constant 0 : i32
    %dma_start3A_41 = tpu.memref_slice %arg4[%add3A_39, %dma_start3A_40] : memref<4096x1024xf32, #tpu.memory_space<hbm>> -> memref<16x1024xf32, #tpu.memory_space<hbm>>
    %dma_start3A_42 = arith.constant 0 : i32
    %dma_start3A_43 = tpu.memref_slice %arg4[%add3A_39, %dma_start3A_42] : memref<4096x1024xf32, #tpu.memory_space<hbm>> -> memref<16x1024xf32, #tpu.memory_space<hbm>>
    tpu.enqueue_dma source(%arg7 : memref<16x1024xf32, #tpu.memory_space<vmem>>) target(%dma_start3A_43 : memref<16x1024xf32, #tpu.memory_space<hbm>>) target_semaphore(%arg12 : memref<!tpu.dma_semaphore, #tpu.memory_space<semaphore_mem>>)
    %dma_wait3A_44 = arith.constant 16 : i32
    %dma_wait3A_45 = tpu.memref_slice %arg5[%dma_wait3A_44] : memref<128xi32, #tpu.memory_space<vmem>> -> memref<16xi32, #tpu.memory_space<vmem>>
    %dma_wait3A_46 = arith.constant 0 : i32
    %dma_wait3A_47 = arith.constant 0 : i32
    %dma_wait3A_48 = tpu.memref_slice %arg2[%dma_wait3A_46, %dma_wait3A_47] : memref<10240x1024xf32, #tpu.memory_space<hbm>> -> memref<10240x1024xf32, #tpu.memory_space<hbm>>
    tpu.wait_indirect_dma semaphore(%arg11 : memref<!tpu.dma_semaphore, #tpu.memory_space<semaphore_mem>>) src(%dma_wait3A_48 : memref<10240x1024xf32, #tpu.memory_space<hbm>>) dst(%arg9 : memref<16x1024xf32, #tpu.memory_space<vmem>>)
    %dma_wait3A_49 = arith.constant 16 : i32
    %dma_wait3A_50 = tpu.memref_slice %arg6[%dma_wait3A_49] : memref<128xi32, #tpu.memory_space<vmem>> -> memref<16xi32, #tpu.memory_space<vmem>>
    %dma_wait3A_51 = arith.constant 0 : i32
    %dma_wait3A_52 = arith.constant 0 : i32
    %dma_wait3A_53 = tpu.memref_slice %arg2[%dma_wait3A_51, %dma_wait3A_52] : memref<10240x1024xf32, #tpu.memory_space<hbm>> -> memref<10240x1024xf32, #tpu.memory_space<hbm>>
    tpu.wait_indirect_dma semaphore(%arg11 : memref<!tpu.dma_semaphore, #tpu.memory_space<semaphore_mem>>) src(%dma_wait3A_53 : memref<10240x1024xf32, #tpu.memory_space<hbm>>) dst(%arg10 : memref<16x1024xf32, #tpu.memory_space<vmem>>)
    %dma_wait3A_54 = arith.constant 0 : i32
    %dma_wait3A_55 = tpu.memref_slice %arg4[%add3A_39, %dma_wait3A_54] : memref<4096x1024xf32, #tpu.memory_space<hbm>> -> memref<16x1024xf32, #tpu.memory_space<hbm>>
    %dma_wait3A_56 = arith.constant 0 : i32
    %dma_wait3A_57 = tpu.memref_slice %arg4[%add3A_39, %dma_wait3A_56] : memref<4096x1024xf32, #tpu.memory_space<hbm>> -> memref<16x1024xf32, #tpu.memory_space<hbm>>
    tpu.wait_dma2 semaphore(%arg12 : memref<!tpu.dma_semaphore, #tpu.memory_space<semaphore_mem>>) src(%arg7 : memref<16x1024xf32, #tpu.memory_space<vmem>>) dst(%dma_wait3A_57 : memref<16x1024xf32, #tpu.memory_space<hbm>>)
    %dma_start3A_58 = arith.constant 32 : i32
    %dma_start3A_59 = tpu.memref_slice %arg5[%dma_start3A_58] : memref<128xi32, #tpu.memory_space<vmem>> -> memref<16xi32, #tpu.memory_space<vmem>>
    %dma_start3A_60 = arith.constant 0 : i32
    %dma_start3A_61 = arith.constant 0 : i32
    %dma_start3A_62 = tpu.memref_slice %arg2[%dma_start3A_60, %dma_start3A_61] : memref<10240x1024xf32, #tpu.memory_space<hbm>> -> memref<10240x1024xf32, #tpu.memory_space<hbm>>
    tpu.enqueue_indirect_dma source(%dma_start3A_62 : memref<10240x1024xf32, #tpu.memory_space<hbm>>) target(%arg7 : memref<16x1024xf32, #tpu.memory_space<vmem>>) offsets(%dma_start3A_59 : memref<16xi32, #tpu.memory_space<vmem>>) semaphore(%arg11 : memref<!tpu.dma_semaphore, #tpu.memory_space<semaphore_mem>>)
    %dma_start3A_63 = arith.constant 32 : i32
    %dma_start3A_64 = tpu.memref_slice %arg6[%dma_start3A_63] : memref<128xi32, #tpu.memory_space<vmem>> -> memref<16xi32, #tpu.memory_space<vmem>>
    %dma_start3A_65 = arith.constant 0 : i32
    %dma_start3A_66 = arith.constant 0 : i32
    %dma_start3A_67 = tpu.memref_slice %arg2[%dma_start3A_65, %dma_start3A_66] : memref<10240x1024xf32, #tpu.memory_space<hbm>> -> memref<10240x1024xf32, #tpu.memory_space<hbm>>
    tpu.enqueue_indirect_dma source(%dma_start3A_67 : memref<10240x1024xf32, #tpu.memory_space<hbm>>) target(%arg8 : memref<16x1024xf32, #tpu.memory_space<vmem>>) offsets(%dma_start3A_64 : memref<16xi32, #tpu.memory_space<vmem>>) semaphore(%arg11 : memref<!tpu.dma_semaphore, #tpu.memory_space<semaphore_mem>>)
    %scan3A_68 = arith.constant 0 : i32
    %scan3A_69 = arith.constant 0 : i32
    %scan3A_70 = arith.constant 256 : i32
    %scan3A_71 = arith.addi %scan3A_69, %scan3A_70 : i32
    %scan3A_72 = arith.constant 1 : i32
    scf.for %scan3A_290 = %scan3A_69 to %scan3A_71 step %scan3A_72  : i32 {
      %jit3A = arith.constant 16 : i32
      %div3A = arith.divsi %scan3A_290, %jit3A : i32
      %sign3A = arith.constant 0 : i32
      %sign3A_291 = arith.cmpi sgt, %scan3A_290, %sign3A : i32
      %sign3A_292 = arith.extui %sign3A_291 : i1 to i32
      %sign3A_293 = arith.constant 0 : i32
      %sign3A_294 = arith.cmpi slt, %scan3A_290, %sign3A_293 : i32
      %sign3A_295 = arith.extui %sign3A_294 : i1 to i32
      %sign3A_296 = arith.subi %sign3A_292, %sign3A_295 : i32
      %sign3A_297 = arith.constant 0 : i32
      %sign3A_298 = arith.cmpi sgt, %jit3A, %sign3A_297 : i32
      %sign3A_299 = arith.extui %sign3A_298 : i1 to i32
      %sign3A_300 = arith.constant 0 : i32
      %sign3A_301 = arith.cmpi slt, %jit3A, %sign3A_300 : i32
      %sign3A_302 = arith.extui %sign3A_301 : i1 to i32
      %sign3A_303 = arith.subi %sign3A_299, %sign3A_302 : i32
      %ne3A = arith.cmpi ne, %sign3A_296, %sign3A_303 : i32
      %rem3A = arith.remsi %scan3A_290, %jit3A : i32
      %ne3A_304 = arith.constant 0 : i32
      %ne3A_305 = arith.cmpi ne, %rem3A, %ne3A_304 : i32
      %and3A = arith.andi %ne3A, %ne3A_305 : i1
      %sub3A = arith.constant 1 : i32
      %sub3A_306 = arith.subi %div3A, %sub3A : i32
      %select_n3A = arith.select %and3A, %sub3A_306, %div3A : i32
      %mul3A_307 = arith.constant 16 : i32
      %mul3A_308 = arith.muli %select_n3A, %mul3A_307 : i32
      %sub3A_309 = arith.subi %scan3A_290, %mul3A_308 : i32
      %mul3A_310 = arith.constant 4 : i32
      %mul3A_311 = arith.muli %sub3A_309, %mul3A_310 : i32
      %add3A_312 = arith.constant 0 : i32
      %add3A_313 = arith.addi %mul3A_311, %add3A_312 : i32
      %mul3A_314 = arith.constant 16 : i32
      %mul3A_315 = arith.muli %add3A_313, %mul3A_314 : i32
      %get3A = arith.index_cast %select_n3A : i32 to index
      %get3A_316 = arith.index_cast %mul3A_315 : i32 to index
      %get3A_317 = tpu.vector_load %arg9[%get3A, %get3A_316] {strides = array<i32>} : memref<16x1024xf32, #tpu.memory_space<vmem>>, vector<1x16xf32>,
      %get3A_318 = vector.shape_cast %get3A_317 : vector<1x16xf32> to vector<16xf32>
      %get3A_319 = arith.index_cast %select_n3A : i32 to index
      %get3A_320 = arith.index_cast %mul3A_315 : i32 to index
      %get3A_321 = tpu.vector_load %arg10[%get3A_319, %get3A_320] {strides = array<i32>} : memref<16x1024xf32, #tpu.memory_space<vmem>>, vector<1x16xf32>,
      %get3A_322 = vector.shape_cast %get3A_321 : vector<1x16xf32> to vector<16xf32>
      %add3A_323 = arith.addf %get3A_318, %get3A_322 : vector<16xf32>
      %swap3A = arith.index_cast %select_n3A : i32 to index
      %swap3A_324 = arith.index_cast %mul3A_315 : i32 to index
      %swap3A_325 = tpu.vector_load %arg9[%swap3A, %swap3A_324] {strides = array<i32>} : memref<16x1024xf32, #tpu.memory_space<vmem>>, vector<1x16xf32>,
      %swap3A_326 = vector.shape_cast %swap3A_325 : vector<1x16xf32> to vector<16xf32>
      %swap3A_327 = vector.shape_cast %add3A_323 : vector<16xf32> to vector<1x16xf32>
      tpu.vector_store %arg9[%swap3A, %swap3A_324], %swap3A_327 {strides = array<i32>} : memref<16x1024xf32, #tpu.memory_space<vmem>>, vector<1x16xf32>,
      %mul3A_328 = arith.constant 4 : i32
      %mul3A_329 = arith.muli %sub3A_309, %mul3A_328 : i32
      %add3A_330 = arith.constant 1 : i32
      %add3A_331 = arith.addi %mul3A_329, %add3A_330 : i32
      %mul3A_332 = arith.constant 16 : i32
      %mul3A_333 = arith.muli %add3A_331, %mul3A_332 : i32
      %get3A_334 = arith.index_cast %select_n3A : i32 to index
      %get3A_335 = arith.index_cast %mul3A_333 : i32 to index
      %get3A_336 = tpu.vector_load %arg9[%get3A_334, %get3A_335] {strides = array<i32>} : memref<16x1024xf32, #tpu.memory_space<vmem>>, vector<1x16xf32>,
      %get3A_337 = vector.shape_cast %get3A_336 : vector<1x16xf32> to vector<16xf32>
      %get3A_338 = arith.index_cast %select_n3A : i32 to index
      %get3A_339 = arith.index_cast %mul3A_333 : i32 to index
      %get3A_340 = tpu.vector_load %arg10[%get3A_338, %get3A_339] {strides = array<i32>} : memref<16x1024xf32, #tpu.memory_space<vmem>>, vector<1x16xf32>,
      %get3A_341 = vector.shape_cast %get3A_340 : vector<1x16xf32> to vector<16xf32>
      %add3A_342 = arith.addf %get3A_337, %get3A_341 : vector<16xf32>
      %swap3A_343 = arith.index_cast %select_n3A : i32 to index
      %swap3A_344 = arith.index_cast %mul3A_333 : i32 to index
      %swap3A_345 = tpu.vector_load %arg9[%swap3A_343, %swap3A_344] {strides = array<i32>} : memref<16x1024xf32, #tpu.memory_space<vmem>>, vector<1x16xf32>,
      %swap3A_346 = vector.shape_cast %swap3A_345 : vector<1x16xf32> to vector<16xf32>
      %swap3A_347 = vector.shape_cast %add3A_342 : vector<16xf32> to vector<1x16xf32>
      tpu.vector_store %arg9[%swap3A_343, %swap3A_344], %swap3A_347 {strides = array<i32>} : memref<16x1024xf32, #tpu.memory_space<vmem>>, vector<1x16xf32>,
      %mul3A_348 = arith.constant 4 : i32
      %mul3A_349 = arith.muli %sub3A_309, %mul3A_348 : i32
      %add3A_350 = arith.constant 2 : i32
      %add3A_351 = arith.addi %mul3A_349, %add3A_350 : i32
      %mul3A_352 = arith.constant 16 : i32
      %mul3A_353 = arith.muli %add3A_351, %mul3A_352 : i32
      %get3A_354 = arith.index_cast %select_n3A : i32 to index
      %get3A_355 = arith.index_cast %mul3A_353 : i32 to index
      %get3A_356 = tpu.vector_load %arg9[%get3A_354, %get3A_355] {strides = array<i32>} : memref<16x1024xf32, #tpu.memory_space<vmem>>, vector<1x16xf32>,
      %get3A_357 = vector.shape_cast %get3A_356 : vector<1x16xf32> to vector<16xf32>
      %get3A_358 = arith.index_cast %select_n3A : i32 to index
      %get3A_359 = arith.index_cast %mul3A_353 : i32 to index
      %get3A_360 = tpu.vector_load %arg10[%get3A_358, %get3A_359] {strides = array<i32>} : memref<16x1024xf32, #tpu.memory_space<vmem>>, vector<1x16xf32>,
      %get3A_361 = vector.shape_cast %get3A_360 : vector<1x16xf32> to vector<16xf32>
      %add3A_362 = arith.addf %get3A_357, %get3A_361 : vector<16xf32>
      %swap3A_363 = arith.index_cast %select_n3A : i32 to index
      %swap3A_364 = arith.index_cast %mul3A_353 : i32 to index
      %swap3A_365 = tpu.vector_load %arg9[%swap3A_363, %swap3A_364] {strides = array<i32>} : memref<16x1024xf32, #tpu.memory_space<vmem>>, vector<1x16xf32>,
      %swap3A_366 = vector.shape_cast %swap3A_365 : vector<1x16xf32> to vector<16xf32>
      %swap3A_367 = vector.shape_cast %add3A_362 : vector<16xf32> to vector<1x16xf32>
      tpu.vector_store %arg9[%swap3A_363, %swap3A_364], %swap3A_367 {strides = array<i32>} : memref<16x1024xf32, #tpu.memory_space<vmem>>, vector<1x16xf32>,
      %mul3A_368 = arith.constant 4 : i32
      %mul3A_369 = arith.muli %sub3A_309, %mul3A_368 : i32
      %add3A_370 = arith.constant 3 : i32
      %add3A_371 = arith.addi %mul3A_369, %add3A_370 : i32
      %mul3A_372 = arith.constant 16 : i32
      %mul3A_373 = arith.muli %add3A_371, %mul3A_372 : i32
      %get3A_374 = arith.index_cast %select_n3A : i32 to index
      %get3A_375 = arith.index_cast %mul3A_373 : i32 to index
      %get3A_376 = tpu.vector_load %arg9[%get3A_374, %get3A_375] {strides = array<i32>} : memref<16x1024xf32, #tpu.memory_space<vmem>>, vector<1x16xf32>,
      %get3A_377 = vector.shape_cast %get3A_376 : vector<1x16xf32> to vector<16xf32>
      %get3A_378 = arith.index_cast %select_n3A : i32 to index
      %get3A_379 = arith.index_cast %mul3A_373 : i32 to index
      %get3A_380 = tpu.vector_load %arg10[%get3A_378, %get3A_379] {strides = array<i32>} : memref<16x1024xf32, #tpu.memory_space<vmem>>, vector<1x16xf32>,
      %get3A_381 = vector.shape_cast %get3A_380 : vector<1x16xf32> to vector<16xf32>
      %add3A_382 = arith.addf %get3A_377, %get3A_381 : vector<16xf32>
      %swap3A_383 = arith.index_cast %select_n3A : i32 to index
      %swap3A_384 = arith.index_cast %mul3A_373 : i32 to index
      %swap3A_385 = tpu.vector_load %arg9[%swap3A_383, %swap3A_384] {strides = array<i32>} : memref<16x1024xf32, #tpu.memory_space<vmem>>, vector<1x16xf32>,
      %swap3A_386 = vector.shape_cast %swap3A_385 : vector<1x16xf32> to vector<16xf32>
      %swap3A_387 = vector.shape_cast %add3A_382 : vector<16xf32> to vector<1x16xf32>
      tpu.vector_store %arg9[%swap3A_383, %swap3A_384], %swap3A_387 {strides = array<i32>} : memref<16x1024xf32, #tpu.memory_space<vmem>>, vector<1x16xf32>,
    }
    %scan3A_73 = arith.constant 256 : i32
    %add3A_74 = arith.constant 16 : i32
    %add3A_75 = arith.addi %mul3A_2, %add3A_74 : i32
    %dma_start3A_76 = arith.constant 0 : i32
    %dma_start3A_77 = tpu.memref_slice %arg4[%add3A_75, %dma_start3A_76] : memref<4096x1024xf32, #tpu.memory_space<hbm>> -> memref<16x1024xf32, #tpu.memory_space<hbm>>
    %dma_start3A_78 = arith.constant 0 : i32
    %dma_start3A_79 = tpu.memref_slice %arg4[%add3A_75, %dma_start3A_78] : memref<4096x1024xf32, #tpu.memory_space<hbm>> -> memref<16x1024xf32, #tpu.memory_space<hbm>>
    tpu.enqueue_dma source(%arg9 : memref<16x1024xf32, #tpu.memory_space<vmem>>) target(%dma_start3A_79 : memref<16x1024xf32, #tpu.memory_space<hbm>>) target_semaphore(%arg12 : memref<!tpu.dma_semaphore, #tpu.memory_space<semaphore_mem>>)
    %dma_wait3A_80 = arith.constant 32 : i32
    %dma_wait3A_81 = tpu.memref_slice %arg5[%dma_wait3A_80] : memref<128xi32, #tpu.memory_space<vmem>> -> memref<16xi32, #tpu.memory_space<vmem>>
    %dma_wait3A_82 = arith.constant 0 : i32
    %dma_wait3A_83 = arith.constant 0 : i32
    %dma_wait3A_84 = tpu.memref_slice %arg2[%dma_wait3A_82, %dma_wait3A_83] : memref<10240x1024xf32, #tpu.memory_space<hbm>> -> memref<10240x1024xf32, #tpu.memory_space<hbm>>
    tpu.wait_indirect_dma semaphore(%arg11 : memref<!tpu.dma_semaphore, #tpu.memory_space<semaphore_mem>>) src(%dma_wait3A_84 : memref<10240x1024xf32, #tpu.memory_space<hbm>>) dst(%arg7 : memref<16x1024xf32, #tpu.memory_space<vmem>>)
    %dma_wait3A_85 = arith.constant 32 : i32
    %dma_wait3A_86 = tpu.memref_slice %arg6[%dma_wait3A_85] : memref<128xi32, #tpu.memory_space<vmem>> -> memref<16xi32, #tpu.memory_space<vmem>>
    %dma_wait3A_87 = arith.constant 0 : i32
    %dma_wait3A_88 = arith.constant 0 : i32
    %dma_wait3A_89 = tpu.memref_slice %arg2[%dma_wait3A_87, %dma_wait3A_88] : memref<10240x1024xf32, #tpu.memory_space<hbm>> -> memref<10240x1024xf32, #tpu.memory_space<hbm>>
    tpu.wait_indirect_dma semaphore(%arg11 : memref<!tpu.dma_semaphore, #tpu.memory_space<semaphore_mem>>) src(%dma_wait3A_89 : memref<10240x1024xf32, #tpu.memory_space<hbm>>) dst(%arg8 : memref<16x1024xf32, #tpu.memory_space<vmem>>)
    %dma_wait3A_90 = arith.constant 0 : i32
    %dma_wait3A_91 = tpu.memref_slice %arg4[%add3A_75, %dma_wait3A_90] : memref<4096x1024xf32, #tpu.memory_space<hbm>> -> memref<16x1024xf32, #tpu.memory_space<hbm>>
    %dma_wait3A_92 = arith.constant 0 : i32
    %dma_wait3A_93 = tpu.memref_slice %arg4[%add3A_75, %dma_wait3A_92] : memref<4096x1024xf32, #tpu.memory_space<hbm>> -> memref<16x1024xf32, #tpu.memory_space<hbm>>
    tpu.wait_dma2 semaphore(%arg12 : memref<!tpu.dma_semaphore, #tpu.memory_space<semaphore_mem>>) src(%arg9 : memref<16x1024xf32, #tpu.memory_space<vmem>>) dst(%dma_wait3A_93 : memref<16x1024xf32, #tpu.memory_space<hbm>>)
    %dma_start3A_94 = arith.constant 48 : i32
    %dma_start3A_95 = tpu.memref_slice %arg5[%dma_start3A_94] : memref<128xi32, #tpu.memory_space<vmem>> -> memref<16xi32, #tpu.memory_space<vmem>>
    %dma_start3A_96 = arith.constant 0 : i32
    %dma_start3A_97 = arith.constant 0 : i32
    %dma_start3A_98 = tpu.memref_slice %arg2[%dma_start3A_96, %dma_start3A_97] : memref<10240x1024xf32, #tpu.memory_space<hbm>> -> memref<10240x1024xf32, #tpu.memory_space<hbm>>
    tpu.enqueue_indirect_dma source(%dma_start3A_98 : memref<10240x1024xf32, #tpu.memory_space<hbm>>) target(%arg9 : memref<16x1024xf32, #tpu.memory_space<vmem>>) offsets(%dma_start3A_95 : memref<16xi32, #tpu.memory_space<vmem>>) semaphore(%arg11 : memref<!tpu.dma_semaphore, #tpu.memory_space<semaphore_mem>>)
    %dma_start3A_99 = arith.constant 48 : i32
    %dma_start3A_100 = tpu.memref_slice %arg6[%dma_start3A_99] : memref<128xi32, #tpu.memory_space<vmem>> -> memref<16xi32, #tpu.memory_space<vmem>>
    %dma_start3A_101 = arith.constant 0 : i32
    %dma_start3A_102 = arith.constant 0 : i32
    %dma_start3A_103 = tpu.memref_slice %arg2[%dma_start3A_101, %dma_start3A_102] : memref<10240x1024xf32, #tpu.memory_space<hbm>> -> memref<10240x1024xf32, #tpu.memory_space<hbm>>
    tpu.enqueue_indirect_dma source(%dma_start3A_103 : memref<10240x1024xf32, #tpu.memory_space<hbm>>) target(%arg10 : memref<16x1024xf32, #tpu.memory_space<vmem>>) offsets(%dma_start3A_100 : memref<16xi32, #tpu.memory_space<vmem>>) semaphore(%arg11 : memref<!tpu.dma_semaphore, #tpu.memory_space<semaphore_mem>>)
    %scan3A_104 = arith.constant 0 : i32
    %scan3A_105 = arith.constant 0 : i32
    %scan3A_106 = arith.constant 256 : i32
    %scan3A_107 = arith.addi %scan3A_105, %scan3A_106 : i32
    %scan3A_108 = arith.constant 1 : i32
    scf.for %scan3A_290 = %scan3A_105 to %scan3A_107 step %scan3A_108  : i32 {
      %jit3A = arith.constant 16 : i32
      %div3A = arith.divsi %scan3A_290, %jit3A : i32
      %sign3A = arith.constant 0 : i32
      %sign3A_291 = arith.cmpi sgt, %scan3A_290, %sign3A : i32
      %sign3A_292 = arith.extui %sign3A_291 : i1 to i32
      %sign3A_293 = arith.constant 0 : i32
      %sign3A_294 = arith.cmpi slt, %scan3A_290, %sign3A_293 : i32
      %sign3A_295 = arith.extui %sign3A_294 : i1 to i32
      %sign3A_296 = arith.subi %sign3A_292, %sign3A_295 : i32
      %sign3A_297 = arith.constant 0 : i32
      %sign3A_298 = arith.cmpi sgt, %jit3A, %sign3A_297 : i32
      %sign3A_299 = arith.extui %sign3A_298 : i1 to i32
      %sign3A_300 = arith.constant 0 : i32
      %sign3A_301 = arith.cmpi slt, %jit3A, %sign3A_300 : i32
      %sign3A_302 = arith.extui %sign3A_301 : i1 to i32
      %sign3A_303 = arith.subi %sign3A_299, %sign3A_302 : i32
      %ne3A = arith.cmpi ne, %sign3A_296, %sign3A_303 : i32
      %rem3A = arith.remsi %scan3A_290, %jit3A : i32
      %ne3A_304 = arith.constant 0 : i32
      %ne3A_305 = arith.cmpi ne, %rem3A, %ne3A_304 : i32
      %and3A = arith.andi %ne3A, %ne3A_305 : i1
      %sub3A = arith.constant 1 : i32
      %sub3A_306 = arith.subi %div3A, %sub3A : i32
      %select_n3A = arith.select %and3A, %sub3A_306, %div3A : i32
      %mul3A_307 = arith.constant 16 : i32
      %mul3A_308 = arith.muli %select_n3A, %mul3A_307 : i32
      %sub3A_309 = arith.subi %scan3A_290, %mul3A_308 : i32
      %mul3A_310 = arith.constant 4 : i32
      %mul3A_311 = arith.muli %sub3A_309, %mul3A_310 : i32
      %add3A_312 = arith.constant 0 : i32
      %add3A_313 = arith.addi %mul3A_311, %add3A_312 : i32
      %mul3A_314 = arith.constant 16 : i32
      %mul3A_315 = arith.muli %add3A_313, %mul3A_314 : i32
      %get3A = arith.index_cast %select_n3A : i32 to index
      %get3A_316 = arith.index_cast %mul3A_315 : i32 to index
      %get3A_317 = tpu.vector_load %arg7[%get3A, %get3A_316] {strides = array<i32>} : memref<16x1024xf32, #tpu.memory_space<vmem>>, vector<1x16xf32>,
      %get3A_318 = vector.shape_cast %get3A_317 : vector<1x16xf32> to vector<16xf32>
      %get3A_319 = arith.index_cast %select_n3A : i32 to index
      %get3A_320 = arith.index_cast %mul3A_315 : i32 to index
      %get3A_321 = tpu.vector_load %arg8[%get3A_319, %get3A_320] {strides = array<i32>} : memref<16x1024xf32, #tpu.memory_space<vmem>>, vector<1x16xf32>,
      %get3A_322 = vector.shape_cast %get3A_321 : vector<1x16xf32> to vector<16xf32>
      %add3A_323 = arith.addf %get3A_318, %get3A_322 : vector<16xf32>
      %swap3A = arith.index_cast %select_n3A : i32 to index
      %swap3A_324 = arith.index_cast %mul3A_315 : i32 to index
      %swap3A_325 = tpu.vector_load %arg7[%swap3A, %swap3A_324] {strides = array<i32>} : memref<16x1024xf32, #tpu.memory_space<vmem>>, vector<1x16xf32>,
      %swap3A_326 = vector.shape_cast %swap3A_325 : vector<1x16xf32> to vector<16xf32>
      %swap3A_327 = vector.shape_cast %add3A_323 : vector<16xf32> to vector<1x16xf32>
      tpu.vector_store %arg7[%swap3A, %swap3A_324], %swap3A_327 {strides = array<i32>} : memref<16x1024xf32, #tpu.memory_space<vmem>>, vector<1x16xf32>,
      %mul3A_328 = arith.constant 4 : i32
      %mul3A_329 = arith.muli %sub3A_309, %mul3A_328 : i32
      %add3A_330 = arith.constant 1 : i32
      %add3A_331 = arith.addi %mul3A_329, %add3A_330 : i32
      %mul3A_332 = arith.constant 16 : i32
      %mul3A_333 = arith.muli %add3A_331, %mul3A_332 : i32
      %get3A_334 = arith.index_cast %select_n3A : i32 to index
      %get3A_335 = arith.index_cast %mul3A_333 : i32 to index
      %get3A_336 = tpu.vector_load %arg7[%get3A_334, %get3A_335] {strides = array<i32>} : memref<16x1024xf32, #tpu.memory_space<vmem>>, vector<1x16xf32>,
      %get3A_337 = vector.shape_cast %get3A_336 : vector<1x16xf32> to vector<16xf32>
      %get3A_338 = arith.index_cast %select_n3A : i32 to index
      %get3A_339 = arith.index_cast %mul3A_333 : i32 to index
      %get3A_340 = tpu.vector_load %arg8[%get3A_338, %get3A_339] {strides = array<i32>} : memref<16x1024xf32, #tpu.memory_space<vmem>>, vector<1x16xf32>,
      %get3A_341 = vector.shape_cast %get3A_340 : vector<1x16xf32> to vector<16xf32>
      %add3A_342 = arith.addf %get3A_337, %get3A_341 : vector<16xf32>
      %swap3A_343 = arith.index_cast %select_n3A : i32 to index
      %swap3A_344 = arith.index_cast %mul3A_333 : i32 to index
      %swap3A_345 = tpu.vector_load %arg7[%swap3A_343, %swap3A_344] {strides = array<i32>} : memref<16x1024xf32, #tpu.memory_space<vmem>>, vector<1x16xf32>,
      %swap3A_346 = vector.shape_cast %swap3A_345 : vector<1x16xf32> to vector<16xf32>
      %swap3A_347 = vector.shape_cast %add3A_342 : vector<16xf32> to vector<1x16xf32>
      tpu.vector_store %arg7[%swap3A_343, %swap3A_344], %swap3A_347 {strides = array<i32>} : memref<16x1024xf32, #tpu.memory_space<vmem>>, vector<1x16xf32>,
      %mul3A_348 = arith.constant 4 : i32
      %mul3A_349 = arith.muli %sub3A_309, %mul3A_348 : i32
      %add3A_350 = arith.constant 2 : i32
      %add3A_351 = arith.addi %mul3A_349, %add3A_350 : i32
      %mul3A_352 = arith.constant 16 : i32
      %mul3A_353 = arith.muli %add3A_351, %mul3A_352 : i32
      %get3A_354 = arith.index_cast %select_n3A : i32 to index
      %get3A_355 = arith.index_cast %mul3A_353 : i32 to index
      %get3A_356 = tpu.vector_load %arg7[%get3A_354, %get3A_355] {strides = array<i32>} : memref<16x1024xf32, #tpu.memory_space<vmem>>, vector<1x16xf32>,
      %get3A_357 = vector.shape_cast %get3A_356 : vector<1x16xf32> to vector<16xf32>
      %get3A_358 = arith.index_cast %select_n3A : i32 to index
      %get3A_359 = arith.index_cast %mul3A_353 : i32 to index
      %get3A_360 = tpu.vector_load %arg8[%get3A_358, %get3A_359] {strides = array<i32>} : memref<16x1024xf32, #tpu.memory_space<vmem>>, vector<1x16xf32>,
      %get3A_361 = vector.shape_cast %get3A_360 : vector<1x16xf32> to vector<16xf32>
      %add3A_362 = arith.addf %get3A_357, %get3A_361 : vector<16xf32>
      %swap3A_363 = arith.index_cast %select_n3A : i32 to index
      %swap3A_364 = arith.index_cast %mul3A_353 : i32 to index
      %swap3A_365 = tpu.vector_load %arg7[%swap3A_363, %swap3A_364] {strides = array<i32>} : memref<16x1024xf32, #tpu.memory_space<vmem>>, vector<1x16xf32>,
      %swap3A_366 = vector.shape_cast %swap3A_365 : vector<1x16xf32> to vector<16xf32>
      %swap3A_367 = vector.shape_cast %add3A_362 : vector<16xf32> to vector<1x16xf32>
      tpu.vector_store %arg7[%swap3A_363, %swap3A_364], %swap3A_367 {strides = array<i32>} : memref<16x1024xf32, #tpu.memory_space<vmem>>, vector<1x16xf32>,
      %mul3A_368 = arith.constant 4 : i32
      %mul3A_369 = arith.muli %sub3A_309, %mul3A_368 : i32
      %add3A_370 = arith.constant 3 : i32
      %add3A_371 = arith.addi %mul3A_369, %add3A_370 : i32
      %mul3A_372 = arith.constant 16 : i32
      %mul3A_373 = arith.muli %add3A_371, %mul3A_372 : i32
      %get3A_374 = arith.index_cast %select_n3A : i32 to index
      %get3A_375 = arith.index_cast %mul3A_373 : i32 to index
      %get3A_376 = tpu.vector_load %arg7[%get3A_374, %get3A_375] {strides = array<i32>} : memref<16x1024xf32, #tpu.memory_space<vmem>>, vector<1x16xf32>,
      %get3A_377 = vector.shape_cast %get3A_376 : vector<1x16xf32> to vector<16xf32>
      %get3A_378 = arith.index_cast %select_n3A : i32 to index
      %get3A_379 = arith.index_cast %mul3A_373 : i32 to index
      %get3A_380 = tpu.vector_load %arg8[%get3A_378, %get3A_379] {strides = array<i32>} : memref<16x1024xf32, #tpu.memory_space<vmem>>, vector<1x16xf32>,
      %get3A_381 = vector.shape_cast %get3A_380 : vector<1x16xf32> to vector<16xf32>
      %add3A_382 = arith.addf %get3A_377, %get3A_381 : vector<16xf32>
      %swap3A_383 = arith.index_cast %select_n3A : i32 to index
      %swap3A_384 = arith.index_cast %mul3A_373 : i32 to index
      %swap3A_385 = tpu.vector_load %arg7[%swap3A_383, %swap3A_384] {strides = array<i32>} : memref<16x1024xf32, #tpu.memory_space<vmem>>, vector<1x16xf32>,
      %swap3A_386 = vector.shape_cast %swap3A_385 : vector<1x16xf32> to vector<16xf32>
      %swap3A_387 = vector.shape_cast %add3A_382 : vector<16xf32> to vector<1x16xf32>
      tpu.vector_store %arg7[%swap3A_383, %swap3A_384], %swap3A_387 {strides = array<i32>} : memref<16x1024xf32, #tpu.memory_space<vmem>>, vector<1x16xf32>,
    }
    %scan3A_109 = arith.constant 256 : i32
    %add3A_110 = arith.constant 32 : i32
    %add3A_111 = arith.addi %mul3A_2, %add3A_110 : i32
    %dma_start3A_112 = arith.constant 0 : i32
    %dma_start3A_113 = tpu.memref_slice %arg4[%add3A_111, %dma_start3A_112] : memref<4096x1024xf32, #tpu.memory_space<hbm>> -> memref<16x1024xf32, #tpu.memory_space<hbm>>
    %dma_start3A_114 = arith.constant 0 : i32
    %dma_start3A_115 = tpu.memref_slice %arg4[%add3A_111, %dma_start3A_114] : memref<4096x1024xf32, #tpu.memory_space<hbm>> -> memref<16x1024xf32, #tpu.memory_space<hbm>>
    tpu.enqueue_dma source(%arg7 : memref<16x1024xf32, #tpu.memory_space<vmem>>) target(%dma_start3A_115 : memref<16x1024xf32, #tpu.memory_space<hbm>>) target_semaphore(%arg12 : memref<!tpu.dma_semaphore, #tpu.memory_space<semaphore_mem>>)
    %dma_wait3A_116 = arith.constant 48 : i32
    %dma_wait3A_117 = tpu.memref_slice %arg5[%dma_wait3A_116] : memref<128xi32, #tpu.memory_space<vmem>> -> memref<16xi32, #tpu.memory_space<vmem>>
    %dma_wait3A_118 = arith.constant 0 : i32
    %dma_wait3A_119 = arith.constant 0 : i32
    %dma_wait3A_120 = tpu.memref_slice %arg2[%dma_wait3A_118, %dma_wait3A_119] : memref<10240x1024xf32, #tpu.memory_space<hbm>> -> memref<10240x1024xf32, #tpu.memory_space<hbm>>
    tpu.wait_indirect_dma semaphore(%arg11 : memref<!tpu.dma_semaphore, #tpu.memory_space<semaphore_mem>>) src(%dma_wait3A_120 : memref<10240x1024xf32, #tpu.memory_space<hbm>>) dst(%arg9 : memref<16x1024xf32, #tpu.memory_space<vmem>>)
    %dma_wait3A_121 = arith.constant 48 : i32
    %dma_wait3A_122 = tpu.memref_slice %arg6[%dma_wait3A_121] : memref<128xi32, #tpu.memory_space<vmem>> -> memref<16xi32, #tpu.memory_space<vmem>>
    %dma_wait3A_123 = arith.constant 0 : i32
    %dma_wait3A_124 = arith.constant 0 : i32
    %dma_wait3A_125 = tpu.memref_slice %arg2[%dma_wait3A_123, %dma_wait3A_124] : memref<10240x1024xf32, #tpu.memory_space<hbm>> -> memref<10240x1024xf32, #tpu.memory_space<hbm>>
    tpu.wait_indirect_dma semaphore(%arg11 : memref<!tpu.dma_semaphore, #tpu.memory_space<semaphore_mem>>) src(%dma_wait3A_125 : memref<10240x1024xf32, #tpu.memory_space<hbm>>) dst(%arg10 : memref<16x1024xf32, #tpu.memory_space<vmem>>)
    %dma_wait3A_126 = arith.constant 0 : i32
    %dma_wait3A_127 = tpu.memref_slice %arg4[%add3A_111, %dma_wait3A_126] : memref<4096x1024xf32, #tpu.memory_space<hbm>> -> memref<16x1024xf32, #tpu.memory_space<hbm>>
    %dma_wait3A_128 = arith.constant 0 : i32
    %dma_wait3A_129 = tpu.memref_slice %arg4[%add3A_111, %dma_wait3A_128] : memref<4096x1024xf32, #tpu.memory_space<hbm>> -> memref<16x1024xf32, #tpu.memory_space<hbm>>
    tpu.wait_dma2 semaphore(%arg12 : memref<!tpu.dma_semaphore, #tpu.memory_space<semaphore_mem>>) src(%arg7 : memref<16x1024xf32, #tpu.memory_space<vmem>>) dst(%dma_wait3A_129 : memref<16x1024xf32, #tpu.memory_space<hbm>>)
    %dma_start3A_130 = arith.constant 64 : i32
    %dma_start3A_131 = tpu.memref_slice %arg5[%dma_start3A_130] : memref<128xi32, #tpu.memory_space<vmem>> -> memref<16xi32, #tpu.memory_space<vmem>>
    %dma_start3A_132 = arith.constant 0 : i32
    %dma_start3A_133 = arith.constant 0 : i32
    %dma_start3A_134 = tpu.memref_slice %arg2[%dma_start3A_132, %dma_start3A_133] : memref<10240x1024xf32, #tpu.memory_space<hbm>> -> memref<10240x1024xf32, #tpu.memory_space<hbm>>
    tpu.enqueue_indirect_dma source(%dma_start3A_134 : memref<10240x1024xf32, #tpu.memory_space<hbm>>) target(%arg7 : memref<16x1024xf32, #tpu.memory_space<vmem>>) offsets(%dma_start3A_131 : memref<16xi32, #tpu.memory_space<vmem>>) semaphore(%arg11 : memref<!tpu.dma_semaphore, #tpu.memory_space<semaphore_mem>>)
    %dma_start3A_135 = arith.constant 64 : i32
    %dma_start3A_136 = tpu.memref_slice %arg6[%dma_start3A_135] : memref<128xi32, #tpu.memory_space<vmem>> -> memref<16xi32, #tpu.memory_space<vmem>>
    %dma_start3A_137 = arith.constant 0 : i32
    %dma_start3A_138 = arith.constant 0 : i32
    %dma_start3A_139 = tpu.memref_slice %arg2[%dma_start3A_137, %dma_start3A_138] : memref<10240x1024xf32, #tpu.memory_space<hbm>> -> memref<10240x1024xf32, #tpu.memory_space<hbm>>
    tpu.enqueue_indirect_dma source(%dma_start3A_139 : memref<10240x1024xf32, #tpu.memory_space<hbm>>) target(%arg8 : memref<16x1024xf32, #tpu.memory_space<vmem>>) offsets(%dma_start3A_136 : memref<16xi32, #tpu.memory_space<vmem>>) semaphore(%arg11 : memref<!tpu.dma_semaphore, #tpu.memory_space<semaphore_mem>>)
    %scan3A_140 = arith.constant 0 : i32
    %scan3A_141 = arith.constant 0 : i32
    %scan3A_142 = arith.constant 256 : i32
    %scan3A_143 = arith.addi %scan3A_141, %scan3A_142 : i32
    %scan3A_144 = arith.constant 1 : i32
    scf.for %scan3A_290 = %scan3A_141 to %scan3A_143 step %scan3A_144  : i32 {
      %jit3A = arith.constant 16 : i32
      %div3A = arith.divsi %scan3A_290, %jit3A : i32
      %sign3A = arith.constant 0 : i32
      %sign3A_291 = arith.cmpi sgt, %scan3A_290, %sign3A : i32
      %sign3A_292 = arith.extui %sign3A_291 : i1 to i32
      %sign3A_293 = arith.constant 0 : i32
      %sign3A_294 = arith.cmpi slt, %scan3A_290, %sign3A_293 : i32
      %sign3A_295 = arith.extui %sign3A_294 : i1 to i32
      %sign3A_296 = arith.subi %sign3A_292, %sign3A_295 : i32
      %sign3A_297 = arith.constant 0 : i32
      %sign3A_298 = arith.cmpi sgt, %jit3A, %sign3A_297 : i32
      %sign3A_299 = arith.extui %sign3A_298 : i1 to i32
      %sign3A_300 = arith.constant 0 : i32
      %sign3A_301 = arith.cmpi slt, %jit3A, %sign3A_300 : i32
      %sign3A_302 = arith.extui %sign3A_301 : i1 to i32
      %sign3A_303 = arith.subi %sign3A_299, %sign3A_302 : i32
      %ne3A = arith.cmpi ne, %sign3A_296, %sign3A_303 : i32
      %rem3A = arith.remsi %scan3A_290, %jit3A : i32
      %ne3A_304 = arith.constant 0 : i32
      %ne3A_305 = arith.cmpi ne, %rem3A, %ne3A_304 : i32
      %and3A = arith.andi %ne3A, %ne3A_305 : i1
      %sub3A = arith.constant 1 : i32
      %sub3A_306 = arith.subi %div3A, %sub3A : i32
      %select_n3A = arith.select %and3A, %sub3A_306, %div3A : i32
      %mul3A_307 = arith.constant 16 : i32
      %mul3A_308 = arith.muli %select_n3A, %mul3A_307 : i32
      %sub3A_309 = arith.subi %scan3A_290, %mul3A_308 : i32
      %mul3A_310 = arith.constant 4 : i32
      %mul3A_311 = arith.muli %sub3A_309, %mul3A_310 : i32
      %add3A_312 = arith.constant 0 : i32
      %add3A_313 = arith.addi %mul3A_311, %add3A_312 : i32
      %mul3A_314 = arith.constant 16 : i32
      %mul3A_315 = arith.muli %add3A_313, %mul3A_314 : i32
      %get3A = arith.index_cast %select_n3A : i32 to index
      %get3A_316 = arith.index_cast %mul3A_315 : i32 to index
      %get3A_317 = tpu.vector_load %arg9[%get3A, %get3A_316] {strides = array<i32>} : memref<16x1024xf32, #tpu.memory_space<vmem>>, vector<1x16xf32>,
      %get3A_318 = vector.shape_cast %get3A_317 : vector<1x16xf32> to vector<16xf32>
      %get3A_319 = arith.index_cast %select_n3A : i32 to index
      %get3A_320 = arith.index_cast %mul3A_315 : i32 to index
      %get3A_321 = tpu.vector_load %arg10[%get3A_319, %get3A_320] {strides = array<i32>} : memref<16x1024xf32, #tpu.memory_space<vmem>>, vector<1x16xf32>,
      %get3A_322 = vector.shape_cast %get3A_321 : vector<1x16xf32> to vector<16xf32>
      %add3A_323 = arith.addf %get3A_318, %get3A_322 : vector<16xf32>
      %swap3A = arith.index_cast %select_n3A : i32 to index
      %swap3A_324 = arith.index_cast %mul3A_315 : i32 to index
      %swap3A_325 = tpu.vector_load %arg9[%swap3A, %swap3A_324] {strides = array<i32>} : memref<16x1024xf32, #tpu.memory_space<vmem>>, vector<1x16xf32>,
      %swap3A_326 = vector.shape_cast %swap3A_325 : vector<1x16xf32> to vector<16xf32>
      %swap3A_327 = vector.shape_cast %add3A_323 : vector<16xf32> to vector<1x16xf32>
      tpu.vector_store %arg9[%swap3A, %swap3A_324], %swap3A_327 {strides = array<i32>} : memref<16x1024xf32, #tpu.memory_space<vmem>>, vector<1x16xf32>,
      %mul3A_328 = arith.constant 4 : i32
      %mul3A_329 = arith.muli %sub3A_309, %mul3A_328 : i32
      %add3A_330 = arith.constant 1 : i32
      %add3A_331 = arith.addi %mul3A_329, %add3A_330 : i32
      %mul3A_332 = arith.constant 16 : i32
      %mul3A_333 = arith.muli %add3A_331, %mul3A_332 : i32
      %get3A_334 = arith.index_cast %select_n3A : i32 to index
      %get3A_335 = arith.index_cast %mul3A_333 : i32 to index
      %get3A_336 = tpu.vector_load %arg9[%get3A_334, %get3A_335] {strides = array<i32>} : memref<16x1024xf32, #tpu.memory_space<vmem>>, vector<1x16xf32>,
      %get3A_337 = vector.shape_cast %get3A_336 : vector<1x16xf32> to vector<16xf32>
      %get3A_338 = arith.index_cast %select_n3A : i32 to index
      %get3A_339 = arith.index_cast %mul3A_333 : i32 to index
      %get3A_340 = tpu.vector_load %arg10[%get3A_338, %get3A_339] {strides = array<i32>} : memref<16x1024xf32, #tpu.memory_space<vmem>>, vector<1x16xf32>,
      %get3A_341 = vector.shape_cast %get3A_340 : vector<1x16xf32> to vector<16xf32>
      %add3A_342 = arith.addf %get3A_337, %get3A_341 : vector<16xf32>
      %swap3A_343 = arith.index_cast %select_n3A : i32 to index
      %swap3A_344 = arith.index_cast %mul3A_333 : i32 to index
      %swap3A_345 = tpu.vector_load %arg9[%swap3A_343, %swap3A_344] {strides = array<i32>} : memref<16x1024xf32, #tpu.memory_space<vmem>>, vector<1x16xf32>,
      %swap3A_346 = vector.shape_cast %swap3A_345 : vector<1x16xf32> to vector<16xf32>
      %swap3A_347 = vector.shape_cast %add3A_342 : vector<16xf32> to vector<1x16xf32>
      tpu.vector_store %arg9[%swap3A_343, %swap3A_344], %swap3A_347 {strides = array<i32>} : memref<16x1024xf32, #tpu.memory_space<vmem>>, vector<1x16xf32>,
      %mul3A_348 = arith.constant 4 : i32
      %mul3A_349 = arith.muli %sub3A_309, %mul3A_348 : i32
      %add3A_350 = arith.constant 2 : i32
      %add3A_351 = arith.addi %mul3A_349, %add3A_350 : i32
      %mul3A_352 = arith.constant 16 : i32
      %mul3A_353 = arith.muli %add3A_351, %mul3A_352 : i32
      %get3A_354 = arith.index_cast %select_n3A : i32 to index
      %get3A_355 = arith.index_cast %mul3A_353 : i32 to index
      %get3A_356 = tpu.vector_load %arg9[%get3A_354, %get3A_355] {strides = array<i32>} : memref<16x1024xf32, #tpu.memory_space<vmem>>, vector<1x16xf32>,
      %get3A_357 = vector.shape_cast %get3A_356 : vector<1x16xf32> to vector<16xf32>
      %get3A_358 = arith.index_cast %select_n3A : i32 to index
      %get3A_359 = arith.index_cast %mul3A_353 : i32 to index
      %get3A_360 = tpu.vector_load %arg10[%get3A_358, %get3A_359] {strides = array<i32>} : memref<16x1024xf32, #tpu.memory_space<vmem>>, vector<1x16xf32>,
      %get3A_361 = vector.shape_cast %get3A_360 : vector<1x16xf32> to vector<16xf32>
      %add3A_362 = arith.addf %get3A_357, %get3A_361 : vector<16xf32>
      %swap3A_363 = arith.index_cast %select_n3A : i32 to index
      %swap3A_364 = arith.index_cast %mul3A_353 : i32 to index
      %swap3A_365 = tpu.vector_load %arg9[%swap3A_363, %swap3A_364] {strides = array<i32>} : memref<16x1024xf32, #tpu.memory_space<vmem>>, vector<1x16xf32>,
      %swap3A_366 = vector.shape_cast %swap3A_365 : vector<1x16xf32> to vector<16xf32>
      %swap3A_367 = vector.shape_cast %add3A_362 : vector<16xf32> to vector<1x16xf32>
      tpu.vector_store %arg9[%swap3A_363, %swap3A_364], %swap3A_367 {strides = array<i32>} : memref<16x1024xf32, #tpu.memory_space<vmem>>, vector<1x16xf32>,
      %mul3A_368 = arith.constant 4 : i32
      %mul3A_369 = arith.muli %sub3A_309, %mul3A_368 : i32
      %add3A_370 = arith.constant 3 : i32
      %add3A_371 = arith.addi %mul3A_369, %add3A_370 : i32
      %mul3A_372 = arith.constant 16 : i32
      %mul3A_373 = arith.muli %add3A_371, %mul3A_372 : i32
      %get3A_374 = arith.index_cast %select_n3A : i32 to index
      %get3A_375 = arith.index_cast %mul3A_373 : i32 to index
      %get3A_376 = tpu.vector_load %arg9[%get3A_374, %get3A_375] {strides = array<i32>} : memref<16x1024xf32, #tpu.memory_space<vmem>>, vector<1x16xf32>,
      %get3A_377 = vector.shape_cast %get3A_376 : vector<1x16xf32> to vector<16xf32>
      %get3A_378 = arith.index_cast %select_n3A : i32 to index
      %get3A_379 = arith.index_cast %mul3A_373 : i32 to index
      %get3A_380 = tpu.vector_load %arg10[%get3A_378, %get3A_379] {strides = array<i32>} : memref<16x1024xf32, #tpu.memory_space<vmem>>, vector<1x16xf32>,
      %get3A_381 = vector.shape_cast %get3A_380 : vector<1x16xf32> to vector<16xf32>
      %add3A_382 = arith.addf %get3A_377, %get3A_381 : vector<16xf32>
      %swap3A_383 = arith.index_cast %select_n3A : i32 to index
      %swap3A_384 = arith.index_cast %mul3A_373 : i32 to index
      %swap3A_385 = tpu.vector_load %arg9[%swap3A_383, %swap3A_384] {strides = array<i32>} : memref<16x1024xf32, #tpu.memory_space<vmem>>, vector<1x16xf32>,
      %swap3A_386 = vector.shape_cast %swap3A_385 : vector<1x16xf32> to vector<16xf32>
      %swap3A_387 = vector.shape_cast %add3A_382 : vector<16xf32> to vector<1x16xf32>
      tpu.vector_store %arg9[%swap3A_383, %swap3A_384], %swap3A_387 {strides = array<i32>} : memref<16x1024xf32, #tpu.memory_space<vmem>>, vector<1x16xf32>,
    }
    %scan3A_145 = arith.constant 256 : i32
    %add3A_146 = arith.constant 48 : i32
    %add3A_147 = arith.addi %mul3A_2, %add3A_146 : i32
    %dma_start3A_148 = arith.constant 0 : i32
    %dma_start3A_149 = tpu.memref_slice %arg4[%add3A_147, %dma_start3A_148] : memref<4096x1024xf32, #tpu.memory_space<hbm>> -> memref<16x1024xf32, #tpu.memory_space<hbm>>
    %dma_start3A_150 = arith.constant 0 : i32
    %dma_start3A_151 = tpu.memref_slice %arg4[%add3A_147, %dma_start3A_150] : memref<4096x1024xf32, #tpu.memory_space<hbm>> -> memref<16x1024xf32, #tpu.memory_space<hbm>>
    tpu.enqueue_dma source(%arg9 : memref<16x1024xf32, #tpu.memory_space<vmem>>) target(%dma_start3A_151 : memref<16x1024xf32, #tpu.memory_space<hbm>>) target_semaphore(%arg12 : memref<!tpu.dma_semaphore, #tpu.memory_space<semaphore_mem>>)
    %dma_wait3A_152 = arith.constant 64 : i32
    %dma_wait3A_153 = tpu.memref_slice %arg5[%dma_wait3A_152] : memref<128xi32, #tpu.memory_space<vmem>> -> memref<16xi32, #tpu.memory_space<vmem>>
    %dma_wait3A_154 = arith.constant 0 : i32
    %dma_wait3A_155 = arith.constant 0 : i32
    %dma_wait3A_156 = tpu.memref_slice %arg2[%dma_wait3A_154, %dma_wait3A_155] : memref<10240x1024xf32, #tpu.memory_space<hbm>> -> memref<10240x1024xf32, #tpu.memory_space<hbm>>
    tpu.wait_indirect_dma semaphore(%arg11 : memref<!tpu.dma_semaphore, #tpu.memory_space<semaphore_mem>>) src(%dma_wait3A_156 : memref<10240x1024xf32, #tpu.memory_space<hbm>>) dst(%arg7 : memref<16x1024xf32, #tpu.memory_space<vmem>>)
    %dma_wait3A_157 = arith.constant 64 : i32
    %dma_wait3A_158 = tpu.memref_slice %arg6[%dma_wait3A_157] : memref<128xi32, #tpu.memory_space<vmem>> -> memref<16xi32, #tpu.memory_space<vmem>>
    %dma_wait3A_159 = arith.constant 0 : i32
    %dma_wait3A_160 = arith.constant 0 : i32
    %dma_wait3A_161 = tpu.memref_slice %arg2[%dma_wait3A_159, %dma_wait3A_160] : memref<10240x1024xf32, #tpu.memory_space<hbm>> -> memref<10240x1024xf32, #tpu.memory_space<hbm>>
    tpu.wait_indirect_dma semaphore(%arg11 : memref<!tpu.dma_semaphore, #tpu.memory_space<semaphore_mem>>) src(%dma_wait3A_161 : memref<10240x1024xf32, #tpu.memory_space<hbm>>) dst(%arg8 : memref<16x1024xf32, #tpu.memory_space<vmem>>)
    %dma_wait3A_162 = arith.constant 0 : i32
    %dma_wait3A_163 = tpu.memref_slice %arg4[%add3A_147, %dma_wait3A_162] : memref<4096x1024xf32, #tpu.memory_space<hbm>> -> memref<16x1024xf32, #tpu.memory_space<hbm>>
    %dma_wait3A_164 = arith.constant 0 : i32
    %dma_wait3A_165 = tpu.memref_slice %arg4[%add3A_147, %dma_wait3A_164] : memref<4096x1024xf32, #tpu.memory_space<hbm>> -> memref<16x1024xf32, #tpu.memory_space<hbm>>
    tpu.wait_dma2 semaphore(%arg12 : memref<!tpu.dma_semaphore, #tpu.memory_space<semaphore_mem>>) src(%arg9 : memref<16x1024xf32, #tpu.memory_space<vmem>>) dst(%dma_wait3A_165 : memref<16x1024xf32, #tpu.memory_space<hbm>>)
    %dma_start3A_166 = arith.constant 80 : i32
    %dma_start3A_167 = tpu.memref_slice %arg5[%dma_start3A_166] : memref<128xi32, #tpu.memory_space<vmem>> -> memref<16xi32, #tpu.memory_space<vmem>>
    %dma_start3A_168 = arith.constant 0 : i32
    %dma_start3A_169 = arith.constant 0 : i32
    %dma_start3A_170 = tpu.memref_slice %arg2[%dma_start3A_168, %dma_start3A_169] : memref<10240x1024xf32, #tpu.memory_space<hbm>> -> memref<10240x1024xf32, #tpu.memory_space<hbm>>
    tpu.enqueue_indirect_dma source(%dma_start3A_170 : memref<10240x1024xf32, #tpu.memory_space<hbm>>) target(%arg9 : memref<16x1024xf32, #tpu.memory_space<vmem>>) offsets(%dma_start3A_167 : memref<16xi32, #tpu.memory_space<vmem>>) semaphore(%arg11 : memref<!tpu.dma_semaphore, #tpu.memory_space<semaphore_mem>>)
    %dma_start3A_171 = arith.constant 80 : i32
    %dma_start3A_172 = tpu.memref_slice %arg6[%dma_start3A_171] : memref<128xi32, #tpu.memory_space<vmem>> -> memref<16xi32, #tpu.memory_space<vmem>>
    %dma_start3A_173 = arith.constant 0 : i32
    %dma_start3A_174 = arith.constant 0 : i32
    %dma_start3A_175 = tpu.memref_slice %arg2[%dma_start3A_173, %dma_start3A_174] : memref<10240x1024xf32, #tpu.memory_space<hbm>> -> memref<10240x1024xf32, #tpu.memory_space<hbm>>
    tpu.enqueue_indirect_dma source(%dma_start3A_175 : memref<10240x1024xf32, #tpu.memory_space<hbm>>) target(%arg10 : memref<16x1024xf32, #tpu.memory_space<vmem>>) offsets(%dma_start3A_172 : memref<16xi32, #tpu.memory_space<vmem>>) semaphore(%arg11 : memref<!tpu.dma_semaphore, #tpu.memory_space<semaphore_mem>>)
    %scan3A_176 = arith.constant 0 : i32
    %scan3A_177 = arith.constant 0 : i32
    %scan3A_178 = arith.constant 256 : i32
    %scan3A_179 = arith.addi %scan3A_177, %scan3A_178 : i32
    %scan3A_180 = arith.constant 1 : i32
    scf.for %scan3A_290 = %scan3A_177 to %scan3A_179 step %scan3A_180  : i32 {
      %jit3A = arith.constant 16 : i32
      %div3A = arith.divsi %scan3A_290, %jit3A : i32
      %sign3A = arith.constant 0 : i32
      %sign3A_291 = arith.cmpi sgt, %scan3A_290, %sign3A : i32
      %sign3A_292 = arith.extui %sign3A_291 : i1 to i32
      %sign3A_293 = arith.constant 0 : i32
      %sign3A_294 = arith.cmpi slt, %scan3A_290, %sign3A_293 : i32
      %sign3A_295 = arith.extui %sign3A_294 : i1 to i32
      %sign3A_296 = arith.subi %sign3A_292, %sign3A_295 : i32
      %sign3A_297 = arith.constant 0 : i32
      %sign3A_298 = arith.cmpi sgt, %jit3A, %sign3A_297 : i32
      %sign3A_299 = arith.extui %sign3A_298 : i1 to i32
      %sign3A_300 = arith.constant 0 : i32
      %sign3A_301 = arith.cmpi slt, %jit3A, %sign3A_300 : i32
      %sign3A_302 = arith.extui %sign3A_301 : i1 to i32
      %sign3A_303 = arith.subi %sign3A_299, %sign3A_302 : i32
      %ne3A = arith.cmpi ne, %sign3A_296, %sign3A_303 : i32
      %rem3A = arith.remsi %scan3A_290, %jit3A : i32
      %ne3A_304 = arith.constant 0 : i32
      %ne3A_305 = arith.cmpi ne, %rem3A, %ne3A_304 : i32
      %and3A = arith.andi %ne3A, %ne3A_305 : i1
      %sub3A = arith.constant 1 : i32
      %sub3A_306 = arith.subi %div3A, %sub3A : i32
      %select_n3A = arith.select %and3A, %sub3A_306, %div3A : i32
      %mul3A_307 = arith.constant 16 : i32
      %mul3A_308 = arith.muli %select_n3A, %mul3A_307 : i32
      %sub3A_309 = arith.subi %scan3A_290, %mul3A_308 : i32
      %mul3A_310 = arith.constant 4 : i32
      %mul3A_311 = arith.muli %sub3A_309, %mul3A_310 : i32
      %add3A_312 = arith.constant 0 : i32
      %add3A_313 = arith.addi %mul3A_311, %add3A_312 : i32
      %mul3A_314 = arith.constant 16 : i32
      %mul3A_315 = arith.muli %add3A_313, %mul3A_314 : i32
      %get3A = arith.index_cast %select_n3A : i32 to index
      %get3A_316 = arith.index_cast %mul3A_315 : i32 to index
      %get3A_317 = tpu.vector_load %arg7[%get3A, %get3A_316] {strides = array<i32>} : memref<16x1024xf32, #tpu.memory_space<vmem>>, vector<1x16xf32>,
      %get3A_318 = vector.shape_cast %get3A_317 : vector<1x16xf32> to vector<16xf32>
      %get3A_319 = arith.index_cast %select_n3A : i32 to index
      %get3A_320 = arith.index_cast %mul3A_315 : i32 to index
      %get3A_321 = tpu.vector_load %arg8[%get3A_319, %get3A_320] {strides = array<i32>} : memref<16x1024xf32, #tpu.memory_space<vmem>>, vector<1x16xf32>,
      %get3A_322 = vector.shape_cast %get3A_321 : vector<1x16xf32> to vector<16xf32>
      %add3A_323 = arith.addf %get3A_318, %get3A_322 : vector<16xf32>
      %swap3A = arith.index_cast %select_n3A : i32 to index
      %swap3A_324 = arith.index_cast %mul3A_315 : i32 to index
      %swap3A_325 = tpu.vector_load %arg7[%swap3A, %swap3A_324] {strides = array<i32>} : memref<16x1024xf32, #tpu.memory_space<vmem>>, vector<1x16xf32>,
      %swap3A_326 = vector.shape_cast %swap3A_325 : vector<1x16xf32> to vector<16xf32>
      %swap3A_327 = vector.shape_cast %add3A_323 : vector<16xf32> to vector<1x16xf32>
      tpu.vector_store %arg7[%swap3A, %swap3A_324], %swap3A_327 {strides = array<i32>} : memref<16x1024xf32, #tpu.memory_space<vmem>>, vector<1x16xf32>,
      %mul3A_328 = arith.constant 4 : i32
      %mul3A_329 = arith.muli %sub3A_309, %mul3A_328 : i32
      %add3A_330 = arith.constant 1 : i32
      %add3A_331 = arith.addi %mul3A_329, %add3A_330 : i32
      %mul3A_332 = arith.constant 16 : i32
      %mul3A_333 = arith.muli %add3A_331, %mul3A_332 : i32
      %get3A_334 = arith.index_cast %select_n3A : i32 to index
      %get3A_335 = arith.index_cast %mul3A_333 : i32 to index
      %get3A_336 = tpu.vector_load %arg7[%get3A_334, %get3A_335] {strides = array<i32>} : memref<16x1024xf32, #tpu.memory_space<vmem>>, vector<1x16xf32>,
      %get3A_337 = vector.shape_cast %get3A_336 : vector<1x16xf32> to vector<16xf32>
      %get3A_338 = arith.index_cast %select_n3A : i32 to index
      %get3A_339 = arith.index_cast %mul3A_333 : i32 to index
      %get3A_340 = tpu.vector_load %arg8[%get3A_338, %get3A_339] {strides = array<i32>} : memref<16x1024xf32, #tpu.memory_space<vmem>>, vector<1x16xf32>,
      %get3A_341 = vector.shape_cast %get3A_340 : vector<1x16xf32> to vector<16xf32>
      %add3A_342 = arith.addf %get3A_337, %get3A_341 : vector<16xf32>
      %swap3A_343 = arith.index_cast %select_n3A : i32 to index
      %swap3A_344 = arith.index_cast %mul3A_333 : i32 to index
      %swap3A_345 = tpu.vector_load %arg7[%swap3A_343, %swap3A_344] {strides = array<i32>} : memref<16x1024xf32, #tpu.memory_space<vmem>>, vector<1x16xf32>,
      %swap3A_346 = vector.shape_cast %swap3A_345 : vector<1x16xf32> to vector<16xf32>
      %swap3A_347 = vector.shape_cast %add3A_342 : vector<16xf32> to vector<1x16xf32>
      tpu.vector_store %arg7[%swap3A_343, %swap3A_344], %swap3A_347 {strides = array<i32>} : memref<16x1024xf32, #tpu.memory_space<vmem>>, vector<1x16xf32>,
      %mul3A_348 = arith.constant 4 : i32
      %mul3A_349 = arith.muli %sub3A_309, %mul3A_348 : i32
      %add3A_350 = arith.constant 2 : i32
      %add3A_351 = arith.addi %mul3A_349, %add3A_350 : i32
      %mul3A_352 = arith.constant 16 : i32
      %mul3A_353 = arith.muli %add3A_351, %mul3A_352 : i32
      %get3A_354 = arith.index_cast %select_n3A : i32 to index
      %get3A_355 = arith.index_cast %mul3A_353 : i32 to index
      %get3A_356 = tpu.vector_load %arg7[%get3A_354, %get3A_355] {strides = array<i32>} : memref<16x1024xf32, #tpu.memory_space<vmem>>, vector<1x16xf32>,
      %get3A_357 = vector.shape_cast %get3A_356 : vector<1x16xf32> to vector<16xf32>
      %get3A_358 = arith.index_cast %select_n3A : i32 to index
      %get3A_359 = arith.index_cast %mul3A_353 : i32 to index
      %get3A_360 = tpu.vector_load %arg8[%get3A_358, %get3A_359] {strides = array<i32>} : memref<16x1024xf32, #tpu.memory_space<vmem>>, vector<1x16xf32>,
      %get3A_361 = vector.shape_cast %get3A_360 : vector<1x16xf32> to vector<16xf32>
      %add3A_362 = arith.addf %get3A_357, %get3A_361 : vector<16xf32>
      %swap3A_363 = arith.index_cast %select_n3A : i32 to index
      %swap3A_364 = arith.index_cast %mul3A_353 : i32 to index
      %swap3A_365 = tpu.vector_load %arg7[%swap3A_363, %swap3A_364] {strides = array<i32>} : memref<16x1024xf32, #tpu.memory_space<vmem>>, vector<1x16xf32>,
      %swap3A_366 = vector.shape_cast %swap3A_365 : vector<1x16xf32> to vector<16xf32>
      %swap3A_367 = vector.shape_cast %add3A_362 : vector<16xf32> to vector<1x16xf32>
      tpu.vector_store %arg7[%swap3A_363, %swap3A_364], %swap3A_367 {strides = array<i32>} : memref<16x1024xf32, #tpu.memory_space<vmem>>, vector<1x16xf32>,
      %mul3A_368 = arith.constant 4 : i32
      %mul3A_369 = arith.muli %sub3A_309, %mul3A_368 : i32
      %add3A_370 = arith.constant 3 : i32
      %add3A_371 = arith.addi %mul3A_369, %add3A_370 : i32
      %mul3A_372 = arith.constant 16 : i32
      %mul3A_373 = arith.muli %add3A_371, %mul3A_372 : i32
      %get3A_374 = arith.index_cast %select_n3A : i32 to index
      %get3A_375 = arith.index_cast %mul3A_373 : i32 to index
      %get3A_376 = tpu.vector_load %arg7[%get3A_374, %get3A_375] {strides = array<i32>} : memref<16x1024xf32, #tpu.memory_space<vmem>>, vector<1x16xf32>,
      %get3A_377 = vector.shape_cast %get3A_376 : vector<1x16xf32> to vector<16xf32>
      %get3A_378 = arith.index_cast %select_n3A : i32 to index
      %get3A_379 = arith.index_cast %mul3A_373 : i32 to index
      %get3A_380 = tpu.vector_load %arg8[%get3A_378, %get3A_379] {strides = array<i32>} : memref<16x1024xf32, #tpu.memory_space<vmem>>, vector<1x16xf32>,
      %get3A_381 = vector.shape_cast %get3A_380 : vector<1x16xf32> to vector<16xf32>
      %add3A_382 = arith.addf %get3A_377, %get3A_381 : vector<16xf32>
      %swap3A_383 = arith.index_cast %select_n3A : i32 to index
      %swap3A_384 = arith.index_cast %mul3A_373 : i32 to index
      %swap3A_385 = tpu.vector_load %arg7[%swap3A_383, %swap3A_384] {strides = array<i32>} : memref<16x1024xf32, #tpu.memory_space<vmem>>, vector<1x16xf32>,
      %swap3A_386 = vector.shape_cast %swap3A_385 : vector<1x16xf32> to vector<16xf32>
      %swap3A_387 = vector.shape_cast %add3A_382 : vector<16xf32> to vector<1x16xf32>
      tpu.vector_store %arg7[%swap3A_383, %swap3A_384], %swap3A_387 {strides = array<i32>} : memref<16x1024xf32, #tpu.memory_space<vmem>>, vector<1x16xf32>,
    }
    %scan3A_181 = arith.constant 256 : i32
    %add3A_182 = arith.constant 64 : i32
    %add3A_183 = arith.addi %mul3A_2, %add3A_182 : i32
    %dma_start3A_184 = arith.constant 0 : i32
    %dma_start3A_185 = tpu.memref_slice %arg4[%add3A_183, %dma_start3A_184] : memref<4096x1024xf32, #tpu.memory_space<hbm>> -> memref<16x1024xf32, #tpu.memory_space<hbm>>
    %dma_start3A_186 = arith.constant 0 : i32
    %dma_start3A_187 = tpu.memref_slice %arg4[%add3A_183, %dma_start3A_186] : memref<4096x1024xf32, #tpu.memory_space<hbm>> -> memref<16x1024xf32, #tpu.memory_space<hbm>>
    tpu.enqueue_dma source(%arg7 : memref<16x1024xf32, #tpu.memory_space<vmem>>) target(%dma_start3A_187 : memref<16x1024xf32, #tpu.memory_space<hbm>>) target_semaphore(%arg12 : memref<!tpu.dma_semaphore, #tpu.memory_space<semaphore_mem>>)
    %dma_wait3A_188 = arith.constant 80 : i32
    %dma_wait3A_189 = tpu.memref_slice %arg5[%dma_wait3A_188] : memref<128xi32, #tpu.memory_space<vmem>> -> memref<16xi32, #tpu.memory_space<vmem>>
    %dma_wait3A_190 = arith.constant 0 : i32
    %dma_wait3A_191 = arith.constant 0 : i32
    %dma_wait3A_192 = tpu.memref_slice %arg2[%dma_wait3A_190, %dma_wait3A_191] : memref<10240x1024xf32, #tpu.memory_space<hbm>> -> memref<10240x1024xf32, #tpu.memory_space<hbm>>
    tpu.wait_indirect_dma semaphore(%arg11 : memref<!tpu.dma_semaphore, #tpu.memory_space<semaphore_mem>>) src(%dma_wait3A_192 : memref<10240x1024xf32, #tpu.memory_space<hbm>>) dst(%arg9 : memref<16x1024xf32, #tpu.memory_space<vmem>>)
    %dma_wait3A_193 = arith.constant 80 : i32
    %dma_wait3A_194 = tpu.memref_slice %arg6[%dma_wait3A_193] : memref<128xi32, #tpu.memory_space<vmem>> -> memref<16xi32, #tpu.memory_space<vmem>>
    %dma_wait3A_195 = arith.constant 0 : i32
    %dma_wait3A_196 = arith.constant 0 : i32
    %dma_wait3A_197 = tpu.memref_slice %arg2[%dma_wait3A_195, %dma_wait3A_196] : memref<10240x1024xf32, #tpu.memory_space<hbm>> -> memref<10240x1024xf32, #tpu.memory_space<hbm>>
    tpu.wait_indirect_dma semaphore(%arg11 : memref<!tpu.dma_semaphore, #tpu.memory_space<semaphore_mem>>) src(%dma_wait3A_197 : memref<10240x1024xf32, #tpu.memory_space<hbm>>) dst(%arg10 : memref<16x1024xf32, #tpu.memory_space<vmem>>)
    %dma_wait3A_198 = arith.constant 0 : i32
    %dma_wait3A_199 = tpu.memref_slice %arg4[%add3A_183, %dma_wait3A_198] : memref<4096x1024xf32, #tpu.memory_space<hbm>> -> memref<16x1024xf32, #tpu.memory_space<hbm>>
    %dma_wait3A_200 = arith.constant 0 : i32
    %dma_wait3A_201 = tpu.memref_slice %arg4[%add3A_183, %dma_wait3A_200] : memref<4096x1024xf32, #tpu.memory_space<hbm>> -> memref<16x1024xf32, #tpu.memory_space<hbm>>
    tpu.wait_dma2 semaphore(%arg12 : memref<!tpu.dma_semaphore, #tpu.memory_space<semaphore_mem>>) src(%arg7 : memref<16x1024xf32, #tpu.memory_space<vmem>>) dst(%dma_wait3A_201 : memref<16x1024xf32, #tpu.memory_space<hbm>>)
    %dma_start3A_202 = arith.constant 96 : i32
    %dma_start3A_203 = tpu.memref_slice %arg5[%dma_start3A_202] : memref<128xi32, #tpu.memory_space<vmem>> -> memref<16xi32, #tpu.memory_space<vmem>>
    %dma_start3A_204 = arith.constant 0 : i32
    %dma_start3A_205 = arith.constant 0 : i32
    %dma_start3A_206 = tpu.memref_slice %arg2[%dma_start3A_204, %dma_start3A_205] : memref<10240x1024xf32, #tpu.memory_space<hbm>> -> memref<10240x1024xf32, #tpu.memory_space<hbm>>
    tpu.enqueue_indirect_dma source(%dma_start3A_206 : memref<10240x1024xf32, #tpu.memory_space<hbm>>) target(%arg7 : memref<16x1024xf32, #tpu.memory_space<vmem>>) offsets(%dma_start3A_203 : memref<16xi32, #tpu.memory_space<vmem>>) semaphore(%arg11 : memref<!tpu.dma_semaphore, #tpu.memory_space<semaphore_mem>>)
    %dma_start3A_207 = arith.constant 96 : i32
    %dma_start3A_208 = tpu.memref_slice %arg6[%dma_start3A_207] : memref<128xi32, #tpu.memory_space<vmem>> -> memref<16xi32, #tpu.memory_space<vmem>>
    %dma_start3A_209 = arith.constant 0 : i32
    %dma_start3A_210 = arith.constant 0 : i32
    %dma_start3A_211 = tpu.memref_slice %arg2[%dma_start3A_209, %dma_start3A_210] : memref<10240x1024xf32, #tpu.memory_space<hbm>> -> memref<10240x1024xf32, #tpu.memory_space<hbm>>
    tpu.enqueue_indirect_dma source(%dma_start3A_211 : memref<10240x1024xf32, #tpu.memory_space<hbm>>) target(%arg8 : memref<16x1024xf32, #tpu.memory_space<vmem>>) offsets(%dma_start3A_208 : memref<16xi32, #tpu.memory_space<vmem>>) semaphore(%arg11 : memref<!tpu.dma_semaphore, #tpu.memory_space<semaphore_mem>>)
    %scan3A_212 = arith.constant 0 : i32
    %scan3A_213 = arith.constant 0 : i32
    %scan3A_214 = arith.constant 256 : i32
    %scan3A_215 = arith.addi %scan3A_213, %scan3A_214 : i32
    %scan3A_216 = arith.constant 1 : i32
    scf.for %scan3A_290 = %scan3A_213 to %scan3A_215 step %scan3A_216  : i32 {
      %jit3A = arith.constant 16 : i32
      %div3A = arith.divsi %scan3A_290, %jit3A : i32
      %sign3A = arith.constant 0 : i32
      %sign3A_291 = arith.cmpi sgt, %scan3A_290, %sign3A : i32
      %sign3A_292 = arith.extui %sign3A_291 : i1 to i32
      %sign3A_293 = arith.constant 0 : i32
      %sign3A_294 = arith.cmpi slt, %scan3A_290, %sign3A_293 : i32
      %sign3A_295 = arith.extui %sign3A_294 : i1 to i32
      %sign3A_296 = arith.subi %sign3A_292, %sign3A_295 : i32
      %sign3A_297 = arith.constant 0 : i32
      %sign3A_298 = arith.cmpi sgt, %jit3A, %sign3A_297 : i32
      %sign3A_299 = arith.extui %sign3A_298 : i1 to i32
      %sign3A_300 = arith.constant 0 : i32
      %sign3A_301 = arith.cmpi slt, %jit3A, %sign3A_300 : i32
      %sign3A_302 = arith.extui %sign3A_301 : i1 to i32
      %sign3A_303 = arith.subi %sign3A_299, %sign3A_302 : i32
      %ne3A = arith.cmpi ne, %sign3A_296, %sign3A_303 : i32
      %rem3A = arith.remsi %scan3A_290, %jit3A : i32
      %ne3A_304 = arith.constant 0 : i32
      %ne3A_305 = arith.cmpi ne, %rem3A, %ne3A_304 : i32
      %and3A = arith.andi %ne3A, %ne3A_305 : i1
      %sub3A = arith.constant 1 : i32
      %sub3A_306 = arith.subi %div3A, %sub3A : i32
      %select_n3A = arith.select %and3A, %sub3A_306, %div3A : i32
      %mul3A_307 = arith.constant 16 : i32
      %mul3A_308 = arith.muli %select_n3A, %mul3A_307 : i32
      %sub3A_309 = arith.subi %scan3A_290, %mul3A_308 : i32
      %mul3A_310 = arith.constant 4 : i32
      %mul3A_311 = arith.muli %sub3A_309, %mul3A_310 : i32
      %add3A_312 = arith.constant 0 : i32
      %add3A_313 = arith.addi %mul3A_311, %add3A_312 : i32
      %mul3A_314 = arith.constant 16 : i32
      %mul3A_315 = arith.muli %add3A_313, %mul3A_314 : i32
      %get3A = arith.index_cast %select_n3A : i32 to index
      %get3A_316 = arith.index_cast %mul3A_315 : i32 to index
      %get3A_317 = tpu.vector_load %arg9[%get3A, %get3A_316] {strides = array<i32>} : memref<16x1024xf32, #tpu.memory_space<vmem>>, vector<1x16xf32>,
      %get3A_318 = vector.shape_cast %get3A_317 : vector<1x16xf32> to vector<16xf32>
      %get3A_319 = arith.index_cast %select_n3A : i32 to index
      %get3A_320 = arith.index_cast %mul3A_315 : i32 to index
      %get3A_321 = tpu.vector_load %arg10[%get3A_319, %get3A_320] {strides = array<i32>} : memref<16x1024xf32, #tpu.memory_space<vmem>>, vector<1x16xf32>,
      %get3A_322 = vector.shape_cast %get3A_321 : vector<1x16xf32> to vector<16xf32>
      %add3A_323 = arith.addf %get3A_318, %get3A_322 : vector<16xf32>
      %swap3A = arith.index_cast %select_n3A : i32 to index
      %swap3A_324 = arith.index_cast %mul3A_315 : i32 to index
      %swap3A_325 = tpu.vector_load %arg9[%swap3A, %swap3A_324] {strides = array<i32>} : memref<16x1024xf32, #tpu.memory_space<vmem>>, vector<1x16xf32>,
      %swap3A_326 = vector.shape_cast %swap3A_325 : vector<1x16xf32> to vector<16xf32>
      %swap3A_327 = vector.shape_cast %add3A_323 : vector<16xf32> to vector<1x16xf32>
      tpu.vector_store %arg9[%swap3A, %swap3A_324], %swap3A_327 {strides = array<i32>} : memref<16x1024xf32, #tpu.memory_space<vmem>>, vector<1x16xf32>,
      %mul3A_328 = arith.constant 4 : i32
      %mul3A_329 = arith.muli %sub3A_309, %mul3A_328 : i32
      %add3A_330 = arith.constant 1 : i32
      %add3A_331 = arith.addi %mul3A_329, %add3A_330 : i32
      %mul3A_332 = arith.constant 16 : i32
      %mul3A_333 = arith.muli %add3A_331, %mul3A_332 : i32
      %get3A_334 = arith.index_cast %select_n3A : i32 to index
      %get3A_335 = arith.index_cast %mul3A_333 : i32 to index
      %get3A_336 = tpu.vector_load %arg9[%get3A_334, %get3A_335] {strides = array<i32>} : memref<16x1024xf32, #tpu.memory_space<vmem>>, vector<1x16xf32>,
      %get3A_337 = vector.shape_cast %get3A_336 : vector<1x16xf32> to vector<16xf32>
      %get3A_338 = arith.index_cast %select_n3A : i32 to index
      %get3A_339 = arith.index_cast %mul3A_333 : i32 to index
      %get3A_340 = tpu.vector_load %arg10[%get3A_338, %get3A_339] {strides = array<i32>} : memref<16x1024xf32, #tpu.memory_space<vmem>>, vector<1x16xf32>,
      %get3A_341 = vector.shape_cast %get3A_340 : vector<1x16xf32> to vector<16xf32>
      %add3A_342 = arith.addf %get3A_337, %get3A_341 : vector<16xf32>
      %swap3A_343 = arith.index_cast %select_n3A : i32 to index
      %swap3A_344 = arith.index_cast %mul3A_333 : i32 to index
      %swap3A_345 = tpu.vector_load %arg9[%swap3A_343, %swap3A_344] {strides = array<i32>} : memref<16x1024xf32, #tpu.memory_space<vmem>>, vector<1x16xf32>,
      %swap3A_346 = vector.shape_cast %swap3A_345 : vector<1x16xf32> to vector<16xf32>
      %swap3A_347 = vector.shape_cast %add3A_342 : vector<16xf32> to vector<1x16xf32>
      tpu.vector_store %arg9[%swap3A_343, %swap3A_344], %swap3A_347 {strides = array<i32>} : memref<16x1024xf32, #tpu.memory_space<vmem>>, vector<1x16xf32>,
      %mul3A_348 = arith.constant 4 : i32
      %mul3A_349 = arith.muli %sub3A_309, %mul3A_348 : i32
      %add3A_350 = arith.constant 2 : i32
      %add3A_351 = arith.addi %mul3A_349, %add3A_350 : i32
      %mul3A_352 = arith.constant 16 : i32
      %mul3A_353 = arith.muli %add3A_351, %mul3A_352 : i32
      %get3A_354 = arith.index_cast %select_n3A : i32 to index
      %get3A_355 = arith.index_cast %mul3A_353 : i32 to index
      %get3A_356 = tpu.vector_load %arg9[%get3A_354, %get3A_355] {strides = array<i32>} : memref<16x1024xf32, #tpu.memory_space<vmem>>, vector<1x16xf32>,
      %get3A_357 = vector.shape_cast %get3A_356 : vector<1x16xf32> to vector<16xf32>
      %get3A_358 = arith.index_cast %select_n3A : i32 to index
      %get3A_359 = arith.index_cast %mul3A_353 : i32 to index
      %get3A_360 = tpu.vector_load %arg10[%get3A_358, %get3A_359] {strides = array<i32>} : memref<16x1024xf32, #tpu.memory_space<vmem>>, vector<1x16xf32>,
      %get3A_361 = vector.shape_cast %get3A_360 : vector<1x16xf32> to vector<16xf32>
      %add3A_362 = arith.addf %get3A_357, %get3A_361 : vector<16xf32>
      %swap3A_363 = arith.index_cast %select_n3A : i32 to index
      %swap3A_364 = arith.index_cast %mul3A_353 : i32 to index
      %swap3A_365 = tpu.vector_load %arg9[%swap3A_363, %swap3A_364] {strides = array<i32>} : memref<16x1024xf32, #tpu.memory_space<vmem>>, vector<1x16xf32>,
      %swap3A_366 = vector.shape_cast %swap3A_365 : vector<1x16xf32> to vector<16xf32>
      %swap3A_367 = vector.shape_cast %add3A_362 : vector<16xf32> to vector<1x16xf32>
      tpu.vector_store %arg9[%swap3A_363, %swap3A_364], %swap3A_367 {strides = array<i32>} : memref<16x1024xf32, #tpu.memory_space<vmem>>, vector<1x16xf32>,
      %mul3A_368 = arith.constant 4 : i32
      %mul3A_369 = arith.muli %sub3A_309, %mul3A_368 : i32
      %add3A_370 = arith.constant 3 : i32
      %add3A_371 = arith.addi %mul3A_369, %add3A_370 : i32
      %mul3A_372 = arith.constant 16 : i32
      %mul3A_373 = arith.muli %add3A_371, %mul3A_372 : i32
      %get3A_374 = arith.index_cast %select_n3A : i32 to index
      %get3A_375 = arith.index_cast %mul3A_373 : i32 to index
      %get3A_376 = tpu.vector_load %arg9[%get3A_374, %get3A_375] {strides = array<i32>} : memref<16x1024xf32, #tpu.memory_space<vmem>>, vector<1x16xf32>,
      %get3A_377 = vector.shape_cast %get3A_376 : vector<1x16xf32> to vector<16xf32>
      %get3A_378 = arith.index_cast %select_n3A : i32 to index
      %get3A_379 = arith.index_cast %mul3A_373 : i32 to index
      %get3A_380 = tpu.vector_load %arg10[%get3A_378, %get3A_379] {strides = array<i32>} : memref<16x1024xf32, #tpu.memory_space<vmem>>, vector<1x16xf32>,
      %get3A_381 = vector.shape_cast %get3A_380 : vector<1x16xf32> to vector<16xf32>
      %add3A_382 = arith.addf %get3A_377, %get3A_381 : vector<16xf32>
      %swap3A_383 = arith.index_cast %select_n3A : i32 to index
      %swap3A_384 = arith.index_cast %mul3A_373 : i32 to index
      %swap3A_385 = tpu.vector_load %arg9[%swap3A_383, %swap3A_384] {strides = array<i32>} : memref<16x1024xf32, #tpu.memory_space<vmem>>, vector<1x16xf32>,
      %swap3A_386 = vector.shape_cast %swap3A_385 : vector<1x16xf32> to vector<16xf32>
      %swap3A_387 = vector.shape_cast %add3A_382 : vector<16xf32> to vector<1x16xf32>
      tpu.vector_store %arg9[%swap3A_383, %swap3A_384], %swap3A_387 {strides = array<i32>} : memref<16x1024xf32, #tpu.memory_space<vmem>>, vector<1x16xf32>,
    }
    %scan3A_217 = arith.constant 256 : i32
    %add3A_218 = arith.constant 80 : i32
    %add3A_219 = arith.addi %mul3A_2, %add3A_218 : i32
    %dma_start3A_220 = arith.constant 0 : i32
    %dma_start3A_221 = tpu.memref_slice %arg4[%add3A_219, %dma_start3A_220] : memref<4096x1024xf32, #tpu.memory_space<hbm>> -> memref<16x1024xf32, #tpu.memory_space<hbm>>
    %dma_start3A_222 = arith.constant 0 : i32
    %dma_start3A_223 = tpu.memref_slice %arg4[%add3A_219, %dma_start3A_222] : memref<4096x1024xf32, #tpu.memory_space<hbm>> -> memref<16x1024xf32, #tpu.memory_space<hbm>>
    tpu.enqueue_dma source(%arg9 : memref<16x1024xf32, #tpu.memory_space<vmem>>) target(%dma_start3A_223 : memref<16x1024xf32, #tpu.memory_space<hbm>>) target_semaphore(%arg12 : memref<!tpu.dma_semaphore, #tpu.memory_space<semaphore_mem>>)
    %dma_wait3A_224 = arith.constant 96 : i32
    %dma_wait3A_225 = tpu.memref_slice %arg5[%dma_wait3A_224] : memref<128xi32, #tpu.memory_space<vmem>> -> memref<16xi32, #tpu.memory_space<vmem>>
    %dma_wait3A_226 = arith.constant 0 : i32
    %dma_wait3A_227 = arith.constant 0 : i32
    %dma_wait3A_228 = tpu.memref_slice %arg2[%dma_wait3A_226, %dma_wait3A_227] : memref<10240x1024xf32, #tpu.memory_space<hbm>> -> memref<10240x1024xf32, #tpu.memory_space<hbm>>
    tpu.wait_indirect_dma semaphore(%arg11 : memref<!tpu.dma_semaphore, #tpu.memory_space<semaphore_mem>>) src(%dma_wait3A_228 : memref<10240x1024xf32, #tpu.memory_space<hbm>>) dst(%arg7 : memref<16x1024xf32, #tpu.memory_space<vmem>>)
    %dma_wait3A_229 = arith.constant 96 : i32
    %dma_wait3A_230 = tpu.memref_slice %arg6[%dma_wait3A_229] : memref<128xi32, #tpu.memory_space<vmem>> -> memref<16xi32, #tpu.memory_space<vmem>>
    %dma_wait3A_231 = arith.constant 0 : i32
    %dma_wait3A_232 = arith.constant 0 : i32
    %dma_wait3A_233 = tpu.memref_slice %arg2[%dma_wait3A_231, %dma_wait3A_232] : memref<10240x1024xf32, #tpu.memory_space<hbm>> -> memref<10240x1024xf32, #tpu.memory_space<hbm>>
    tpu.wait_indirect_dma semaphore(%arg11 : memref<!tpu.dma_semaphore, #tpu.memory_space<semaphore_mem>>) src(%dma_wait3A_233 : memref<10240x1024xf32, #tpu.memory_space<hbm>>) dst(%arg8 : memref<16x1024xf32, #tpu.memory_space<vmem>>)
    %dma_wait3A_234 = arith.constant 0 : i32
    %dma_wait3A_235 = tpu.memref_slice %arg4[%add3A_219, %dma_wait3A_234] : memref<4096x1024xf32, #tpu.memory_space<hbm>> -> memref<16x1024xf32, #tpu.memory_space<hbm>>
    %dma_wait3A_236 = arith.constant 0 : i32
    %dma_wait3A_237 = tpu.memref_slice %arg4[%add3A_219, %dma_wait3A_236] : memref<4096x1024xf32, #tpu.memory_space<hbm>> -> memref<16x1024xf32, #tpu.memory_space<hbm>>
    tpu.wait_dma2 semaphore(%arg12 : memref<!tpu.dma_semaphore, #tpu.memory_space<semaphore_mem>>) src(%arg9 : memref<16x1024xf32, #tpu.memory_space<vmem>>) dst(%dma_wait3A_237 : memref<16x1024xf32, #tpu.memory_space<hbm>>)
    %dma_start3A_238 = arith.constant 112 : i32
    %dma_start3A_239 = tpu.memref_slice %arg5[%dma_start3A_238] : memref<128xi32, #tpu.memory_space<vmem>> -> memref<16xi32, #tpu.memory_space<vmem>>
    %dma_start3A_240 = arith.constant 0 : i32
    %dma_start3A_241 = arith.constant 0 : i32
    %dma_start3A_242 = tpu.memref_slice %arg2[%dma_start3A_240, %dma_start3A_241] : memref<10240x1024xf32, #tpu.memory_space<hbm>> -> memref<10240x1024xf32, #tpu.memory_space<hbm>>
    tpu.enqueue_indirect_dma source(%dma_start3A_242 : memref<10240x1024xf32, #tpu.memory_space<hbm>>) target(%arg9 : memref<16x1024xf32, #tpu.memory_space<vmem>>) offsets(%dma_start3A_239 : memref<16xi32, #tpu.memory_space<vmem>>) semaphore(%arg11 : memref<!tpu.dma_semaphore, #tpu.memory_space<semaphore_mem>>)
    %dma_start3A_243 = arith.constant 112 : i32
    %dma_start3A_244 = tpu.memref_slice %arg6[%dma_start3A_243] : memref<128xi32, #tpu.memory_space<vmem>> -> memref<16xi32, #tpu.memory_space<vmem>>
    %dma_start3A_245 = arith.constant 0 : i32
    %dma_start3A_246 = arith.constant 0 : i32
    %dma_start3A_247 = tpu.memref_slice %arg2[%dma_start3A_245, %dma_start3A_246] : memref<10240x1024xf32, #tpu.memory_space<hbm>> -> memref<10240x1024xf32, #tpu.memory_space<hbm>>
    tpu.enqueue_indirect_dma source(%dma_start3A_247 : memref<10240x1024xf32, #tpu.memory_space<hbm>>) target(%arg10 : memref<16x1024xf32, #tpu.memory_space<vmem>>) offsets(%dma_start3A_244 : memref<16xi32, #tpu.memory_space<vmem>>) semaphore(%arg11 : memref<!tpu.dma_semaphore, #tpu.memory_space<semaphore_mem>>)
    %scan3A_248 = arith.constant 0 : i32
    %scan3A_249 = arith.constant 0 : i32
    %scan3A_250 = arith.constant 256 : i32
    %scan3A_251 = arith.addi %scan3A_249, %scan3A_250 : i32
    %scan3A_252 = arith.constant 1 : i32
    scf.for %scan3A_290 = %scan3A_249 to %scan3A_251 step %scan3A_252  : i32 {
      %jit3A = arith.constant 16 : i32
      %div3A = arith.divsi %scan3A_290, %jit3A : i32
      %sign3A = arith.constant 0 : i32
      %sign3A_291 = arith.cmpi sgt, %scan3A_290, %sign3A : i32
      %sign3A_292 = arith.extui %sign3A_291 : i1 to i32
      %sign3A_293 = arith.constant 0 : i32
      %sign3A_294 = arith.cmpi slt, %scan3A_290, %sign3A_293 : i32
      %sign3A_295 = arith.extui %sign3A_294 : i1 to i32
      %sign3A_296 = arith.subi %sign3A_292, %sign3A_295 : i32
      %sign3A_297 = arith.constant 0 : i32
      %sign3A_298 = arith.cmpi sgt, %jit3A, %sign3A_297 : i32
      %sign3A_299 = arith.extui %sign3A_298 : i1 to i32
      %sign3A_300 = arith.constant 0 : i32
      %sign3A_301 = arith.cmpi slt, %jit3A, %sign3A_300 : i32
      %sign3A_302 = arith.extui %sign3A_301 : i1 to i32
      %sign3A_303 = arith.subi %sign3A_299, %sign3A_302 : i32
      %ne3A = arith.cmpi ne, %sign3A_296, %sign3A_303 : i32
      %rem3A = arith.remsi %scan3A_290, %jit3A : i32
      %ne3A_304 = arith.constant 0 : i32
      %ne3A_305 = arith.cmpi ne, %rem3A, %ne3A_304 : i32
      %and3A = arith.andi %ne3A, %ne3A_305 : i1
      %sub3A = arith.constant 1 : i32
      %sub3A_306 = arith.subi %div3A, %sub3A : i32
      %select_n3A = arith.select %and3A, %sub3A_306, %div3A : i32
      %mul3A_307 = arith.constant 16 : i32
      %mul3A_308 = arith.muli %select_n3A, %mul3A_307 : i32
      %sub3A_309 = arith.subi %scan3A_290, %mul3A_308 : i32
      %mul3A_310 = arith.constant 4 : i32
      %mul3A_311 = arith.muli %sub3A_309, %mul3A_310 : i32
      %add3A_312 = arith.constant 0 : i32
      %add3A_313 = arith.addi %mul3A_311, %add3A_312 : i32
      %mul3A_314 = arith.constant 16 : i32
      %mul3A_315 = arith.muli %add3A_313, %mul3A_314 : i32
      %get3A = arith.index_cast %select_n3A : i32 to index
      %get3A_316 = arith.index_cast %mul3A_315 : i32 to index
      %get3A_317 = tpu.vector_load %arg7[%get3A, %get3A_316] {strides = array<i32>} : memref<16x1024xf32, #tpu.memory_space<vmem>>, vector<1x16xf32>,
      %get3A_318 = vector.shape_cast %get3A_317 : vector<1x16xf32> to vector<16xf32>
      %get3A_319 = arith.index_cast %select_n3A : i32 to index
      %get3A_320 = arith.index_cast %mul3A_315 : i32 to index
      %get3A_321 = tpu.vector_load %arg8[%get3A_319, %get3A_320] {strides = array<i32>} : memref<16x1024xf32, #tpu.memory_space<vmem>>, vector<1x16xf32>,
      %get3A_322 = vector.shape_cast %get3A_321 : vector<1x16xf32> to vector<16xf32>
      %add3A_323 = arith.addf %get3A_318, %get3A_322 : vector<16xf32>
      %swap3A = arith.index_cast %select_n3A : i32 to index
      %swap3A_324 = arith.index_cast %mul3A_315 : i32 to index
      %swap3A_325 = tpu.vector_load %arg7[%swap3A, %swap3A_324] {strides = array<i32>} : memref<16x1024xf32, #tpu.memory_space<vmem>>, vector<1x16xf32>,
      %swap3A_326 = vector.shape_cast %swap3A_325 : vector<1x16xf32> to vector<16xf32>
      %swap3A_327 = vector.shape_cast %add3A_323 : vector<16xf32> to vector<1x16xf32>
      tpu.vector_store %arg7[%swap3A, %swap3A_324], %swap3A_327 {strides = array<i32>} : memref<16x1024xf32, #tpu.memory_space<vmem>>, vector<1x16xf32>,
      %mul3A_328 = arith.constant 4 : i32
      %mul3A_329 = arith.muli %sub3A_309, %mul3A_328 : i32
      %add3A_330 = arith.constant 1 : i32
      %add3A_331 = arith.addi %mul3A_329, %add3A_330 : i32
      %mul3A_332 = arith.constant 16 : i32
      %mul3A_333 = arith.muli %add3A_331, %mul3A_332 : i32
      %get3A_334 = arith.index_cast %select_n3A : i32 to index
      %get3A_335 = arith.index_cast %mul3A_333 : i32 to index
      %get3A_336 = tpu.vector_load %arg7[%get3A_334, %get3A_335] {strides = array<i32>} : memref<16x1024xf32, #tpu.memory_space<vmem>>, vector<1x16xf32>,
      %get3A_337 = vector.shape_cast %get3A_336 : vector<1x16xf32> to vector<16xf32>
      %get3A_338 = arith.index_cast %select_n3A : i32 to index
      %get3A_339 = arith.index_cast %mul3A_333 : i32 to index
      %get3A_340 = tpu.vector_load %arg8[%get3A_338, %get3A_339] {strides = array<i32>} : memref<16x1024xf32, #tpu.memory_space<vmem>>, vector<1x16xf32>,
      %get3A_341 = vector.shape_cast %get3A_340 : vector<1x16xf32> to vector<16xf32>
      %add3A_342 = arith.addf %get3A_337, %get3A_341 : vector<16xf32>
      %swap3A_343 = arith.index_cast %select_n3A : i32 to index
      %swap3A_344 = arith.index_cast %mul3A_333 : i32 to index
      %swap3A_345 = tpu.vector_load %arg7[%swap3A_343, %swap3A_344] {strides = array<i32>} : memref<16x1024xf32, #tpu.memory_space<vmem>>, vector<1x16xf32>,
      %swap3A_346 = vector.shape_cast %swap3A_345 : vector<1x16xf32> to vector<16xf32>
      %swap3A_347 = vector.shape_cast %add3A_342 : vector<16xf32> to vector<1x16xf32>
      tpu.vector_store %arg7[%swap3A_343, %swap3A_344], %swap3A_347 {strides = array<i32>} : memref<16x1024xf32, #tpu.memory_space<vmem>>, vector<1x16xf32>,
      %mul3A_348 = arith.constant 4 : i32
      %mul3A_349 = arith.muli %sub3A_309, %mul3A_348 : i32
      %add3A_350 = arith.constant 2 : i32
      %add3A_351 = arith.addi %mul3A_349, %add3A_350 : i32
      %mul3A_352 = arith.constant 16 : i32
      %mul3A_353 = arith.muli %add3A_351, %mul3A_352 : i32
      %get3A_354 = arith.index_cast %select_n3A : i32 to index
      %get3A_355 = arith.index_cast %mul3A_353 : i32 to index
      %get3A_356 = tpu.vector_load %arg7[%get3A_354, %get3A_355] {strides = array<i32>} : memref<16x1024xf32, #tpu.memory_space<vmem>>, vector<1x16xf32>,
      %get3A_357 = vector.shape_cast %get3A_356 : vector<1x16xf32> to vector<16xf32>
      %get3A_358 = arith.index_cast %select_n3A : i32 to index
      %get3A_359 = arith.index_cast %mul3A_353 : i32 to index
      %get3A_360 = tpu.vector_load %arg8[%get3A_358, %get3A_359] {strides = array<i32>} : memref<16x1024xf32, #tpu.memory_space<vmem>>, vector<1x16xf32>,
      %get3A_361 = vector.shape_cast %get3A_360 : vector<1x16xf32> to vector<16xf32>
      %add3A_362 = arith.addf %get3A_357, %get3A_361 : vector<16xf32>
      %swap3A_363 = arith.index_cast %select_n3A : i32 to index
      %swap3A_364 = arith.index_cast %mul3A_353 : i32 to index
      %swap3A_365 = tpu.vector_load %arg7[%swap3A_363, %swap3A_364] {strides = array<i32>} : memref<16x1024xf32, #tpu.memory_space<vmem>>, vector<1x16xf32>,
      %swap3A_366 = vector.shape_cast %swap3A_365 : vector<1x16xf32> to vector<16xf32>
      %swap3A_367 = vector.shape_cast %add3A_362 : vector<16xf32> to vector<1x16xf32>
      tpu.vector_store %arg7[%swap3A_363, %swap3A_364], %swap3A_367 {strides = array<i32>} : memref<16x1024xf32, #tpu.memory_space<vmem>>, vector<1x16xf32>,
      %mul3A_368 = arith.constant 4 : i32
      %mul3A_369 = arith.muli %sub3A_309, %mul3A_368 : i32
      %add3A_370 = arith.constant 3 : i32
      %add3A_371 = arith.addi %mul3A_369, %add3A_370 : i32
      %mul3A_372 = arith.constant 16 : i32
      %mul3A_373 = arith.muli %add3A_371, %mul3A_372 : i32
      %get3A_374 = arith.index_cast %select_n3A : i32 to index
      %get3A_375 = arith.index_cast %mul3A_373 : i32 to index
      %get3A_376 = tpu.vector_load %arg7[%get3A_374, %get3A_375] {strides = array<i32>} : memref<16x1024xf32, #tpu.memory_space<vmem>>, vector<1x16xf32>,
      %get3A_377 = vector.shape_cast %get3A_376 : vector<1x16xf32> to vector<16xf32>
      %get3A_378 = arith.index_cast %select_n3A : i32 to index
      %get3A_379 = arith.index_cast %mul3A_373 : i32 to index
      %get3A_380 = tpu.vector_load %arg8[%get3A_378, %get3A_379] {strides = array<i32>} : memref<16x1024xf32, #tpu.memory_space<vmem>>, vector<1x16xf32>,
      %get3A_381 = vector.shape_cast %get3A_380 : vector<1x16xf32> to vector<16xf32>
      %add3A_382 = arith.addf %get3A_377, %get3A_381 : vector<16xf32>
      %swap3A_383 = arith.index_cast %select_n3A : i32 to index
      %swap3A_384 = arith.index_cast %mul3A_373 : i32 to index
      %swap3A_385 = tpu.vector_load %arg7[%swap3A_383, %swap3A_384] {strides = array<i32>} : memref<16x1024xf32, #tpu.memory_space<vmem>>, vector<1x16xf32>,
      %swap3A_386 = vector.shape_cast %swap3A_385 : vector<1x16xf32> to vector<16xf32>
      %swap3A_387 = vector.shape_cast %add3A_382 : vector<16xf32> to vector<1x16xf32>
      tpu.vector_store %arg7[%swap3A_383, %swap3A_384], %swap3A_387 {strides = array<i32>} : memref<16x1024xf32, #tpu.memory_space<vmem>>, vector<1x16xf32>,
    }
    %scan3A_253 = arith.constant 256 : i32
    %add3A_254 = arith.constant 96 : i32
    %add3A_255 = arith.addi %mul3A_2, %add3A_254 : i32
    %dma_start3A_256 = arith.constant 0 : i32
    %dma_start3A_257 = tpu.memref_slice %arg4[%add3A_255, %dma_start3A_256] : memref<4096x1024xf32, #tpu.memory_space<hbm>> -> memref<16x1024xf32, #tpu.memory_space<hbm>>
    %dma_start3A_258 = arith.constant 0 : i32
    %dma_start3A_259 = tpu.memref_slice %arg4[%add3A_255, %dma_start3A_258] : memref<4096x1024xf32, #tpu.memory_space<hbm>> -> memref<16x1024xf32, #tpu.memory_space<hbm>>
    tpu.enqueue_dma source(%arg7 : memref<16x1024xf32, #tpu.memory_space<vmem>>) target(%dma_start3A_259 : memref<16x1024xf32, #tpu.memory_space<hbm>>) target_semaphore(%arg12 : memref<!tpu.dma_semaphore, #tpu.memory_space<semaphore_mem>>)
    %dma_wait3A_260 = arith.constant 112 : i32
    %dma_wait3A_261 = tpu.memref_slice %arg5[%dma_wait3A_260] : memref<128xi32, #tpu.memory_space<vmem>> -> memref<16xi32, #tpu.memory_space<vmem>>
    %dma_wait3A_262 = arith.constant 0 : i32
    %dma_wait3A_263 = arith.constant 0 : i32
    %dma_wait3A_264 = tpu.memref_slice %arg2[%dma_wait3A_262, %dma_wait3A_263] : memref<10240x1024xf32, #tpu.memory_space<hbm>> -> memref<10240x1024xf32, #tpu.memory_space<hbm>>
    tpu.wait_indirect_dma semaphore(%arg11 : memref<!tpu.dma_semaphore, #tpu.memory_space<semaphore_mem>>) src(%dma_wait3A_264 : memref<10240x1024xf32, #tpu.memory_space<hbm>>) dst(%arg9 : memref<16x1024xf32, #tpu.memory_space<vmem>>)
    %dma_wait3A_265 = arith.constant 112 : i32
    %dma_wait3A_266 = tpu.memref_slice %arg6[%dma_wait3A_265] : memref<128xi32, #tpu.memory_space<vmem>> -> memref<16xi32, #tpu.memory_space<vmem>>
    %dma_wait3A_267 = arith.constant 0 : i32
    %dma_wait3A_268 = arith.constant 0 : i32
    %dma_wait3A_269 = tpu.memref_slice %arg2[%dma_wait3A_267, %dma_wait3A_268] : memref<10240x1024xf32, #tpu.memory_space<hbm>> -> memref<10240x1024xf32, #tpu.memory_space<hbm>>
    tpu.wait_indirect_dma semaphore(%arg11 : memref<!tpu.dma_semaphore, #tpu.memory_space<semaphore_mem>>) src(%dma_wait3A_269 : memref<10240x1024xf32, #tpu.memory_space<hbm>>) dst(%arg10 : memref<16x1024xf32, #tpu.memory_space<vmem>>)
    %dma_wait3A_270 = arith.constant 0 : i32
    %dma_wait3A_271 = tpu.memref_slice %arg4[%add3A_255, %dma_wait3A_270] : memref<4096x1024xf32, #tpu.memory_space<hbm>> -> memref<16x1024xf32, #tpu.memory_space<hbm>>
    %dma_wait3A_272 = arith.constant 0 : i32
    %dma_wait3A_273 = tpu.memref_slice %arg4[%add3A_255, %dma_wait3A_272] : memref<4096x1024xf32, #tpu.memory_space<hbm>> -> memref<16x1024xf32, #tpu.memory_space<hbm>>
    tpu.wait_dma2 semaphore(%arg12 : memref<!tpu.dma_semaphore, #tpu.memory_space<semaphore_mem>>) src(%arg7 : memref<16x1024xf32, #tpu.memory_space<vmem>>) dst(%dma_wait3A_273 : memref<16x1024xf32, #tpu.memory_space<hbm>>)
    %scan3A_274 = arith.constant 0 : i32
    %scan3A_275 = arith.constant 0 : i32
    %scan3A_276 = arith.constant 256 : i32
    %scan3A_277 = arith.addi %scan3A_275, %scan3A_276 : i32
    %scan3A_278 = arith.constant 1 : i32
    scf.for %scan3A_290 = %scan3A_275 to %scan3A_277 step %scan3A_278  : i32 {
      %jit3A = arith.constant 16 : i32
      %div3A = arith.divsi %scan3A_290, %jit3A : i32
      %sign3A = arith.constant 0 : i32
      %sign3A_291 = arith.cmpi sgt, %scan3A_290, %sign3A : i32
      %sign3A_292 = arith.extui %sign3A_291 : i1 to i32
      %sign3A_293 = arith.constant 0 : i32
      %sign3A_294 = arith.cmpi slt, %scan3A_290, %sign3A_293 : i32
      %sign3A_295 = arith.extui %sign3A_294 : i1 to i32
      %sign3A_296 = arith.subi %sign3A_292, %sign3A_295 : i32
      %sign3A_297 = arith.constant 0 : i32
      %sign3A_298 = arith.cmpi sgt, %jit3A, %sign3A_297 : i32
      %sign3A_299 = arith.extui %sign3A_298 : i1 to i32
      %sign3A_300 = arith.constant 0 : i32
      %sign3A_301 = arith.cmpi slt, %jit3A, %sign3A_300 : i32
      %sign3A_302 = arith.extui %sign3A_301 : i1 to i32
      %sign3A_303 = arith.subi %sign3A_299, %sign3A_302 : i32
      %ne3A = arith.cmpi ne, %sign3A_296, %sign3A_303 : i32
      %rem3A = arith.remsi %scan3A_290, %jit3A : i32
      %ne3A_304 = arith.constant 0 : i32
      %ne3A_305 = arith.cmpi ne, %rem3A, %ne3A_304 : i32
      %and3A = arith.andi %ne3A, %ne3A_305 : i1
      %sub3A = arith.constant 1 : i32
      %sub3A_306 = arith.subi %div3A, %sub3A : i32
      %select_n3A = arith.select %and3A, %sub3A_306, %div3A : i32
      %mul3A_307 = arith.constant 16 : i32
      %mul3A_308 = arith.muli %select_n3A, %mul3A_307 : i32
      %sub3A_309 = arith.subi %scan3A_290, %mul3A_308 : i32
      %mul3A_310 = arith.constant 4 : i32
      %mul3A_311 = arith.muli %sub3A_309, %mul3A_310 : i32
      %add3A_312 = arith.constant 0 : i32
      %add3A_313 = arith.addi %mul3A_311, %add3A_312 : i32
      %mul3A_314 = arith.constant 16 : i32
      %mul3A_315 = arith.muli %add3A_313, %mul3A_314 : i32
      %get3A = arith.index_cast %select_n3A : i32 to index
      %get3A_316 = arith.index_cast %mul3A_315 : i32 to index
      %get3A_317 = tpu.vector_load %arg9[%get3A, %get3A_316] {strides = array<i32>} : memref<16x1024xf32, #tpu.memory_space<vmem>>, vector<1x16xf32>,
      %get3A_318 = vector.shape_cast %get3A_317 : vector<1x16xf32> to vector<16xf32>
      %get3A_319 = arith.index_cast %select_n3A : i32 to index
      %get3A_320 = arith.index_cast %mul3A_315 : i32 to index
      %get3A_321 = tpu.vector_load %arg10[%get3A_319, %get3A_320] {strides = array<i32>} : memref<16x1024xf32, #tpu.memory_space<vmem>>, vector<1x16xf32>,
      %get3A_322 = vector.shape_cast %get3A_321 : vector<1x16xf32> to vector<16xf32>
      %add3A_323 = arith.addf %get3A_318, %get3A_322 : vector<16xf32>
      %swap3A = arith.index_cast %select_n3A : i32 to index
      %swap3A_324 = arith.index_cast %mul3A_315 : i32 to index
      %swap3A_325 = tpu.vector_load %arg9[%swap3A, %swap3A_324] {strides = array<i32>} : memref<16x1024xf32, #tpu.memory_space<vmem>>, vector<1x16xf32>,
      %swap3A_326 = vector.shape_cast %swap3A_325 : vector<1x16xf32> to vector<16xf32>
      %swap3A_327 = vector.shape_cast %add3A_323 : vector<16xf32> to vector<1x16xf32>
      tpu.vector_store %arg9[%swap3A, %swap3A_324], %swap3A_327 {strides = array<i32>} : memref<16x1024xf32, #tpu.memory_space<vmem>>, vector<1x16xf32>,
      %mul3A_328 = arith.constant 4 : i32
      %mul3A_329 = arith.muli %sub3A_309, %mul3A_328 : i32
      %add3A_330 = arith.constant 1 : i32
      %add3A_331 = arith.addi %mul3A_329, %add3A_330 : i32
      %mul3A_332 = arith.constant 16 : i32
      %mul3A_333 = arith.muli %add3A_331, %mul3A_332 : i32
      %get3A_334 = arith.index_cast %select_n3A : i32 to index
      %get3A_335 = arith.index_cast %mul3A_333 : i32 to index
      %get3A_336 = tpu.vector_load %arg9[%get3A_334, %get3A_335] {strides = array<i32>} : memref<16x1024xf32, #tpu.memory_space<vmem>>, vector<1x16xf32>,
      %get3A_337 = vector.shape_cast %get3A_336 : vector<1x16xf32> to vector<16xf32>
      %get3A_338 = arith.index_cast %select_n3A : i32 to index
      %get3A_339 = arith.index_cast %mul3A_333 : i32 to index
      %get3A_340 = tpu.vector_load %arg10[%get3A_338, %get3A_339] {strides = array<i32>} : memref<16x1024xf32, #tpu.memory_space<vmem>>, vector<1x16xf32>,
      %get3A_341 = vector.shape_cast %get3A_340 : vector<1x16xf32> to vector<16xf32>
      %add3A_342 = arith.addf %get3A_337, %get3A_341 : vector<16xf32>
      %swap3A_343 = arith.index_cast %select_n3A : i32 to index
      %swap3A_344 = arith.index_cast %mul3A_333 : i32 to index
      %swap3A_345 = tpu.vector_load %arg9[%swap3A_343, %swap3A_344] {strides = array<i32>} : memref<16x1024xf32, #tpu.memory_space<vmem>>, vector<1x16xf32>,
      %swap3A_346 = vector.shape_cast %swap3A_345 : vector<1x16xf32> to vector<16xf32>
      %swap3A_347 = vector.shape_cast %add3A_342 : vector<16xf32> to vector<1x16xf32>
      tpu.vector_store %arg9[%swap3A_343, %swap3A_344], %swap3A_347 {strides = array<i32>} : memref<16x1024xf32, #tpu.memory_space<vmem>>, vector<1x16xf32>,
      %mul3A_348 = arith.constant 4 : i32
      %mul3A_349 = arith.muli %sub3A_309, %mul3A_348 : i32
      %add3A_350 = arith.constant 2 : i32
      %add3A_351 = arith.addi %mul3A_349, %add3A_350 : i32
      %mul3A_352 = arith.constant 16 : i32
      %mul3A_353 = arith.muli %add3A_351, %mul3A_352 : i32
      %get3A_354 = arith.index_cast %select_n3A : i32 to index
      %get3A_355 = arith.index_cast %mul3A_353 : i32 to index
      %get3A_356 = tpu.vector_load %arg9[%get3A_354, %get3A_355] {strides = array<i32>} : memref<16x1024xf32, #tpu.memory_space<vmem>>, vector<1x16xf32>,
      %get3A_357 = vector.shape_cast %get3A_356 : vector<1x16xf32> to vector<16xf32>
      %get3A_358 = arith.index_cast %select_n3A : i32 to index
      %get3A_359 = arith.index_cast %mul3A_353 : i32 to index
      %get3A_360 = tpu.vector_load %arg10[%get3A_358, %get3A_359] {strides = array<i32>} : memref<16x1024xf32, #tpu.memory_space<vmem>>, vector<1x16xf32>,
      %get3A_361 = vector.shape_cast %get3A_360 : vector<1x16xf32> to vector<16xf32>
      %add3A_362 = arith.addf %get3A_357, %get3A_361 : vector<16xf32>
      %swap3A_363 = arith.index_cast %select_n3A : i32 to index
      %swap3A_364 = arith.index_cast %mul3A_353 : i32 to index
      %swap3A_365 = tpu.vector_load %arg9[%swap3A_363, %swap3A_364] {strides = array<i32>} : memref<16x1024xf32, #tpu.memory_space<vmem>>, vector<1x16xf32>,
      %swap3A_366 = vector.shape_cast %swap3A_365 : vector<1x16xf32> to vector<16xf32>
      %swap3A_367 = vector.shape_cast %add3A_362 : vector<16xf32> to vector<1x16xf32>
      tpu.vector_store %arg9[%swap3A_363, %swap3A_364], %swap3A_367 {strides = array<i32>} : memref<16x1024xf32, #tpu.memory_space<vmem>>, vector<1x16xf32>,
      %mul3A_368 = arith.constant 4 : i32
      %mul3A_369 = arith.muli %sub3A_309, %mul3A_368 : i32
      %add3A_370 = arith.constant 3 : i32
      %add3A_371 = arith.addi %mul3A_369, %add3A_370 : i32
      %mul3A_372 = arith.constant 16 : i32
      %mul3A_373 = arith.muli %add3A_371, %mul3A_372 : i32
      %get3A_374 = arith.index_cast %select_n3A : i32 to index
      %get3A_375 = arith.index_cast %mul3A_373 : i32 to index
      %get3A_376 = tpu.vector_load %arg9[%get3A_374, %get3A_375] {strides = array<i32>} : memref<16x1024xf32, #tpu.memory_space<vmem>>, vector<1x16xf32>,
      %get3A_377 = vector.shape_cast %get3A_376 : vector<1x16xf32> to vector<16xf32>
      %get3A_378 = arith.index_cast %select_n3A : i32 to index
      %get3A_379 = arith.index_cast %mul3A_373 : i32 to index
      %get3A_380 = tpu.vector_load %arg10[%get3A_378, %get3A_379] {strides = array<i32>} : memref<16x1024xf32, #tpu.memory_space<vmem>>, vector<1x16xf32>,
      %get3A_381 = vector.shape_cast %get3A_380 : vector<1x16xf32> to vector<16xf32>
      %add3A_382 = arith.addf %get3A_377, %get3A_381 : vector<16xf32>
      %swap3A_383 = arith.index_cast %select_n3A : i32 to index
      %swap3A_384 = arith.index_cast %mul3A_373 : i32 to index
      %swap3A_385 = tpu.vector_load %arg9[%swap3A_383, %swap3A_384] {strides = array<i32>} : memref<16x1024xf32, #tpu.memory_space<vmem>>, vector<1x16xf32>,
      %swap3A_386 = vector.shape_cast %swap3A_385 : vector<1x16xf32> to vector<16xf32>
      %swap3A_387 = vector.shape_cast %add3A_382 : vector<16xf32> to vector<1x16xf32>
      tpu.vector_store %arg9[%swap3A_383, %swap3A_384], %swap3A_387 {strides = array<i32>} : memref<16x1024xf32, #tpu.memory_space<vmem>>, vector<1x16xf32>,
    }
    %scan3A_279 = arith.constant 256 : i32
    %add3A_280 = arith.constant 112 : i32
    %add3A_281 = arith.addi %mul3A_2, %add3A_280 : i32
    %dma_start3A_282 = arith.constant 0 : i32
    %dma_start3A_283 = tpu.memref_slice %arg4[%add3A_281, %dma_start3A_282] : memref<4096x1024xf32, #tpu.memory_space<hbm>> -> memref<16x1024xf32, #tpu.memory_space<hbm>>
    %dma_start3A_284 = arith.constant 0 : i32
    %dma_start3A_285 = tpu.memref_slice %arg4[%add3A_281, %dma_start3A_284] : memref<4096x1024xf32, #tpu.memory_space<hbm>> -> memref<16x1024xf32, #tpu.memory_space<hbm>>
    tpu.enqueue_dma source(%arg9 : memref<16x1024xf32, #tpu.memory_space<vmem>>) target(%dma_start3A_285 : memref<16x1024xf32, #tpu.memory_space<hbm>>) target_semaphore(%arg12 : memref<!tpu.dma_semaphore, #tpu.memory_space<semaphore_mem>>)
    %dma_wait3A_286 = arith.constant 0 : i32
    %dma_wait3A_287 = tpu.memref_slice %arg4[%add3A_281, %dma_wait3A_286] : memref<4096x1024xf32, #tpu.memory_space<hbm>> -> memref<16x1024xf32, #tpu.memory_space<hbm>>
    %dma_wait3A_288 = arith.constant 0 : i32
    %dma_wait3A_289 = tpu.memref_slice %arg4[%add3A_281, %dma_wait3A_288] : memref<4096x1024xf32, #tpu.memory_space<hbm>> -> memref<16x1024xf32, #tpu.memory_space<hbm>>
    tpu.wait_dma2 semaphore(%arg12 : memref<!tpu.dma_semaphore, #tpu.memory_space<semaphore_mem>>) src(%arg9 : memref<16x1024xf32, #tpu.memory_space<vmem>>) dst(%dma_wait3A_289 : memref<16x1024xf32, #tpu.memory_space<hbm>>)
    return
  }
}

module attributes {stable_mosaic.version = 14 : i64} {
  func.func @_router_kernel(%arg0: i32, %arg1: memref<512x1024xf32, #tpu.memory_space<vmem>>, %arg2: memref<1024x8xf32, #tpu.memory_space<vmem>>, %arg3: memref<512x8xf32, #tpu.memory_space<vmem>>, %arg4: memref<512x2xi32, #tpu.memory_space<vmem>>, %arg5: memref<512x2xf32, #tpu.memory_space<vmem>>) attributes {dimension_semantics = [#tpu.dimension_semantics<arbitrary>], iteration_bounds = array<i64: 8>, scalar_prefetch = 0 : i64, scratch_operands = 0 : i64, tpu.core_type = #tpu.core_type<tc>, window_params = [{transform_indices = @transform_0, window_bounds = array<i64: 512, 1024>}, {pipeline_mode = #tpu.pipeline_mode<synchronous>, transform_indices = @transform_1, window_bounds = array<i64: 1024, 8>}, {transform_indices = @transform_2, window_bounds = array<i64: 512, 8>}, {transform_indices = @transform_3, window_bounds = array<i64: 512, 2>}, {transform_indices = @transform_4, window_bounds = array<i64: 512, 2>}]} {
    %get3A = arith.constant 0 : index
    %get3A_0 = arith.constant 0 : index
    %get3A_1 = vector.load %arg1[%get3A, %get3A_0] : memref<512x1024xf32, #tpu.memory_space<vmem>>, vector<512x1024xf32>
    %get3A_2 = arith.constant 0 : index
    %get3A_3 = arith.constant 0 : index
    %get3A_4 = vector.load %arg2[%get3A_2, %get3A_3] : memref<1024x8xf32, #tpu.memory_space<vmem>>, vector<1024x8xf32>
    %dot_general3A = arith.constant dense<0.000000e+00> : vector<512x8xf32>
    %dot_general3A_5 = tpu.matmul %get3A_1, %get3A_4, %dot_general3A {dimension_numbers = #tpu.dot_dimension_numbers<[1], [0], [0], [1], [0, 0, 1, 1], [], []>, transpose_lhs_hint = false} : vector<512x1024xf32>, vector<1024x8xf32>, vector<512x8xf32> -> vector<512x8xf32>
    %swap3A = arith.constant 0 : index
    %swap3A_6 = arith.constant 0 : index
    %swap3A_7 = vector.load %arg3[%swap3A, %swap3A_6] : memref<512x8xf32, #tpu.memory_space<vmem>>, vector<512x8xf32>
    tpu.vector_store %arg3[%swap3A, %swap3A_6], %dot_general3A_5 {strides = array<i32>} : memref<512x8xf32, #tpu.memory_space<vmem>>, vector<512x8xf32>,
    %reduce_max3A = arith.constant dense<0xFF800000> : vector<512xf32>
    %reduce_max3A_8 = vector.multi_reduction <maximumf>, %dot_general3A_5, %reduce_max3A [1] : vector<512x8xf32> to vector<512xf32>
    %broadcast_in_dim3A = vector.shape_cast %reduce_max3A_8 : vector<512xf32> to vector<512x1xf32>
    %sub3A = vector.broadcast %broadcast_in_dim3A : vector<512x1xf32> to vector<512x8xf32>
    %sub3A_9 = arith.subf %dot_general3A_5, %sub3A : vector<512x8xf32>
    %exp3A = math.exp %sub3A_9 : vector<512x8xf32>
    %reduce_sum3A = arith.constant dense<0.000000e+00> : vector<512xf32>
    %reduce_sum3A_10 = vector.multi_reduction <add>, %exp3A, %reduce_sum3A [1] : vector<512x8xf32> to vector<512xf32>
    %broadcast_in_dim3A_11 = vector.shape_cast %reduce_sum3A_10 : vector<512xf32> to vector<512x1xf32>
    %div3A = vector.broadcast %broadcast_in_dim3A_11 : vector<512x1xf32> to vector<512x8xf32>
    %div3A_12 = arith.divf %exp3A, %div3A : vector<512x8xf32>
    %iota3A = tpu.iota {dimensions = array<i32: 1>} : vector<512x8xi32>
    %argmax3A = tpu.reduce_index %div3A_12 {axis = 1 : i32, kind = #tpu.reduction_kind<arg_max>} : vector<512x8xf32> -> vector<512xi32>
    %broadcast_in_dim3A_13 = vector.shape_cast %argmax3A : vector<512xi32> to vector<512x1xi32>
    %reduce_max3A_14 = arith.constant dense<0xFF800000> : vector<512xf32>
    %reduce_max3A_15 = vector.multi_reduction <maximumf>, %div3A_12, %reduce_max3A_14 [1] : vector<512x8xf32> to vector<512xf32>
    %broadcast_in_dim3A_16 = vector.shape_cast %reduce_max3A_15 : vector<512xf32> to vector<512x1xf32>
    %eq3A = vector.broadcast %broadcast_in_dim3A_13 : vector<512x1xi32> to vector<512x8xi32>
    %eq3A_17 = arith.cmpi eq, %iota3A, %eq3A : vector<512x8xi32>
    %jit3A = arith.constant -1.000000e+00 : f32
    %broadcast_in_dim3A_18 = vector.broadcast %jit3A : f32 to vector<512x8xf32>
    %select_n3A = arith.select %eq3A_17, %broadcast_in_dim3A_18, %div3A_12 : vector<512x8xi1>, vector<512x8xf32>
    %argmax3A_19 = tpu.reduce_index %select_n3A {axis = 1 : i32, kind = #tpu.reduction_kind<arg_max>} : vector<512x8xf32> -> vector<512xi32>
    %broadcast_in_dim3A_20 = vector.shape_cast %argmax3A_19 : vector<512xi32> to vector<512x1xi32>
    %reduce_max3A_21 = arith.constant dense<0xFF800000> : vector<512xf32>
    %reduce_max3A_22 = vector.multi_reduction <maximumf>, %select_n3A, %reduce_max3A_21 [1] : vector<512x8xf32> to vector<512xf32>
    %broadcast_in_dim3A_23 = vector.shape_cast %reduce_max3A_22 : vector<512xf32> to vector<512x1xf32>
    %add3A = arith.addf %broadcast_in_dim3A_16, %broadcast_in_dim3A_23 : vector<512x1xf32>
    %concatenate3A = tpu.concatenate %broadcast_in_dim3A_13, %broadcast_in_dim3A_20 in 1 : vector<512x1xi32>, vector<512x1xi32> -> vector<512x2xi32>
    %swap3A_24 = arith.constant 0 : index
    %swap3A_25 = arith.constant 0 : index
    %swap3A_26 = vector.load %arg4[%swap3A_24, %swap3A_25] : memref<512x2xi32, #tpu.memory_space<vmem>>, vector<512x2xi32>
    tpu.vector_store %arg4[%swap3A_24, %swap3A_25], %concatenate3A {strides = array<i32>} : memref<512x2xi32, #tpu.memory_space<vmem>>, vector<512x2xi32>,
    %div3A_27 = arith.divf %broadcast_in_dim3A_16, %add3A : vector<512x1xf32>
    %div3A_28 = arith.divf %broadcast_in_dim3A_23, %add3A : vector<512x1xf32>
    %concatenate3A_29 = tpu.concatenate %div3A_27, %div3A_28 in 1 : vector<512x1xf32>, vector<512x1xf32> -> vector<512x2xf32>
    %swap3A_30 = arith.constant 0 : index
    %swap3A_31 = arith.constant 0 : index
    %swap3A_32 = vector.load %arg5[%swap3A_30, %swap3A_31] : memref<512x2xf32, #tpu.memory_space<vmem>>, vector<512x2xf32>
    tpu.vector_store %arg5[%swap3A_30, %swap3A_31], %concatenate3A_29 {strides = array<i32>} : memref<512x2xf32, #tpu.memory_space<vmem>>, vector<512x2xf32>,
    return
  }
  func.func @transform_0(%arg0: i32) -> (i32, i32) {
    %c0_i32 = arith.constant 0 : i32
    %c0_i32_0 = arith.constant 0 : i32
    return %arg0, %c0_i32 : i32, i32
  }
  func.func @transform_1(%arg0: i32) -> (i32, i32) {
    %c0_i32 = arith.constant 0 : i32
    %c0_i32_0 = arith.constant 0 : i32
    %c0_i32_1 = arith.constant 0 : i32
    return %c0_i32, %c0_i32_0 : i32, i32
  }
  func.func @transform_2(%arg0: i32) -> (i32, i32) {
    %c0_i32 = arith.constant 0 : i32
    %c0_i32_0 = arith.constant 0 : i32
    return %arg0, %c0_i32 : i32, i32
  }
  func.func @transform_3(%arg0: i32) -> (i32, i32) {
    %c0_i32 = arith.constant 0 : i32
    %c0_i32_0 = arith.constant 0 : i32
    return %arg0, %c0_i32 : i32, i32
  }
  func.func @transform_4(%arg0: i32) -> (i32, i32) {
    %c0_i32 = arith.constant 0 : i32
    %c0_i32_0 = arith.constant 0 : i32
    return %arg0, %c0_i32 : i32, i32
  }
}

module attributes {stable_mosaic.version = 14 : i64} {
  func.func @_scan_kernel(%arg0: i32, %arg1: memref<512x2xi32, #tpu.memory_space<vmem>>, %arg2: memref<512x2xf32, #tpu.memory_space<vmem>>, %arg3: memref<512x512xf32, #tpu.memory_space<vmem>>, %arg4: memref<512x1xi32, #tpu.memory_space<vmem>>, %arg5: memref<512x1xf32, #tpu.memory_space<vmem>>, %arg6: memref<2x128xi32, #tpu.memory_space<vmem>>, %arg7: memref<1x8xf32, #tpu.memory_space<vmem>>, %arg8: memref<16x8xf32, #tpu.memory_space<vmem>>, %arg9: memref<1x8xf32, #tpu.memory_space<vmem>>) attributes {dimension_semantics = [#tpu.dimension_semantics<arbitrary>], iteration_bounds = array<i64: 32>, scalar_prefetch = 0 : i64, scratch_operands = 3 : i64, tpu.core_type = #tpu.core_type<tc>, window_params = [{transform_indices = @transform_0, window_bounds = array<i64: 512, 2>}, {transform_indices = @transform_1, window_bounds = array<i64: 512, 2>}, {pipeline_mode = #tpu.pipeline_mode<synchronous>, transform_indices = @transform_2, window_bounds = array<i64: 512, 512>}, {transform_indices = @transform_3, window_bounds = array<i64: 512, 1>}, {transform_indices = @transform_4, window_bounds = array<i64: 512, 1>}, {pipeline_mode = #tpu.pipeline_mode<synchronous>, transform_indices = @transform_5, window_bounds = array<i64: 2, 128>}]} {
    %eq3A = arith.constant 0 : i32
    %eq3A_0 = arith.cmpi eq, %arg0, %eq3A : i32
    %convert_element_type3A = arith.extui %eq3A_0 : i1 to i32
    %cond3A = arith.constant 0 : i32
    %cond3A_1 = arith.cmpi ne, %convert_element_type3A, %cond3A : i32
    scf.if %cond3A_1 {
      %broadcast_in_dim3A = arith.constant 0.000000e+00 : f32
      %broadcast_in_dim3A_15 = vector.broadcast %broadcast_in_dim3A : f32 to vector<1x8xf32>
      %swap3A = arith.constant 0 : index
      %swap3A_16 = arith.constant 0 : index
      %swap3A_17 = vector.load %arg7[%swap3A, %swap3A_16] : memref<1x8xf32, #tpu.memory_space<vmem>>, vector<1x8xf32>
      tpu.vector_store %arg7[%swap3A, %swap3A_16], %broadcast_in_dim3A_15 {strides = array<i32>} : memref<1x8xf32, #tpu.memory_space<vmem>>, vector<1x8xf32>,
    } else {
    }
    %lt3A = arith.constant 16 : i32
    %lt3A_2 = arith.cmpi slt, %arg0, %lt3A : i32
    %convert_element_type3A_3 = arith.extui %lt3A_2 : i1 to i32
    %cond3A_4 = arith.constant 0 : i32
    %cond3A_5 = arith.cmpi ne, %convert_element_type3A_3, %cond3A_4 : i32
    scf.if %cond3A_5 {
      %jit3A = arith.constant 8 : i32
      %div3A = arith.divsi %arg0, %jit3A : i32
      %sign3A = arith.constant 0 : i32
      %sign3A_15 = arith.cmpi sgt, %arg0, %sign3A : i32
      %sign3A_16 = arith.extui %sign3A_15 : i1 to i32
      %sign3A_17 = arith.constant 0 : i32
      %sign3A_18 = arith.cmpi slt, %arg0, %sign3A_17 : i32
      %sign3A_19 = arith.extui %sign3A_18 : i1 to i32
      %sign3A_20 = arith.subi %sign3A_16, %sign3A_19 : i32
      %sign3A_21 = arith.constant 0 : i32
      %sign3A_22 = arith.cmpi sgt, %jit3A, %sign3A_21 : i32
      %sign3A_23 = arith.extui %sign3A_22 : i1 to i32
      %sign3A_24 = arith.constant 0 : i32
      %sign3A_25 = arith.cmpi slt, %jit3A, %sign3A_24 : i32
      %sign3A_26 = arith.extui %sign3A_25 : i1 to i32
      %sign3A_27 = arith.subi %sign3A_23, %sign3A_26 : i32
      %ne3A = arith.cmpi ne, %sign3A_20, %sign3A_27 : i32
      %rem3A = arith.remsi %arg0, %jit3A : i32
      %ne3A_28 = arith.constant 0 : i32
      %ne3A_29 = arith.cmpi ne, %rem3A, %ne3A_28 : i32
      %and3A = arith.andi %ne3A, %ne3A_29 : i1
      %sub3A = arith.constant 1 : i32
      %sub3A_30 = arith.subi %div3A, %sub3A : i32
      %select_n3A = arith.select %and3A, %sub3A_30, %div3A : i32
      %iota3A = tpu.iota {dimensions = array<i32: 1>} : vector<512x2xi32>
      %eq3A_31 = vector.broadcast %select_n3A : i32 to vector<512x2xi32>
      %eq3A_32 = arith.cmpi eq, %iota3A, %eq3A_31 : vector<512x2xi32>
      %convert_element_type3A_33 = arith.extui %eq3A_32 : vector<512x2xi1> to vector<512x2xi32>
      %convert_element_type3A_34 = arith.sitofp %convert_element_type3A_33 : vector<512x2xi32> to vector<512x2xf32>
      %get3A = arith.constant 0 : index
      %get3A_35 = arith.constant 0 : index
      %get3A_36 = vector.load %arg1[%get3A, %get3A_35] : memref<512x2xi32, #tpu.memory_space<vmem>>, vector<512x2xi32>
      %convert_element_type3A_37 = arith.sitofp %get3A_36 : vector<512x2xi32> to vector<512x2xf32>
      %mul3A = arith.mulf %convert_element_type3A_37, %convert_element_type3A_34 : vector<512x2xf32>
      %reduce_sum3A = arith.constant dense<0.000000e+00> : vector<512xf32>
      %reduce_sum3A_38 = vector.multi_reduction <add>, %mul3A, %reduce_sum3A [1] : vector<512x2xf32> to vector<512xf32>
      %broadcast_in_dim3A = vector.shape_cast %reduce_sum3A_38 : vector<512xf32> to vector<512x1xf32>
      %iota3A_39 = tpu.iota {dimensions = array<i32: 1>} : vector<512x8xi32>
      %convert_element_type3A_40 = arith.sitofp %iota3A_39 : vector<512x8xi32> to vector<512x8xf32>
      %eq3A_41 = vector.broadcast %broadcast_in_dim3A : vector<512x1xf32> to vector<512x8xf32>
      %eq3A_42 = arith.cmpf oeq, %eq3A_41, %convert_element_type3A_40 : vector<512x8xf32>
      %convert_element_type3A_43 = arith.extui %eq3A_42 : vector<512x8xi1> to vector<512x8xi32>
      %convert_element_type3A_44 = arith.sitofp %convert_element_type3A_43 : vector<512x8xi32> to vector<512x8xf32>
      %get3A_45 = arith.constant 0 : index
      %get3A_46 = arith.constant 0 : index
      %get3A_47 = vector.load %arg7[%get3A_45, %get3A_46] : memref<1x8xf32, #tpu.memory_space<vmem>>, vector<1x8xf32>
      %swap3A = arith.index_cast %arg0 : i32 to index
      %swap3A_48 = arith.constant 0 : index
      %swap3A_49 = vector.load %arg8[%swap3A, %swap3A_48] : memref<16x8xf32, #tpu.memory_space<vmem>>, vector<1x8xf32>
      tpu.vector_store %arg8[%swap3A, %swap3A_48], %get3A_47 {strides = array<i32>} : memref<16x8xf32, #tpu.memory_space<vmem>>, vector<1x8xf32>,
      %get3A_50 = arith.constant 0 : index
      %get3A_51 = arith.constant 0 : index
      %get3A_52 = vector.load %arg7[%get3A_50, %get3A_51] : memref<1x8xf32, #tpu.memory_space<vmem>>, vector<1x8xf32>
      %reduce_sum3A_53 = arith.constant dense<0.000000e+00> : vector<8xf32>
      %reduce_sum3A_54 = vector.multi_reduction <add>, %convert_element_type3A_44, %reduce_sum3A_53 [0] : vector<512x8xf32> to vector<8xf32>
      %broadcast_in_dim3A_55 = vector.shape_cast %reduce_sum3A_54 : vector<8xf32> to vector<1x8xf32>
      %add3A = arith.addf %get3A_52, %broadcast_in_dim3A_55 : vector<1x8xf32>
      %swap3A_56 = arith.constant 0 : index
      %swap3A_57 = arith.constant 0 : index
      %swap3A_58 = vector.load %arg7[%swap3A_56, %swap3A_57] : memref<1x8xf32, #tpu.memory_space<vmem>>, vector<1x8xf32>
      tpu.vector_store %arg7[%swap3A_56, %swap3A_57], %add3A {strides = array<i32>} : memref<1x8xf32, #tpu.memory_space<vmem>>, vector<1x8xf32>,
    } else {
    }
    %eq3A_6 = arith.constant 15 : i32
    %eq3A_7 = arith.cmpi eq, %arg0, %eq3A_6 : i32
    %convert_element_type3A_8 = arith.extui %eq3A_7 : i1 to i32
    %cond3A_9 = arith.constant 0 : i32
    %cond3A_10 = arith.cmpi ne, %convert_element_type3A_8, %cond3A_9 : i32
    scf.if %cond3A_10 {
      %get3A = arith.constant 0 : index
      %get3A_15 = arith.constant 0 : index
      %get3A_16 = vector.load %arg7[%get3A, %get3A_15] : memref<1x8xf32, #tpu.memory_space<vmem>>, vector<1x8xf32>
      %add3A = arith.constant 2.550000e+02 : f32
      %add3A_17 = vector.broadcast %add3A : f32 to vector<1x8xf32>
      %add3A_18 = arith.addf %get3A_16, %add3A_17 : vector<1x8xf32>
      %div3A = arith.constant 2.560000e+02 : f32
      %div3A_19 = vector.broadcast %div3A : f32 to vector<1x8xf32>
      %div3A_20 = arith.divf %add3A_18, %div3A_19 : vector<1x8xf32>
      %floor3A = math.floor %div3A_20 : vector<1x8xf32>
      %mul3A = arith.constant 2.560000e+02 : f32
      %mul3A_21 = vector.broadcast %mul3A : f32 to vector<1x8xf32>
      %mul3A_22 = arith.mulf %floor3A, %mul3A_21 : vector<1x8xf32>
      %broadcast_in_dim3A = arith.constant 0.000000e+00 : f32
      %broadcast_in_dim3A_23 = vector.broadcast %broadcast_in_dim3A : f32 to vector<1x1xf32>
      %slice3A = vector.extract_strided_slice %mul3A_22 {offsets = [0, 0], sizes = [1, 1], strides = [1, 1]} : vector<1x8xf32> to vector<1x1xf32>
      %add3A_24 = arith.addf %broadcast_in_dim3A_23, %slice3A : vector<1x1xf32>
      %slice3A_25 = vector.extract_strided_slice %mul3A_22 {offsets = [0, 1], sizes = [1, 1], strides = [1, 1]} : vector<1x8xf32> to vector<1x1xf32>
      %add3A_26 = arith.addf %add3A_24, %slice3A_25 : vector<1x1xf32>
      %slice3A_27 = vector.extract_strided_slice %mul3A_22 {offsets = [0, 2], sizes = [1, 1], strides = [1, 1]} : vector<1x8xf32> to vector<1x1xf32>
      %add3A_28 = arith.addf %add3A_26, %slice3A_27 : vector<1x1xf32>
      %slice3A_29 = vector.extract_strided_slice %mul3A_22 {offsets = [0, 3], sizes = [1, 1], strides = [1, 1]} : vector<1x8xf32> to vector<1x1xf32>
      %add3A_30 = arith.addf %add3A_28, %slice3A_29 : vector<1x1xf32>
      %slice3A_31 = vector.extract_strided_slice %mul3A_22 {offsets = [0, 4], sizes = [1, 1], strides = [1, 1]} : vector<1x8xf32> to vector<1x1xf32>
      %add3A_32 = arith.addf %add3A_30, %slice3A_31 : vector<1x1xf32>
      %slice3A_33 = vector.extract_strided_slice %mul3A_22 {offsets = [0, 5], sizes = [1, 1], strides = [1, 1]} : vector<1x8xf32> to vector<1x1xf32>
      %add3A_34 = arith.addf %add3A_32, %slice3A_33 : vector<1x1xf32>
      %slice3A_35 = vector.extract_strided_slice %mul3A_22 {offsets = [0, 6], sizes = [1, 1], strides = [1, 1]} : vector<1x8xf32> to vector<1x1xf32>
      %add3A_36 = arith.addf %add3A_34, %slice3A_35 : vector<1x1xf32>
      %slice3A_37 = vector.extract_strided_slice %mul3A_22 {offsets = [0, 7], sizes = [1, 1], strides = [1, 1]} : vector<1x8xf32> to vector<1x1xf32>
      %add3A_38 = arith.addf %add3A_36, %slice3A_37 : vector<1x1xf32>
      %concatenate3A = tpu.concatenate %add3A_24, %add3A_26, %add3A_28, %add3A_30, %add3A_32, %add3A_34, %add3A_36, %add3A_38 in 1 : vector<1x1xf32>, vector<1x1xf32>, vector<1x1xf32>, vector<1x1xf32>, vector<1x1xf32>, vector<1x1xf32>, vector<1x1xf32>, vector<1x1xf32> -> vector<1x8xf32>
      %sub3A = arith.subf %concatenate3A, %mul3A_22 : vector<1x8xf32>
      %swap3A = arith.constant 0 : index
      %swap3A_39 = arith.constant 0 : index
      %swap3A_40 = vector.load %arg9[%swap3A, %swap3A_39] : memref<1x8xf32, #tpu.memory_space<vmem>>, vector<1x8xf32>
      tpu.vector_store %arg9[%swap3A, %swap3A_39], %sub3A {strides = array<i32>} : memref<1x8xf32, #tpu.memory_space<vmem>>, vector<1x8xf32>,
      %iota3A = tpu.iota {dimensions = array<i32: 1>} : vector<1x128xi32>
      %convert_element_type3A_41 = arith.sitofp %iota3A : vector<1x128xi32> to vector<1x128xf32>
      %mul3A_42 = arith.constant 2.560000e+02 : f32
      %mul3A_43 = vector.broadcast %mul3A_42 : f32 to vector<1x128xf32>
      %mul3A_44 = arith.mulf %convert_element_type3A_41, %mul3A_43 : vector<1x128xf32>
      %broadcast_in_dim3A_45 = arith.constant 0.000000e+00 : f32
      %broadcast_in_dim3A_46 = vector.broadcast %broadcast_in_dim3A_45 : f32 to vector<1x128xf32>
      %slice3A_47 = vector.extract_strided_slice %concatenate3A {offsets = [0, 0], sizes = [1, 1], strides = [1, 1]} : vector<1x8xf32> to vector<1x1xf32>
      %ge3A_48 = vector.broadcast %slice3A_47 : vector<1x1xf32> to vector<1x128xf32>
      %ge3A_49 = arith.cmpf oge, %mul3A_44, %ge3A_48 : vector<1x128xf32>
      %convert_element_type3A_50 = arith.extui %ge3A_49 : vector<1x128xi1> to vector<1x128xi32>
      %convert_element_type3A_51 = arith.sitofp %convert_element_type3A_50 : vector<1x128xi32> to vector<1x128xf32>
      %add3A_52 = arith.addf %broadcast_in_dim3A_46, %convert_element_type3A_51 : vector<1x128xf32>
      %slice3A_53 = vector.extract_strided_slice %concatenate3A {offsets = [0, 1], sizes = [1, 1], strides = [1, 1]} : vector<1x8xf32> to vector<1x1xf32>
      %ge3A_54 = vector.broadcast %slice3A_53 : vector<1x1xf32> to vector<1x128xf32>
      %ge3A_55 = arith.cmpf oge, %mul3A_44, %ge3A_54 : vector<1x128xf32>
      %convert_element_type3A_56 = arith.extui %ge3A_55 : vector<1x128xi1> to vector<1x128xi32>
      %convert_element_type3A_57 = arith.sitofp %convert_element_type3A_56 : vector<1x128xi32> to vector<1x128xf32>
      %add3A_58 = arith.addf %add3A_52, %convert_element_type3A_57 : vector<1x128xf32>
      %slice3A_59 = vector.extract_strided_slice %concatenate3A {offsets = [0, 2], sizes = [1, 1], strides = [1, 1]} : vector<1x8xf32> to vector<1x1xf32>
      %ge3A_60 = vector.broadcast %slice3A_59 : vector<1x1xf32> to vector<1x128xf32>
      %ge3A_61 = arith.cmpf oge, %mul3A_44, %ge3A_60 : vector<1x128xf32>
      %convert_element_type3A_62 = arith.extui %ge3A_61 : vector<1x128xi1> to vector<1x128xi32>
      %convert_element_type3A_63 = arith.sitofp %convert_element_type3A_62 : vector<1x128xi32> to vector<1x128xf32>
      %add3A_64 = arith.addf %add3A_58, %convert_element_type3A_63 : vector<1x128xf32>
      %slice3A_65 = vector.extract_strided_slice %concatenate3A {offsets = [0, 3], sizes = [1, 1], strides = [1, 1]} : vector<1x8xf32> to vector<1x1xf32>
      %ge3A_66 = vector.broadcast %slice3A_65 : vector<1x1xf32> to vector<1x128xf32>
      %ge3A_67 = arith.cmpf oge, %mul3A_44, %ge3A_66 : vector<1x128xf32>
      %convert_element_type3A_68 = arith.extui %ge3A_67 : vector<1x128xi1> to vector<1x128xi32>
      %convert_element_type3A_69 = arith.sitofp %convert_element_type3A_68 : vector<1x128xi32> to vector<1x128xf32>
      %add3A_70 = arith.addf %add3A_64, %convert_element_type3A_69 : vector<1x128xf32>
      %slice3A_71 = vector.extract_strided_slice %concatenate3A {offsets = [0, 4], sizes = [1, 1], strides = [1, 1]} : vector<1x8xf32> to vector<1x1xf32>
      %ge3A_72 = vector.broadcast %slice3A_71 : vector<1x1xf32> to vector<1x128xf32>
      %ge3A_73 = arith.cmpf oge, %mul3A_44, %ge3A_72 : vector<1x128xf32>
      %convert_element_type3A_74 = arith.extui %ge3A_73 : vector<1x128xi1> to vector<1x128xi32>
      %convert_element_type3A_75 = arith.sitofp %convert_element_type3A_74 : vector<1x128xi32> to vector<1x128xf32>
      %add3A_76 = arith.addf %add3A_70, %convert_element_type3A_75 : vector<1x128xf32>
      %slice3A_77 = vector.extract_strided_slice %concatenate3A {offsets = [0, 5], sizes = [1, 1], strides = [1, 1]} : vector<1x8xf32> to vector<1x1xf32>
      %ge3A_78 = vector.broadcast %slice3A_77 : vector<1x1xf32> to vector<1x128xf32>
      %ge3A_79 = arith.cmpf oge, %mul3A_44, %ge3A_78 : vector<1x128xf32>
      %convert_element_type3A_80 = arith.extui %ge3A_79 : vector<1x128xi1> to vector<1x128xi32>
      %convert_element_type3A_81 = arith.sitofp %convert_element_type3A_80 : vector<1x128xi32> to vector<1x128xf32>
      %add3A_82 = arith.addf %add3A_76, %convert_element_type3A_81 : vector<1x128xf32>
      %slice3A_83 = vector.extract_strided_slice %concatenate3A {offsets = [0, 6], sizes = [1, 1], strides = [1, 1]} : vector<1x8xf32> to vector<1x1xf32>
      %ge3A_84 = vector.broadcast %slice3A_83 : vector<1x1xf32> to vector<1x128xf32>
      %ge3A_85 = arith.cmpf oge, %mul3A_44, %ge3A_84 : vector<1x128xf32>
      %convert_element_type3A_86 = arith.extui %ge3A_85 : vector<1x128xi1> to vector<1x128xi32>
      %convert_element_type3A_87 = arith.sitofp %convert_element_type3A_86 : vector<1x128xi32> to vector<1x128xf32>
      %add3A_88 = arith.addf %add3A_82, %convert_element_type3A_87 : vector<1x128xf32>
      %slice3A_89 = vector.extract_strided_slice %concatenate3A {offsets = [0, 7], sizes = [1, 1], strides = [1, 1]} : vector<1x8xf32> to vector<1x1xf32>
      %ge3A_90 = vector.broadcast %slice3A_89 : vector<1x1xf32> to vector<1x128xf32>
      %ge3A_91 = arith.cmpf oge, %mul3A_44, %ge3A_90 : vector<1x128xf32>
      %convert_element_type3A_92 = arith.extui %ge3A_91 : vector<1x128xi1> to vector<1x128xi32>
      %convert_element_type3A_93 = arith.sitofp %convert_element_type3A_92 : vector<1x128xi32> to vector<1x128xf32>
      %add3A_94 = arith.addf %add3A_88, %convert_element_type3A_93 : vector<1x128xf32>
      %jit3A = arith.constant 0.000000e+00 : f32
      %jit3A_95 = arith.constant 7.000000e+00 : f32
      %max3A = vector.broadcast %jit3A : f32 to vector<1x128xf32>
      %max3A_96 = arith.maximumf %max3A, %add3A_94 : vector<1x128xf32>
      %min3A = vector.broadcast %jit3A_95 : f32 to vector<1x128xf32>
      %min3A_97 = arith.minimumf %min3A, %max3A_96 : vector<1x128xf32>
      %slice3A_98 = vector.extract_strided_slice %concatenate3A {offsets = [0, 7], sizes = [1, 1], strides = [1, 1]} : vector<1x8xf32> to vector<1x1xf32>
      %add3A_99 = arith.constant 2.550000e+02 : f32
      %add3A_100 = vector.broadcast %add3A_99 : f32 to vector<1x1xf32>
      %add3A_101 = arith.addf %slice3A_98, %add3A_100 : vector<1x1xf32>
      %div3A_102 = arith.constant 2.560000e+02 : f32
      %div3A_103 = vector.broadcast %div3A_102 : f32 to vector<1x1xf32>
      %div3A_104 = arith.divf %add3A_101, %div3A_103 : vector<1x1xf32>
      %floor3A_105 = math.floor %div3A_104 : vector<1x1xf32>
      %broadcast_in_dim3A_106 = vector.shape_cast %floor3A_105 : vector<1x1xf32> to vector<1x1xf32>
      %broadcast_in_dim3A_107 = vector.broadcast %broadcast_in_dim3A_106 : vector<1x1xf32> to vector<1x128xf32>
      %concatenate3A_108 = tpu.concatenate %min3A_97, %broadcast_in_dim3A_107 in 0 : vector<1x128xf32>, vector<1x128xf32> -> vector<2x128xf32>
      %convert_element_type3A_109 = arith.fptosi %concatenate3A_108 : vector<2x128xf32> to vector<2x128xi32>
      %swap3A_110 = arith.constant 0 : index
      %swap3A_111 = arith.constant 0 : index
      %swap3A_112 = vector.load %arg6[%swap3A_110, %swap3A_111] : memref<2x128xi32, #tpu.memory_space<vmem>>, vector<2x128xi32>
      tpu.vector_store %arg6[%swap3A_110, %swap3A_111], %convert_element_type3A_109 {strides = array<i32>} : memref<2x128xi32, #tpu.memory_space<vmem>>, vector<2x128xi32>,
    } else {
    }
    %ge3A = arith.constant 16 : i32
    %ge3A_11 = arith.cmpi sge, %arg0, %ge3A : i32
    %convert_element_type3A_12 = arith.extui %ge3A_11 : i1 to i32
    %cond3A_13 = arith.constant 0 : i32
    %cond3A_14 = arith.cmpi ne, %convert_element_type3A_12, %cond3A_13 : i32
    scf.if %cond3A_14 {
      %sub3A = arith.constant 16 : i32
      %sub3A_15 = arith.subi %arg0, %sub3A : i32
      %jit3A = arith.constant 8 : i32
      %div3A = arith.divsi %sub3A_15, %jit3A : i32
      %sign3A = arith.constant 0 : i32
      %sign3A_16 = arith.cmpi sgt, %sub3A_15, %sign3A : i32
      %sign3A_17 = arith.extui %sign3A_16 : i1 to i32
      %sign3A_18 = arith.constant 0 : i32
      %sign3A_19 = arith.cmpi slt, %sub3A_15, %sign3A_18 : i32
      %sign3A_20 = arith.extui %sign3A_19 : i1 to i32
      %sign3A_21 = arith.subi %sign3A_17, %sign3A_20 : i32
      %sign3A_22 = arith.constant 0 : i32
      %sign3A_23 = arith.cmpi sgt, %jit3A, %sign3A_22 : i32
      %sign3A_24 = arith.extui %sign3A_23 : i1 to i32
      %sign3A_25 = arith.constant 0 : i32
      %sign3A_26 = arith.cmpi slt, %jit3A, %sign3A_25 : i32
      %sign3A_27 = arith.extui %sign3A_26 : i1 to i32
      %sign3A_28 = arith.subi %sign3A_24, %sign3A_27 : i32
      %ne3A = arith.cmpi ne, %sign3A_21, %sign3A_28 : i32
      %rem3A = arith.remsi %sub3A_15, %jit3A : i32
      %ne3A_29 = arith.constant 0 : i32
      %ne3A_30 = arith.cmpi ne, %rem3A, %ne3A_29 : i32
      %and3A = arith.andi %ne3A, %ne3A_30 : i1
      %sub3A_31 = arith.constant 1 : i32
      %sub3A_32 = arith.subi %div3A, %sub3A_31 : i32
      %select_n3A = arith.select %and3A, %sub3A_32, %div3A : i32
      %iota3A = tpu.iota {dimensions = array<i32: 1>} : vector<512x2xi32>
      %eq3A_33 = vector.broadcast %select_n3A : i32 to vector<512x2xi32>
      %eq3A_34 = arith.cmpi eq, %iota3A, %eq3A_33 : vector<512x2xi32>
      %convert_element_type3A_35 = arith.extui %eq3A_34 : vector<512x2xi1> to vector<512x2xi32>
      %convert_element_type3A_36 = arith.sitofp %convert_element_type3A_35 : vector<512x2xi32> to vector<512x2xf32>
      %get3A = arith.constant 0 : index
      %get3A_37 = arith.constant 0 : index
      %get3A_38 = vector.load %arg1[%get3A, %get3A_37] : memref<512x2xi32, #tpu.memory_space<vmem>>, vector<512x2xi32>
      %convert_element_type3A_39 = arith.sitofp %get3A_38 : vector<512x2xi32> to vector<512x2xf32>
      %mul3A = arith.mulf %convert_element_type3A_39, %convert_element_type3A_36 : vector<512x2xf32>
      %reduce_sum3A = arith.constant dense<0.000000e+00> : vector<512xf32>
      %reduce_sum3A_40 = vector.multi_reduction <add>, %mul3A, %reduce_sum3A [1] : vector<512x2xf32> to vector<512xf32>
      %broadcast_in_dim3A = vector.shape_cast %reduce_sum3A_40 : vector<512xf32> to vector<512x1xf32>
      %get3A_41 = arith.constant 0 : index
      %get3A_42 = arith.constant 0 : index
      %get3A_43 = vector.load %arg2[%get3A_41, %get3A_42] : memref<512x2xf32, #tpu.memory_space<vmem>>, vector<512x2xf32>
      %mul3A_44 = arith.mulf %get3A_43, %convert_element_type3A_36 : vector<512x2xf32>
      %reduce_sum3A_45 = arith.constant dense<0.000000e+00> : vector<512xf32>
      %reduce_sum3A_46 = vector.multi_reduction <add>, %mul3A_44, %reduce_sum3A_45 [1] : vector<512x2xf32> to vector<512xf32>
      %broadcast_in_dim3A_47 = vector.shape_cast %reduce_sum3A_46 : vector<512xf32> to vector<512x1xf32>
      %iota3A_48 = tpu.iota {dimensions = array<i32: 1>} : vector<512x8xi32>
      %convert_element_type3A_49 = arith.sitofp %iota3A_48 : vector<512x8xi32> to vector<512x8xf32>
      %eq3A_50 = vector.broadcast %broadcast_in_dim3A : vector<512x1xf32> to vector<512x8xf32>
      %eq3A_51 = arith.cmpf oeq, %eq3A_50, %convert_element_type3A_49 : vector<512x8xf32>
      %convert_element_type3A_52 = arith.extui %eq3A_51 : vector<512x8xi1> to vector<512x8xi32>
      %convert_element_type3A_53 = arith.sitofp %convert_element_type3A_52 : vector<512x8xi32> to vector<512x8xf32>
      %get3A_54 = arith.constant 0 : index
      %get3A_55 = arith.constant 0 : index
      %get3A_56 = vector.load %arg3[%get3A_54, %get3A_55] : memref<512x512xf32, #tpu.memory_space<vmem>>, vector<512x512xf32>
      %dot_general3A = arith.constant dense<0.000000e+00> : vector<512x8xf32>
      %dot_general3A_57 = tpu.matmul %get3A_56, %convert_element_type3A_53, %dot_general3A {dimension_numbers = #tpu.dot_dimension_numbers<[1], [0], [0], [1], [0, 0, 1, 1], [], []>, transpose_lhs_hint = false} : vector<512x512xf32>, vector<512x8xf32>, vector<512x8xf32> -> vector<512x8xf32>
      %mul3A_58 = arith.mulf %convert_element_type3A_53, %dot_general3A_57 : vector<512x8xf32>
      %reduce_sum3A_59 = arith.constant dense<0.000000e+00> : vector<512xf32>
      %reduce_sum3A_60 = vector.multi_reduction <add>, %mul3A_58, %reduce_sum3A_59 [1] : vector<512x8xf32> to vector<512xf32>
      %broadcast_in_dim3A_61 = vector.shape_cast %reduce_sum3A_60 : vector<512xf32> to vector<512x1xf32>
      %get3A_62 = arith.index_cast %sub3A_15 : i32 to index
      %get3A_63 = arith.constant 0 : index
      %get3A_64 = vector.load %arg8[%get3A_62, %get3A_63] : memref<16x8xf32, #tpu.memory_space<vmem>>, vector<1x8xf32>
      %mul3A_65 = vector.broadcast %get3A_64 : vector<1x8xf32> to vector<512x8xf32>
      %mul3A_66 = arith.mulf %convert_element_type3A_53, %mul3A_65 : vector<512x8xf32>
      %reduce_sum3A_67 = arith.constant dense<0.000000e+00> : vector<512xf32>
      %reduce_sum3A_68 = vector.multi_reduction <add>, %mul3A_66, %reduce_sum3A_67 [1] : vector<512x8xf32> to vector<512xf32>
      %broadcast_in_dim3A_69 = vector.shape_cast %reduce_sum3A_68 : vector<512xf32> to vector<512x1xf32>
      %get3A_70 = arith.constant 0 : index
      %get3A_71 = arith.constant 0 : index
      %get3A_72 = vector.load %arg9[%get3A_70, %get3A_71] : memref<1x8xf32, #tpu.memory_space<vmem>>, vector<1x8xf32>
      %mul3A_73 = vector.broadcast %get3A_72 : vector<1x8xf32> to vector<512x8xf32>
      %mul3A_74 = arith.mulf %convert_element_type3A_53, %mul3A_73 : vector<512x8xf32>
      %reduce_sum3A_75 = arith.constant dense<0.000000e+00> : vector<512xf32>
      %reduce_sum3A_76 = vector.multi_reduction <add>, %mul3A_74, %reduce_sum3A_75 [1] : vector<512x8xf32> to vector<512xf32>
      %broadcast_in_dim3A_77 = vector.shape_cast %reduce_sum3A_76 : vector<512xf32> to vector<512x1xf32>
      %add3A = arith.addf %broadcast_in_dim3A_61, %broadcast_in_dim3A_69 : vector<512x1xf32>
      %add3A_78 = arith.addf %add3A, %broadcast_in_dim3A_77 : vector<512x1xf32>
      %convert_element_type3A_79 = arith.fptosi %add3A_78 : vector<512x1xf32> to vector<512x1xi32>
      %swap3A = arith.constant 0 : index
      %swap3A_80 = arith.constant 0 : index
      %swap3A_81 = vector.load %arg4[%swap3A, %swap3A_80] : memref<512x1xi32, #tpu.memory_space<vmem>>, vector<512x1xi32>
      tpu.vector_store %arg4[%swap3A, %swap3A_80], %convert_element_type3A_79 {strides = array<i32>} : memref<512x1xi32, #tpu.memory_space<vmem>>, vector<512x1xi32>,
      %swap3A_82 = arith.constant 0 : index
      %swap3A_83 = arith.constant 0 : index
      %swap3A_84 = vector.load %arg5[%swap3A_82, %swap3A_83] : memref<512x1xf32, #tpu.memory_space<vmem>>, vector<512x1xf32>
      tpu.vector_store %arg5[%swap3A_82, %swap3A_83], %broadcast_in_dim3A_47 {strides = array<i32>} : memref<512x1xf32, #tpu.memory_space<vmem>>, vector<512x1xf32>,
    } else {
    }
    return
  }
  func.func @transform_0(%arg0: i32) -> (i32, i32) {
    %jit3A = arith.constant 8 : i32
    %eq3A = arith.constant 0 : i32
    %eq3A_0 = arith.cmpi eq, %jit3A, %eq3A : i32
    %jit3A_1 = arith.constant 1 : i32
    %select_n3A = arith.select %eq3A_0, %jit3A_1, %jit3A : i32
    %rem3A = arith.remsi %arg0, %select_n3A : i32
    %ne3A = arith.constant 0 : i32
    %ne3A_2 = arith.cmpi ne, %rem3A, %ne3A : i32
    %lt3A = arith.constant 0 : i32
    %lt3A_3 = arith.cmpi slt, %rem3A, %lt3A : i32
    %lt3A_4 = arith.constant 0 : i32
    %lt3A_5 = arith.cmpi slt, %select_n3A, %lt3A_4 : i32
    %ne3A_6 = arith.xori %lt3A_3, %lt3A_5 : i1
    %and3A = arith.andi %ne3A_6, %ne3A_2 : i1
    %add3A = arith.addi %rem3A, %select_n3A : i32
    %select_n3A_7 = arith.select %and3A, %add3A, %rem3A : i32
    %c0_i32 = arith.constant 0 : i32
    %c0_i32_8 = arith.constant 0 : i32
    return %select_n3A_7, %c0_i32 : i32, i32
  }
  func.func @transform_1(%arg0: i32) -> (i32, i32) {
    %jit3A = arith.constant 8 : i32
    %eq3A = arith.constant 0 : i32
    %eq3A_0 = arith.cmpi eq, %jit3A, %eq3A : i32
    %jit3A_1 = arith.constant 1 : i32
    %select_n3A = arith.select %eq3A_0, %jit3A_1, %jit3A : i32
    %rem3A = arith.remsi %arg0, %select_n3A : i32
    %ne3A = arith.constant 0 : i32
    %ne3A_2 = arith.cmpi ne, %rem3A, %ne3A : i32
    %lt3A = arith.constant 0 : i32
    %lt3A_3 = arith.cmpi slt, %rem3A, %lt3A : i32
    %lt3A_4 = arith.constant 0 : i32
    %lt3A_5 = arith.cmpi slt, %select_n3A, %lt3A_4 : i32
    %ne3A_6 = arith.xori %lt3A_3, %lt3A_5 : i1
    %and3A = arith.andi %ne3A_6, %ne3A_2 : i1
    %add3A = arith.addi %rem3A, %select_n3A : i32
    %select_n3A_7 = arith.select %and3A, %add3A, %rem3A : i32
    %c0_i32 = arith.constant 0 : i32
    %c0_i32_8 = arith.constant 0 : i32
    return %select_n3A_7, %c0_i32 : i32, i32
  }
  func.func @transform_2(%arg0: i32) -> (i32, i32) {
    %c0_i32 = arith.constant 0 : i32
    %c0_i32_0 = arith.constant 0 : i32
    %c0_i32_1 = arith.constant 0 : i32
    return %c0_i32, %c0_i32_0 : i32, i32
  }
  func.func @transform_3(%arg0: i32) -> (i32, i32) {
    %sub3A = arith.constant 16 : i32
    %sub3A_0 = arith.subi %arg0, %sub3A : i32
    %max3A = arith.constant 0 : i32
    %max3A_1 = arith.maxsi %sub3A_0, %max3A : i32
    %c0_i32 = arith.constant 0 : i32
    %c0_i32_2 = arith.constant 0 : i32
    return %max3A_1, %c0_i32 : i32, i32
  }
  func.func @transform_4(%arg0: i32) -> (i32, i32) {
    %sub3A = arith.constant 16 : i32
    %sub3A_0 = arith.subi %arg0, %sub3A : i32
    %max3A = arith.constant 0 : i32
    %max3A_1 = arith.maxsi %sub3A_0, %max3A : i32
    %c0_i32 = arith.constant 0 : i32
    %c0_i32_2 = arith.constant 0 : i32
    return %max3A_1, %c0_i32 : i32, i32
  }
  func.func @transform_5(%arg0: i32) -> (i32, i32) {
    %c0_i32 = arith.constant 0 : i32
    %c0_i32_0 = arith.constant 0 : i32
    %c0_i32_1 = arith.constant 0 : i32
    return %c0_i32, %c0_i32_0 : i32, i32
  }
}

module attributes {stable_mosaic.version = 14 : i64} {
  func.func @_gmm_kernel(%arg0: i32, %arg1: memref<2x128xi32, #tpu.memory_space<smem>>, %arg2: memref<256x1024xf32, #tpu.memory_space<vmem>>, %arg3: memref<256x1xf32, #tpu.memory_space<vmem>>, %arg4: memref<1x1024x512xf32, #tpu.memory_space<vmem>>, %arg5: memref<1x1024x512xf32, #tpu.memory_space<vmem>>, %arg6: memref<1x512x1024xf32, #tpu.memory_space<vmem>>, %arg7: memref<256x1024xf32, #tpu.memory_space<vmem>>) attributes {dimension_semantics = [#tpu.dimension_semantics<arbitrary>], iteration_bounds = array<i64: 40>, scalar_prefetch = 1 : i64, scratch_operands = 0 : i64, tpu.core_type = #tpu.core_type<tc>, window_params = [{transform_indices = @transform_0, window_bounds = array<i64: 256, 1024>}, {transform_indices = @transform_1, window_bounds = array<i64: 256, 1>}, {transform_indices = @transform_2, window_bounds = array<i64: 1, 1024, 512>}, {transform_indices = @transform_3, window_bounds = array<i64: 1, 1024, 512>}, {transform_indices = @transform_4, window_bounds = array<i64: 1, 512, 1024>}, {transform_indices = @transform_5, window_bounds = array<i64: 256, 1024>}]} {
    %get3A = arith.constant 1 : index
    %get3A_0 = arith.constant 0 : index
    %get3A_1 = memref.load %arg1[%get3A, %get3A_0] : memref<2x128xi32, #tpu.memory_space<smem>>
    %lt3A = arith.cmpi slt, %arg0, %get3A_1 : i32
    %convert_element_type3A = arith.extui %lt3A : i1 to i32
    %cond3A = arith.constant 0 : i32
    %cond3A_2 = arith.cmpi ne, %convert_element_type3A, %cond3A : i32
    scf.if %cond3A_2 {
      %get3A_3 = arith.constant 0 : index
      %get3A_4 = arith.constant 0 : index
      %get3A_5 = vector.load %arg2[%get3A_3, %get3A_4] : memref<256x1024xf32, #tpu.memory_space<vmem>>, vector<256x1024xf32>
      %get3A_6 = arith.constant 0 : index
      %get3A_7 = arith.constant 0 : index
      %get3A_8 = arith.constant 0 : index
      %get3A_9 = vector.load %arg4[%get3A_6, %get3A_7, %get3A_8] : memref<1x1024x512xf32, #tpu.memory_space<vmem>>, vector<1x1024x512xf32>
      %get3A_10 = vector.shape_cast %get3A_9 : vector<1x1024x512xf32> to vector<1024x512xf32>
      %dot_general3A = arith.constant dense<0.000000e+00> : vector<256x512xf32>
      %dot_general3A_11 = tpu.matmul %get3A_5, %get3A_10, %dot_general3A {dimension_numbers = #tpu.dot_dimension_numbers<[1], [0], [0], [1], [0, 0, 1, 1], [], []>, transpose_lhs_hint = false} : vector<256x1024xf32>, vector<1024x512xf32>, vector<256x512xf32> -> vector<256x512xf32>
      %get3A_12 = arith.constant 0 : index
      %get3A_13 = arith.constant 0 : index
      %get3A_14 = arith.constant 0 : index
      %get3A_15 = vector.load %arg5[%get3A_12, %get3A_13, %get3A_14] : memref<1x1024x512xf32, #tpu.memory_space<vmem>>, vector<1x1024x512xf32>
      %get3A_16 = vector.shape_cast %get3A_15 : vector<1x1024x512xf32> to vector<1024x512xf32>
      %dot_general3A_17 = arith.constant dense<0.000000e+00> : vector<256x512xf32>
      %dot_general3A_18 = tpu.matmul %get3A_5, %get3A_16, %dot_general3A_17 {dimension_numbers = #tpu.dot_dimension_numbers<[1], [0], [0], [1], [0, 0, 1, 1], [], []>, transpose_lhs_hint = false} : vector<256x1024xf32>, vector<1024x512xf32>, vector<256x512xf32> -> vector<256x512xf32>
      %logistic3A = arith.negf %dot_general3A_11 : vector<256x512xf32>
      %logistic3A_19 = math.exp %logistic3A : vector<256x512xf32>
      %logistic3A_20 = arith.constant 1.000000e+00 : f32
      %logistic3A_21 = vector.broadcast %logistic3A_20 : f32 to vector<256x512xf32>
      %logistic3A_22 = arith.addf %logistic3A_21, %logistic3A_19 : vector<256x512xf32>
      %logistic3A_23 = arith.divf %logistic3A_21, %logistic3A_22 : vector<256x512xf32>
      %mul3A = arith.mulf %dot_general3A_11, %logistic3A_23 : vector<256x512xf32>
      %mul3A_24 = arith.mulf %mul3A, %dot_general3A_18 : vector<256x512xf32>
      %get3A_25 = arith.constant 0 : index
      %get3A_26 = arith.constant 0 : index
      %get3A_27 = vector.load %arg3[%get3A_25, %get3A_26] : memref<256x1xf32, #tpu.memory_space<vmem>>, vector<256x1xf32>
      %mul3A_28 = vector.broadcast %get3A_27 : vector<256x1xf32> to vector<256x512xf32>
      %mul3A_29 = arith.mulf %mul3A_24, %mul3A_28 : vector<256x512xf32>
      %get3A_30 = arith.constant 0 : index
      %get3A_31 = arith.constant 0 : index
      %get3A_32 = arith.constant 0 : index
      %get3A_33 = vector.load %arg6[%get3A_30, %get3A_31, %get3A_32] : memref<1x512x1024xf32, #tpu.memory_space<vmem>>, vector<1x512x1024xf32>
      %get3A_34 = vector.shape_cast %get3A_33 : vector<1x512x1024xf32> to vector<512x1024xf32>
      %dot_general3A_35 = arith.constant dense<0.000000e+00> : vector<256x1024xf32>
      %dot_general3A_36 = tpu.matmul %mul3A_29, %get3A_34, %dot_general3A_35 {dimension_numbers = #tpu.dot_dimension_numbers<[1], [0], [0], [1], [0, 0, 1, 1], [], []>, transpose_lhs_hint = false} : vector<256x512xf32>, vector<512x1024xf32>, vector<256x1024xf32> -> vector<256x1024xf32>
      %swap3A = arith.constant 0 : index
      %swap3A_37 = arith.constant 0 : index
      %swap3A_38 = vector.load %arg7[%swap3A, %swap3A_37] : memref<256x1024xf32, #tpu.memory_space<vmem>>, vector<256x1024xf32>
      tpu.vector_store %arg7[%swap3A, %swap3A_37], %dot_general3A_36 {strides = array<i32>} : memref<256x1024xf32, #tpu.memory_space<vmem>>, vector<256x1024xf32>,
    } else {
    }
    return
  }
  func.func @transform_0(%arg0: i32, %arg1: memref<2x128xi32, #tpu.memory_space<smem>>) -> (i32, i32) {
    %c0_i32 = arith.constant 0 : i32
    %c0_i32_0 = arith.constant 0 : i32
    return %arg0, %c0_i32 : i32, i32
  }
  func.func @transform_1(%arg0: i32, %arg1: memref<2x128xi32, #tpu.memory_space<smem>>) -> (i32, i32) {
    %c0_i32 = arith.constant 0 : i32
    %c0_i32_0 = arith.constant 0 : i32
    return %arg0, %c0_i32 : i32, i32
  }
  func.func @transform_2(%arg0: i32, %arg1: memref<2x128xi32, #tpu.memory_space<smem>>) -> (i32, i32, i32) {
    %get3A = arith.constant 0 : index
    %get3A_0 = arith.index_cast %arg0 : i32 to index
    %get3A_1 = memref.load %arg1[%get3A, %get3A_0] : memref<2x128xi32, #tpu.memory_space<smem>>
    %c0_i32 = arith.constant 0 : i32
    %c0_i32_2 = arith.constant 0 : i32
    %c0_i32_3 = arith.constant 0 : i32
    return %get3A_1, %c0_i32, %c0_i32_2 : i32, i32, i32
  }
  func.func @transform_3(%arg0: i32, %arg1: memref<2x128xi32, #tpu.memory_space<smem>>) -> (i32, i32, i32) {
    %get3A = arith.constant 0 : index
    %get3A_0 = arith.index_cast %arg0 : i32 to index
    %get3A_1 = memref.load %arg1[%get3A, %get3A_0] : memref<2x128xi32, #tpu.memory_space<smem>>
    %c0_i32 = arith.constant 0 : i32
    %c0_i32_2 = arith.constant 0 : i32
    %c0_i32_3 = arith.constant 0 : i32
    return %get3A_1, %c0_i32, %c0_i32_2 : i32, i32, i32
  }
  func.func @transform_4(%arg0: i32, %arg1: memref<2x128xi32, #tpu.memory_space<smem>>) -> (i32, i32, i32) {
    %get3A = arith.constant 0 : index
    %get3A_0 = arith.index_cast %arg0 : i32 to index
    %get3A_1 = memref.load %arg1[%get3A, %get3A_0] : memref<2x128xi32, #tpu.memory_space<smem>>
    %c0_i32 = arith.constant 0 : i32
    %c0_i32_2 = arith.constant 0 : i32
    %c0_i32_3 = arith.constant 0 : i32
    return %get3A_1, %c0_i32, %c0_i32_2 : i32, i32, i32
  }
  func.func @transform_5(%arg0: i32, %arg1: memref<2x128xi32, #tpu.memory_space<smem>>) -> (i32, i32) {
    %c0_i32 = arith.constant 0 : i32
    %c0_i32_0 = arith.constant 0 : i32
    return %arg0, %c0_i32 : i32, i32
  }
}

</mosaic_0001>

<sc_bundles>
// kernel: kernel.11.cloned.1.call-start
scs
__scs_entry_jumppad:
0x0: {  	(pc) =	sbr.rel $0x88, $3  }
0x1: {  	(tag) =	ssettag $0x0;
	lr =	simm.s32 $0x1  }
0x2: {  	[smem:$0x3F9C] =	sst lr;
	_ =	strace $0xD0000000  }
0x3: {  	_ = 	snop  }
0x4: {  	_ = 	snop  }
0x5: {  	_ = 	snop  }
0x6: {  	_ = 	snop  }
0x7: {  	_ = 	snop  }
__scs_overlays_trampoline_lowered:
0x8: {  	[smem:$0x3FAB] =	sst s0  }
0x9: {  	[smem:$0x3FAC] =	sst s1  }
0xa: {  	[smem:$0x3FAD] =	sst s2  }
0xb: {  	[smem:$0x3FAE] =	sst s3  }
0xc: {  	[smem:$0x3FAF] =	sst s4  }
0xd: {  	[smem:$0x3FB0] =	sst s5  }
0xe: {  	[smem:$0x3FB1] =	sst s6  }
0xf: {  	[smem:$0x3FB2] =	sst s7  }
0x10: {  	[smem:$0x3FB3] =	sst s8  }
0x11: {  	[smem:$0x3FB4] =	sst s9;
	s0 =	simm.s32 @!p0 $0x0  }
0x12: {  	s1 =	sld [smem:$0x3F9A];
	s0 =	simm.s32 @p0 $0x1  }
0x13: {  	[smem:$0x3FB5] =	sst s0;
	s0 =	simm.s32 @!p1 $0x0  }
0x14: {  	s2 =	sld [smem:$0x3F99];
	s0 =	simm.s32 @p1 $0x1  }
0x15: {  	[smem:$0x3FB6] =	sst s0;
	s0 =	simm.s32 @!p2 $0x0  }
0x16: {  	s3 =	sld [smem:$0x3FDB];
	s0 =	simm.s32 @p2 $0x1  }
0x17: {  	s4 =	simm.s32 $0x1BF5;
	[smem:$0x3FB8] =	sst s0  }
0x18: {  	s0 =	sld [smem:$0x3F9B];
	_ =	swait.ge [sflag:s4], $0x0  }
0x19: {  	s7 =	sld [smem:$0x3F9C]  }
0x1a: {  	s8 =	sadd.s32 $0xFFFFE003, lr  }
0x1b: {  	s9 =	sadd.s32 $0xFFFFFEF7, lr;
	s5 =	simm.s32 $0xFFFFFFFF;
	p2 =	slt.u32 s8, $0xFFFFF086  }
0x1c: {  	p1 =	slt.u32 s9, $0xF7A;
	s5 =	simm.s32 @!p2 $0x0  }
0x1d: {  	s5 =	simm.s32 @p1 $0x1;
	p0 =	seq.s32 s7, s2  }
0x1e: {  	s7 =	smul.u32 @!p0 $0xF7A, s2;
	p2 =	seq.s32 @!p0 s5, $0x0  }
0x1f: {  	s9 =	smul.u32 $0xF7A, s1;
	s8 =	simm.s32 @!p0 $0x1BF5;
	p2 =	por !p2, p0  }
0x20: {  	[sflag:s8] =	ssyncset.s32 @!p0 $0xFFFFF086;
	s6 =	sadd.s32 @!p0 s3, s7;
	s7 =	simm.s32 @!p0 $0x108  }
0x21: {  	s3 =	sadd.s32 s3, s9;
	s6 =	sadd.s32 @!p0 $0x88, s6;
	s7 =	simm.s32 @p2 $0x1082  }
0x22: {  	[simem:s7], [sflag:s8] =	dma.local @!p0 [hbm:s6], $0xF7A  }
0x23: {  	s9 =	sor.u32 $0xD0000000, s2;
	s6 =	simm.s32 $0x108;
	_ =	swait.ge @!p0 [sflag:s8], $0x0  }
0x24: {  	s3 =	sadd.s32 $0x88, s3;
	s6 =	simm.s32 @!p1 $0x1082;
	[sflag:s4] =	ssyncset.s32 $0xFFFFF086  }
0x25: {  	[simem:s6], [sflag:s4] =	dma.local [hbm:s3], $0xF7A  }
0x26: {  	[smem:$0x3F9C] =	sst s1;
	(tag) =	ssettag s2;
	_ =	strace s9  }
0x27: {  	s1 =	sld [smem:$0x3FAC]  }
0x28: {  	s2 =	sld [smem:$0x3FAD]  }
0x29: {  	s4 =	sld [smem:$0x3FAF]  }
0x2a: {  	p0 =	seq.s32 s5, $0x0;
	s5 =	sld [smem:$0x3FB0]  }
0x2b: {  	s6 =	sld [smem:$0x3FB1]  }
0x2c: {  	s7 =	sld [smem:$0x3FB2]  }
0x2d: {  	s3 =	simm.s32 $0x108;
	s8 =	sld [smem:$0x3FB3]  }
0x2e: {  	s3 =	simm.s32 @!p0 $0x1082;
	s9 =	sld [smem:$0x3FB4]  }
0x2f: {  	lr =	sadd.s32 s0, s3;
	s0 =	sld [smem:$0x3FAB]  }
0x30: {  	s3 =	sld [smem:$0x3FAE]  }
0x31: {  	[smem:$0x3FB7] =	sst s10  }
0x32: {  	s10 =	sld [smem:$0x3FB5];
	_ =	sdelay $0x3  }
0x33: {  	p0 =	seq.s32 s10, $0x1;
	s10 =	sld [smem:$0x3FB7];
	_ =	sdelay $0x3  }
0x34: {  	[smem:$0x3FB7] =	sst s10  }
0x35: {  	s10 =	sld [smem:$0x3FB6];
	_ =	sdelay $0x3  }
0x36: {  	p1 =	seq.s32 s10, $0x1;
	s10 =	sld [smem:$0x3FB7];
	_ =	sdelay $0x3  }
0x37: {  	[smem:$0x3FB7] =	sst s10  }
0x38: {  	s10 =	sld [smem:$0x3FB8]  }
0x39: {  	_ = 	snop;
	(pc) =	sbr.ind lr, $3  }
0x3a: {  	_ = 	snop  }
0x3b: {  	_ = 	snop  }
0x3c: {  	p2 =	seq.s32 s10, $0x1;
	s10 =	sld [smem:$0x3FB7]  }
0x3d: {  	_ =	shalt  }
0x3e: {  	_ =	shalt  }
0x3f: {  	_ =	shalt  }
0x40: {  	_ =	shalt  }
0x41: {  	_ =	shalt  }
0x42: {  	_ =	shalt  }
0x43: {  	_ =	shalt  }
0x44: {  	_ =	shalt  }
0x45: {  	_ =	shalt  }
0x46: {  	_ =	shalt  }
0x47: {  	_ =	shalt  }
0x48: {  	_ =	shalt  }
0x49: {  	_ =	shalt  }
0x4a: {  	_ =	shalt  }
0x4b: {  	_ =	shalt  }
0x4c: {  	_ =	shalt  }
0x4d: {  	_ =	shalt  }
0x4e: {  	_ =	shalt  }
0x4f: {  	_ =	shalt  }
0x50: {  	_ =	shalt  }
0x51: {  	_ =	shalt  }
0x52: {  	_ =	shalt  }
0x53: {  	_ =	shalt  }
0x54: {  	_ =	shalt  }
0x55: {  	_ =	shalt  }
0x56: {  	_ =	shalt  }
0x57: {  	_ =	shalt  }
0x58: {  	_ =	shalt  }
0x59: {  	_ =	shalt  }
0x5a: {  	_ =	shalt  }
0x5b: {  	_ =	shalt  }
0x5c: {  	_ =	shalt  }
0x5d: {  	_ =	shalt  }
0x5e: {  	_ =	shalt  }
0x5f: {  	_ =	shalt  }
0x60: {  	_ =	shalt  }
0x61: {  	_ =	shalt  }
0x62: {  	_ =	shalt  }
0x63: {  	_ =	shalt  }
0x64: {  	_ =	shalt  }
0x65: {  	_ =	shalt  }
0x66: {  	_ =	shalt  }
0x67: {  	_ =	shalt  }
0x68: {  	_ =	shalt  }
0x69: {  	_ =	shalt  }
0x6a: {  	_ =	shalt  }
0x6b: {  	_ =	shalt  }
0x6c: {  	_ =	shalt  }
0x6d: {  	_ =	shalt  }
0x6e: {  	_ =	shalt  }
0x6f: {  	_ =	shalt  }
0x70: {  	_ =	shalt  }
0x71: {  	_ =	shalt  }
0x72: {  	_ =	shalt  }
0x73: {  	_ =	shalt  }
0x74: {  	_ =	shalt  }
0x75: {  	_ =	shalt  }
0x76: {  	_ =	shalt  }
0x77: {  	_ =	shalt  }
0x78: {  	_ =	shalt  }
0x79: {  	_ =	shalt  }
0x7a: {  	_ =	shalt  }
0x7b: {  	_ =	shalt  }
0x7c: {  	_ =	shalt  }
0x7d: {  	_ =	shalt  }
0x7e: {  	_ =	shalt  }
0x7f: {  	_ =	shalt  }
0x80: {  	_ =	shalt  }
0x81: {  	_ =	shalt  }
0x82: {  	_ =	shalt  }
0x83: {  	_ =	shalt  }
0x84: {  	_ =	shalt  }
0x85: {  	_ =	shalt  }
0x86: {  	_ =	shalt  }
0x87: {  	_ =	shalt  }
.Lfunc_end0:
.L_simem_size_0:
called_computation.1_lowered:
.L_overlay_start_0:
0x88: {  	s2 =	sld [smem:$0x3FD9]  }
0x89: {  	s3 =	sld [smem:$0x3FFE];
	_ =	sdelay $0x1  }
0x8a: {  	s1 =	srdreg.scid  }
0x8b: {  	s0 =	sand.u32 $0x1, s1  }
0x8c: {  	s14 =	sshll.u32 s0, $0xA;
	s2 =	sadd.s32 s3, s2  }
0x8d: {  	s2 =	sadd.s32 s2, s14  }
0x8e: {  	[smem:$0x3FC3] =	sst s2  }
0x8f: {  	_ = 	snop  }
0x90: {  	s2 =	sld [smem:$0x3FD0];
	_ =	sdelay $0x2  }
0x91: {  	s4 =	simm.s32 $0xA;
	s5 =	simm.s32 $0x10;
	s15 =	sld [smem:$0x3FC9]  }
0x92: {  	[smem:s5], [sflag:s4] =	dma.local [hbm:s2], $0x1  }
0x93: {  	_ =	swait.eq [sflag:s4], $0x1  }
0x94: {  	[sflag:s4] =	ssyncset.done $0x0  }
0x95: {  	[sflag:s4] =	ssyncadd.s32 $0xFFFFFFFF  }
0x96: {  	s16 =	sld [smem:$0x11];
	(tm) =	ssettm $0x1  }
0x97: {  	s17 =	sld [smem:$0x3FFB];
	_ =	sdelay $0x3  }
0x98: {  	_ =	strace s17  }
0x99: {  	s4 =	sld [smem:$0x3FFC];
	_ =	sdelay $0x3  }
0x9a: {  	_ =	strace s4  }
0x9b: {  	s4 =	sld [smem:$0x3FFD];
	_ =	sdelay $0x3  }
0x9c: {  	_ =	strace s4  }
0x9d: {  	_ =	strace $0x8FFFFFFF  }
0x9e: {  	s18 =	sld [smem:$0x3FDB];
	_ =	sdelay $0x1  }
0x9f: {  	s19 =	simm.s32 $_scs_section_size  }
0xa0: {  	s6 =	simm.s32 $_size__tile_overlayer_lowered;
	s7 =	simm.s32 $_tile_overlayer_lowered  }
0xa1: {  	s22 =	simm.s32 $0x1BFF;
	s21 =	sshll.u32 s7, $0x1;
	s4 =	sadd.s32 s19, s18  }
0xa2: {  	s8 =	simm.s32 $0x0;
	s20 =	sshll.u32 s6, $0x1;
	s6 =	sadd.s32 s21, s4  }
0xa3: {  	[timem:s8], [sflag:s22] =	dma.local [hbm:s6], s20  }
0xa4: {  	_ =	swait.ge [sflag:s22], s20  }
0xa5: {  	s5 =	ssub.s32 $0x0, s20;
	[sflag:s22] =	ssyncset.done $0x0  }
0xa6: {  	[sflag:s22] =	ssyncadd.s32 s5;
	_ =	sdelay $0x1  }
0xa7: {  	s23 =	simm.s32 $0x1B8B  }
0xa8: {  	_ =	swait.ge [sflag:s23], $0x1  }
0xa9: {  	[sflag:s23] =	ssyncset.done $0x0  }
0xaa: {  	s25 =	simm.s32 $0x1B8E;
	s24 =	sld [smem:$0x3FFE];
	[sflag:s23] =	ssyncadd.s32 $0xFFFFFFFF  }
0xab: {  	s26 =	simm.s32 $execute0_lowered;
	[smem:$0x3FD2] =	sst s25  }
0xac: {  	s6 =	sshll.u32 s26, $0x1;
	_ =	strace $0x80000049;
	[dreg:$0x1] =	wrdreg $0xFFFFFFFF  }
0xad: {  	s28 =	simm.s32 $_size_execute0_lowered;
	s4 =	sadd.s32 s4, s6;
	[dreg:$0x0] =	wrdreg $0x0  }
0xae: {  	s6 =	sshll.u32 s28, $0x1;
	[dreg:$0x2] =	wrdreg s4  }
0xaf: {  	[dreg:$0x3] =	wrdreg s6  }
0xb0: {  	[dreg:$0x4] =	wrdreg $0xC0  }
0xb1: {  	_ =	task [dreg:s8], $0x5FFFF  }
0xb2: {  	[dreg:$0x1] =	wrdreg $0xFFFFFFFF  }
0xb3: {  	[dreg:$0x0] =	wrdreg $0x60  }
0xb4: {  	[dreg:$0x2] =	wrdreg s15  }
0xb5: {  	[dreg:$0x3] =	wrdreg s16  }
0xb6: {  	[dreg:$0x4] =	wrdreg s24  }
0xb7: {  	[dreg:$0x5] =	wrdreg $0x9  }
0xb8: {  	_ =	task.clear_ibuf [dreg:s8], $0x6FFFF;
	_ =	strace $0x90000049  }
0xb9: {  	s29 =	simm.s32 $0x9;
	_ =	strace $0x8000004B  }
0xba: {  	_ =	swait.ge [sflag:s29], $0x1  }
0xbb: {  	[sflag:s29] =	ssyncadd.s32 $0xFFFFFFFF  }
0xbc: {  	_ =	strace $0x9000004B  }
0xbd: {  	_ =	sfence  }
0xbe: {  	s30 =	sld [smem:$0x0];
	_ =	sdelay $0x2  }
0xbf: {  	s31 =	sshll.u32 s1, $0xD;
	s1 =	sshrl.u32 s1, $0x2  }
0xc0: {  	s3 =	sand.u32 $0x4000, s31;
	s1 =	sadd.s32 s1, s30  }
0xc1: {  	s0 =	sor.u32 s3, s0;
	s1 =	sshll.u32 s1, $0x11  }
0xc2: {  	s0 =	sor.u32 s1, s0  }
0xc3: {  	s0 =	sadd.s32 $0x8F2B, s0  }
0xc4: {  	[sflag:s0] =	ssyncadd.remote.s32 $0x1  }
0xc5: {  	_ =	sfence.sel $0xFFFF  }
0xc6: {  	[dreg:$0x0] =	wrdreg $0xFFFFFFFF;
	(pc) =	sbr.abs _section_cstart, $3  }
0xc7: {  	[dreg:$0x1] =	wrdreg $0xFFFFFFFF  }
0xc8: {  	_ =	task.clear_ibuf [dreg:s8], $0x2FFFF;
	_ =	strace $0x9FFFFFFF  }
0xc9: {  	(tm) =	ssettm $0x7FFFFFFF  }
tec
execute0_lowered:
.L_overlay_start_1:
0x0: {  	(tag) =	ssettag $0x1  }
0x1: {  	s0 =	srdreg.scid;
	s3 =	stileid.u32  }
0x2: {  	s1 =	rddreg [dreg:$0x0];
	s0 =	sand.u32 $0x1, s0;
	s3 =	sshll.u32 s3, $0x1  }
0x3: {  	s2 =	rddreg [dreg:$0x1];
	s5 =	sor.u32 s0, s3  }
0x4: {  	s4 =	rddreg [dreg:$0x2];
	s6 =	smul.u32 $0x28, s5  }
0x5: {  	s4 =	sadd.s32 $0x12400, s4;
	s3 =	simm.s32 $0x0;
	s7 =	smul.u32 $0xA000, s5  }
0x6: {  	[smem:$0x7FF] =	sst s3;
	s5 =	smul.u32 $0x50000, s5;
	s2 =	sadd.s32 s2, s6  }
0x7: {  	_ =	strace $0x8000004A;
	s10 =	sadd.s32 s4, s7;
	[dreg:$0x4] =	wrdreg s2  }
0x8: {  	s11 =	sadd.s32 $0x800, s10;
	[dreg:$0x18] =	wrdreg s10  }
0x9: {  	s5 =	sshrl.u32 s5, $0x3;
	s12 =	sadd.s32 $0x1000, s10;
	[dreg:$0x5] =	wrdreg s11  }
0xa: {  	s13 =	sadd.s32 $0x1800, s10;
	s4 =	sadd.s32 s4, s5;
	[dreg:$0x6] =	wrdreg s12  }
0xb: {  	[dreg:$0x7] =	wrdreg s13;
	s14 =	sadd.s32 $0x2000, s4  }
0xc: {  	s15 =	sadd.s32 $0x2800, s4;
	[dreg:$0x8] =	wrdreg s14  }
0xd: {  	s16 =	sadd.s32 $0x3000, s4;
	[dreg:$0x9] =	wrdreg s15  }
0xe: {  	s17 =	sadd.s32 $0x3800, s4;
	[dreg:$0xa] =	wrdreg s16  }
0xf: {  	s18 =	sadd.s32 $0x4000, s4;
	[dreg:$0xb] =	wrdreg s17  }
0x10: {  	s19 =	sadd.s32 $0x4800, s4;
	[dreg:$0xc] =	wrdreg s18  }
0x11: {  	s20 =	sadd.s32 $0x5000, s4;
	[dreg:$0xd] =	wrdreg s19  }
0x12: {  	s21 =	sadd.s32 $0x5800, s4;
	[dreg:$0xe] =	wrdreg s20  }
0x13: {  	s9 =	simm.s32 $0x1;
	s22 =	sadd.s32 $0x6000, s4;
	[dreg:$0xf] =	wrdreg s21  }
0x14: {  	s0 =	ssub.s32 $0x2, s0;
	s23 =	sadd.s32 $0x6800, s4;
	[dreg:$0x10] =	wrdreg s22  }
0x15: {  	s28 =	sshrl.u32 s0, $0x1;
	s24 =	sadd.s32 $0x7000, s4;
	[dreg:$0x11] =	wrdreg s23  }
0x16: {  	s0 =	ssub.s32 s0, s28;
	s25 =	sadd.s32 $0x7800, s4;
	[dreg:$0x12] =	wrdreg s24  }
0x17: {  	s6 =	sadd.s32 $0x200, s1;
	s26 =	sadd.s32 $0x8000, s4;
	[dreg:$0x13] =	wrdreg s25  }
0x18: {  	s7 =	sadd.s32 $0x300, s1;
	s29 =	sadd.s32 $0x8800, s4;
	[dreg:$0x14] =	wrdreg s26  }
0x19: {  	s8 =	smax.u32 s0, $0x1;
	s30 =	sadd.s32 $0x9000, s4;
	[dreg:$0x15] =	wrdreg s29  }
0x1a: {  	v2 =	vlaneseq.u32;
	s5 =	sadd.s32 $0x100, s1;
	s31 =	sadd.s32 $0x9800, s4;
	[dreg:$0x16] =	wrdreg s30  }
0x1b: {  	vm0 =	vmmov $0xffff;
	v1 =	vshrl.u32 v2, $0x3;
	s11 =	simm.s32 $0xC180;
	[dreg:$0x17] =	wrdreg s31;
	s22 =	simm.s32 $0x180  }
0x1c: {  	v0 =	vand.u32 $0x7, v2;
	v2 =	vor.u32 $0x8, v2;
	v1 =	vmul.u32 $0x8, v1;
	s18 =	simm.s32 $0x4180;
	s26 =	simm.s32 $0x8180;
	s20 =	simm.s32 $0x2  }
.LBB2_1:
0x1d: {  	s21 =	rddreg [dreg:$0x4];
	s14 =	simm.s32 $0x3  }
0x1e: {  	[tilespmem:s3], [sflag:$0x3] =	stream.linear.gather [hbm4b:s21+s3], $0x140, $0x38;
	[tilespmem:$0x10180] =	vst v63  }
0x1f: {  	_ =	swait.ge [sflag:s14], $0x140  }
0x20: {  	[sflag:s14] =	ssyncset.done $0x0  }
0x21: {  	[sflag:s14] =	ssyncadd.s32 $0xFFFFFEC0  }
0x22: {  	v3 =	vld [tilespmem:$0x0];
	_ =	sdelay $0x4  }
0x23: {  	v4 =	vshll.u32 v3, $0x3  }
0x24: {  	v3 =	vand.u32 $0x7, v3;
	v4 =	vand.u32 $0xFFFFFFC0, v4  }
0x25: {  	v3 =	vor.u32 v3, v4  }
0x26: {  	v4 =	vperm.xlane v3, v0;
	_ =	sdelay $0x1  }
0x27: {  	v4 =	vadd.s32 v1, v4;
	_ =	sdelay $0x4  }
0x28: {  	[tilespmem:s22], [sflag:$0x1] =	stream.indirect_vreg.gather [hbm4b:s1+s3], $0x80, v4, vm0, $0xb8;
	[tilespmem:$0x10180] =	vst v63  }
0x29: {  	s0 =	simm.s32 $0x980;
	v3 =	vperm.xlane v3, v2  }
0x2a: {  	[tilespmem:s0], [sflag:$0x1] =	stream.indirect_vreg.gather [hbm4b:s5+s3], $0x80, v4, vm0, $0xb8;
	[tilespmem:$0x10180] =	vst v63  }
0x2b: {  	s15 =	simm.s32 $0x1180;
	v3 =	vadd.s32 v1, v3  }
0x2c: {  	[tilespmem:s15], [sflag:$0x1] =	stream.indirect_vreg.gather [hbm4b:s6+s3], $0x80, v4, vm0, $0xb8;
	[tilespmem:$0x10180] =	vst v63  }
0x2d: {  	s16 =	simm.s32 $0x1980  }
0x2e: {  	[tilespmem:s16], [sflag:$0x1] =	stream.indirect_vreg.gather [hbm4b:s7+s3], $0x80, v4, vm0, $0xb8;
	[tilespmem:$0x10180] =	vst v63  }
0x2f: {  	s17 =	simm.s32 $0x2180  }
0x30: {  	[tilespmem:s17], [sflag:$0x1] =	stream.indirect_vreg.gather [hbm4b:s1+s3], $0x80, v3, vm0, $0xb8;
	[tilespmem:$0x10180] =	vst v63  }
0x31: {  	s19 =	simm.s32 $0x2980  }
0x32: {  	[tilespmem:s19], [sflag:$0x1] =	stream.indirect_vreg.gather [hbm4b:s5+s3], $0x80, v3, vm0, $0xb8;
	[tilespmem:$0x10180] =	vst v63  }
0x33: {  	s21 =	simm.s32 $0x3180  }
0x34: {  	[tilespmem:s21], [sflag:$0x1] =	stream.indirect_vreg.gather [hbm4b:s6+s3], $0x80, v3, vm0, $0xb8;
	[tilespmem:$0x10180] =	vst v63  }
0x35: {  	s25 =	simm.s32 $0x3980  }
0x36: {  	[tilespmem:s25], [sflag:$0x1] =	stream.indirect_vreg.gather [hbm4b:s7+s3], $0x80, v3, vm0, $0xb8;
	[tilespmem:$0x10180] =	vst v63  }
0x37: {  	v3 =	vld [tilespmem:$0x10];
	_ =	sdelay $0x4  }
0x38: {  	v45 =	vshll.u32 v3, $0x3  }
0x39: {  	v3 =	vand.u32 $0x7, v3;
	v4 =	vand.u32 $0xFFFFFFC0, v45  }
0x3a: {  	v3 =	vor.u32 v3, v4  }
0x3b: {  	v4 =	vperm.xlane v3, v0;
	_ =	sdelay $0x1  }
0x3c: {  	v4 =	vadd.s32 v1, v4;
	_ =	sdelay $0x4  }
0x3d: {  	[tilespmem:s18], [sflag:$0x1] =	stream.indirect_vreg.gather [hbm4b:s1+s3], $0x80, v4, vm0, $0xb8;
	[tilespmem:$0x10180] =	vst v63  }
0x3e: {  	s2 =	simm.s32 $0x4980;
	v3 =	vperm.xlane v3, v2  }
0x3f: {  	[tilespmem:s2], [sflag:$0x1] =	stream.indirect_vreg.gather [hbm4b:s5+s3], $0x80, v4, vm0, $0xb8;
	[tilespmem:$0x10180] =	vst v63  }
0x40: {  	s4 =	simm.s32 $0x5180;
	v3 =	vadd.s32 v1, v3  }
0x41: {  	[tilespmem:s4], [sflag:$0x1] =	stream.indirect_vreg.gather [hbm4b:s6+s3], $0x80, v4, vm0, $0xb8;
	[tilespmem:$0x10180] =	vst v63  }
0x42: {  	s10 =	simm.s32 $0x5980  }
0x43: {  	[tilespmem:s10], [sflag:$0x1] =	stream.indirect_vreg.gather [hbm4b:s7+s3], $0x80, v4, vm0, $0xb8;
	[tilespmem:$0x10180] =	vst v63  }
0x44: {  	s12 =	simm.s32 $0x6180  }
0x45: {  	[tilespmem:s12], [sflag:$0x1] =	stream.indirect_vreg.gather [hbm4b:s1+s3], $0x80, v3, vm0, $0xb8;
	[tilespmem:$0x10180] =	vst v63  }
0x46: {  	s13 =	simm.s32 $0x6980  }
0x47: {  	[tilespmem:s13], [sflag:$0x1] =	stream.indirect_vreg.gather [hbm4b:s5+s3], $0x80, v3, vm0, $0xb8;
	[tilespmem:$0x10180] =	vst v63  }
0x48: {  	s14 =	simm.s32 $0x7180  }
0x49: {  	[tilespmem:s14], [sflag:$0x1] =	stream.indirect_vreg.gather [hbm4b:s6+s3], $0x80, v3, vm0, $0xb8;
	[tilespmem:$0x10180] =	vst v63  }
0x4a: {  	s15 =	simm.s32 $0x7980  }
0x4b: {  	[tilespmem:s15], [sflag:$0x1] =	stream.indirect_vreg.gather [hbm4b:s7+s3], $0x80, v3, vm0, $0xb8;
	[tilespmem:$0x10180] =	vst v63  }
0x4c: {  	v3 =	vld [tilespmem:$0x20];
	_ =	sdelay $0x4  }
0x4d: {  	v46 =	vshll.u32 v3, $0x3  }
0x4e: {  	v3 =	vand.u32 $0x7, v3;
	v4 =	vand.u32 $0xFFFFFFC0, v46  }
0x4f: {  	v3 =	vor.u32 v3, v4  }
0x50: {  	v4 =	vperm.xlane v3, v0;
	_ =	sdelay $0x1  }
0x51: {  	v4 =	vadd.s32 v1, v4;
	_ =	sdelay $0x4  }
0x52: {  	[tilespmem:s26], [sflag:$0x1] =	stream.indirect_vreg.gather [hbm4b:s1+s3], $0x80, v4, vm0, $0xb8;
	[tilespmem:$0x10180] =	vst v63  }
0x53: {  	s21 =	simm.s32 $0x8980;
	v3 =	vperm.xlane v3, v2  }
0x54: {  	[tilespmem:s21], [sflag:$0x1] =	stream.indirect_vreg.gather [hbm4b:s5+s3], $0x80, v4, vm0, $0xb8;
	[tilespmem:$0x10180] =	vst v63  }
0x55: {  	s12 =	simm.s32 $0x9180;
	v3 =	vadd.s32 v1, v3  }
0x56: {  	[tilespmem:s12], [sflag:$0x1] =	stream.indirect_vreg.gather [hbm4b:s6+s3], $0x80, v4, vm0, $0xb8;
	[tilespmem:$0x10180] =	vst v63  }
0x57: {  	s13 =	simm.s32 $0x9980  }
0x58: {  	[tilespmem:s13], [sflag:$0x1] =	stream.indirect_vreg.gather [hbm4b:s7+s3], $0x80, v4, vm0, $0xb8;
	[tilespmem:$0x10180] =	vst v63  }
0x59: {  	s21 =	simm.s32 $0xA180  }
0x5a: {  	[tilespmem:s21], [sflag:$0x1] =	stream.indirect_vreg.gather [hbm4b:s1+s3], $0x80, v3, vm0, $0xb8;
	[tilespmem:$0x10180] =	vst v63  }
0x5b: {  	s13 =	simm.s32 $0xA980  }
0x5c: {  	[tilespmem:s13], [sflag:$0x1] =	stream.indirect_vreg.gather [hbm4b:s5+s3], $0x80, v3, vm0, $0xb8;
	[tilespmem:$0x10180] =	vst v63  }
0x5d: {  	s21 =	simm.s32 $0xB180  }
0x5e: {  	[tilespmem:s21], [sflag:$0x1] =	stream.indirect_vreg.gather [hbm4b:s6+s3], $0x80, v3, vm0, $0xb8;
	[tilespmem:$0x10180] =	vst v63  }
0x5f: {  	s13 =	simm.s32 $0xB980  }
0x60: {  	[tilespmem:s13], [sflag:$0x1] =	stream.indirect_vreg.gather [hbm4b:s7+s3], $0x80, v3, vm0, $0xb8;
	[tilespmem:$0x10180] =	vst v63  }
0x61: {  	_ =	swait.ge [sflag:s9], $0x4000  }
0x62: {  	[sflag:s9] =	ssyncset.done $0x0  }
0x63: {  	[sflag:s9] =	ssyncadd.s32 $0xFFFFC000  }
0x64: {  	v3 =	vld [tilespmem:$0x30];
	_ =	sdelay $0x4  }
0x65: {  	v47 =	vshll.u32 v3, $0x3  }
0x66: {  	v3 =	vand.u32 $0x7, v3;
	v4 =	vand.u32 $0xFFFFFFC0, v47  }
0x67: {  	v3 =	vor.u32 v3, v4  }
0x68: {  	v4 =	vperm.xlane v3, v0;
	_ =	sdelay $0x1  }
0x69: {  	v4 =	vadd.s32 v1, v4;
	_ =	sdelay $0x4  }
0x6a: {  	[tilespmem:s11], [sflag:$0x1] =	stream.indirect_vreg.gather [hbm4b:s1+s3], $0x80, v4, vm0, $0xb8;
	[tilespmem:$0x10180] =	vst v63  }
0x6b: {  	s21 =	simm.s32 $0xC980;
	v3 =	vperm.xlane v3, v2  }
0x6c: {  	[tilespmem:s21], [sflag:$0x1] =	stream.indirect_vreg.gather [hbm4b:s5+s3], $0x80, v4, vm0, $0xb8;
	[tilespmem:$0x10180] =	vst v63  }
0x6d: {  	v3 =	vadd.s32 v1, v3;
	s21 =	simm.s32 $0xD180  }
0x6e: {  	[tilespmem:s21], [sflag:$0x1] =	stream.indirect_vreg.gather [hbm4b:s6+s3], $0x80, v4, vm0, $0xb8;
	[tilespmem:$0x10180] =	vst v63  }
0x6f: {  	s21 =	simm.s32 $0xD980  }
0x70: {  	[tilespmem:s21], [sflag:$0x1] =	stream.indirect_vreg.gather [hbm4b:s7+s3], $0x80, v4, vm0, $0xb8;
	[tilespmem:$0x10180] =	vst v63  }
0x71: {  	s21 =	simm.s32 $0xE180  }
0x72: {  	[tilespmem:s21], [sflag:$0x1] =	stream.indirect_vreg.gather [hbm4b:s1+s3], $0x80, v3, vm0, $0xb8;
	[tilespmem:$0x10180] =	vst v63  }
0x73: {  	s21 =	simm.s32 $0xE980  }
0x74: {  	[tilespmem:s21], [sflag:$0x1] =	stream.indirect_vreg.gather [hbm4b:s5+s3], $0x80, v3, vm0, $0xb8;
	[tilespmem:$0x10180] =	vst v63  }
0x75: {  	s21 =	simm.s32 $0xF180  }
0x76: {  	[tilespmem:s21], [sflag:$0x1] =	stream.indirect_vreg.gather [hbm4b:s6+s3], $0x80, v3, vm0, $0xb8;
	[tilespmem:$0x10180] =	vst v63  }
0x77: {  	s0 =	simm.s32 $0xF980  }
0x78: {  	[tilespmem:s0], [sflag:$0x1] =	stream.indirect_vreg.gather [hbm4b:s7+s3], $0x80, v3, vm0, $0xb8;
	[tilespmem:$0x10180] =	vst v63  }
0x79: {  	s0 =	rddreg [dreg:$0x18]  }
0x7a: {  	[hbm4b:s0+s3] =	stream.linear.scatter [tilespmem:s22], [sflag:$0x2], $0x4000, $0x38;
	[tilespmem:$0x10180] =	vst v63  }
0x7b: {  	_ =	swait.ge [sflag:s9], $0x4000  }
0x7c: {  	[sflag:s9] =	ssyncset.done $0x0  }
0x7d: {  	[sflag:s9] =	ssyncadd.s32 $0xFFFFC000  }
0x7e: {  	_ =	swait.ge [sflag:s20], $0x4000  }
0x7f: {  	[sflag:s20] =	ssyncset.done $0x0  }
0x80: {  	[sflag:s20] =	ssyncadd.s32 $0xFFFFC000  }
0x81: {  	v3 =	vld [tilespmem:$0x40];
	_ =	sdelay $0x4  }
0x82: {  	v48 =	vshll.u32 v3, $0x3  }
0x83: {  	v3 =	vand.u32 $0x7, v3;
	v4 =	vand.u32 $0xFFFFFFC0, v48  }
0x84: {  	v3 =	vor.u32 v3, v4  }
0x85: {  	v4 =	vperm.xlane v3, v0;
	_ =	sdelay $0x1  }
0x86: {  	v4 =	vadd.s32 v1, v4;
	_ =	sdelay $0x4  }
0x87: {  	[tilespmem:s22], [sflag:$0x1] =	stream.indirect_vreg.gather [hbm4b:s1+s3], $0x80, v4, vm0, $0xb8;
	[tilespmem:$0x10180] =	vst v63  }
0x88: {  	s23 =	simm.s32 $0x980;
	v3 =	vperm.xlane v3, v2  }
0x89: {  	[tilespmem:s23], [sflag:$0x1] =	stream.indirect_vreg.gather [hbm4b:s5+s3], $0x80, v4, vm0, $0xb8;
	[tilespmem:$0x10180] =	vst v63  }
0x8a: {  	s24 =	simm.s32 $0x1180;
	v3 =	vadd.s32 v1, v3  }
0x8b: {  	[tilespmem:s24], [sflag:$0x1] =	stream.indirect_vreg.gather [hbm4b:s6+s3], $0x80, v4, vm0, $0xb8;
	[tilespmem:$0x10180] =	vst v63  }
0x8c: {  	s28 =	simm.s32 $0x1980  }
0x8d: {  	[tilespmem:s28], [sflag:$0x1] =	stream.indirect_vreg.gather [hbm4b:s7+s3], $0x80, v4, vm0, $0xb8;
	[tilespmem:$0x10180] =	vst v63  }
0x8e: {  	s29 =	simm.s32 $0x2180  }
0x8f: {  	[tilespmem:s29], [sflag:$0x1] =	stream.indirect_vreg.gather [hbm4b:s1+s3], $0x80, v3, vm0, $0xb8;
	[tilespmem:$0x10180] =	vst v63  }
0x90: {  	s30 =	simm.s32 $0x2980  }
0x91: {  	[tilespmem:s30], [sflag:$0x1] =	stream.indirect_vreg.gather [hbm4b:s5+s3], $0x80, v3, vm0, $0xb8;
	[tilespmem:$0x10180] =	vst v63  }
0x92: {  	s31 =	simm.s32 $0x3180  }
0x93: {  	[tilespmem:s31], [sflag:$0x1] =	stream.indirect_vreg.gather [hbm4b:s6+s3], $0x80, v3, vm0, $0xb8;
	[tilespmem:$0x10180] =	vst v63  }
0x94: {  	s25 =	simm.s32 $0x3980  }
0x95: {  	[tilespmem:s25], [sflag:$0x1] =	stream.indirect_vreg.gather [hbm4b:s7+s3], $0x80, v3, vm0, $0xb8;
	[tilespmem:$0x10180] =	vst v63  }
0x96: {  	s0 =	rddreg [dreg:$0x5]  }
0x97: {  	[hbm4b:s0+s3] =	stream.linear.scatter [tilespmem:s18], [sflag:$0x2], $0x4000, $0x38;
	[tilespmem:$0x10180] =	vst v63  }
0x98: {  	_ =	swait.ge [sflag:s9], $0x4000  }
0x99: {  	[sflag:s9] =	ssyncset.done $0x0  }
0x9a: {  	[sflag:s9] =	ssyncadd.s32 $0xFFFFC000  }
0x9b: {  	_ =	swait.ge [sflag:s20], $0x4000  }
0x9c: {  	[sflag:s20] =	ssyncset.done $0x0  }
0x9d: {  	[sflag:s20] =	ssyncadd.s32 $0xFFFFC000  }
0x9e: {  	v3 =	vld [tilespmem:$0x50];
	_ =	sdelay $0x4  }
0x9f: {  	v49 =	vshll.u32 v3, $0x3  }
0xa0: {  	v3 =	vand.u32 $0x7, v3;
	v4 =	vand.u32 $0xFFFFFFC0, v49  }
0xa1: {  	v3 =	vor.u32 v3, v4  }
0xa2: {  	v4 =	vperm.xlane v3, v0;
	_ =	sdelay $0x1  }
0xa3: {  	v4 =	vadd.s32 v1, v4;
	_ =	sdelay $0x4  }
0xa4: {  	[tilespmem:s18], [sflag:$0x1] =	stream.indirect_vreg.gather [hbm4b:s1+s3], $0x80, v4, vm0, $0xb8;
	[tilespmem:$0x10180] =	vst v63  }
0xa5: {  	s17 =	simm.s32 $0x4980;
	v3 =	vperm.xlane v3, v2  }
0xa6: {  	[tilespmem:s17], [sflag:$0x1] =	stream.indirect_vreg.gather [hbm4b:s5+s3], $0x80, v4, vm0, $0xb8;
	[tilespmem:$0x10180] =	vst v63  }
0xa7: {  	s16 =	simm.s32 $0x5180;
	v3 =	vadd.s32 v1, v3  }
0xa8: {  	[tilespmem:s16], [sflag:$0x1] =	stream.indirect_vreg.gather [hbm4b:s6+s3], $0x80, v4, vm0, $0xb8;
	[tilespmem:$0x10180] =	vst v63  }
0xa9: {  	s19 =	simm.s32 $0x5980  }
0xaa: {  	[tilespmem:s19], [sflag:$0x1] =	stream.indirect_vreg.gather [hbm4b:s7+s3], $0x80, v4, vm0, $0xb8;
	[tilespmem:$0x10180] =	vst v63  }
0xab: {  	s2 =	simm.s32 $0x6180  }
0xac: {  	[tilespmem:s2], [sflag:$0x1] =	stream.indirect_vreg.gather [hbm4b:s1+s3], $0x80, v3, vm0, $0xb8;
	[tilespmem:$0x10180] =	vst v63  }
0xad: {  	s4 =	simm.s32 $0x6980  }
0xae: {  	[tilespmem:s4], [sflag:$0x1] =	stream.indirect_vreg.gather [hbm4b:s5+s3], $0x80, v3, vm0, $0xb8;
	[tilespmem:$0x10180] =	vst v63  }
0xaf: {  	s10 =	simm.s32 $0x7180  }
0xb0: {  	[tilespmem:s10], [sflag:$0x1] =	stream.indirect_vreg.gather [hbm4b:s6+s3], $0x80, v3, vm0, $0xb8;
	[tilespmem:$0x10180] =	vst v63  }
0xb1: {  	s15 =	simm.s32 $0x7980  }
0xb2: {  	[tilespmem:s15], [sflag:$0x1] =	stream.indirect_vreg.gather [hbm4b:s7+s3], $0x80, v3, vm0, $0xb8;
	[tilespmem:$0x10180] =	vst v63  }
0xb3: {  	s10 =	rddreg [dreg:$0x6]  }
0xb4: {  	[hbm4b:s10+s3] =	stream.linear.scatter [tilespmem:s26], [sflag:$0x2], $0x4000, $0x38;
	[tilespmem:$0x10180] =	vst v63  }
0xb5: {  	_ =	swait.ge [sflag:s9], $0x4000  }
0xb6: {  	[sflag:s9] =	ssyncset.done $0x0  }
0xb7: {  	[sflag:s9] =	ssyncadd.s32 $0xFFFFC000  }
0xb8: {  	_ =	swait.ge [sflag:s20], $0x4000  }
0xb9: {  	[sflag:s20] =	ssyncset.done $0x0  }
0xba: {  	[sflag:s20] =	ssyncadd.s32 $0xFFFFC000  }
0xbb: {  	v3 =	vld [tilespmem:$0x60];
	_ =	sdelay $0x4  }
0xbc: {  	v50 =	vshll.u32 v3, $0x3  }
0xbd: {  	v3 =	vand.u32 $0x7, v3;
	v4 =	vand.u32 $0xFFFFFFC0, v50  }
0xbe: {  	v3 =	vor.u32 v3, v4  }
0xbf: {  	v4 =	vperm.xlane v3, v0;
	_ =	sdelay $0x1  }
0xc0: {  	v4 =	vadd.s32 v1, v4;
	_ =	sdelay $0x4  }
0xc1: {  	[tilespmem:s26], [sflag:$0x1] =	stream.indirect_vreg.gather [hbm4b:s1+s3], $0x80, v4, vm0, $0xb8;
	[tilespmem:$0x10180] =	vst v63  }
0xc2: {  	s14 =	simm.s32 $0x8980;
	v3 =	vperm.xlane v3, v2  }
0xc3: {  	[tilespmem:s14], [sflag:$0x1] =	stream.indirect_vreg.gather [hbm4b:s5+s3], $0x80, v4, vm0, $0xb8;
	[tilespmem:$0x10180] =	vst v63  }
0xc4: {  	s12 =	simm.s32 $0x9180;
	v3 =	vadd.s32 v1, v3  }
0xc5: {  	[tilespmem:s12], [sflag:$0x1] =	stream.indirect_vreg.gather [hbm4b:s6+s3], $0x80, v4, vm0, $0xb8;
	[tilespmem:$0x10180] =	vst v63  }
0xc6: {  	s19 =	simm.s32 $0x9980  }
0xc7: {  	[tilespmem:s19], [sflag:$0x1] =	stream.indirect_vreg.gather [hbm4b:s7+s3], $0x80, v4, vm0, $0xb8;
	[tilespmem:$0x10180] =	vst v63  }
0xc8: {  	s14 =	simm.s32 $0xA180  }
0xc9: {  	[tilespmem:s14], [sflag:$0x1] =	stream.indirect_vreg.gather [hbm4b:s1+s3], $0x80, v3, vm0, $0xb8;
	[tilespmem:$0x10180] =	vst v63  }
0xca: {  	s15 =	simm.s32 $0xA980  }
0xcb: {  	[tilespmem:s15], [sflag:$0x1] =	stream.indirect_vreg.gather [hbm4b:s5+s3], $0x80, v3, vm0, $0xb8;
	[tilespmem:$0x10180] =	vst v63  }
0xcc: {  	s16 =	simm.s32 $0xB180  }
0xcd: {  	[tilespmem:s16], [sflag:$0x1] =	stream.indirect_vreg.gather [hbm4b:s6+s3], $0x80, v3, vm0, $0xb8;
	[tilespmem:$0x10180] =	vst v63  }
0xce: {  	s13 =	simm.s32 $0xB980  }
0xcf: {  	[tilespmem:s13], [sflag:$0x1] =	stream.indirect_vreg.gather [hbm4b:s7+s3], $0x80, v3, vm0, $0xb8;
	[tilespmem:$0x10180] =	vst v63  }
0xd0: {  	s12 =	rddreg [dreg:$0x7]  }
0xd1: {  	[hbm4b:s12+s3] =	stream.linear.scatter [tilespmem:s11], [sflag:$0x2], $0x4000, $0x38;
	[tilespmem:$0x10180] =	vst v63  }
0xd2: {  	_ =	swait.ge [sflag:s9], $0x4000  }
0xd3: {  	[sflag:s9] =	ssyncset.done $0x0  }
0xd4: {  	[sflag:s9] =	ssyncadd.s32 $0xFFFFC000  }
0xd5: {  	_ =	swait.ge [sflag:s20], $0x4000  }
0xd6: {  	[sflag:s20] =	ssyncset.done $0x0  }
0xd7: {  	[sflag:s20] =	ssyncadd.s32 $0xFFFFC000  }
0xd8: {  	v3 =	vld [tilespmem:$0x70];
	_ =	sdelay $0x4  }
0xd9: {  	v51 =	vshll.u32 v3, $0x3  }
0xda: {  	v3 =	vand.u32 $0x7, v3;
	v4 =	vand.u32 $0xFFFFFFC0, v51  }
0xdb: {  	v3 =	vor.u32 v3, v4  }
0xdc: {  	v4 =	vperm.xlane v3, v0;
	_ =	sdelay $0x1  }
0xdd: {  	v4 =	vadd.s32 v1, v4;
	_ =	sdelay $0x4  }
0xde: {  	[tilespmem:s11], [sflag:$0x1] =	stream.indirect_vreg.gather [hbm4b:s1+s3], $0x80, v4, vm0, $0xb8;
	[tilespmem:$0x10180] =	vst v63  }
0xdf: {  	s21 =	simm.s32 $0xC980;
	v3 =	vperm.xlane v3, v2  }
0xe0: {  	[tilespmem:s21], [sflag:$0x1] =	stream.indirect_vreg.gather [hbm4b:s5+s3], $0x80, v4, vm0, $0xb8;
	[tilespmem:$0x10180] =	vst v63  }
0xe1: {  	s0 =	simm.s32 $0xD180;
	v3 =	vadd.s32 v1, v3  }
0xe2: {  	[tilespmem:s0], [sflag:$0x1] =	stream.indirect_vreg.gather [hbm4b:s6+s3], $0x80, v4, vm0, $0xb8;
	[tilespmem:$0x10180] =	vst v63  }
0xe3: {  	s2 =	simm.s32 $0xD980  }
0xe4: {  	[tilespmem:s2], [sflag:$0x1] =	stream.indirect_vreg.gather [hbm4b:s7+s3], $0x80, v4, vm0, $0xb8;
	[tilespmem:$0x10180] =	vst v63  }
0xe5: {  	s4 =	simm.s32 $0xE180  }
0xe6: {  	[tilespmem:s4], [sflag:$0x1] =	stream.indirect_vreg.gather [hbm4b:s1+s3], $0x80, v3, vm0, $0xb8;
	[tilespmem:$0x10180] =	vst v63  }
0xe7: {  	s10 =	simm.s32 $0xE980  }
0xe8: {  	[tilespmem:s10], [sflag:$0x1] =	stream.indirect_vreg.gather [hbm4b:s5+s3], $0x80, v3, vm0, $0xb8;
	[tilespmem:$0x10180] =	vst v63  }
0xe9: {  	s24 =	simm.s32 $0xF180  }
0xea: {  	[tilespmem:s24], [sflag:$0x1] =	stream.indirect_vreg.gather [hbm4b:s6+s3], $0x80, v3, vm0, $0xb8;
	[tilespmem:$0x10180] =	vst v63  }
0xeb: {  	s13 =	simm.s32 $0xF980  }
0xec: {  	[tilespmem:s13], [sflag:$0x1] =	stream.indirect_vreg.gather [hbm4b:s7+s3], $0x80, v3, vm0, $0xb8;
	[tilespmem:$0x10180] =	vst v63  }
0xed: {  	s21 =	rddreg [dreg:$0x8]  }
0xee: {  	[hbm4b:s21+s3] =	stream.linear.scatter [tilespmem:s22], [sflag:$0x2], $0x4000, $0x38;
	[tilespmem:$0x10180] =	vst v63  }
0xef: {  	_ =	swait.ge [sflag:s9], $0x4000  }
0xf0: {  	[sflag:s9] =	ssyncset.done $0x0  }
0xf1: {  	[sflag:s9] =	ssyncadd.s32 $0xFFFFC000  }
0xf2: {  	_ =	swait.ge [sflag:s20], $0x4000  }
0xf3: {  	[sflag:s20] =	ssyncset.done $0x0  }
0xf4: {  	[sflag:s20] =	ssyncadd.s32 $0xFFFFC000  }
0xf5: {  	v3 =	vld [tilespmem:$0x80];
	_ =	sdelay $0x4  }
0xf6: {  	v52 =	vshll.u32 v3, $0x3  }
0xf7: {  	v3 =	vand.u32 $0x7, v3;
	v4 =	vand.u32 $0xFFFFFFC0, v52  }
0xf8: {  	v3 =	vor.u32 v3, v4  }
0xf9: {  	v4 =	vperm.xlane v3, v0;
	_ =	sdelay $0x1  }
0xfa: {  	v4 =	vadd.s32 v1, v4;
	_ =	sdelay $0x4  }
0xfb: {  	[tilespmem:s22], [sflag:$0x1] =	stream.indirect_vreg.gather [hbm4b:s1+s3], $0x80, v4, vm0, $0xb8;
	[tilespmem:$0x10180] =	vst v63  }
0xfc: {  	s21 =	simm.s32 $0x980;
	v3 =	vperm.xlane v3, v2  }
0xfd: {  	[tilespmem:s21], [sflag:$0x1] =	stream.indirect_vreg.gather [hbm4b:s5+s3], $0x80, v4, vm0, $0xb8;
	[tilespmem:$0x10180] =	vst v63  }
0xfe: {  	v3 =	vadd.s32 v1, v3;
	s21 =	simm.s32 $0x1180  }
0xff: {  	[tilespmem:s21], [sflag:$0x1] =	stream.indirect_vreg.gather [hbm4b:s6+s3], $0x80, v4, vm0, $0xb8;
	[tilespmem:$0x10180] =	vst v63  }
0x100: {  	s21 =	simm.s32 $0x1980  }
0x101: {  	[tilespmem:s21], [sflag:$0x1] =	stream.indirect_vreg.gather [hbm4b:s7+s3], $0x80, v4, vm0, $0xb8;
	[tilespmem:$0x10180] =	vst v63  }
0x102: {  	s21 =	simm.s32 $0x2180  }
0x103: {  	[tilespmem:s21], [sflag:$0x1] =	stream.indirect_vreg.gather [hbm4b:s1+s3], $0x80, v3, vm0, $0xb8;
	[tilespmem:$0x10180] =	vst v63  }
0x104: {  	s21 =	simm.s32 $0x2980  }
0x105: {  	[tilespmem:s21], [sflag:$0x1] =	stream.indirect_vreg.gather [hbm4b:s5+s3], $0x80, v3, vm0, $0xb8;
	[tilespmem:$0x10180] =	vst v63  }
0x106: {  	s21 =	simm.s32 $0x3180  }
0x107: {  	[tilespmem:s21], [sflag:$0x1] =	stream.indirect_vreg.gather [hbm4b:s6+s3], $0x80, v3, vm0, $0xb8;
	[tilespmem:$0x10180] =	vst v63  }
0x108: {  	s13 =	simm.s32 $0x3980  }
0x109: {  	[tilespmem:s13], [sflag:$0x1] =	stream.indirect_vreg.gather [hbm4b:s7+s3], $0x80, v3, vm0, $0xb8;
	[tilespmem:$0x10180] =	vst v63  }
0x10a: {  	s21 =	rddreg [dreg:$0x9]  }
0x10b: {  	[hbm4b:s21+s3] =	stream.linear.scatter [tilespmem:s18], [sflag:$0x2], $0x4000, $0x38;
	[tilespmem:$0x10180] =	vst v63  }
0x10c: {  	_ =	swait.ge [sflag:s9], $0x4000  }
0x10d: {  	[sflag:s9] =	ssyncset.done $0x0  }
0x10e: {  	[sflag:s9] =	ssyncadd.s32 $0xFFFFC000  }
0x10f: {  	_ =	swait.ge [sflag:s20], $0x4000  }
0x110: {  	[sflag:s20] =	ssyncset.done $0x0  }
0x111: {  	[sflag:s20] =	ssyncadd.s32 $0xFFFFC000  }
0x112: {  	v3 =	vld [tilespmem:$0x90];
	_ =	sdelay $0x4  }
0x113: {  	v53 =	vshll.u32 v3, $0x3  }
0x114: {  	v3 =	vand.u32 $0x7, v3;
	v4 =	vand.u32 $0xFFFFFFC0, v53  }
0x115: {  	v3 =	vor.u32 v3, v4  }
0x116: {  	v4 =	vperm.xlane v3, v0;
	_ =	sdelay $0x1  }
0x117: {  	v4 =	vadd.s32 v1, v4;
	_ =	sdelay $0x4  }
0x118: {  	[tilespmem:s18], [sflag:$0x1] =	stream.indirect_vreg.gather [hbm4b:s1+s3], $0x80, v4, vm0, $0xb8;
	[tilespmem:$0x10180] =	vst v63  }
0x119: {  	s21 =	simm.s32 $0x4980;
	v3 =	vperm.xlane v3, v2  }
0x11a: {  	[tilespmem:s21], [sflag:$0x1] =	stream.indirect_vreg.gather [hbm4b:s5+s3], $0x80, v4, vm0, $0xb8;
	[tilespmem:$0x10180] =	vst v63  }
0x11b: {  	s29 =	simm.s32 $0x5180;
	v3 =	vadd.s32 v1, v3  }
0x11c: {  	[tilespmem:s29], [sflag:$0x1] =	stream.indirect_vreg.gather [hbm4b:s6+s3], $0x80, v4, vm0, $0xb8;
	[tilespmem:$0x10180] =	vst v63  }
0x11d: {  	s30 =	simm.s32 $0x5980  }
0x11e: {  	[tilespmem:s30], [sflag:$0x1] =	stream.indirect_vreg.gather [hbm4b:s7+s3], $0x80, v4, vm0, $0xb8;
	[tilespmem:$0x10180] =	vst v63  }
0x11f: {  	s31 =	simm.s32 $0x6180  }
0x120: {  	[tilespmem:s31], [sflag:$0x1] =	stream.indirect_vreg.gather [hbm4b:s1+s3], $0x80, v3, vm0, $0xb8;
	[tilespmem:$0x10180] =	vst v63  }
0x121: {  	s30 =	simm.s32 $0x6980  }
0x122: {  	[tilespmem:s30], [sflag:$0x1] =	stream.indirect_vreg.gather [hbm4b:s5+s3], $0x80, v3, vm0, $0xb8;
	[tilespmem:$0x10180] =	vst v63  }
0x123: {  	s31 =	simm.s32 $0x7180  }
0x124: {  	[tilespmem:s31], [sflag:$0x1] =	stream.indirect_vreg.gather [hbm4b:s6+s3], $0x80, v3, vm0, $0xb8;
	[tilespmem:$0x10180] =	vst v63  }
0x125: {  	s23 =	simm.s32 $0x7980  }
0x126: {  	[tilespmem:s23], [sflag:$0x1] =	stream.indirect_vreg.gather [hbm4b:s7+s3], $0x80, v3, vm0, $0xb8;
	[tilespmem:$0x10180] =	vst v63  }
0x127: {  	s13 =	rddreg [dreg:$0xa]  }
0x128: {  	[hbm4b:s13+s3] =	stream.linear.scatter [tilespmem:s26], [sflag:$0x2], $0x4000, $0x38;
	[tilespmem:$0x10180] =	vst v63  }
0x129: {  	_ =	swait.ge [sflag:s9], $0x4000  }
0x12a: {  	[sflag:s9] =	ssyncset.done $0x0  }
0x12b: {  	[sflag:s9] =	ssyncadd.s32 $0xFFFFC000  }
0x12c: {  	_ =	swait.ge [sflag:s20], $0x4000  }
0x12d: {  	[sflag:s20] =	ssyncset.done $0x0  }
0x12e: {  	[sflag:s20] =	ssyncadd.s32 $0xFFFFC000  }
0x12f: {  	v3 =	vld [tilespmem:$0xA0];
	_ =	sdelay $0x4  }
0x130: {  	v54 =	vshll.u32 v3, $0x3  }
0x131: {  	v3 =	vand.u32 $0x7, v3;
	v4 =	vand.u32 $0xFFFFFFC0, v54  }
0x132: {  	v3 =	vor.u32 v3, v4  }
0x133: {  	v4 =	vperm.xlane v3, v0;
	_ =	sdelay $0x1  }
0x134: {  	v4 =	vadd.s32 v1, v4;
	_ =	sdelay $0x4  }
0x135: {  	[tilespmem:s26], [sflag:$0x1] =	stream.indirect_vreg.gather [hbm4b:s1+s3], $0x80, v4, vm0, $0xb8;
	[tilespmem:$0x10180] =	vst v63  }
0x136: {  	s17 =	simm.s32 $0x8980;
	v3 =	vperm.xlane v3, v2  }
0x137: {  	[tilespmem:s17], [sflag:$0x1] =	stream.indirect_vreg.gather [hbm4b:s5+s3], $0x80, v4, vm0, $0xb8;
	[tilespmem:$0x10180] =	vst v63  }
0x138: {  	s29 =	simm.s32 $0x9180;
	v3 =	vadd.s32 v1, v3  }
0x139: {  	[tilespmem:s29], [sflag:$0x1] =	stream.indirect_vreg.gather [hbm4b:s6+s3], $0x80, v4, vm0, $0xb8;
	[tilespmem:$0x10180] =	vst v63  }
0x13a: {  	_ = 	snop  }
0x13b: {  	[tilespmem:s19], [sflag:$0x1] =	stream.indirect_vreg.gather [hbm4b:s7+s3], $0x80, v4, vm0, $0xb8;
	[tilespmem:$0x10180] =	vst v63  }
0x13c: {  	_ = 	snop  }
0x13d: {  	[tilespmem:s14], [sflag:$0x1] =	stream.indirect_vreg.gather [hbm4b:s1+s3], $0x80, v3, vm0, $0xb8;
	[tilespmem:$0x10180] =	vst v63  }
0x13e: {  	_ = 	snop  }
0x13f: {  	[tilespmem:s15], [sflag:$0x1] =	stream.indirect_vreg.gather [hbm4b:s5+s3], $0x80, v3, vm0, $0xb8;
	[tilespmem:$0x10180] =	vst v63  }
0x140: {  	_ = 	snop  }
0x141: {  	[tilespmem:s16], [sflag:$0x1] =	stream.indirect_vreg.gather [hbm4b:s6+s3], $0x80, v3, vm0, $0xb8;
	[tilespmem:$0x10180] =	vst v63  }
0x142: {  	s28 =	simm.s32 $0xB980  }
0x143: {  	[tilespmem:s28], [sflag:$0x1] =	stream.indirect_vreg.gather [hbm4b:s7+s3], $0x80, v3, vm0, $0xb8;
	[tilespmem:$0x10180] =	vst v63  }
0x144: {  	s31 =	rddreg [dreg:$0xb]  }
0x145: {  	[hbm4b:s31+s3] =	stream.linear.scatter [tilespmem:s11], [sflag:$0x2], $0x4000, $0x38;
	[tilespmem:$0x10180] =	vst v63  }
0x146: {  	_ =	swait.ge [sflag:s9], $0x4000  }
0x147: {  	[sflag:s9] =	ssyncset.done $0x0  }
0x148: {  	[sflag:s9] =	ssyncadd.s32 $0xFFFFC000  }
0x149: {  	_ =	swait.ge [sflag:s20], $0x4000  }
0x14a: {  	[sflag:s20] =	ssyncset.done $0x0  }
0x14b: {  	[sflag:s20] =	ssyncadd.s32 $0xFFFFC000  }
0x14c: {  	v3 =	vld [tilespmem:$0xB0];
	_ =	sdelay $0x4  }
0x14d: {  	v55 =	vshll.u32 v3, $0x3  }
0x14e: {  	v3 =	vand.u32 $0x7, v3;
	v4 =	vand.u32 $0xFFFFFFC0, v55  }
0x14f: {  	v3 =	vor.u32 v3, v4  }
0x150: {  	v4 =	vperm.xlane v3, v0;
	_ =	sdelay $0x1  }
0x151: {  	v4 =	vadd.s32 v1, v4;
	_ =	sdelay $0x4  }
0x152: {  	[tilespmem:s11], [sflag:$0x1] =	stream.indirect_vreg.gather [hbm4b:s1+s3], $0x80, v4, vm0, $0xb8;
	[tilespmem:$0x10180] =	vst v63  }
0x153: {  	s25 =	simm.s32 $0xC980;
	v3 =	vperm.xlane v3, v2  }
0x154: {  	[tilespmem:s25], [sflag:$0x1] =	stream.indirect_vreg.gather [hbm4b:s5+s3], $0x80, v4, vm0, $0xb8;
	[tilespmem:$0x10180] =	vst v63  }
0x155: {  	v3 =	vadd.s32 v1, v3  }
0x156: {  	[tilespmem:s0], [sflag:$0x1] =	stream.indirect_vreg.gather [hbm4b:s6+s3], $0x80, v4, vm0, $0xb8;
	[tilespmem:$0x10180] =	vst v63  }
0x157: {  	_ = 	snop  }
0x158: {  	[tilespmem:s2], [sflag:$0x1] =	stream.indirect_vreg.gather [hbm4b:s7+s3], $0x80, v4, vm0, $0xb8;
	[tilespmem:$0x10180] =	vst v63  }
0x159: {  	_ = 	snop  }
0x15a: {  	[tilespmem:s4], [sflag:$0x1] =	stream.indirect_vreg.gather [hbm4b:s1+s3], $0x80, v3, vm0, $0xb8;
	[tilespmem:$0x10180] =	vst v63  }
0x15b: {  	_ = 	snop  }
0x15c: {  	[tilespmem:s10], [sflag:$0x1] =	stream.indirect_vreg.gather [hbm4b:s5+s3], $0x80, v3, vm0, $0xb8;
	[tilespmem:$0x10180] =	vst v63  }
0x15d: {  	s24 =	simm.s32 $0xF180  }
0x15e: {  	[tilespmem:s24], [sflag:$0x1] =	stream.indirect_vreg.gather [hbm4b:s6+s3], $0x80, v3, vm0, $0xb8;
	[tilespmem:$0x10180] =	vst v63  }
0x15f: {  	s12 =	simm.s32 $0xF980  }
0x160: {  	[tilespmem:s12], [sflag:$0x1] =	stream.indirect_vreg.gather [hbm4b:s7+s3], $0x80, v3, vm0, $0xb8;
	[tilespmem:$0x10180] =	vst v63  }
0x161: {  	s10 =	rddreg [dreg:$0xc]  }
0x162: {  	[hbm4b:s10+s3] =	stream.linear.scatter [tilespmem:s22], [sflag:$0x2], $0x4000, $0x38;
	[tilespmem:$0x10180] =	vst v63  }
0x163: {  	_ =	swait.ge [sflag:s9], $0x4000  }
0x164: {  	[sflag:s9] =	ssyncset.done $0x0  }
0x165: {  	[sflag:s9] =	ssyncadd.s32 $0xFFFFC000  }
0x166: {  	_ =	swait.ge [sflag:s20], $0x4000  }
0x167: {  	[sflag:s20] =	ssyncset.done $0x0  }
0x168: {  	[sflag:s20] =	ssyncadd.s32 $0xFFFFC000  }
0x169: {  	v3 =	vld [tilespmem:$0xC0];
	_ =	sdelay $0x4  }
0x16a: {  	v56 =	vshll.u32 v3, $0x3  }
0x16b: {  	v3 =	vand.u32 $0x7, v3;
	v4 =	vand.u32 $0xFFFFFFC0, v56  }
0x16c: {  	v3 =	vor.u32 v3, v4  }
0x16d: {  	v4 =	vperm.xlane v3, v0;
	_ =	sdelay $0x1  }
0x16e: {  	v4 =	vadd.s32 v1, v4;
	_ =	sdelay $0x4  }
0x16f: {  	[tilespmem:s22], [sflag:$0x1] =	stream.indirect_vreg.gather [hbm4b:s1+s3], $0x80, v4, vm0, $0xb8;
	[tilespmem:$0x10180] =	vst v63  }
0x170: {  	s21 =	simm.s32 $0x980;
	v3 =	vperm.xlane v3, v2  }
0x171: {  	[tilespmem:s21], [sflag:$0x1] =	stream.indirect_vreg.gather [hbm4b:s5+s3], $0x80, v4, vm0, $0xb8;
	[tilespmem:$0x10180] =	vst v63  }
0x172: {  	s4 =	simm.s32 $0x1180;
	v3 =	vadd.s32 v1, v3  }
0x173: {  	[tilespmem:s4], [sflag:$0x1] =	stream.indirect_vreg.gather [hbm4b:s6+s3], $0x80, v4, vm0, $0xb8;
	[tilespmem:$0x10180] =	vst v63  }
0x174: {  	s10 =	simm.s32 $0x1980  }
0x175: {  	[tilespmem:s10], [sflag:$0x1] =	stream.indirect_vreg.gather [hbm4b:s7+s3], $0x80, v4, vm0, $0xb8;
	[tilespmem:$0x10180] =	vst v63  }
0x176: {  	s12 =	simm.s32 $0x2180  }
0x177: {  	[tilespmem:s12], [sflag:$0x1] =	stream.indirect_vreg.gather [hbm4b:s1+s3], $0x80, v3, vm0, $0xb8;
	[tilespmem:$0x10180] =	vst v63  }
0x178: {  	s21 =	simm.s32 $0x2980  }
0x179: {  	[tilespmem:s21], [sflag:$0x1] =	stream.indirect_vreg.gather [hbm4b:s5+s3], $0x80, v3, vm0, $0xb8;
	[tilespmem:$0x10180] =	vst v63  }
0x17a: {  	s4 =	simm.s32 $0x3180  }
0x17b: {  	[tilespmem:s4], [sflag:$0x1] =	stream.indirect_vreg.gather [hbm4b:s6+s3], $0x80, v3, vm0, $0xb8;
	[tilespmem:$0x10180] =	vst v63  }
0x17c: {  	s12 =	simm.s32 $0x3980  }
0x17d: {  	[tilespmem:s12], [sflag:$0x1] =	stream.indirect_vreg.gather [hbm4b:s7+s3], $0x80, v3, vm0, $0xb8;
	[tilespmem:$0x10180] =	vst v63  }
0x17e: {  	s10 =	rddreg [dreg:$0xd]  }
0x17f: {  	[hbm4b:s10+s3] =	stream.linear.scatter [tilespmem:s18], [sflag:$0x2], $0x4000, $0x38;
	[tilespmem:$0x10180] =	vst v63  }
0x180: {  	_ =	swait.ge [sflag:s9], $0x4000  }
0x181: {  	[sflag:s9] =	ssyncset.done $0x0  }
0x182: {  	[sflag:s9] =	ssyncadd.s32 $0xFFFFC000  }
0x183: {  	_ =	swait.ge [sflag:s20], $0x4000  }
0x184: {  	[sflag:s20] =	ssyncset.done $0x0  }
0x185: {  	[sflag:s20] =	ssyncadd.s32 $0xFFFFC000  }
0x186: {  	v3 =	vld [tilespmem:$0xD0];
	_ =	sdelay $0x4  }
0x187: {  	v57 =	vshll.u32 v3, $0x3  }
0x188: {  	v3 =	vand.u32 $0x7, v3;
	v4 =	vand.u32 $0xFFFFFFC0, v57  }
0x189: {  	v3 =	vor.u32 v3, v4  }
0x18a: {  	v4 =	vperm.xlane v3, v0;
	_ =	sdelay $0x1  }
0x18b: {  	v4 =	vadd.s32 v1, v4;
	_ =	sdelay $0x4  }
0x18c: {  	[tilespmem:s18], [sflag:$0x1] =	stream.indirect_vreg.gather [hbm4b:s1+s3], $0x80, v4, vm0, $0xb8;
	[tilespmem:$0x10180] =	vst v63  }
0x18d: {  	s4 =	simm.s32 $0x4980;
	v3 =	vperm.xlane v3, v2  }
0x18e: {  	[tilespmem:s4], [sflag:$0x1] =	stream.indirect_vreg.gather [hbm4b:s5+s3], $0x80, v4, vm0, $0xb8;
	[tilespmem:$0x10180] =	vst v63  }
0x18f: {  	s10 =	simm.s32 $0x5180;
	v3 =	vadd.s32 v1, v3  }
0x190: {  	[tilespmem:s10], [sflag:$0x1] =	stream.indirect_vreg.gather [hbm4b:s6+s3], $0x80, v4, vm0, $0xb8;
	[tilespmem:$0x10180] =	vst v63  }
0x191: {  	s12 =	simm.s32 $0x5980  }
0x192: {  	[tilespmem:s12], [sflag:$0x1] =	stream.indirect_vreg.gather [hbm4b:s7+s3], $0x80, v4, vm0, $0xb8;
	[tilespmem:$0x10180] =	vst v63  }
0x193: {  	s21 =	simm.s32 $0x6180  }
0x194: {  	[tilespmem:s21], [sflag:$0x1] =	stream.indirect_vreg.gather [hbm4b:s1+s3], $0x80, v3, vm0, $0xb8;
	[tilespmem:$0x10180] =	vst v63  }
0x195: {  	s4 =	simm.s32 $0x6980  }
0x196: {  	[tilespmem:s4], [sflag:$0x1] =	stream.indirect_vreg.gather [hbm4b:s5+s3], $0x80, v3, vm0, $0xb8;
	[tilespmem:$0x10180] =	vst v63  }
0x197: {  	s10 =	simm.s32 $0x7180  }
0x198: {  	[tilespmem:s10], [sflag:$0x1] =	stream.indirect_vreg.gather [hbm4b:s6+s3], $0x80, v3, vm0, $0xb8;
	[tilespmem:$0x10180] =	vst v63  }
0x199: {  	s30 =	simm.s32 $0x7980  }
0x19a: {  	[tilespmem:s30], [sflag:$0x1] =	stream.indirect_vreg.gather [hbm4b:s7+s3], $0x80, v3, vm0, $0xb8;
	[tilespmem:$0x10180] =	vst v63  }
0x19b: {  	s12 =	rddreg [dreg:$0xe]  }
0x19c: {  	[hbm4b:s12+s3] =	stream.linear.scatter [tilespmem:s26], [sflag:$0x2], $0x4000, $0x38;
	[tilespmem:$0x10180] =	vst v63  }
0x19d: {  	_ =	swait.ge [sflag:s9], $0x4000  }
0x19e: {  	[sflag:s9] =	ssyncset.done $0x0  }
0x19f: {  	[sflag:s9] =	ssyncadd.s32 $0xFFFFC000  }
0x1a0: {  	_ =	swait.ge [sflag:s20], $0x4000  }
0x1a1: {  	[sflag:s20] =	ssyncset.done $0x0  }
0x1a2: {  	[sflag:s20] =	ssyncadd.s32 $0xFFFFC000  }
0x1a3: {  	v3 =	vld [tilespmem:$0xE0];
	_ =	sdelay $0x4  }
0x1a4: {  	v58 =	vshll.u32 v3, $0x3  }
0x1a5: {  	v3 =	vand.u32 $0x7, v3;
	v4 =	vand.u32 $0xFFFFFFC0, v58  }
0x1a6: {  	v3 =	vor.u32 v3, v4  }
0x1a7: {  	v4 =	vperm.xlane v3, v0;
	_ =	sdelay $0x1  }
0x1a8: {  	v4 =	vadd.s32 v1, v4;
	_ =	sdelay $0x4  }
0x1a9: {  	[tilespmem:s26], [sflag:$0x1] =	stream.indirect_vreg.gather [hbm4b:s1+s3], $0x80, v4, vm0, $0xb8;
	[tilespmem:$0x10180] =	vst v63  }
0x1aa: {  	s23 =	simm.s32 $0x8980;
	v3 =	vperm.xlane v3, v2  }
0x1ab: {  	[tilespmem:s23], [sflag:$0x1] =	stream.indirect_vreg.gather [hbm4b:s5+s3], $0x80, v4, vm0, $0xb8;
	[tilespmem:$0x10180] =	vst v63  }
0x1ac: {  	s13 =	simm.s32 $0x9180;
	v3 =	vadd.s32 v1, v3  }
0x1ad: {  	[tilespmem:s13], [sflag:$0x1] =	stream.indirect_vreg.gather [hbm4b:s6+s3], $0x80, v4, vm0, $0xb8;
	[tilespmem:$0x10180] =	vst v63  }
0x1ae: {  	s17 =	simm.s32 $0x9980  }
0x1af: {  	[tilespmem:s17], [sflag:$0x1] =	stream.indirect_vreg.gather [hbm4b:s7+s3], $0x80, v4, vm0, $0xb8;
	[tilespmem:$0x10180] =	vst v63  }
0x1b0: {  	s29 =	simm.s32 $0xA180  }
0x1b1: {  	[tilespmem:s29], [sflag:$0x1] =	stream.indirect_vreg.gather [hbm4b:s1+s3], $0x80, v3, vm0, $0xb8;
	[tilespmem:$0x10180] =	vst v63  }
0x1b2: {  	s15 =	simm.s32 $0xA980  }
0x1b3: {  	[tilespmem:s15], [sflag:$0x1] =	stream.indirect_vreg.gather [hbm4b:s5+s3], $0x80, v3, vm0, $0xb8;
	[tilespmem:$0x10180] =	vst v63  }
0x1b4: {  	s16 =	simm.s32 $0xB180  }
0x1b5: {  	[tilespmem:s16], [sflag:$0x1] =	stream.indirect_vreg.gather [hbm4b:s6+s3], $0x80, v3, vm0, $0xb8;
	[tilespmem:$0x10180] =	vst v63  }
0x1b6: {  	s17 =	simm.s32 $0xB980  }
0x1b7: {  	[tilespmem:s17], [sflag:$0x1] =	stream.indirect_vreg.gather [hbm4b:s7+s3], $0x80, v3, vm0, $0xb8;
	[tilespmem:$0x10180] =	vst v63  }
0x1b8: {  	s29 =	rddreg [dreg:$0xf]  }
0x1b9: {  	[hbm4b:s29+s3] =	stream.linear.scatter [tilespmem:s11], [sflag:$0x2], $0x4000, $0x38;
	[tilespmem:$0x10180] =	vst v63  }
0x1ba: {  	_ =	swait.ge [sflag:s9], $0x4000  }
0x1bb: {  	[sflag:s9] =	ssyncset.done $0x0  }
0x1bc: {  	[sflag:s9] =	ssyncadd.s32 $0xFFFFC000  }
0x1bd: {  	_ =	swait.ge [sflag:s20], $0x4000  }
0x1be: {  	[sflag:s20] =	ssyncset.done $0x0  }
0x1bf: {  	[sflag:s20] =	ssyncadd.s32 $0xFFFFC000  }
0x1c0: {  	v3 =	vld [tilespmem:$0xF0];
	_ =	sdelay $0x4  }
0x1c1: {  	v59 =	vshll.u32 v3, $0x3  }
0x1c2: {  	v3 =	vand.u32 $0x7, v3;
	v4 =	vand.u32 $0xFFFFFFC0, v59  }
0x1c3: {  	v3 =	vor.u32 v3, v4  }
0x1c4: {  	v4 =	vperm.xlane v3, v0;
	_ =	sdelay $0x1  }
0x1c5: {  	v4 =	vadd.s32 v1, v4;
	_ =	sdelay $0x4  }
0x1c6: {  	[tilespmem:s11], [sflag:$0x1] =	stream.indirect_vreg.gather [hbm4b:s1+s3], $0x80, v4, vm0, $0xb8;
	[tilespmem:$0x10180] =	vst v63  }
0x1c7: {  	s31 =	simm.s32 $0xC980;
	v3 =	vperm.xlane v3, v2  }
0x1c8: {  	[tilespmem:s31], [sflag:$0x1] =	stream.indirect_vreg.gather [hbm4b:s5+s3], $0x80, v4, vm0, $0xb8;
	[tilespmem:$0x10180] =	vst v63  }
0x1c9: {  	s14 =	simm.s32 $0xD180;
	v3 =	vadd.s32 v1, v3  }
0x1ca: {  	[tilespmem:s14], [sflag:$0x1] =	stream.indirect_vreg.gather [hbm4b:s6+s3], $0x80, v4, vm0, $0xb8;
	[tilespmem:$0x10180] =	vst v63  }
0x1cb: {  	s19 =	simm.s32 $0xD980  }
0x1cc: {  	[tilespmem:s19], [sflag:$0x1] =	stream.indirect_vreg.gather [hbm4b:s7+s3], $0x80, v4, vm0, $0xb8;
	[tilespmem:$0x10180] =	vst v63  }
0x1cd: {  	s25 =	simm.s32 $0xE180  }
0x1ce: {  	[tilespmem:s25], [sflag:$0x1] =	stream.indirect_vreg.gather [hbm4b:s1+s3], $0x80, v3, vm0, $0xb8;
	[tilespmem:$0x10180] =	vst v63  }
0x1cf: {  	s2 =	simm.s32 $0xE980  }
0x1d0: {  	[tilespmem:s2], [sflag:$0x1] =	stream.indirect_vreg.gather [hbm4b:s5+s3], $0x80, v3, vm0, $0xb8;
	[tilespmem:$0x10180] =	vst v63  }
0x1d1: {  	s28 =	simm.s32 $0xF180  }
0x1d2: {  	[tilespmem:s28], [sflag:$0x1] =	stream.indirect_vreg.gather [hbm4b:s6+s3], $0x80, v3, vm0, $0xb8;
	[tilespmem:$0x10180] =	vst v63  }
0x1d3: {  	s24 =	simm.s32 $0xF980  }
0x1d4: {  	[tilespmem:s24], [sflag:$0x1] =	stream.indirect_vreg.gather [hbm4b:s7+s3], $0x80, v3, vm0, $0xb8;
	[tilespmem:$0x10180] =	vst v63  }
0x1d5: {  	s28 =	rddreg [dreg:$0x10]  }
0x1d6: {  	[hbm4b:s28+s3] =	stream.linear.scatter [tilespmem:s22], [sflag:$0x2], $0x4000, $0x38;
	[tilespmem:$0x10180] =	vst v63  }
0x1d7: {  	_ =	swait.ge [sflag:s9], $0x4000  }
0x1d8: {  	[sflag:s9] =	ssyncset.done $0x0  }
0x1d9: {  	[sflag:s9] =	ssyncadd.s32 $0xFFFFC000  }
0x1da: {  	_ =	swait.ge [sflag:s20], $0x4000  }
0x1db: {  	[sflag:s20] =	ssyncset.done $0x0  }
0x1dc: {  	[sflag:s20] =	ssyncadd.s32 $0xFFFFC000  }
0x1dd: {  	v3 =	vld [tilespmem:$0x100];
	_ =	sdelay $0x4  }
0x1de: {  	v60 =	vshll.u32 v3, $0x3  }
0x1df: {  	v3 =	vand.u32 $0x7, v3;
	v4 =	vand.u32 $0xFFFFFFC0, v60  }
0x1e0: {  	v3 =	vor.u32 v3, v4  }
0x1e1: {  	v4 =	vperm.xlane v3, v0;
	_ =	sdelay $0x1  }
0x1e2: {  	v4 =	vadd.s32 v1, v4;
	_ =	sdelay $0x4  }
0x1e3: {  	[tilespmem:s22], [sflag:$0x1] =	stream.indirect_vreg.gather [hbm4b:s1+s3], $0x80, v4, vm0, $0xb8;
	[tilespmem:$0x10180] =	vst v63  }
0x1e4: {  	s31 =	simm.s32 $0x980;
	v3 =	vperm.xlane v3, v2  }
0x1e5: {  	[tilespmem:s31], [sflag:$0x1] =	stream.indirect_vreg.gather [hbm4b:s5+s3], $0x80, v4, vm0, $0xb8;
	[tilespmem:$0x10180] =	vst v63  }
0x1e6: {  	s24 =	simm.s32 $0x1180;
	v3 =	vadd.s32 v1, v3  }
0x1e7: {  	[tilespmem:s24], [sflag:$0x1] =	stream.indirect_vreg.gather [hbm4b:s6+s3], $0x80, v4, vm0, $0xb8;
	[tilespmem:$0x10180] =	vst v63  }
0x1e8: {  	s28 =	simm.s32 $0x1980  }
0x1e9: {  	[tilespmem:s28], [sflag:$0x1] =	stream.indirect_vreg.gather [hbm4b:s7+s3], $0x80, v4, vm0, $0xb8;
	[tilespmem:$0x10180] =	vst v63  }
0x1ea: {  	s31 =	simm.s32 $0x2180  }
0x1eb: {  	[tilespmem:s31], [sflag:$0x1] =	stream.indirect_vreg.gather [hbm4b:s1+s3], $0x80, v3, vm0, $0xb8;
	[tilespmem:$0x10180] =	vst v63  }
0x1ec: {  	s24 =	simm.s32 $0x2980  }
0x1ed: {  	[tilespmem:s24], [sflag:$0x1] =	stream.indirect_vreg.gather [hbm4b:s5+s3], $0x80, v3, vm0, $0xb8;
	[tilespmem:$0x10180] =	vst v63  }
0x1ee: {  	s28 =	simm.s32 $0x3180  }
0x1ef: {  	[tilespmem:s28], [sflag:$0x1] =	stream.indirect_vreg.gather [hbm4b:s6+s3], $0x80, v3, vm0, $0xb8;
	[tilespmem:$0x10180] =	vst v63  }
0x1f0: {  	s28 =	simm.s32 $0x3980  }
0x1f1: {  	[tilespmem:s28], [sflag:$0x1] =	stream.indirect_vreg.gather [hbm4b:s7+s3], $0x80, v3, vm0, $0xb8;
	[tilespmem:$0x10180] =	vst v63  }
0x1f2: {  	s31 =	rddreg [dreg:$0x11]  }
0x1f3: {  	[hbm4b:s31+s3] =	stream.linear.scatter [tilespmem:s18], [sflag:$0x2], $0x4000, $0x38;
	[tilespmem:$0x10180] =	vst v63  }
0x1f4: {  	_ =	swait.ge [sflag:s9], $0x4000  }
0x1f5: {  	[sflag:s9] =	ssyncset.done $0x0  }
0x1f6: {  	[sflag:s9] =	ssyncadd.s32 $0xFFFFC000  }
0x1f7: {  	_ =	swait.ge [sflag:s20], $0x4000  }
0x1f8: {  	[sflag:s20] =	ssyncset.done $0x0  }
0x1f9: {  	[sflag:s20] =	ssyncadd.s32 $0xFFFFC000  }
0x1fa: {  	v3 =	vld [tilespmem:$0x110];
	_ =	sdelay $0x4  }
0x1fb: {  	v61 =	vshll.u32 v3, $0x3  }
0x1fc: {  	v3 =	vand.u32 $0x7, v3;
	v4 =	vand.u32 $0xFFFFFFC0, v61  }
0x1fd: {  	v3 =	vor.u32 v3, v4  }
0x1fe: {  	v4 =	vperm.xlane v3, v0;
	_ =	sdelay $0x1  }
0x1ff: {  	v4 =	vadd.s32 v1, v4;
	_ =	sdelay $0x4  }
0x200: {  	[tilespmem:s18], [sflag:$0x1] =	stream.indirect_vreg.gather [hbm4b:s1+s3], $0x80, v4, vm0, $0xb8;
	[tilespmem:$0x10180] =	vst v63  }
0x201: {  	s31 =	simm.s32 $0x4980;
	v3 =	vperm.xlane v3, v2  }
0x202: {  	[tilespmem:s31], [sflag:$0x1] =	stream.indirect_vreg.gather [hbm4b:s5+s3], $0x80, v4, vm0, $0xb8;
	[tilespmem:$0x10180] =	vst v63  }
0x203: {  	s24 =	simm.s32 $0x5180;
	v3 =	vadd.s32 v1, v3  }
0x204: {  	[tilespmem:s24], [sflag:$0x1] =	stream.indirect_vreg.gather [hbm4b:s6+s3], $0x80, v4, vm0, $0xb8;
	[tilespmem:$0x10180] =	vst v63  }
0x205: {  	s28 =	simm.s32 $0x5980  }
0x206: {  	[tilespmem:s28], [sflag:$0x1] =	stream.indirect_vreg.gather [hbm4b:s7+s3], $0x80, v4, vm0, $0xb8;
	[tilespmem:$0x10180] =	vst v63  }
0x207: {  	s31 =	simm.s32 $0x6180  }
0x208: {  	[tilespmem:s31], [sflag:$0x1] =	stream.indirect_vreg.gather [hbm4b:s1+s3], $0x80, v3, vm0, $0xb8;
	[tilespmem:$0x10180] =	vst v63  }
0x209: {  	s24 =	simm.s32 $0x6980  }
0x20a: {  	[tilespmem:s24], [sflag:$0x1] =	stream.indirect_vreg.gather [hbm4b:s5+s3], $0x80, v3, vm0, $0xb8;
	[tilespmem:$0x10180] =	vst v63  }
0x20b: {  	s28 =	simm.s32 $0x7180  }
0x20c: {  	[tilespmem:s28], [sflag:$0x1] =	stream.indirect_vreg.gather [hbm4b:s6+s3], $0x80, v3, vm0, $0xb8;
	[tilespmem:$0x10180] =	vst v63  }
0x20d: {  	s10 =	simm.s32 $0x7980  }
0x20e: {  	[tilespmem:s10], [sflag:$0x1] =	stream.indirect_vreg.gather [hbm4b:s7+s3], $0x80, v3, vm0, $0xb8;
	[tilespmem:$0x10180] =	vst v63  }
0x20f: {  	s31 =	rddreg [dreg:$0x12]  }
0x210: {  	[hbm4b:s31+s3] =	stream.linear.scatter [tilespmem:s26], [sflag:$0x2], $0x4000, $0x38;
	[tilespmem:$0x10180] =	vst v63  }
0x211: {  	_ =	swait.ge [sflag:s9], $0x4000  }
0x212: {  	[sflag:s9] =	ssyncset.done $0x0  }
0x213: {  	[sflag:s9] =	ssyncadd.s32 $0xFFFFC000  }
0x214: {  	_ =	swait.ge [sflag:s20], $0x4000  }
0x215: {  	[sflag:s20] =	ssyncset.done $0x0  }
0x216: {  	[sflag:s20] =	ssyncadd.s32 $0xFFFFC000  }
0x217: {  	v3 =	vld [tilespmem:$0x120];
	_ =	sdelay $0x4  }
0x218: {  	v62 =	vshll.u32 v3, $0x3  }
0x219: {  	v3 =	vand.u32 $0x7, v3;
	v4 =	vand.u32 $0xFFFFFFC0, v62  }
0x21a: {  	v3 =	vor.u32 v3, v4  }
0x21b: {  	v4 =	vperm.xlane v3, v0;
	_ =	sdelay $0x1  }
0x21c: {  	v4 =	vadd.s32 v1, v4;
	_ =	sdelay $0x4  }
0x21d: {  	[tilespmem:s26], [sflag:$0x1] =	stream.indirect_vreg.gather [hbm4b:s1+s3], $0x80, v4, vm0, $0xb8;
	[tilespmem:$0x10180] =	vst v63  }
0x21e: {  	s0 =	simm.s32 $0x8980;
	v3 =	vperm.xlane v3, v2  }
0x21f: {  	[tilespmem:s0], [sflag:$0x1] =	stream.indirect_vreg.gather [hbm4b:s5+s3], $0x80, v4, vm0, $0xb8;
	[tilespmem:$0x10180] =	vst v63  }
0x220: {  	s12 =	simm.s32 $0x9180;
	v3 =	vadd.s32 v1, v3  }
0x221: {  	[tilespmem:s12], [sflag:$0x1] =	stream.indirect_vreg.gather [hbm4b:s6+s3], $0x80, v4, vm0, $0xb8;
	[tilespmem:$0x10180] =	vst v63  }
0x222: {  	s13 =	simm.s32 $0x9980  }
0x223: {  	[tilespmem:s13], [sflag:$0x1] =	stream.indirect_vreg.gather [hbm4b:s7+s3], $0x80, v4, vm0, $0xb8;
	[tilespmem:$0x10180] =	vst v63  }
0x224: {  	s4 =	simm.s32 $0xA180  }
0x225: {  	[tilespmem:s4], [sflag:$0x1] =	stream.indirect_vreg.gather [hbm4b:s1+s3], $0x80, v3, vm0, $0xb8;
	[tilespmem:$0x10180] =	vst v63  }
0x226: {  	s23 =	simm.s32 $0xA980  }
0x227: {  	[tilespmem:s23], [sflag:$0x1] =	stream.indirect_vreg.gather [hbm4b:s5+s3], $0x80, v3, vm0, $0xb8;
	[tilespmem:$0x10180] =	vst v63  }
0x228: {  	s15 =	simm.s32 $0xB180  }
0x229: {  	[tilespmem:s15], [sflag:$0x1] =	stream.indirect_vreg.gather [hbm4b:s6+s3], $0x80, v3, vm0, $0xb8;
	[tilespmem:$0x10180] =	vst v63  }
0x22a: {  	s30 =	simm.s32 $0xB980  }
0x22b: {  	[tilespmem:s30], [sflag:$0x1] =	stream.indirect_vreg.gather [hbm4b:s7+s3], $0x80, v3, vm0, $0xb8;
	[tilespmem:$0x10180] =	vst v63  }
0x22c: {  	s24 =	rddreg [dreg:$0x13]  }
0x22d: {  	[hbm4b:s24+s3] =	stream.linear.scatter [tilespmem:s11], [sflag:$0x2], $0x4000, $0x38;
	[tilespmem:$0x10180] =	vst v63  }
0x22e: {  	_ =	swait.ge [sflag:s9], $0x4000  }
0x22f: {  	[sflag:s9] =	ssyncset.done $0x0  }
0x230: {  	[sflag:s9] =	ssyncadd.s32 $0xFFFFC000  }
0x231: {  	_ =	swait.ge [sflag:s20], $0x4000  }
0x232: {  	[sflag:s20] =	ssyncset.done $0x0  }
0x233: {  	[sflag:s20] =	ssyncadd.s32 $0xFFFFC000  }
0x234: {  	v3 =	vld [tilespmem:$0x130];
	_ =	sdelay $0x4  }
0x235: {  	v63 =	vshll.u32 v3, $0x3  }
0x236: {  	v3 =	vand.u32 $0x7, v3;
	v4 =	vand.u32 $0xFFFFFFC0, v63  }
0x237: {  	v3 =	vor.u32 v3, v4  }
0x238: {  	v4 =	vperm.xlane v3, v0;
	_ =	sdelay $0x1  }
0x239: {  	v4 =	vadd.s32 v1, v4;
	_ =	sdelay $0x4  }
0x23a: {  	[tilespmem:s11], [sflag:$0x1] =	stream.indirect_vreg.gather [hbm4b:s1+s3], $0x80, v4, vm0, $0xb8;
	[tilespmem:$0x10180] =	vst v63  }
0x23b: {  	s29 =	simm.s32 $0xC980;
	v3 =	vperm.xlane v3, v2  }
0x23c: {  	[tilespmem:s29], [sflag:$0x1] =	stream.indirect_vreg.gather [hbm4b:s5+s3], $0x80, v4, vm0, $0xb8;
	[tilespmem:$0x10180] =	vst v63  }
0x23d: {  	s17 =	simm.s32 $0xD180;
	v3 =	vadd.s32 v1, v3  }
0x23e: {  	[tilespmem:s17], [sflag:$0x1] =	stream.indirect_vreg.gather [hbm4b:s6+s3], $0x80, v4, vm0, $0xb8;
	[tilespmem:$0x10180] =	vst v63  }
0x23f: {  	s16 =	simm.s32 $0xD980  }
0x240: {  	[tilespmem:s16], [sflag:$0x1] =	stream.indirect_vreg.gather [hbm4b:s7+s3], $0x80, v4, vm0, $0xb8;
	[tilespmem:$0x10180] =	vst v63  }
0x241: {  	s19 =	simm.s32 $0xE180  }
0x242: {  	[tilespmem:s19], [sflag:$0x1] =	stream.indirect_vreg.gather [hbm4b:s1+s3], $0x80, v3, vm0, $0xb8;
	[tilespmem:$0x10180] =	vst v63  }
0x243: {  	s14 =	simm.s32 $0xE980  }
0x244: {  	[tilespmem:s14], [sflag:$0x1] =	stream.indirect_vreg.gather [hbm4b:s5+s3], $0x80, v3, vm0, $0xb8;
	[tilespmem:$0x10180] =	vst v63  }
0x245: {  	s25 =	simm.s32 $0xF180  }
0x246: {  	[tilespmem:s25], [sflag:$0x1] =	stream.indirect_vreg.gather [hbm4b:s6+s3], $0x80, v3, vm0, $0xb8;
	[tilespmem:$0x10180] =	vst v63  }
0x247: {  	s2 =	simm.s32 $0xF980  }
0x248: {  	[tilespmem:s2], [sflag:$0x1] =	stream.indirect_vreg.gather [hbm4b:s7+s3], $0x80, v3, vm0, $0xb8;
	[tilespmem:$0x10180] =	vst v63  }
0x249: {  	s28 =	rddreg [dreg:$0x14]  }
0x24a: {  	[hbm4b:s28+s3] =	stream.linear.scatter [tilespmem:s22], [sflag:$0x2], $0x4000, $0x38;
	[tilespmem:$0x10180] =	vst v63  }
0x24b: {  	_ =	swait.ge [sflag:s9], $0x4000  }
0x24c: {  	[sflag:s9] =	ssyncset.done $0x0  }
0x24d: {  	[sflag:s9] =	ssyncadd.s32 $0xFFFFC000  }
0x24e: {  	_ =	swait.ge [sflag:s20], $0x4000  }
0x24f: {  	[sflag:s20] =	ssyncset.done $0x0  }
0x250: {  	s29 =	rddreg [dreg:$0x15];
	[sflag:s20] =	ssyncadd.s32 $0xFFFFC000  }
0x251: {  	[hbm4b:s29+s3] =	stream.linear.scatter [tilespmem:s18], [sflag:$0x2], $0x4000, $0x38;
	[tilespmem:$0x10180] =	vst v63  }
0x252: {  	_ =	swait.ge [sflag:s9], $0x4000  }
0x253: {  	[sflag:s9] =	ssyncset.done $0x0  }
0x254: {  	[sflag:s9] =	ssyncadd.s32 $0xFFFFC000  }
0x255: {  	_ =	swait.ge [sflag:s20], $0x4000  }
0x256: {  	[sflag:s20] =	ssyncset.done $0x0  }
0x257: {  	s30 =	rddreg [dreg:$0x16];
	[sflag:s20] =	ssyncadd.s32 $0xFFFFC000  }
0x258: {  	[hbm4b:s30+s3] =	stream.linear.scatter [tilespmem:s26], [sflag:$0x2], $0x4000, $0x38;
	[tilespmem:$0x10180] =	vst v63  }
0x259: {  	_ =	swait.ge [sflag:s9], $0x4000  }
0x25a: {  	[sflag:s9] =	ssyncset.done $0x0  }
0x25b: {  	[sflag:s9] =	ssyncadd.s32 $0xFFFFC000  }
0x25c: {  	_ =	swait.ge [sflag:s20], $0x4000  }
0x25d: {  	p0 =	sne.s32 s8, $0x1;
	[sflag:s20] =	ssyncset.done $0x0  }
.Ltmp0:
0x25e: {  	s31 =	rddreg [dreg:$0x17];
	[sflag:s20] =	ssyncadd.s32 $0xFFFFC000;
	(pc) =	sbr.rel @p0 .LBB2_1-.Ltmp0, $4  }
0x25f: {  	[hbm4b:s31+s3] =	stream.linear.scatter [tilespmem:s11], [sflag:$0x2], $0x4000, $0x38;
	[tilespmem:$0x10180] =	vst v63  }
0x260: {  	_ =	swait.ge [sflag:s20], $0x4000  }
0x261: {  	[sflag:s20] =	ssyncset.done $0x0  }
0x262: {  	s8 =	sadd.s32 $0xFFFFFFFF, s8;
	[sflag:s20] =	ssyncadd.s32 $0xFFFFC000  }
0x263: {  	_ =	sfence.sel $0x180000  }
0x264: {  	[bflag:$0x0] =	sbarrier.arrive $0xFFFF  }
0x265: {  	_ =	strace $0x9000004A  }
0x266: {  	s0 =	stileid.u32;
	[bflag:$0x2] =	sbarrier.arrive $0xFFFF  }
0x267: {  	p0 =	sne.s32 s0, $0x0;
	s0 =	rddreg [dreg:$0x3]  }
0x268: {  	s0 =	sadd.s32 @!p0 $0x100000, s0  }
0x269: {  	[sflag:s0] =	ssyncadd.tile.s32 @!p0 $0x1;
	_ =	shalt  }
.Lfunc_end2:
_tile_overlayer_lowered:
.L_overlay_start_2:
0x26a: {  	(tag) =	ssettag $0x2  }
0x26b: {  	s0 =	rddreg [dreg:$0x0];
	s2 =	stileid.u32  }
0x26c: {  	s1 =	rddreg [dreg:$0x1];
	p0 =	sne.s32 s2, $0x0  }
0x26d: {  	s3 =	rddreg [dreg:$0x2];
	[bflag:$0x3] =	sbarrier.arrive $0xFFFF;
	s2 =	simm.s32 @!p0 $0x1C03  }
0x26e: {  	[timem:s3], [sflag:s2] =	dma.local @!p0 [hbm:s0], s1  }
0x26f: {  	s0 =	simm.s32 @!p0 $0x3  }
0x270: {  	_ =	swait.ge @!p0 [sflag:s0], s1  }
0x271: {  	s1 =	ssub.s32 @!p0 $0x0, s1;
	[sflag:s0] =	ssyncset.done @!p0 $0x0  }
0x272: {  	[sflag:s0] =	ssyncadd.s32 @!p0 s1  }
0x273: {  	[bflag:$0x3] =	sbarrier.arrive $0xFFFF  }
0x274: {  	_ =	shalt  }

// kernel: kernel.14.cloned.1.call-start
scs
__scs_entry_jumppad:
0x0: {  	(pc) =	sbr.rel $0x88, $3  }
0x1: {  	(tag) =	ssettag $0x0;
	lr =	simm.s32 $0x1  }
0x2: {  	[smem:$0x3F9C] =	sst lr;
	_ =	strace $0xD0000000  }
0x3: {  	_ = 	snop  }
0x4: {  	_ = 	snop  }
0x5: {  	_ = 	snop  }
0x6: {  	_ = 	snop  }
0x7: {  	_ = 	snop  }
__scs_overlays_trampoline_lowered:
0x8: {  	[smem:$0x3FAB] =	sst s0  }
0x9: {  	[smem:$0x3FAC] =	sst s1  }
0xa: {  	[smem:$0x3FAD] =	sst s2  }
0xb: {  	[smem:$0x3FAE] =	sst s3  }
0xc: {  	[smem:$0x3FAF] =	sst s4  }
0xd: {  	[smem:$0x3FB0] =	sst s5  }
0xe: {  	[smem:$0x3FB1] =	sst s6  }
0xf: {  	[smem:$0x3FB2] =	sst s7  }
0x10: {  	[smem:$0x3FB3] =	sst s8  }
0x11: {  	[smem:$0x3FB4] =	sst s9;
	s0 =	simm.s32 @!p0 $0x0  }
0x12: {  	s1 =	sld [smem:$0x3F9A];
	s0 =	simm.s32 @p0 $0x1  }
0x13: {  	[smem:$0x3FB5] =	sst s0;
	s0 =	simm.s32 @!p1 $0x0  }
0x14: {  	s2 =	sld [smem:$0x3F99];
	s0 =	simm.s32 @p1 $0x1  }
0x15: {  	[smem:$0x3FB6] =	sst s0;
	s0 =	simm.s32 @!p2 $0x0  }
0x16: {  	s3 =	sld [smem:$0x3FDB];
	s0 =	simm.s32 @p2 $0x1  }
0x17: {  	s4 =	simm.s32 $0x1BF5;
	[smem:$0x3FB8] =	sst s0  }
0x18: {  	s0 =	sld [smem:$0x3F9B];
	_ =	swait.ge [sflag:s4], $0x0  }
0x19: {  	s7 =	sld [smem:$0x3F9C]  }
0x1a: {  	s8 =	sadd.s32 $0xFFFFE003, lr  }
0x1b: {  	s9 =	sadd.s32 $0xFFFFFEF7, lr;
	s5 =	simm.s32 $0xFFFFFFFF;
	p2 =	slt.u32 s8, $0xFFFFF086  }
0x1c: {  	p1 =	slt.u32 s9, $0xF7A;
	s5 =	simm.s32 @!p2 $0x0  }
0x1d: {  	s5 =	simm.s32 @p1 $0x1;
	p0 =	seq.s32 s7, s2  }
0x1e: {  	s7 =	smul.u32 @!p0 $0xF7A, s2;
	p2 =	seq.s32 @!p0 s5, $0x0  }
0x1f: {  	s9 =	smul.u32 $0xF7A, s1;
	s8 =	simm.s32 @!p0 $0x1BF5;
	p2 =	por !p2, p0  }
0x20: {  	[sflag:s8] =	ssyncset.s32 @!p0 $0xFFFFF086;
	s6 =	sadd.s32 @!p0 s3, s7;
	s7 =	simm.s32 @!p0 $0x108  }
0x21: {  	s3 =	sadd.s32 s3, s9;
	s6 =	sadd.s32 @!p0 $0x88, s6;
	s7 =	simm.s32 @p2 $0x1082  }
0x22: {  	[simem:s7], [sflag:s8] =	dma.local @!p0 [hbm:s6], $0xF7A  }
0x23: {  	s9 =	sor.u32 $0xD0000000, s2;
	s6 =	simm.s32 $0x108;
	_ =	swait.ge @!p0 [sflag:s8], $0x0  }
0x24: {  	s3 =	sadd.s32 $0x88, s3;
	s6 =	simm.s32 @!p1 $0x1082;
	[sflag:s4] =	ssyncset.s32 $0xFFFFF086  }
0x25: {  	[simem:s6], [sflag:s4] =	dma.local [hbm:s3], $0xF7A  }
0x26: {  	[smem:$0x3F9C] =	sst s1;
	(tag) =	ssettag s2;
	_ =	strace s9  }
0x27: {  	s1 =	sld [smem:$0x3FAC]  }
0x28: {  	s2 =	sld [smem:$0x3FAD]  }
0x29: {  	s4 =	sld [smem:$0x3FAF]  }
0x2a: {  	p0 =	seq.s32 s5, $0x0;
	s5 =	sld [smem:$0x3FB0]  }
0x2b: {  	s6 =	sld [smem:$0x3FB1]  }
0x2c: {  	s7 =	sld [smem:$0x3FB2]  }
0x2d: {  	s3 =	simm.s32 $0x108;
	s8 =	sld [smem:$0x3FB3]  }
0x2e: {  	s3 =	simm.s32 @!p0 $0x1082;
	s9 =	sld [smem:$0x3FB4]  }
0x2f: {  	lr =	sadd.s32 s0, s3;
	s0 =	sld [smem:$0x3FAB]  }
0x30: {  	s3 =	sld [smem:$0x3FAE]  }
0x31: {  	[smem:$0x3FB7] =	sst s10  }
0x32: {  	s10 =	sld [smem:$0x3FB5];
	_ =	sdelay $0x3  }
0x33: {  	p0 =	seq.s32 s10, $0x1;
	s10 =	sld [smem:$0x3FB7];
	_ =	sdelay $0x3  }
0x34: {  	[smem:$0x3FB7] =	sst s10  }
0x35: {  	s10 =	sld [smem:$0x3FB6];
	_ =	sdelay $0x3  }
0x36: {  	p1 =	seq.s32 s10, $0x1;
	s10 =	sld [smem:$0x3FB7];
	_ =	sdelay $0x3  }
0x37: {  	[smem:$0x3FB7] =	sst s10  }
0x38: {  	s10 =	sld [smem:$0x3FB8]  }
0x39: {  	_ = 	snop;
	(pc) =	sbr.ind lr, $3  }
0x3a: {  	_ = 	snop  }
0x3b: {  	_ = 	snop  }
0x3c: {  	p2 =	seq.s32 s10, $0x1;
	s10 =	sld [smem:$0x3FB7]  }
0x3d: {  	_ =	shalt  }
0x3e: {  	_ =	shalt  }
0x3f: {  	_ =	shalt  }
0x40: {  	_ =	shalt  }
0x41: {  	_ =	shalt  }
0x42: {  	_ =	shalt  }
0x43: {  	_ =	shalt  }
0x44: {  	_ =	shalt  }
0x45: {  	_ =	shalt  }
0x46: {  	_ =	shalt  }
0x47: {  	_ =	shalt  }
0x48: {  	_ =	shalt  }
0x49: {  	_ =	shalt  }
0x4a: {  	_ =	shalt  }
0x4b: {  	_ =	shalt  }
0x4c: {  	_ =	shalt  }
0x4d: {  	_ =	shalt  }
0x4e: {  	_ =	shalt  }
0x4f: {  	_ =	shalt  }
0x50: {  	_ =	shalt  }
0x51: {  	_ =	shalt  }
0x52: {  	_ =	shalt  }
0x53: {  	_ =	shalt  }
0x54: {  	_ =	shalt  }
0x55: {  	_ =	shalt  }
0x56: {  	_ =	shalt  }
0x57: {  	_ =	shalt  }
0x58: {  	_ =	shalt  }
0x59: {  	_ =	shalt  }
0x5a: {  	_ =	shalt  }
0x5b: {  	_ =	shalt  }
0x5c: {  	_ =	shalt  }
0x5d: {  	_ =	shalt  }
0x5e: {  	_ =	shalt  }
0x5f: {  	_ =	shalt  }
0x60: {  	_ =	shalt  }
0x61: {  	_ =	shalt  }
0x62: {  	_ =	shalt  }
0x63: {  	_ =	shalt  }
0x64: {  	_ =	shalt  }
0x65: {  	_ =	shalt  }
0x66: {  	_ =	shalt  }
0x67: {  	_ =	shalt  }
0x68: {  	_ =	shalt  }
0x69: {  	_ =	shalt  }
0x6a: {  	_ =	shalt  }
0x6b: {  	_ =	shalt  }
0x6c: {  	_ =	shalt  }
0x6d: {  	_ =	shalt  }
0x6e: {  	_ =	shalt  }
0x6f: {  	_ =	shalt  }
0x70: {  	_ =	shalt  }
0x71: {  	_ =	shalt  }
0x72: {  	_ =	shalt  }
0x73: {  	_ =	shalt  }
0x74: {  	_ =	shalt  }
0x75: {  	_ =	shalt  }
0x76: {  	_ =	shalt  }
0x77: {  	_ =	shalt  }
0x78: {  	_ =	shalt  }
0x79: {  	_ =	shalt  }
0x7a: {  	_ =	shalt  }
0x7b: {  	_ =	shalt  }
0x7c: {  	_ =	shalt  }
0x7d: {  	_ =	shalt  }
0x7e: {  	_ =	shalt  }
0x7f: {  	_ =	shalt  }
0x80: {  	_ =	shalt  }
0x81: {  	_ =	shalt  }
0x82: {  	_ =	shalt  }
0x83: {  	_ =	shalt  }
0x84: {  	_ =	shalt  }
0x85: {  	_ =	shalt  }
0x86: {  	_ =	shalt  }
0x87: {  	_ =	shalt  }
.Lfunc_end0:
.L_simem_size_0:
called_computation.2_lowered:
.L_overlay_start_0:
0x88: {  	s2 =	sld [smem:$0x3FD9]  }
0x89: {  	s3 =	sld [smem:$0x3FFE];
	_ =	sdelay $0x1  }
0x8a: {  	s1 =	srdreg.scid  }
0x8b: {  	s0 =	sand.u32 $0x1, s1  }
0x8c: {  	s14 =	sshll.u32 s0, $0xA;
	s2 =	sadd.s32 s3, s2  }
0x8d: {  	s2 =	sadd.s32 s2, s14  }
0x8e: {  	[smem:$0x3FC3] =	sst s2  }
0x8f: {  	_ = 	snop  }
0x90: {  	s2 =	sld [smem:$0x3FD0];
	_ =	sdelay $0x2  }
0x91: {  	s15 =	simm.s32 $0xA;
	s4 =	simm.s32 $0x10  }
0x92: {  	[smem:s4], [sflag:s15] =	dma.local [hbm:s2], $0x1  }
0x93: {  	_ =	swait.eq [sflag:s15], $0x1  }
0x94: {  	[sflag:s15] =	ssyncset.done $0x0  }
0x95: {  	[sflag:s15] =	ssyncadd.s32 $0xFFFFFFFF  }
0x96: {  	s16 =	sld [smem:$0x10];
	(tm) =	ssettm $0x1  }
0x97: {  	s17 =	sld [smem:$0x3FFB];
	_ =	sdelay $0x3  }
0x98: {  	_ =	strace s17  }
0x99: {  	s3 =	sld [smem:$0x3FFC];
	_ =	sdelay $0x3  }
0x9a: {  	_ =	strace s3  }
0x9b: {  	s3 =	sld [smem:$0x3FFD];
	_ =	sdelay $0x3  }
0x9c: {  	_ =	strace s3  }
0x9d: {  	_ =	strace $0x8FFFFFFF  }
0x9e: {  	s18 =	sld [smem:$0x3FDB];
	_ =	sdelay $0x1  }
0x9f: {  	s19 =	simm.s32 $_scs_section_size  }
0xa0: {  	s5 =	simm.s32 $_size__tile_overlayer_lowered;
	s6 =	simm.s32 $_tile_overlayer_lowered  }
0xa1: {  	s22 =	simm.s32 $0x1BFF;
	s21 =	sshll.u32 s6, $0x1;
	s3 =	sadd.s32 s19, s18  }
0xa2: {  	s7 =	simm.s32 $0x0;
	s20 =	sshll.u32 s5, $0x1;
	s5 =	sadd.s32 s21, s3  }
0xa3: {  	[timem:s7], [sflag:s22] =	dma.local [hbm:s5], s20  }
0xa4: {  	_ =	swait.ge [sflag:s22], s20  }
0xa5: {  	s4 =	ssub.s32 $0x0, s20;
	[sflag:s22] =	ssyncset.done $0x0  }
0xa6: {  	[sflag:s22] =	ssyncadd.s32 s4;
	_ =	sdelay $0x1  }
0xa7: {  	s23 =	simm.s32 $0x1B8B  }
0xa8: {  	_ =	swait.ge [sflag:s23], $0x1  }
0xa9: {  	[sflag:s23] =	ssyncset.done $0x0  }
0xaa: {  	s25 =	simm.s32 $0x1B8E;
	s24 =	sld [smem:$0x3FFE];
	[sflag:s23] =	ssyncadd.s32 $0xFFFFFFFF  }
0xab: {  	s26 =	simm.s32 $execute0_lowered;
	[smem:$0x3FD2] =	sst s25  }
0xac: {  	s5 =	sshll.u32 s26, $0x1;
	_ =	strace $0x8000004C;
	[dreg:$0x1] =	wrdreg $0xFFFFFFFF  }
0xad: {  	s28 =	simm.s32 $_size_execute0_lowered;
	s3 =	sadd.s32 s3, s5;
	[dreg:$0x0] =	wrdreg $0x0  }
0xae: {  	s5 =	sshll.u32 s28, $0x1;
	[dreg:$0x2] =	wrdreg s3  }
0xaf: {  	[dreg:$0x3] =	wrdreg s5  }
0xb0: {  	[dreg:$0x4] =	wrdreg $0xC0  }
0xb1: {  	_ =	task [dreg:s7], $0x5FFFF  }
0xb2: {  	[dreg:$0x1] =	wrdreg $0xFFFFFFFF  }
0xb3: {  	[dreg:$0x0] =	wrdreg $0x60  }
0xb4: {  	[dreg:$0x2] =	wrdreg s24  }
0xb5: {  	[dreg:$0x3] =	wrdreg s16  }
0xb6: {  	[dreg:$0x4] =	wrdreg $0x9  }
0xb7: {  	_ =	task.clear_ibuf [dreg:s7], $0x5FFFF;
	_ =	strace $0x9000004C  }
0xb8: {  	s29 =	simm.s32 $0x9;
	_ =	strace $0x8000004E  }
0xb9: {  	_ =	swait.ge [sflag:s29], $0x1  }
0xba: {  	[sflag:s29] =	ssyncadd.s32 $0xFFFFFFFF  }
0xbb: {  	_ =	strace $0x9000004E  }
0xbc: {  	_ =	sfence  }
0xbd: {  	s30 =	sld [smem:$0x0];
	_ =	sdelay $0x2  }
0xbe: {  	s31 =	sshll.u32 s1, $0xD;
	s1 =	sshrl.u32 s1, $0x2  }
0xbf: {  	s3 =	sand.u32 $0x4000, s31;
	s1 =	sadd.s32 s1, s30  }
0xc0: {  	s0 =	sor.u32 s3, s0;
	s1 =	sshll.u32 s1, $0x11  }
0xc1: {  	s0 =	sor.u32 s1, s0  }
0xc2: {  	s0 =	sadd.s32 $0x8F2B, s0  }
0xc3: {  	[sflag:s0] =	ssyncadd.remote.s32 $0x1  }
0xc4: {  	_ =	sfence.sel $0xFFFF  }
0xc5: {  	[dreg:$0x0] =	wrdreg $0xFFFFFFFF;
	(pc) =	sbr.abs _section_cstart, $3  }
0xc6: {  	[dreg:$0x1] =	wrdreg $0xFFFFFFFF  }
0xc7: {  	_ =	task.clear_ibuf [dreg:s7], $0x2FFFF;
	_ =	strace $0x9FFFFFFF  }
0xc8: {  	(tm) =	ssettm $0x7FFFFFFF  }
0xc9: {  	_ =	shalt  }
tec
execute0_lowered:
.L_overlay_start_1:
0x0: {  	(tag) =	ssettag $0x1  }
0x1: {  	s0 =	srdreg.scid  }
0x2: {  	s1 =	rddreg [dreg:$0x0];
	s2 =	stileid.u32  }
0x3: {  	s4 =	rddreg [dreg:$0x1];
	s18 =	simm.s32 $0x3;
	s10 =	simm.s32 $0x1  }
0x4: {  	s11 =	simm.s32 $0x8100;
	s16 =	simm.s32 $0xA900;
	s0 =	sand.u32 $0x1, s0  }
0x5: {  	s3 =	sshll.u32 s2, $0x8;
	s2 =	simm.s32 $0x0;
	s5 =	sshll.u32 s0, $0x7  }
0x6: {  	[smem:$0x7FF] =	sst s2;
	s0 =	ssub.s32 $0x2, s0;
	s5 =	sor.u32 s5, s3  }
0x7: {  	s7 =	sshrl.u32 s0, $0x1;
	s3 =	sshrl.u32 s5, $0x3;
	s5 =	sshll.u32 s5, $0x7  }
0x8: {  	_ =	strace $0x8000004D;
	s0 =	ssub.s32 s0, s7;
	s21 =	sadd.s32 s4, s5  }
0x9: {  	s6 =	sadd.s32 s3, s1;
	s0 =	smax.u32 s0, $0x1;
	[dreg:$0x5] =	wrdreg s21  }
0xa: {  	s17 =	simm.s32 $0xB100;
	s20 =	sadd.s32 $0x12000, s6;
	[dreg:$0xd] =	wrdreg s0  }
0xb: {  	s9 =	simm.s32 $0xB900;
	s6 =	sadd.s32 $0x12200, s6;
	[dreg:$0x3] =	wrdreg s20  }
0xc: {  	s28 =	simm.s32 $0xF100;
	s4 =	sadd.s32 $0x800, s21;
	[dreg:$0x4] =	wrdreg s6  }
0xd: {  	s29 =	simm.s32 $0xF900;
	s22 =	sadd.s32 $0x1000, s21;
	[dreg:$0x6] =	wrdreg s4  }
0xe: {  	s30 =	simm.s32 $0x2;
	s23 =	sadd.s32 $0x1800, s21;
	[dreg:$0x7] =	wrdreg s22  }
0xf: {  	s31 =	simm.s32 $0x0;
	s24 =	sadd.s32 $0x2000, s21;
	[dreg:$0x8] =	wrdreg s23  }
0x10: {  	s8 =	sadd.s32 $0x152700, s1;
	s25 =	sadd.s32 $0x2800, s21;
	[dreg:$0x9] =	wrdreg s24  }
0x11: {  	s7 =	sadd.s32 $0x152600, s1;
	s26 =	sadd.s32 $0x3000, s21;
	[dreg:$0xa] =	wrdreg s25  }
0x12: {  	s3 =	sadd.s32 $0x152400, s1;
	s6 =	sadd.s32 $0x152500, s1;
	[dreg:$0xb] =	wrdreg s26  }
0x13: {  	v2 =	vlaneseq.u32;
	s1 =	sadd.s32 $0x3800, s21;
	s20 =	simm.s32 $0x100;
	s21 =	simm.s32 $0xC100  }
0x14: {  	vm0 =	vmmov $0xffff;
	v1 =	vshrl.u32 v2, $0x3;
	s22 =	simm.s32 $0xC900;
	s23 =	simm.s32 $0xD100;
	s24 =	simm.s32 $0xD900  }
0x15: {  	v0 =	vand.u32 $0x7, v2;
	v2 =	vor.u32 $0x8, v2;
	v1 =	vmul.u32 $0x8, v1;
	s25 =	simm.s32 $0xE100;
	s26 =	simm.s32 $0xE900;
	[dreg:$0xc] =	wrdreg s1  }
.LBB2_1:
0x16: {  	s0 =	rddreg [dreg:$0x3]  }
0x17: {  	[tilespmem:s2], [sflag:$0x3] =	stream.linear.gather [hbm4b:s0+s2], $0x80, $0x38;
	[tilespmem:$0x10100] =	vst v63  }
0x18: {  	_ =	swait.ge [sflag:s18], $0x80  }
0x19: {  	[sflag:s18] =	ssyncset.done $0x0  }
0x1a: {  	s1 =	simm.s32 $0x80;
	s12 =	rddreg [dreg:$0x4];
	[sflag:s18] =	ssyncadd.s32 $0xFFFFFF80  }
0x1b: {  	[tilespmem:s1], [sflag:$0x3] =	stream.linear.gather [hbm4b:s12+s2], $0x80, $0x38;
	[tilespmem:$0x10100] =	vst v63  }
0x1c: {  	_ =	swait.ge [sflag:s18], $0x80  }
0x1d: {  	[sflag:s18] =	ssyncset.done $0x0  }
0x1e: {  	[sflag:s18] =	ssyncadd.s32 $0xFFFFFF80  }
0x1f: {  	v3 =	vld [tilespmem:$0x0];
	_ =	sdelay $0x4  }
0x20: {  	v4 =	vshll.u32 v3, $0x3  }
0x21: {  	v3 =	vand.u32 $0x7, v3;
	v4 =	vand.u32 $0xFFFFFFC0, v4  }
0x22: {  	v3 =	vor.u32 v3, v4  }
0x23: {  	v4 =	vperm.xlane v3, v0;
	_ =	sdelay $0x1  }
0x24: {  	v4 =	vadd.s32 v1, v4;
	_ =	sdelay $0x4  }
0x25: {  	[tilespmem:s20], [sflag:$0x1] =	stream.indirect_vreg.gather [hbm4b:s3+s2], $0x80, v4, vm0, $0xb8;
	[tilespmem:$0x10100] =	vst v63  }
0x26: {  	s13 =	simm.s32 $0x900;
	v3 =	vperm.xlane v3, v2  }
0x27: {  	[tilespmem:s13], [sflag:$0x1] =	stream.indirect_vreg.gather [hbm4b:s6+s2], $0x80, v4, vm0, $0xb8;
	[tilespmem:$0x10100] =	vst v63  }
0x28: {  	s14 =	simm.s32 $0x1100;
	v3 =	vadd.s32 v1, v3  }
0x29: {  	[tilespmem:s14], [sflag:$0x1] =	stream.indirect_vreg.gather [hbm4b:s7+s2], $0x80, v4, vm0, $0xb8;
	[tilespmem:$0x10100] =	vst v63  }
0x2a: {  	s15 =	simm.s32 $0x1900  }
0x2b: {  	[tilespmem:s15], [sflag:$0x1] =	stream.indirect_vreg.gather [hbm4b:s8+s2], $0x80, v4, vm0, $0xb8;
	[tilespmem:$0x10100] =	vst v63  }
0x2c: {  	s19 =	simm.s32 $0x2100  }
0x2d: {  	[tilespmem:s19], [sflag:$0x1] =	stream.indirect_vreg.gather [hbm4b:s3+s2], $0x80, v3, vm0, $0xb8;
	[tilespmem:$0x10100] =	vst v63  }
0x2e: {  	s1 =	simm.s32 $0x2900  }
0x2f: {  	[tilespmem:s1], [sflag:$0x1] =	stream.indirect_vreg.gather [hbm4b:s6+s2], $0x80, v3, vm0, $0xb8;
	[tilespmem:$0x10100] =	vst v63  }
0x30: {  	s4 =	simm.s32 $0x3100  }
0x31: {  	[tilespmem:s4], [sflag:$0x1] =	stream.indirect_vreg.gather [hbm4b:s7+s2], $0x80, v3, vm0, $0xb8;
	[tilespmem:$0x10100] =	vst v63  }
0x32: {  	s5 =	simm.s32 $0x3900  }
0x33: {  	[tilespmem:s5], [sflag:$0x1] =	stream.indirect_vreg.gather [hbm4b:s8+s2], $0x80, v3, vm0, $0xb8;
	[tilespmem:$0x10100] =	vst v63  }
0x34: {  	v3 =	vld [tilespmem:$0x80];
	_ =	sdelay $0x4  }
0x35: {  	v4 =	vshll.u32 v3, $0x3  }
0x36: {  	v3 =	vand.u32 $0x7, v3;
	v4 =	vand.u32 $0xFFFFFFC0, v4  }
0x37: {  	v3 =	vor.u32 v3, v4  }
0x38: {  	v4 =	vperm.xlane v3, v0;
	_ =	sdelay $0x1  }
0x39: {  	v4 =	vadd.s32 v1, v4;
	_ =	sdelay $0x3  }
0x3a: {  	s12 =	simm.s32 $0x4100  }
0x3b: {  	[tilespmem:s12], [sflag:$0x1] =	stream.indirect_vreg.gather [hbm4b:s3+s2], $0x80, v4, vm0, $0xb8;
	[tilespmem:$0x10100] =	vst v63  }
0x3c: {  	s13 =	simm.s32 $0x4900;
	v3 =	vperm.xlane v3, v2  }
0x3d: {  	[tilespmem:s13], [sflag:$0x1] =	stream.indirect_vreg.gather [hbm4b:s6+s2], $0x80, v4, vm0, $0xb8;
	[tilespmem:$0x10100] =	vst v63  }
0x3e: {  	s14 =	simm.s32 $0x5100;
	v3 =	vadd.s32 v1, v3  }
0x3f: {  	[tilespmem:s14], [sflag:$0x1] =	stream.indirect_vreg.gather [hbm4b:s7+s2], $0x80, v4, vm0, $0xb8;
	[tilespmem:$0x10100] =	vst v63  }
0x40: {  	s15 =	simm.s32 $0x5900  }
0x41: {  	[tilespmem:s15], [sflag:$0x1] =	stream.indirect_vreg.gather [hbm4b:s8+s2], $0x80, v4, vm0, $0xb8;
	[tilespmem:$0x10100] =	vst v63  }
0x42: {  	s19 =	simm.s32 $0x6100  }
0x43: {  	[tilespmem:s19], [sflag:$0x1] =	stream.indirect_vreg.gather [hbm4b:s3+s2], $0x80, v3, vm0, $0xb8;
	[tilespmem:$0x10100] =	vst v63  }
0x44: {  	s1 =	simm.s32 $0x6900  }
0x45: {  	[tilespmem:s1], [sflag:$0x1] =	stream.indirect_vreg.gather [hbm4b:s6+s2], $0x80, v3, vm0, $0xb8;
	[tilespmem:$0x10100] =	vst v63  }
0x46: {  	s4 =	simm.s32 $0x7100  }
0x47: {  	[tilespmem:s4], [sflag:$0x1] =	stream.indirect_vreg.gather [hbm4b:s7+s2], $0x80, v3, vm0, $0xb8;
	[tilespmem:$0x10100] =	vst v63  }
0x48: {  	s5 =	simm.s32 $0x7900  }
0x49: {  	[tilespmem:s5], [sflag:$0x1] =	stream.indirect_vreg.gather [hbm4b:s8+s2], $0x80, v3, vm0, $0xb8;
	[tilespmem:$0x10100] =	vst v63  }
0x4a: {  	_ =	swait.ge [sflag:s10], $0x4000  }
0x4b: {  	[sflag:s10] =	ssyncset.done $0x0  }
0x4c: {  	[sflag:s10] =	ssyncadd.s32 $0xFFFFC000  }
0x4d: {  	_ =	swait.ge [sflag:s10], $0x4000  }
0x4e: {  	[sflag:s10] =	ssyncset.done $0x0  }
0x4f: {  	[sflag:s10] =	ssyncadd.s32 $0xFFFFC000  }
0x50: {  	v3 =	vld [tilespmem:$0x10];
	_ =	sdelay $0x4  }
0x51: {  	v4 =	vshll.u32 v3, $0x3  }
0x52: {  	v3 =	vand.u32 $0x7, v3;
	v4 =	vand.u32 $0xFFFFFFC0, v4  }
0x53: {  	v3 =	vor.u32 v3, v4  }
0x54: {  	v4 =	vperm.xlane v3, v0;
	_ =	sdelay $0x1  }
0x55: {  	v4 =	vadd.s32 v1, v4;
	_ =	sdelay $0x4  }
0x56: {  	[tilespmem:s11], [sflag:$0x1] =	stream.indirect_vreg.gather [hbm4b:s3+s2], $0x80, v4, vm0, $0xb8;
	[tilespmem:$0x10100] =	vst v63  }
0x57: {  	s12 =	simm.s32 $0x8900;
	v3 =	vperm.xlane v3, v2  }
0x58: {  	[tilespmem:s12], [sflag:$0x1] =	stream.indirect_vreg.gather [hbm4b:s6+s2], $0x80, v4, vm0, $0xb8;
	[tilespmem:$0x10100] =	vst v63  }
0x59: {  	s13 =	simm.s32 $0x9100;
	v3 =	vadd.s32 v1, v3  }
0x5a: {  	[tilespmem:s13], [sflag:$0x1] =	stream.indirect_vreg.gather [hbm4b:s7+s2], $0x80, v4, vm0, $0xb8;
	[tilespmem:$0x10100] =	vst v63  }
0x5b: {  	s14 =	simm.s32 $0x9900  }
0x5c: {  	[tilespmem:s14], [sflag:$0x1] =	stream.indirect_vreg.gather [hbm4b:s8+s2], $0x80, v4, vm0, $0xb8;
	[tilespmem:$0x10100] =	vst v63  }
0x5d: {  	s15 =	simm.s32 $0xA100  }
0x5e: {  	[tilespmem:s15], [sflag:$0x1] =	stream.indirect_vreg.gather [hbm4b:s3+s2], $0x80, v3, vm0, $0xb8;
	[tilespmem:$0x10100] =	vst v63  }
0x5f: {  	_ = 	snop  }
0x60: {  	[tilespmem:s16], [sflag:$0x1] =	stream.indirect_vreg.gather [hbm4b:s6+s2], $0x80, v3, vm0, $0xb8;
	[tilespmem:$0x10100] =	vst v63  }
0x61: {  	_ = 	snop  }
0x62: {  	[tilespmem:s17], [sflag:$0x1] =	stream.indirect_vreg.gather [hbm4b:s7+s2], $0x80, v3, vm0, $0xb8;
	[tilespmem:$0x10100] =	vst v63  }
0x63: {  	_ = 	snop  }
0x64: {  	[tilespmem:s9], [sflag:$0x1] =	stream.indirect_vreg.gather [hbm4b:s8+s2], $0x80, v3, vm0, $0xb8;
	[tilespmem:$0x10100] =	vst v63  }
0x65: {  	v3 =	vld [tilespmem:$0x90];
	_ =	sdelay $0x4  }
0x66: {  	v4 =	vshll.u32 v3, $0x3  }
0x67: {  	v3 =	vand.u32 $0x7, v3;
	v4 =	vand.u32 $0xFFFFFFC0, v4  }
0x68: {  	v3 =	vor.u32 v3, v4  }
0x69: {  	v4 =	vperm.xlane v3, v0;
	_ =	sdelay $0x1  }
0x6a: {  	v4 =	vadd.s32 v1, v4;
	_ =	sdelay $0x4  }
0x6b: {  	[tilespmem:s21], [sflag:$0x1] =	stream.indirect_vreg.gather [hbm4b:s3+s2], $0x80, v4, vm0, $0xb8;
	[tilespmem:$0x10100] =	vst v63  }
0x6c: {  	v3 =	vperm.xlane v3, v2  }
0x6d: {  	[tilespmem:s22], [sflag:$0x1] =	stream.indirect_vreg.gather [hbm4b:s6+s2], $0x80, v4, vm0, $0xb8;
	[tilespmem:$0x10100] =	vst v63  }
0x6e: {  	v3 =	vadd.s32 v1, v3  }
0x6f: {  	[tilespmem:s23], [sflag:$0x1] =	stream.indirect_vreg.gather [hbm4b:s7+s2], $0x80, v4, vm0, $0xb8;
	[tilespmem:$0x10100] =	vst v63  }
0x70: {  	_ = 	snop  }
0x71: {  	[tilespmem:s24], [sflag:$0x1] =	stream.indirect_vreg.gather [hbm4b:s8+s2], $0x80, v4, vm0, $0xb8;
	[tilespmem:$0x10100] =	vst v63  }
0x72: {  	s19 =	sand.u32 $0x40, s2;
	s4 =	sand.u32 $0x1C00, s2;
	s5 =	simm.s32 $0x0  }
0x73: {  	[tilespmem:s25], [sflag:$0x1] =	stream.indirect_vreg.gather [hbm4b:s3+s2], $0x80, v3, vm0, $0xb8;
	[tilespmem:$0x10100] =	vst v63  }
0x74: {  	s0 =	sor.u32 s19, s4;
	s1 =	sand.u32 $0x2000, s5;
	s5 =	simm.s32 $0x0  }
0x75: {  	[tilespmem:s26], [sflag:$0x1] =	stream.indirect_vreg.gather [hbm4b:s6+s2], $0x80, v3, vm0, $0xb8;
	[tilespmem:$0x10100] =	vst v63  }
0x76: {  	s0 =	sor.u32 s1, s0;
	s12 =	sand.u32 $0x380, s5  }
0x77: {  	[tilespmem:s28], [sflag:$0x1] =	stream.indirect_vreg.gather [hbm4b:s7+s2], $0x80, v3, vm0, $0xb8;
	[tilespmem:$0x10100] =	vst v63  }
0x78: {  	s1 =	sor.u32 s12, s0  }
0x79: {  	[tilespmem:s29], [sflag:$0x1] =	stream.indirect_vreg.gather [hbm4b:s8+s2], $0x80, v3, vm0, $0xb8;
	[tilespmem:$0x10100] =	vst v63  }
0x7a: {  	v4 =	vld [tilespmem:s1+$0x4130]  }
0x7b: {  	v5 =	vld [tilespmem:s1+$0x4120]  }
0x7c: {  	v6 =	vld [tilespmem:s1+$0x130]  }
0x7d: {  	s13 =	simm.s32 $0x40;
	s14 =	simm.s32 $0x200;
	v9 =	vld [tilespmem:s1+$0x4100]  }
0x7e: {  	s0 =	sand.u32 $0x40, s13;
	s4 =	sand.u32 $0x1C00, s14;
	s15 =	simm.s32 $0x40;
	v3 =	vld [tilespmem:s1+$0x4110]  }
0x7f: {  	s19 =	simm.s32 $0x8;
	s0 =	sor.u32 s0, s4;
	s5 =	sand.u32 $0x2000, s15;
	v10 =	vld [tilespmem:s1+$0x120]  }
0x80: {  	s19 =	sand.u32 $0x380, s19;
	s0 =	sor.u32 s5, s0;
	v11 =	vld [tilespmem:s1+$0x100]  }
0x81: {  	s0 =	sor.u32 s19, s0;
	v8 =	vld [tilespmem:s1+$0x110];
	v7 =	vadd.f32 v4, v6  }
0x82: {  	v4 =	vld [tilespmem:s0+$0x4130]  }
0x83: {  	v6 =	vld [tilespmem:s0+$0x4120];
	[tilespmem:s1+$0x130] =	vst v7  }
0x84: {  	v7 =	vld [tilespmem:s0+$0x130]  }
0x85: {  	s4 =	simm.s32 $0x400;
	s5 =	simm.s32 $0x2;
	s19 =	simm.s32 $0x80;
	v10 =	vadd.f32 v5, v10;
	v9 =	vadd.f32 v9, v11;
	v5 =	vld [tilespmem:s0+$0x4100]  }
.LBB2_2:
0x86: {  	s12 =	sand.u32 $0x40, s19;
	s13 =	sshll.u32 s5, $0x6  }
0x87: {  	s14 =	sand.u32 $0x1C00, s4;
	v8 =	vadd.f32 v3, v8;
	v3 =	vld [tilespmem:s0+$0x4110];
	[tilespmem:s1+$0x120] =	vst v10;
	s15 =	smov.u32 s5;
	p0 =	sne.s32 s5, $0xFF  }
0x88: {  	s13 =	sand.u32 $0x2000, s13;
	s15 =	sshll.u32 s5, $0x3;
	s12 =	sor.u32 s12, s14;
	v10 =	vld [tilespmem:s0+$0x120];
	[tilespmem:s1+$0x100] =	vst v9  }
0x89: {  	s14 =	sand.u32 $0x380, s15;
	s12 =	sor.u32 s13, s12;
	s13 =	sadd.s32 $0x1, s5;
	v9 =	vld [tilespmem:s0+$0x100];
	[tilespmem:s1+$0x110] =	vst v8;
	v11 =	vmov v6  }
.Ltmp0:
0x8a: {  	s12 =	sor.u32 s14, s12;
	v8 =	vld [tilespmem:s0+$0x110];
	v7 =	vadd.f32 v4, v7;
	(pc) =	sbr.rel @p0 .LBB2_2-.Ltmp0, $4  }
0x8b: {  	s1 =	smov.u32 s0;
	v4 =	vld [tilespmem:s12+$0x4130];
	s0 =	smov.u32 s12  }
0x8c: {  	v6 =	vld [tilespmem:s0+$0x4120];
	[tilespmem:s1+$0x130] =	vst v7  }
0x8d: {  	v7 =	vld [tilespmem:s0+$0x130];
	v10 =	vadd.f32 v11, v10  }
0x8e: {  	s19 =	sadd.s32 $0x40, s19;
	s4 =	sadd.s32 $0x200, s4;
	s5 =	smov.u32 s13;
	v9 =	vadd.f32 v5, v9;
	v5 =	vld [tilespmem:s0+$0x4100]  }
0x8f: {  	v11 =	vld [tilespmem:s0+$0x4110];
	[tilespmem:s1+$0x120] =	vst v10;
	v3 =	vadd.f32 v3, v8  }
0x90: {  	v10 =	vld [tilespmem:s0+$0x120];
	[tilespmem:s1+$0x100] =	vst v9  }
0x91: {  	v8 =	vld [tilespmem:s0+$0x100];
	[tilespmem:s1+$0x110] =	vst v3  }
0x92: {  	v3 =	vld [tilespmem:s0+$0x110];
	_ =	sdelay $0x1  }
0x93: {  	v4 =	vadd.f32 v4, v7  }
0x94: {  	v6 =	vadd.f32 v6, v10  }
0x95: {  	[tilespmem:s0+$0x130] =	vst v4;
	v4 =	vadd.f32 v5, v8  }
0x96: {  	v3 =	vadd.f32 v11, v3;
	[tilespmem:s0+$0x120] =	vst v6  }
0x97: {  	[tilespmem:s0+$0x100] =	vst v4  }
0x98: {  	s14 =	rddreg [dreg:$0x5];
	[tilespmem:s0+$0x110] =	vst v3;
	s0 =	simm.s32 $0x0  }
0x99: {  	[hbm4b:s14+s0] =	stream.linear.scatter [tilespmem:s20], [sflag:$0x2], $0x4000, $0x38;
	[tilespmem:$0x10100] =	vst v63  }
0x9a: {  	_ =	swait.ge [sflag:s10], $0x4000  }
0x9b: {  	[sflag:s10] =	ssyncset.done $0x0  }
0x9c: {  	[sflag:s10] =	ssyncadd.s32 $0xFFFFC000  }
0x9d: {  	_ =	swait.ge [sflag:s10], $0x4000  }
0x9e: {  	[sflag:s10] =	ssyncset.done $0x0  }
0x9f: {  	[sflag:s10] =	ssyncadd.s32 $0xFFFFC000  }
0xa0: {  	_ =	swait.ge [sflag:s30], $0x4000  }
0xa1: {  	[sflag:s30] =	ssyncset.done $0x0  }
0xa2: {  	[sflag:s30] =	ssyncadd.s32 $0xFFFFC000  }
0xa3: {  	v3 =	vld [tilespmem:$0x20];
	_ =	sdelay $0x4  }
0xa4: {  	v4 =	vshll.u32 v3, $0x3  }
0xa5: {  	v3 =	vand.u32 $0x7, v3;
	v4 =	vand.u32 $0xFFFFFFC0, v4  }
0xa6: {  	v3 =	vor.u32 v3, v4  }
0xa7: {  	v4 =	vperm.xlane v3, v0;
	_ =	sdelay $0x1  }
0xa8: {  	v4 =	vadd.s32 v1, v4;
	_ =	sdelay $0x4  }
0xa9: {  	[tilespmem:s20], [sflag:$0x1] =	stream.indirect_vreg.gather [hbm4b:s3+s0], $0x80, v4, vm0, $0xb8;
	[tilespmem:$0x10100] =	vst v63  }
0xaa: {  	s15 =	simm.s32 $0x900;
	v3 =	vperm.xlane v3, v2  }
0xab: {  	[tilespmem:s15], [sflag:$0x1] =	stream.indirect_vreg.gather [hbm4b:s6+s0], $0x80, v4, vm0, $0xb8;
	[tilespmem:$0x10100] =	vst v63  }
0xac: {  	s19 =	simm.s32 $0x1100;
	v3 =	vadd.s32 v1, v3  }
0xad: {  	[tilespmem:s19], [sflag:$0x1] =	stream.indirect_vreg.gather [hbm4b:s7+s0], $0x80, v4, vm0, $0xb8;
	[tilespmem:$0x10100] =	vst v63  }
0xae: {  	s4 =	simm.s32 $0x1900  }
0xaf: {  	[tilespmem:s4], [sflag:$0x1] =	stream.indirect_vreg.gather [hbm4b:s8+s0], $0x80, v4, vm0, $0xb8;
	[tilespmem:$0x10100] =	vst v63  }
0xb0: {  	s5 =	simm.s32 $0x2100  }
0xb1: {  	[tilespmem:s5], [sflag:$0x1] =	stream.indirect_vreg.gather [hbm4b:s3+s0], $0x80, v3, vm0, $0xb8;
	[tilespmem:$0x10100] =	vst v63  }
0xb2: {  	s12 =	simm.s32 $0x2900  }
0xb3: {  	[tilespmem:s12], [sflag:$0x1] =	stream.indirect_vreg.gather [hbm4b:s6+s0], $0x80, v3, vm0, $0xb8;
	[tilespmem:$0x10100] =	vst v63  }
0xb4: {  	s13 =	simm.s32 $0x3100  }
0xb5: {  	[tilespmem:s13], [sflag:$0x1] =	stream.indirect_vreg.gather [hbm4b:s7+s0], $0x80, v3, vm0, $0xb8;
	[tilespmem:$0x10100] =	vst v63  }
0xb6: {  	s14 =	simm.s32 $0x3900  }
0xb7: {  	[tilespmem:s14], [sflag:$0x1] =	stream.indirect_vreg.gather [hbm4b:s8+s0], $0x80, v3, vm0, $0xb8;
	[tilespmem:$0x10100] =	vst v63  }
0xb8: {  	v3 =	vld [tilespmem:$0xA0];
	_ =	sdelay $0x4  }
0xb9: {  	v4 =	vshll.u32 v3, $0x3  }
0xba: {  	v3 =	vand.u32 $0x7, v3;
	v4 =	vand.u32 $0xFFFFFFC0, v4  }
0xbb: {  	v3 =	vor.u32 v3, v4  }
0xbc: {  	v4 =	vperm.xlane v3, v0;
	_ =	sdelay $0x1  }
0xbd: {  	v4 =	vadd.s32 v1, v4;
	_ =	sdelay $0x3  }
0xbe: {  	s15 =	simm.s32 $0x4100  }
0xbf: {  	[tilespmem:s15], [sflag:$0x1] =	stream.indirect_vreg.gather [hbm4b:s3+s0], $0x80, v4, vm0, $0xb8;
	[tilespmem:$0x10100] =	vst v63  }
0xc0: {  	s19 =	simm.s32 $0x4900;
	v3 =	vperm.xlane v3, v2  }
0xc1: {  	[tilespmem:s19], [sflag:$0x1] =	stream.indirect_vreg.gather [hbm4b:s6+s0], $0x80, v4, vm0, $0xb8;
	[tilespmem:$0x10100] =	vst v63  }
0xc2: {  	s4 =	simm.s32 $0x5100;
	v3 =	vadd.s32 v1, v3  }
0xc3: {  	[tilespmem:s4], [sflag:$0x1] =	stream.indirect_vreg.gather [hbm4b:s7+s0], $0x80, v4, vm0, $0xb8;
	[tilespmem:$0x10100] =	vst v63  }
0xc4: {  	s5 =	simm.s32 $0x5900  }
0xc5: {  	[tilespmem:s5], [sflag:$0x1] =	stream.indirect_vreg.gather [hbm4b:s8+s0], $0x80, v4, vm0, $0xb8;
	[tilespmem:$0x10100] =	vst v63  }
0xc6: {  	s12 =	simm.s32 $0x6100  }
0xc7: {  	[tilespmem:s12], [sflag:$0x1] =	stream.indirect_vreg.gather [hbm4b:s3+s0], $0x80, v3, vm0, $0xb8;
	[tilespmem:$0x10100] =	vst v63  }
0xc8: {  	s13 =	simm.s32 $0x6900  }
0xc9: {  	[tilespmem:s13], [sflag:$0x1] =	stream.indirect_vreg.gather [hbm4b:s6+s0], $0x80, v3, vm0, $0xb8;
	[tilespmem:$0x10100] =	vst v63  }
0xca: {  	s14 =	simm.s32 $0x7100  }
0xcb: {  	[tilespmem:s14], [sflag:$0x1] =	stream.indirect_vreg.gather [hbm4b:s7+s0], $0x80, v3, vm0, $0xb8;
	[tilespmem:$0x10100] =	vst v63  }
0xcc: {  	s15 =	simm.s32 $0x7900  }
0xcd: {  	[tilespmem:s15], [sflag:$0x1] =	stream.indirect_vreg.gather [hbm4b:s8+s0], $0x80, v3, vm0, $0xb8;
	[tilespmem:$0x10100] =	vst v63  }
0xce: {  	s19 =	sand.u32 $0x40, s0;
	s4 =	simm.s32 $0x0;
	s0 =	sand.u32 $0x1C00, s0  }
0xcf: {  	s4 =	sand.u32 $0x2000, s4;
	s5 =	simm.s32 $0x0;
	s0 =	sor.u32 s19, s0  }
0xd0: {  	s12 =	sand.u32 $0x380, s5;
	s0 =	sor.u32 s4, s0  }
0xd1: {  	s1 =	sor.u32 s12, s0  }
0xd2: {  	v4 =	vld [tilespmem:s1+$0xC130]  }
0xd3: {  	v5 =	vld [tilespmem:s1+$0xC120]  }
0xd4: {  	v6 =	vld [tilespmem:s1+$0x8130]  }
0xd5: {  	s13 =	simm.s32 $0x40;
	s14 =	simm.s32 $0x200;
	v9 =	vld [tilespmem:s1+$0xC100]  }
0xd6: {  	s15 =	simm.s32 $0x40;
	s4 =	sand.u32 $0x1C00, s14;
	s0 =	sand.u32 $0x40, s13;
	v3 =	vld [tilespmem:s1+$0xC110]  }
0xd7: {  	s5 =	sand.u32 $0x2000, s15;
	s12 =	simm.s32 $0x8;
	s0 =	sor.u32 s0, s4;
	v10 =	vld [tilespmem:s1+$0x8120]  }
0xd8: {  	s19 =	sand.u32 $0x380, s12;
	v11 =	vld [tilespmem:s1+$0x8100];
	s0 =	sor.u32 s5, s0  }
0xd9: {  	v8 =	vld [tilespmem:s1+$0x8110];
	s0 =	sor.u32 s19, s0;
	v7 =	vadd.f32 v4, v6  }
0xda: {  	v4 =	vld [tilespmem:s0+$0xC130]  }
0xdb: {  	v6 =	vld [tilespmem:s0+$0xC120];
	[tilespmem:s1+$0x8130] =	vst v7  }
0xdc: {  	v7 =	vld [tilespmem:s0+$0x8130]  }
0xdd: {  	s4 =	simm.s32 $0x400;
	s5 =	simm.s32 $0x2;
	s19 =	simm.s32 $0x80;
	v10 =	vadd.f32 v5, v10;
	v9 =	vadd.f32 v9, v11;
	v5 =	vld [tilespmem:s0+$0xC100]  }
.LBB2_4:
0xde: {  	s12 =	sand.u32 $0x40, s19;
	s13 =	sshll.u32 s5, $0x6  }
0xdf: {  	s14 =	sand.u32 $0x1C00, s4;
	v8 =	vadd.f32 v3, v8;
	v3 =	vld [tilespmem:s0+$0xC110];
	[tilespmem:s1+$0x8120] =	vst v10;
	s15 =	smov.u32 s5;
	p0 =	sne.s32 s5, $0xFF  }
0xe0: {  	s13 =	sand.u32 $0x2000, s13;
	s15 =	sshll.u32 s5, $0x3;
	s12 =	sor.u32 s12, s14;
	v10 =	vld [tilespmem:s0+$0x8120];
	[tilespmem:s1+$0x8100] =	vst v9  }
0xe1: {  	s14 =	sand.u32 $0x380, s15;
	s12 =	sor.u32 s13, s12;
	s13 =	sadd.s32 $0x1, s5;
	v9 =	vld [tilespmem:s0+$0x8100];
	[tilespmem:s1+$0x8110] =	vst v8;
	v11 =	vmov v6  }
.Ltmp1:
0xe2: {  	s12 =	sor.u32 s14, s12;
	v8 =	vld [tilespmem:s0+$0x8110];
	v7 =	vadd.f32 v4, v7;
	(pc) =	sbr.rel @p0 .LBB2_4-.Ltmp1, $4  }
0xe3: {  	s1 =	smov.u32 s0;
	v4 =	vld [tilespmem:s12+$0xC130];
	s0 =	smov.u32 s12  }
0xe4: {  	v6 =	vld [tilespmem:s0+$0xC120];
	[tilespmem:s1+$0x8130] =	vst v7  }
0xe5: {  	v7 =	vld [tilespmem:s0+$0x8130];
	v10 =	vadd.f32 v11, v10  }
0xe6: {  	s19 =	sadd.s32 $0x40, s19;
	s4 =	sadd.s32 $0x200, s4;
	s5 =	smov.u32 s13;
	v9 =	vadd.f32 v5, v9;
	v5 =	vld [tilespmem:s0+$0xC100]  }
0xe7: {  	v11 =	vld [tilespmem:s0+$0xC110];
	[tilespmem:s1+$0x8120] =	vst v10;
	v3 =	vadd.f32 v3, v8  }
0xe8: {  	v10 =	vld [tilespmem:s0+$0x8120];
	[tilespmem:s1+$0x8100] =	vst v9  }
0xe9: {  	v8 =	vld [tilespmem:s0+$0x8100];
	[tilespmem:s1+$0x8110] =	vst v3  }
0xea: {  	v3 =	vld [tilespmem:s0+$0x8110];
	_ =	sdelay $0x1  }
0xeb: {  	v4 =	vadd.f32 v4, v7  }
0xec: {  	v6 =	vadd.f32 v6, v10  }
0xed: {  	[tilespmem:s0+$0x8130] =	vst v4;
	v4 =	vadd.f32 v5, v8  }
0xee: {  	v3 =	vadd.f32 v11, v3;
	[tilespmem:s0+$0x8120] =	vst v6  }
0xef: {  	[tilespmem:s0+$0x8100] =	vst v4  }
0xf0: {  	s5 =	rddreg [dreg:$0x6];
	[tilespmem:s0+$0x8110] =	vst v3;
	s0 =	simm.s32 $0x0  }
0xf1: {  	[hbm4b:s5+s0] =	stream.linear.scatter [tilespmem:s11], [sflag:$0x2], $0x4000, $0x38;
	[tilespmem:$0x10100] =	vst v63  }
0xf2: {  	_ =	swait.ge [sflag:s10], $0x4000  }
0xf3: {  	[sflag:s10] =	ssyncset.done $0x0  }
0xf4: {  	[sflag:s10] =	ssyncadd.s32 $0xFFFFC000  }
0xf5: {  	_ =	swait.ge [sflag:s10], $0x4000  }
0xf6: {  	[sflag:s10] =	ssyncset.done $0x0  }
0xf7: {  	[sflag:s10] =	ssyncadd.s32 $0xFFFFC000  }
0xf8: {  	_ =	swait.ge [sflag:s30], $0x4000  }
0xf9: {  	[sflag:s30] =	ssyncset.done $0x0  }
0xfa: {  	[sflag:s30] =	ssyncadd.s32 $0xFFFFC000  }
0xfb: {  	v3 =	vld [tilespmem:$0x30];
	_ =	sdelay $0x4  }
0xfc: {  	v4 =	vshll.u32 v3, $0x3  }
0xfd: {  	v3 =	vand.u32 $0x7, v3;
	v4 =	vand.u32 $0xFFFFFFC0, v4  }
0xfe: {  	v3 =	vor.u32 v3, v4  }
0xff: {  	v4 =	vperm.xlane v3, v0;
	_ =	sdelay $0x1  }
0x100: {  	v4 =	vadd.s32 v1, v4;
	_ =	sdelay $0x4  }
0x101: {  	[tilespmem:s11], [sflag:$0x1] =	stream.indirect_vreg.gather [hbm4b:s3+s0], $0x80, v4, vm0, $0xb8;
	[tilespmem:$0x10100] =	vst v63  }
0x102: {  	s12 =	simm.s32 $0x8900;
	v3 =	vperm.xlane v3, v2  }
0x103: {  	[tilespmem:s12], [sflag:$0x1] =	stream.indirect_vreg.gather [hbm4b:s6+s0], $0x80, v4, vm0, $0xb8;
	[tilespmem:$0x10100] =	vst v63  }
0x104: {  	s13 =	simm.s32 $0x9100;
	v3 =	vadd.s32 v1, v3  }
0x105: {  	[tilespmem:s13], [sflag:$0x1] =	stream.indirect_vreg.gather [hbm4b:s7+s0], $0x80, v4, vm0, $0xb8;
	[tilespmem:$0x10100] =	vst v63  }
0x106: {  	s14 =	simm.s32 $0x9900  }
0x107: {  	[tilespmem:s14], [sflag:$0x1] =	stream.indirect_vreg.gather [hbm4b:s8+s0], $0x80, v4, vm0, $0xb8;
	[tilespmem:$0x10100] =	vst v63  }
0x108: {  	s15 =	simm.s32 $0xA100  }
0x109: {  	[tilespmem:s15], [sflag:$0x1] =	stream.indirect_vreg.gather [hbm4b:s3+s0], $0x80, v3, vm0, $0xb8;
	[tilespmem:$0x10100] =	vst v63  }
0x10a: {  	_ = 	snop  }
0x10b: {  	[tilespmem:s16], [sflag:$0x1] =	stream.indirect_vreg.gather [hbm4b:s6+s0], $0x80, v3, vm0, $0xb8;
	[tilespmem:$0x10100] =	vst v63  }
0x10c: {  	_ = 	snop  }
0x10d: {  	[tilespmem:s17], [sflag:$0x1] =	stream.indirect_vreg.gather [hbm4b:s7+s0], $0x80, v3, vm0, $0xb8;
	[tilespmem:$0x10100] =	vst v63  }
0x10e: {  	_ = 	snop  }
0x10f: {  	[tilespmem:s9], [sflag:$0x1] =	stream.indirect_vreg.gather [hbm4b:s8+s0], $0x80, v3, vm0, $0xb8;
	[tilespmem:$0x10100] =	vst v63  }
0x110: {  	v3 =	vld [tilespmem:$0xB0];
	_ =	sdelay $0x4  }
0x111: {  	v4 =	vshll.u32 v3, $0x3  }
0x112: {  	v3 =	vand.u32 $0x7, v3;
	v4 =	vand.u32 $0xFFFFFFC0, v4  }
0x113: {  	v3 =	vor.u32 v3, v4  }
0x114: {  	v4 =	vperm.xlane v3, v0;
	_ =	sdelay $0x1  }
0x115: {  	v4 =	vadd.s32 v1, v4;
	_ =	sdelay $0x4  }
0x116: {  	[tilespmem:s21], [sflag:$0x1] =	stream.indirect_vreg.gather [hbm4b:s3+s0], $0x80, v4, vm0, $0xb8;
	[tilespmem:$0x10100] =	vst v63  }
0x117: {  	v3 =	vperm.xlane v3, v2  }
0x118: {  	[tilespmem:s22], [sflag:$0x1] =	stream.indirect_vreg.gather [hbm4b:s6+s0], $0x80, v4, vm0, $0xb8;
	[tilespmem:$0x10100] =	vst v63  }
0x119: {  	v3 =	vadd.s32 v1, v3  }
0x11a: {  	[tilespmem:s23], [sflag:$0x1] =	stream.indirect_vreg.gather [hbm4b:s7+s0], $0x80, v4, vm0, $0xb8;
	[tilespmem:$0x10100] =	vst v63  }
0x11b: {  	_ = 	snop  }
0x11c: {  	[tilespmem:s24], [sflag:$0x1] =	stream.indirect_vreg.gather [hbm4b:s8+s0], $0x80, v4, vm0, $0xb8;
	[tilespmem:$0x10100] =	vst v63  }
0x11d: {  	_ = 	snop  }
0x11e: {  	[tilespmem:s25], [sflag:$0x1] =	stream.indirect_vreg.gather [hbm4b:s3+s0], $0x80, v3, vm0, $0xb8;
	[tilespmem:$0x10100] =	vst v63  }
0x11f: {  	_ = 	snop  }
0x120: {  	[tilespmem:s26], [sflag:$0x1] =	stream.indirect_vreg.gather [hbm4b:s6+s0], $0x80, v3, vm0, $0xb8;
	[tilespmem:$0x10100] =	vst v63  }
0x121: {  	_ = 	snop  }
0x122: {  	[tilespmem:s28], [sflag:$0x1] =	stream.indirect_vreg.gather [hbm4b:s7+s0], $0x80, v3, vm0, $0xb8;
	[tilespmem:$0x10100] =	vst v63  }
0x123: {  	_ = 	snop  }
0x124: {  	[tilespmem:s29], [sflag:$0x1] =	stream.indirect_vreg.gather [hbm4b:s8+s0], $0x80, v3, vm0, $0xb8;
	[tilespmem:$0x10100] =	vst v63  }
0x125: {  	s4 =	simm.s32 $0x0;
	s19 =	sand.u32 $0x40, s0;
	s0 =	sand.u32 $0x1C00, s0  }
0x126: {  	s4 =	sand.u32 $0x2000, s4;
	s5 =	simm.s32 $0x0;
	s0 =	sor.u32 s19, s0  }
0x127: {  	s12 =	sand.u32 $0x380, s5;
	s0 =	sor.u32 s4, s0  }
0x128: {  	s1 =	sor.u32 s12, s0  }
0x129: {  	v4 =	vld [tilespmem:s1+$0x4130]  }
0x12a: {  	v5 =	vld [tilespmem:s1+$0x4120]  }
0x12b: {  	v6 =	vld [tilespmem:s1+$0x130]  }
0x12c: {  	s13 =	simm.s32 $0x40;
	s14 =	simm.s32 $0x200;
	v9 =	vld [tilespmem:s1+$0x4100]  }
0x12d: {  	s15 =	simm.s32 $0x40;
	s4 =	sand.u32 $0x1C00, s14;
	s0 =	sand.u32 $0x40, s13;
	v3 =	vld [tilespmem:s1+$0x4110]  }
0x12e: {  	s5 =	sand.u32 $0x2000, s15;
	s12 =	simm.s32 $0x8;
	s0 =	sor.u32 s0, s4;
	v10 =	vld [tilespmem:s1+$0x120]  }
0x12f: {  	s19 =	sand.u32 $0x380, s12;
	v11 =	vld [tilespmem:s1+$0x100];
	s0 =	sor.u32 s5, s0  }
0x130: {  	v8 =	vld [tilespmem:s1+$0x110];
	s0 =	sor.u32 s19, s0;
	v7 =	vadd.f32 v4, v6  }
0x131: {  	v4 =	vld [tilespmem:s0+$0x4130]  }
0x132: {  	v6 =	vld [tilespmem:s0+$0x4120];
	[tilespmem:s1+$0x130] =	vst v7  }
0x133: {  	v7 =	vld [tilespmem:s0+$0x130]  }
0x134: {  	s4 =	simm.s32 $0x400;
	s5 =	simm.s32 $0x2;
	s19 =	simm.s32 $0x80;
	v10 =	vadd.f32 v5, v10;
	v9 =	vadd.f32 v9, v11;
	v5 =	vld [tilespmem:s0+$0x4100]  }
.LBB2_6:
0x135: {  	s12 =	sand.u32 $0x40, s19;
	s13 =	sshll.u32 s5, $0x6  }
0x136: {  	s14 =	sand.u32 $0x1C00, s4;
	v8 =	vadd.f32 v3, v8;
	v3 =	vld [tilespmem:s0+$0x4110];
	[tilespmem:s1+$0x120] =	vst v10;
	s15 =	smov.u32 s5;
	p0 =	sne.s32 s5, $0xFF  }
0x137: {  	s13 =	sand.u32 $0x2000, s13;
	s15 =	sshll.u32 s5, $0x3;
	s12 =	sor.u32 s12, s14;
	v10 =	vld [tilespmem:s0+$0x120];
	[tilespmem:s1+$0x100] =	vst v9  }
0x138: {  	s14 =	sand.u32 $0x380, s15;
	s12 =	sor.u32 s13, s12;
	s13 =	sadd.s32 $0x1, s5;
	v9 =	vld [tilespmem:s0+$0x100];
	[tilespmem:s1+$0x110] =	vst v8;
	v11 =	vmov v6  }
.Ltmp2:
0x139: {  	s12 =	sor.u32 s14, s12;
	v8 =	vld [tilespmem:s0+$0x110];
	v7 =	vadd.f32 v4, v7;
	(pc) =	sbr.rel @p0 .LBB2_6-.Ltmp2, $4  }
0x13a: {  	s1 =	smov.u32 s0;
	v4 =	vld [tilespmem:s12+$0x4130];
	s0 =	smov.u32 s12  }
0x13b: {  	v6 =	vld [tilespmem:s0+$0x4120];
	[tilespmem:s1+$0x130] =	vst v7  }
0x13c: {  	v7 =	vld [tilespmem:s0+$0x130];
	v10 =	vadd.f32 v11, v10  }
0x13d: {  	s19 =	sadd.s32 $0x40, s19;
	s4 =	sadd.s32 $0x200, s4;
	s5 =	smov.u32 s13;
	v9 =	vadd.f32 v5, v9;
	v5 =	vld [tilespmem:s0+$0x4100]  }
0x13e: {  	v11 =	vld [tilespmem:s0+$0x4110];
	[tilespmem:s1+$0x120] =	vst v10;
	v3 =	vadd.f32 v3, v8  }
0x13f: {  	v10 =	vld [tilespmem:s0+$0x120];
	[tilespmem:s1+$0x100] =	vst v9  }
0x140: {  	v8 =	vld [tilespmem:s0+$0x100];
	[tilespmem:s1+$0x110] =	vst v3  }
0x141: {  	v3 =	vld [tilespmem:s0+$0x110];
	_ =	sdelay $0x1  }
0x142: {  	v4 =	vadd.f32 v4, v7  }
0x143: {  	v6 =	vadd.f32 v6, v10  }
0x144: {  	[tilespmem:s0+$0x130] =	vst v4;
	v4 =	vadd.f32 v5, v8  }
0x145: {  	v3 =	vadd.f32 v11, v3;
	[tilespmem:s0+$0x120] =	vst v6  }
0x146: {  	[tilespmem:s0+$0x100] =	vst v4  }
0x147: {  	s14 =	rddreg [dreg:$0x7];
	[tilespmem:s0+$0x110] =	vst v3;
	s0 =	simm.s32 $0x0  }
0x148: {  	[hbm4b:s14+s0] =	stream.linear.scatter [tilespmem:s20], [sflag:$0x2], $0x4000, $0x38;
	[tilespmem:$0x10100] =	vst v63  }
0x149: {  	_ =	swait.ge [sflag:s10], $0x4000  }
0x14a: {  	[sflag:s10] =	ssyncset.done $0x0  }
0x14b: {  	[sflag:s10] =	ssyncadd.s32 $0xFFFFC000  }
0x14c: {  	_ =	swait.ge [sflag:s10], $0x4000  }
0x14d: {  	[sflag:s10] =	ssyncset.done $0x0  }
0x14e: {  	[sflag:s10] =	ssyncadd.s32 $0xFFFFC000  }
0x14f: {  	_ =	swait.ge [sflag:s30], $0x4000  }
0x150: {  	[sflag:s30] =	ssyncset.done $0x0  }
0x151: {  	[sflag:s30] =	ssyncadd.s32 $0xFFFFC000  }
0x152: {  	v3 =	vld [tilespmem:$0x40];
	_ =	sdelay $0x4  }
0x153: {  	v4 =	vshll.u32 v3, $0x3  }
0x154: {  	v3 =	vand.u32 $0x7, v3;
	v4 =	vand.u32 $0xFFFFFFC0, v4  }
0x155: {  	v3 =	vor.u32 v3, v4  }
0x156: {  	v4 =	vperm.xlane v3, v0;
	_ =	sdelay $0x1  }
0x157: {  	v4 =	vadd.s32 v1, v4;
	_ =	sdelay $0x4  }
0x158: {  	[tilespmem:s20], [sflag:$0x1] =	stream.indirect_vreg.gather [hbm4b:s3+s0], $0x80, v4, vm0, $0xb8;
	[tilespmem:$0x10100] =	vst v63  }
0x159: {  	s15 =	simm.s32 $0x900;
	v3 =	vperm.xlane v3, v2  }
0x15a: {  	[tilespmem:s15], [sflag:$0x1] =	stream.indirect_vreg.gather [hbm4b:s6+s0], $0x80, v4, vm0, $0xb8;
	[tilespmem:$0x10100] =	vst v63  }
0x15b: {  	s19 =	simm.s32 $0x1100;
	v3 =	vadd.s32 v1, v3  }
0x15c: {  	[tilespmem:s19], [sflag:$0x1] =	stream.indirect_vreg.gather [hbm4b:s7+s0], $0x80, v4, vm0, $0xb8;
	[tilespmem:$0x10100] =	vst v63  }
0x15d: {  	s4 =	simm.s32 $0x1900  }
0x15e: {  	[tilespmem:s4], [sflag:$0x1] =	stream.indirect_vreg.gather [hbm4b:s8+s0], $0x80, v4, vm0, $0xb8;
	[tilespmem:$0x10100] =	vst v63  }
0x15f: {  	s5 =	simm.s32 $0x2100  }
0x160: {  	[tilespmem:s5], [sflag:$0x1] =	stream.indirect_vreg.gather [hbm4b:s3+s0], $0x80, v3, vm0, $0xb8;
	[tilespmem:$0x10100] =	vst v63  }
0x161: {  	s12 =	simm.s32 $0x2900  }
0x162: {  	[tilespmem:s12], [sflag:$0x1] =	stream.indirect_vreg.gather [hbm4b:s6+s0], $0x80, v3, vm0, $0xb8;
	[tilespmem:$0x10100] =	vst v63  }
0x163: {  	s13 =	simm.s32 $0x3100  }
0x164: {  	[tilespmem:s13], [sflag:$0x1] =	stream.indirect_vreg.gather [hbm4b:s7+s0], $0x80, v3, vm0, $0xb8;
	[tilespmem:$0x10100] =	vst v63  }
0x165: {  	s14 =	simm.s32 $0x3900  }
0x166: {  	[tilespmem:s14], [sflag:$0x1] =	stream.indirect_vreg.gather [hbm4b:s8+s0], $0x80, v3, vm0, $0xb8;
	[tilespmem:$0x10100] =	vst v63  }
0x167: {  	v3 =	vld [tilespmem:$0xC0];
	_ =	sdelay $0x4  }
0x168: {  	v4 =	vshll.u32 v3, $0x3  }
0x169: {  	v3 =	vand.u32 $0x7, v3;
	v4 =	vand.u32 $0xFFFFFFC0, v4  }
0x16a: {  	v3 =	vor.u32 v3, v4  }
0x16b: {  	v4 =	vperm.xlane v3, v0;
	_ =	sdelay $0x1  }
0x16c: {  	v4 =	vadd.s32 v1, v4;
	_ =	sdelay $0x3  }
0x16d: {  	s15 =	simm.s32 $0x4100  }
0x16e: {  	[tilespmem:s15], [sflag:$0x1] =	stream.indirect_vreg.gather [hbm4b:s3+s0], $0x80, v4, vm0, $0xb8;
	[tilespmem:$0x10100] =	vst v63  }
0x16f: {  	s19 =	simm.s32 $0x4900;
	v3 =	vperm.xlane v3, v2  }
0x170: {  	[tilespmem:s19], [sflag:$0x1] =	stream.indirect_vreg.gather [hbm4b:s6+s0], $0x80, v4, vm0, $0xb8;
	[tilespmem:$0x10100] =	vst v63  }
0x171: {  	s4 =	simm.s32 $0x5100;
	v3 =	vadd.s32 v1, v3  }
0x172: {  	[tilespmem:s4], [sflag:$0x1] =	stream.indirect_vreg.gather [hbm4b:s7+s0], $0x80, v4, vm0, $0xb8;
	[tilespmem:$0x10100] =	vst v63  }
0x173: {  	s5 =	simm.s32 $0x5900  }
0x174: {  	[tilespmem:s5], [sflag:$0x1] =	stream.indirect_vreg.gather [hbm4b:s8+s0], $0x80, v4, vm0, $0xb8;
	[tilespmem:$0x10100] =	vst v63  }
0x175: {  	s12 =	simm.s32 $0x6100  }
0x176: {  	[tilespmem:s12], [sflag:$0x1] =	stream.indirect_vreg.gather [hbm4b:s3+s0], $0x80, v3, vm0, $0xb8;
	[tilespmem:$0x10100] =	vst v63  }
0x177: {  	s13 =	simm.s32 $0x6900  }
0x178: {  	[tilespmem:s13], [sflag:$0x1] =	stream.indirect_vreg.gather [hbm4b:s6+s0], $0x80, v3, vm0, $0xb8;
	[tilespmem:$0x10100] =	vst v63  }
0x179: {  	s14 =	simm.s32 $0x7100  }
0x17a: {  	[tilespmem:s14], [sflag:$0x1] =	stream.indirect_vreg.gather [hbm4b:s7+s0], $0x80, v3, vm0, $0xb8;
	[tilespmem:$0x10100] =	vst v63  }
0x17b: {  	s15 =	simm.s32 $0x7900  }
0x17c: {  	[tilespmem:s15], [sflag:$0x1] =	stream.indirect_vreg.gather [hbm4b:s8+s0], $0x80, v3, vm0, $0xb8;
	[tilespmem:$0x10100] =	vst v63  }
0x17d: {  	s19 =	sand.u32 $0x40, s0;
	s4 =	simm.s32 $0x0;
	s0 =	sand.u32 $0x1C00, s0  }
0x17e: {  	s4 =	sand.u32 $0x2000, s4;
	s5 =	simm.s32 $0x0;
	s0 =	sor.u32 s19, s0  }
0x17f: {  	s12 =	sand.u32 $0x380, s5;
	s0 =	sor.u32 s4, s0  }
0x180: {  	s1 =	sor.u32 s12, s0  }
0x181: {  	v4 =	vld [tilespmem:s1+$0xC130]  }
0x182: {  	v5 =	vld [tilespmem:s1+$0xC120]  }
0x183: {  	v6 =	vld [tilespmem:s1+$0x8130]  }
0x184: {  	s13 =	simm.s32 $0x40;
	s14 =	simm.s32 $0x200;
	v9 =	vld [tilespmem:s1+$0xC100]  }
0x185: {  	s15 =	simm.s32 $0x40;
	s4 =	sand.u32 $0x1C00, s14;
	s0 =	sand.u32 $0x40, s13;
	v3 =	vld [tilespmem:s1+$0xC110]  }
0x186: {  	s5 =	sand.u32 $0x2000, s15;
	s12 =	simm.s32 $0x8;
	s0 =	sor.u32 s0, s4;
	v10 =	vld [tilespmem:s1+$0x8120]  }
0x187: {  	s19 =	sand.u32 $0x380, s12;
	v11 =	vld [tilespmem:s1+$0x8100];
	s0 =	sor.u32 s5, s0  }
0x188: {  	v8 =	vld [tilespmem:s1+$0x8110];
	s0 =	sor.u32 s19, s0;
	v7 =	vadd.f32 v4, v6  }
0x189: {  	v4 =	vld [tilespmem:s0+$0xC130]  }
0x18a: {  	v6 =	vld [tilespmem:s0+$0xC120];
	[tilespmem:s1+$0x8130] =	vst v7  }
0x18b: {  	v7 =	vld [tilespmem:s0+$0x8130]  }
0x18c: {  	s4 =	simm.s32 $0x400;
	s5 =	simm.s32 $0x2;
	s19 =	simm.s32 $0x80;
	v10 =	vadd.f32 v5, v10;
	v9 =	vadd.f32 v9, v11;
	v5 =	vld [tilespmem:s0+$0xC100]  }
.LBB2_8:
0x18d: {  	s12 =	sand.u32 $0x40, s19;
	s13 =	sshll.u32 s5, $0x6  }
0x18e: {  	s14 =	sand.u32 $0x1C00, s4;
	v8 =	vadd.f32 v3, v8;
	v3 =	vld [tilespmem:s0+$0xC110];
	[tilespmem:s1+$0x8120] =	vst v10;
	s15 =	smov.u32 s5;
	p0 =	sne.s32 s5, $0xFF  }
0x18f: {  	s13 =	sand.u32 $0x2000, s13;
	s15 =	sshll.u32 s5, $0x3;
	s12 =	sor.u32 s12, s14;
	v10 =	vld [tilespmem:s0+$0x8120];
	[tilespmem:s1+$0x8100] =	vst v9  }
0x190: {  	s14 =	sand.u32 $0x380, s15;
	s12 =	sor.u32 s13, s12;
	s13 =	sadd.s32 $0x1, s5;
	v9 =	vld [tilespmem:s0+$0x8100];
	[tilespmem:s1+$0x8110] =	vst v8;
	v11 =	vmov v6  }
.Ltmp3:
0x191: {  	s12 =	sor.u32 s14, s12;
	v8 =	vld [tilespmem:s0+$0x8110];
	v7 =	vadd.f32 v4, v7;
	(pc) =	sbr.rel @p0 .LBB2_8-.Ltmp3, $4  }
0x192: {  	s1 =	smov.u32 s0;
	v4 =	vld [tilespmem:s12+$0xC130];
	s0 =	smov.u32 s12  }
0x193: {  	v6 =	vld [tilespmem:s0+$0xC120];
	[tilespmem:s1+$0x8130] =	vst v7  }
0x194: {  	v7 =	vld [tilespmem:s0+$0x8130];
	v10 =	vadd.f32 v11, v10  }
0x195: {  	s19 =	sadd.s32 $0x40, s19;
	s4 =	sadd.s32 $0x200, s4;
	s5 =	smov.u32 s13;
	v9 =	vadd.f32 v5, v9;
	v5 =	vld [tilespmem:s0+$0xC100]  }
0x196: {  	v11 =	vld [tilespmem:s0+$0xC110];
	[tilespmem:s1+$0x8120] =	vst v10;
	v3 =	vadd.f32 v3, v8  }
0x197: {  	v10 =	vld [tilespmem:s0+$0x8120];
	[tilespmem:s1+$0x8100] =	vst v9  }
0x198: {  	v8 =	vld [tilespmem:s0+$0x8100];
	[tilespmem:s1+$0x8110] =	vst v3  }
0x199: {  	v3 =	vld [tilespmem:s0+$0x8110];
	_ =	sdelay $0x1  }
0x19a: {  	v4 =	vadd.f32 v4, v7  }
0x19b: {  	v6 =	vadd.f32 v6, v10  }
0x19c: {  	[tilespmem:s0+$0x8130] =	vst v4;
	v4 =	vadd.f32 v5, v8  }
0x19d: {  	v3 =	vadd.f32 v11, v3;
	[tilespmem:s0+$0x8120] =	vst v6  }
0x19e: {  	[tilespmem:s0+$0x8100] =	vst v4  }
0x19f: {  	s5 =	rddreg [dreg:$0x8];
	[tilespmem:s0+$0x8110] =	vst v3;
	s0 =	simm.s32 $0x0  }
0x1a0: {  	[hbm4b:s5+s0] =	stream.linear.scatter [tilespmem:s11], [sflag:$0x2], $0x4000, $0x38;
	[tilespmem:$0x10100] =	vst v63  }
0x1a1: {  	_ =	swait.ge [sflag:s10], $0x4000  }
0x1a2: {  	[sflag:s10] =	ssyncset.done $0x0  }
0x1a3: {  	[sflag:s10] =	ssyncadd.s32 $0xFFFFC000  }
0x1a4: {  	_ =	swait.ge [sflag:s10], $0x4000  }
0x1a5: {  	[sflag:s10] =	ssyncset.done $0x0  }
0x1a6: {  	[sflag:s10] =	ssyncadd.s32 $0xFFFFC000  }
0x1a7: {  	_ =	swait.ge [sflag:s30], $0x4000  }
0x1a8: {  	[sflag:s30] =	ssyncset.done $0x0  }
0x1a9: {  	[sflag:s30] =	ssyncadd.s32 $0xFFFFC000  }
0x1aa: {  	v3 =	vld [tilespmem:$0x50];
	_ =	sdelay $0x4  }
0x1ab: {  	v4 =	vshll.u32 v3, $0x3  }
0x1ac: {  	v3 =	vand.u32 $0x7, v3;
	v4 =	vand.u32 $0xFFFFFFC0, v4  }
0x1ad: {  	v3 =	vor.u32 v3, v4  }
0x1ae: {  	v4 =	vperm.xlane v3, v0;
	_ =	sdelay $0x1  }
0x1af: {  	v4 =	vadd.s32 v1, v4;
	_ =	sdelay $0x4  }
0x1b0: {  	[tilespmem:s11], [sflag:$0x1] =	stream.indirect_vreg.gather [hbm4b:s3+s0], $0x80, v4, vm0, $0xb8;
	[tilespmem:$0x10100] =	vst v63  }
0x1b1: {  	s12 =	simm.s32 $0x8900;
	v3 =	vperm.xlane v3, v2  }
0x1b2: {  	[tilespmem:s12], [sflag:$0x1] =	stream.indirect_vreg.gather [hbm4b:s6+s0], $0x80, v4, vm0, $0xb8;
	[tilespmem:$0x10100] =	vst v63  }
0x1b3: {  	s13 =	simm.s32 $0x9100;
	v3 =	vadd.s32 v1, v3  }
0x1b4: {  	[tilespmem:s13], [sflag:$0x1] =	stream.indirect_vreg.gather [hbm4b:s7+s0], $0x80, v4, vm0, $0xb8;
	[tilespmem:$0x10100] =	vst v63  }
0x1b5: {  	s14 =	simm.s32 $0x9900  }
0x1b6: {  	[tilespmem:s14], [sflag:$0x1] =	stream.indirect_vreg.gather [hbm4b:s8+s0], $0x80, v4, vm0, $0xb8;
	[tilespmem:$0x10100] =	vst v63  }
0x1b7: {  	s15 =	simm.s32 $0xA100  }
0x1b8: {  	[tilespmem:s15], [sflag:$0x1] =	stream.indirect_vreg.gather [hbm4b:s3+s0], $0x80, v3, vm0, $0xb8;
	[tilespmem:$0x10100] =	vst v63  }
0x1b9: {  	_ = 	snop  }
0x1ba: {  	[tilespmem:s16], [sflag:$0x1] =	stream.indirect_vreg.gather [hbm4b:s6+s0], $0x80, v3, vm0, $0xb8;
	[tilespmem:$0x10100] =	vst v63  }
0x1bb: {  	_ = 	snop  }
0x1bc: {  	[tilespmem:s17], [sflag:$0x1] =	stream.indirect_vreg.gather [hbm4b:s7+s0], $0x80, v3, vm0, $0xb8;
	[tilespmem:$0x10100] =	vst v63  }
0x1bd: {  	_ = 	snop  }
0x1be: {  	[tilespmem:s9], [sflag:$0x1] =	stream.indirect_vreg.gather [hbm4b:s8+s0], $0x80, v3, vm0, $0xb8;
	[tilespmem:$0x10100] =	vst v63  }
0x1bf: {  	v3 =	vld [tilespmem:$0xD0];
	_ =	sdelay $0x4  }
0x1c0: {  	v4 =	vshll.u32 v3, $0x3  }
0x1c1: {  	v3 =	vand.u32 $0x7, v3;
	v4 =	vand.u32 $0xFFFFFFC0, v4  }
0x1c2: {  	v3 =	vor.u32 v3, v4  }
0x1c3: {  	v4 =	vperm.xlane v3, v0;
	_ =	sdelay $0x1  }
0x1c4: {  	v4 =	vadd.s32 v1, v4;
	_ =	sdelay $0x4  }
0x1c5: {  	[tilespmem:s21], [sflag:$0x1] =	stream.indirect_vreg.gather [hbm4b:s3+s0], $0x80, v4, vm0, $0xb8;
	[tilespmem:$0x10100] =	vst v63  }
0x1c6: {  	v3 =	vperm.xlane v3, v2  }
0x1c7: {  	[tilespmem:s22], [sflag:$0x1] =	stream.indirect_vreg.gather [hbm4b:s6+s0], $0x80, v4, vm0, $0xb8;
	[tilespmem:$0x10100] =	vst v63  }
0x1c8: {  	v3 =	vadd.s32 v1, v3  }
0x1c9: {  	[tilespmem:s23], [sflag:$0x1] =	stream.indirect_vreg.gather [hbm4b:s7+s0], $0x80, v4, vm0, $0xb8;
	[tilespmem:$0x10100] =	vst v63  }
0x1ca: {  	_ = 	snop  }
0x1cb: {  	[tilespmem:s24], [sflag:$0x1] =	stream.indirect_vreg.gather [hbm4b:s8+s0], $0x80, v4, vm0, $0xb8;
	[tilespmem:$0x10100] =	vst v63  }
0x1cc: {  	_ = 	snop  }
0x1cd: {  	[tilespmem:s25], [sflag:$0x1] =	stream.indirect_vreg.gather [hbm4b:s3+s0], $0x80, v3, vm0, $0xb8;
	[tilespmem:$0x10100] =	vst v63  }
0x1ce: {  	_ = 	snop  }
0x1cf: {  	[tilespmem:s26], [sflag:$0x1] =	stream.indirect_vreg.gather [hbm4b:s6+s0], $0x80, v3, vm0, $0xb8;
	[tilespmem:$0x10100] =	vst v63  }
0x1d0: {  	_ = 	snop  }
0x1d1: {  	[tilespmem:s28], [sflag:$0x1] =	stream.indirect_vreg.gather [hbm4b:s7+s0], $0x80, v3, vm0, $0xb8;
	[tilespmem:$0x10100] =	vst v63  }
0x1d2: {  	_ = 	snop  }
0x1d3: {  	[tilespmem:s29], [sflag:$0x1] =	stream.indirect_vreg.gather [hbm4b:s8+s0], $0x80, v3, vm0, $0xb8;
	[tilespmem:$0x10100] =	vst v63  }
0x1d4: {  	s4 =	simm.s32 $0x0;
	s19 =	sand.u32 $0x40, s0;
	s0 =	sand.u32 $0x1C00, s0  }
0x1d5: {  	s4 =	sand.u32 $0x2000, s4;
	s5 =	simm.s32 $0x0;
	s0 =	sor.u32 s19, s0  }
0x1d6: {  	s12 =	sand.u32 $0x380, s5;
	s0 =	sor.u32 s4, s0  }
0x1d7: {  	s1 =	sor.u32 s12, s0  }
0x1d8: {  	v4 =	vld [tilespmem:s1+$0x4130]  }
0x1d9: {  	v5 =	vld [tilespmem:s1+$0x4120]  }
0x1da: {  	v6 =	vld [tilespmem:s1+$0x130]  }
0x1db: {  	s13 =	simm.s32 $0x40;
	s14 =	simm.s32 $0x200;
	v9 =	vld [tilespmem:s1+$0x4100]  }
0x1dc: {  	s15 =	simm.s32 $0x40;
	s4 =	sand.u32 $0x1C00, s14;
	s0 =	sand.u32 $0x40, s13;
	v3 =	vld [tilespmem:s1+$0x4110]  }
0x1dd: {  	s5 =	sand.u32 $0x2000, s15;
	s12 =	simm.s32 $0x8;
	s0 =	sor.u32 s0, s4;
	v10 =	vld [tilespmem:s1+$0x120]  }
0x1de: {  	s19 =	sand.u32 $0x380, s12;
	v11 =	vld [tilespmem:s1+$0x100];
	s0 =	sor.u32 s5, s0  }
0x1df: {  	v8 =	vld [tilespmem:s1+$0x110];
	s0 =	sor.u32 s19, s0;
	v7 =	vadd.f32 v4, v6  }
0x1e0: {  	v4 =	vld [tilespmem:s0+$0x4130]  }
0x1e1: {  	v6 =	vld [tilespmem:s0+$0x4120];
	[tilespmem:s1+$0x130] =	vst v7  }
0x1e2: {  	v7 =	vld [tilespmem:s0+$0x130]  }
0x1e3: {  	s4 =	simm.s32 $0x400;
	s5 =	simm.s32 $0x2;
	s19 =	simm.s32 $0x80;
	v10 =	vadd.f32 v5, v10;
	v9 =	vadd.f32 v9, v11;
	v5 =	vld [tilespmem:s0+$0x4100]  }
.LBB2_10:
0x1e4: {  	s12 =	sand.u32 $0x40, s19;
	s13 =	sshll.u32 s5, $0x6  }
0x1e5: {  	s14 =	sand.u32 $0x1C00, s4;
	v8 =	vadd.f32 v3, v8;
	v3 =	vld [tilespmem:s0+$0x4110];
	[tilespmem:s1+$0x120] =	vst v10;
	s15 =	smov.u32 s5;
	p0 =	sne.s32 s5, $0xFF  }
0x1e6: {  	s13 =	sand.u32 $0x2000, s13;
	s15 =	sshll.u32 s5, $0x3;
	s12 =	sor.u32 s12, s14;
	v10 =	vld [tilespmem:s0+$0x120];
	[tilespmem:s1+$0x100] =	vst v9  }
0x1e7: {  	s14 =	sand.u32 $0x380, s15;
	s12 =	sor.u32 s13, s12;
	s13 =	sadd.s32 $0x1, s5;
	v9 =	vld [tilespmem:s0+$0x100];
	[tilespmem:s1+$0x110] =	vst v8;
	v11 =	vmov v6  }
.Ltmp4:
0x1e8: {  	s12 =	sor.u32 s14, s12;
	v8 =	vld [tilespmem:s0+$0x110];
	v7 =	vadd.f32 v4, v7;
	(pc) =	sbr.rel @p0 .LBB2_10-.Ltmp4, $4  }
0x1e9: {  	s1 =	smov.u32 s0;
	v4 =	vld [tilespmem:s12+$0x4130];
	s0 =	smov.u32 s12  }
0x1ea: {  	v6 =	vld [tilespmem:s0+$0x4120];
	[tilespmem:s1+$0x130] =	vst v7  }
0x1eb: {  	v7 =	vld [tilespmem:s0+$0x130];
	v10 =	vadd.f32 v11, v10  }
0x1ec: {  	s19 =	sadd.s32 $0x40, s19;
	s4 =	sadd.s32 $0x200, s4;
	s5 =	smov.u32 s13;
	v9 =	vadd.f32 v5, v9;
	v5 =	vld [tilespmem:s0+$0x4100]  }
0x1ed: {  	v11 =	vld [tilespmem:s0+$0x4110];
	[tilespmem:s1+$0x120] =	vst v10;
	v3 =	vadd.f32 v3, v8  }
0x1ee: {  	v10 =	vld [tilespmem:s0+$0x120];
	[tilespmem:s1+$0x100] =	vst v9  }
0x1ef: {  	v8 =	vld [tilespmem:s0+$0x100];
	[tilespmem:s1+$0x110] =	vst v3  }
0x1f0: {  	v3 =	vld [tilespmem:s0+$0x110];
	_ =	sdelay $0x1  }
0x1f1: {  	v4 =	vadd.f32 v4, v7  }
0x1f2: {  	v6 =	vadd.f32 v6, v10  }
0x1f3: {  	[tilespmem:s0+$0x130] =	vst v4;
	v4 =	vadd.f32 v5, v8  }
0x1f4: {  	v3 =	vadd.f32 v11, v3;
	[tilespmem:s0+$0x120] =	vst v6  }
0x1f5: {  	[tilespmem:s0+$0x100] =	vst v4  }
0x1f6: {  	s14 =	rddreg [dreg:$0x9];
	[tilespmem:s0+$0x110] =	vst v3;
	s0 =	simm.s32 $0x0  }
0x1f7: {  	[hbm4b:s14+s0] =	stream.linear.scatter [tilespmem:s20], [sflag:$0x2], $0x4000, $0x38;
	[tilespmem:$0x10100] =	vst v63  }
0x1f8: {  	_ =	swait.ge [sflag:s10], $0x4000  }
0x1f9: {  	[sflag:s10] =	ssyncset.done $0x0  }
0x1fa: {  	[sflag:s10] =	ssyncadd.s32 $0xFFFFC000  }
0x1fb: {  	_ =	swait.ge [sflag:s10], $0x4000  }
0x1fc: {  	[sflag:s10] =	ssyncset.done $0x0  }
0x1fd: {  	[sflag:s10] =	ssyncadd.s32 $0xFFFFC000  }
0x1fe: {  	_ =	swait.ge [sflag:s30], $0x4000  }
0x1ff: {  	[sflag:s30] =	ssyncset.done $0x0  }
0x200: {  	[sflag:s30] =	ssyncadd.s32 $0xFFFFC000  }
0x201: {  	v3 =	vld [tilespmem:$0x60];
	_ =	sdelay $0x4  }
0x202: {  	v4 =	vshll.u32 v3, $0x3  }
0x203: {  	v3 =	vand.u32 $0x7, v3;
	v4 =	vand.u32 $0xFFFFFFC0, v4  }
0x204: {  	v3 =	vor.u32 v3, v4  }
0x205: {  	v4 =	vperm.xlane v3, v0;
	_ =	sdelay $0x1  }
0x206: {  	v4 =	vadd.s32 v1, v4;
	_ =	sdelay $0x4  }
0x207: {  	[tilespmem:s20], [sflag:$0x1] =	stream.indirect_vreg.gather [hbm4b:s3+s0], $0x80, v4, vm0, $0xb8;
	[tilespmem:$0x10100] =	vst v63  }
0x208: {  	s15 =	simm.s32 $0x900;
	v3 =	vperm.xlane v3, v2  }
0x209: {  	[tilespmem:s15], [sflag:$0x1] =	stream.indirect_vreg.gather [hbm4b:s6+s0], $0x80, v4, vm0, $0xb8;
	[tilespmem:$0x10100] =	vst v63  }
0x20a: {  	s19 =	simm.s32 $0x1100;
	v3 =	vadd.s32 v1, v3  }
0x20b: {  	[tilespmem:s19], [sflag:$0x1] =	stream.indirect_vreg.gather [hbm4b:s7+s0], $0x80, v4, vm0, $0xb8;
	[tilespmem:$0x10100] =	vst v63  }
0x20c: {  	s4 =	simm.s32 $0x1900  }
0x20d: {  	[tilespmem:s4], [sflag:$0x1] =	stream.indirect_vreg.gather [hbm4b:s8+s0], $0x80, v4, vm0, $0xb8;
	[tilespmem:$0x10100] =	vst v63  }
0x20e: {  	s5 =	simm.s32 $0x2100  }
0x20f: {  	[tilespmem:s5], [sflag:$0x1] =	stream.indirect_vreg.gather [hbm4b:s3+s0], $0x80, v3, vm0, $0xb8;
	[tilespmem:$0x10100] =	vst v63  }
0x210: {  	s12 =	simm.s32 $0x2900  }
0x211: {  	[tilespmem:s12], [sflag:$0x1] =	stream.indirect_vreg.gather [hbm4b:s6+s0], $0x80, v3, vm0, $0xb8;
	[tilespmem:$0x10100] =	vst v63  }
0x212: {  	s13 =	simm.s32 $0x3100  }
0x213: {  	[tilespmem:s13], [sflag:$0x1] =	stream.indirect_vreg.gather [hbm4b:s7+s0], $0x80, v3, vm0, $0xb8;
	[tilespmem:$0x10100] =	vst v63  }
0x214: {  	s14 =	simm.s32 $0x3900  }
0x215: {  	[tilespmem:s14], [sflag:$0x1] =	stream.indirect_vreg.gather [hbm4b:s8+s0], $0x80, v3, vm0, $0xb8;
	[tilespmem:$0x10100] =	vst v63  }
0x216: {  	v3 =	vld [tilespmem:$0xE0];
	_ =	sdelay $0x4  }
0x217: {  	v4 =	vshll.u32 v3, $0x3  }
0x218: {  	v3 =	vand.u32 $0x7, v3;
	v4 =	vand.u32 $0xFFFFFFC0, v4  }
0x219: {  	v3 =	vor.u32 v3, v4  }
0x21a: {  	v4 =	vperm.xlane v3, v0;
	_ =	sdelay $0x1  }
0x21b: {  	v4 =	vadd.s32 v1, v4;
	_ =	sdelay $0x3  }
0x21c: {  	s15 =	simm.s32 $0x4100  }
0x21d: {  	[tilespmem:s15], [sflag:$0x1] =	stream.indirect_vreg.gather [hbm4b:s3+s0], $0x80, v4, vm0, $0xb8;
	[tilespmem:$0x10100] =	vst v63  }
0x21e: {  	s19 =	simm.s32 $0x4900;
	v3 =	vperm.xlane v3, v2  }
0x21f: {  	[tilespmem:s19], [sflag:$0x1] =	stream.indirect_vreg.gather [hbm4b:s6+s0], $0x80, v4, vm0, $0xb8;
	[tilespmem:$0x10100] =	vst v63  }
0x220: {  	s4 =	simm.s32 $0x5100;
	v3 =	vadd.s32 v1, v3  }
0x221: {  	[tilespmem:s4], [sflag:$0x1] =	stream.indirect_vreg.gather [hbm4b:s7+s0], $0x80, v4, vm0, $0xb8;
	[tilespmem:$0x10100] =	vst v63  }
0x222: {  	s5 =	simm.s32 $0x5900  }
0x223: {  	[tilespmem:s5], [sflag:$0x1] =	stream.indirect_vreg.gather [hbm4b:s8+s0], $0x80, v4, vm0, $0xb8;
	[tilespmem:$0x10100] =	vst v63  }
0x224: {  	s12 =	simm.s32 $0x6100  }
0x225: {  	[tilespmem:s12], [sflag:$0x1] =	stream.indirect_vreg.gather [hbm4b:s3+s0], $0x80, v3, vm0, $0xb8;
	[tilespmem:$0x10100] =	vst v63  }
0x226: {  	s13 =	simm.s32 $0x6900  }
0x227: {  	[tilespmem:s13], [sflag:$0x1] =	stream.indirect_vreg.gather [hbm4b:s6+s0], $0x80, v3, vm0, $0xb8;
	[tilespmem:$0x10100] =	vst v63  }
0x228: {  	s14 =	simm.s32 $0x7100  }
0x229: {  	[tilespmem:s14], [sflag:$0x1] =	stream.indirect_vreg.gather [hbm4b:s7+s0], $0x80, v3, vm0, $0xb8;
	[tilespmem:$0x10100] =	vst v63  }
0x22a: {  	s15 =	simm.s32 $0x7900  }
0x22b: {  	[tilespmem:s15], [sflag:$0x1] =	stream.indirect_vreg.gather [hbm4b:s8+s0], $0x80, v3, vm0, $0xb8;
	[tilespmem:$0x10100] =	vst v63  }
0x22c: {  	s19 =	sand.u32 $0x40, s0;
	s4 =	simm.s32 $0x0;
	s0 =	sand.u32 $0x1C00, s0  }
0x22d: {  	s4 =	sand.u32 $0x2000, s4;
	s5 =	simm.s32 $0x0;
	s0 =	sor.u32 s19, s0  }
0x22e: {  	s12 =	sand.u32 $0x380, s5;
	s0 =	sor.u32 s4, s0  }
0x22f: {  	s1 =	sor.u32 s12, s0  }
0x230: {  	v4 =	vld [tilespmem:s1+$0xC130]  }
0x231: {  	v5 =	vld [tilespmem:s1+$0xC120]  }
0x232: {  	v6 =	vld [tilespmem:s1+$0x8130]  }
0x233: {  	s13 =	simm.s32 $0x40;
	s14 =	simm.s32 $0x200;
	v9 =	vld [tilespmem:s1+$0xC100]  }
0x234: {  	s15 =	simm.s32 $0x40;
	s4 =	sand.u32 $0x1C00, s14;
	s0 =	sand.u32 $0x40, s13;
	v3 =	vld [tilespmem:s1+$0xC110]  }
0x235: {  	s5 =	sand.u32 $0x2000, s15;
	s12 =	simm.s32 $0x8;
	s0 =	sor.u32 s0, s4;
	v10 =	vld [tilespmem:s1+$0x8120]  }
0x236: {  	s19 =	sand.u32 $0x380, s12;
	v11 =	vld [tilespmem:s1+$0x8100];
	s0 =	sor.u32 s5, s0  }
0x237: {  	v8 =	vld [tilespmem:s1+$0x8110];
	s0 =	sor.u32 s19, s0;
	v7 =	vadd.f32 v4, v6  }
0x238: {  	v4 =	vld [tilespmem:s0+$0xC130]  }
0x239: {  	v6 =	vld [tilespmem:s0+$0xC120];
	[tilespmem:s1+$0x8130] =	vst v7  }
0x23a: {  	v7 =	vld [tilespmem:s0+$0x8130]  }
0x23b: {  	s4 =	simm.s32 $0x400;
	s5 =	simm.s32 $0x2;
	s19 =	simm.s32 $0x80;
	v10 =	vadd.f32 v5, v10;
	v9 =	vadd.f32 v9, v11;
	v5 =	vld [tilespmem:s0+$0xC100]  }
.LBB2_12:
0x23c: {  	s12 =	sand.u32 $0x40, s19;
	s13 =	sshll.u32 s5, $0x6  }
0x23d: {  	s14 =	sand.u32 $0x1C00, s4;
	v8 =	vadd.f32 v3, v8;
	v3 =	vld [tilespmem:s0+$0xC110];
	[tilespmem:s1+$0x8120] =	vst v10;
	s15 =	smov.u32 s5;
	p0 =	sne.s32 s5, $0xFF  }
0x23e: {  	s13 =	sand.u32 $0x2000, s13;
	s15 =	sshll.u32 s5, $0x3;
	s12 =	sor.u32 s12, s14;
	v10 =	vld [tilespmem:s0+$0x8120];
	[tilespmem:s1+$0x8100] =	vst v9  }
0x23f: {  	s14 =	sand.u32 $0x380, s15;
	s12 =	sor.u32 s13, s12;
	s13 =	sadd.s32 $0x1, s5;
	v9 =	vld [tilespmem:s0+$0x8100];
	[tilespmem:s1+$0x8110] =	vst v8;
	v11 =	vmov v6  }
.Ltmp5:
0x240: {  	s12 =	sor.u32 s14, s12;
	v8 =	vld [tilespmem:s0+$0x8110];
	v7 =	vadd.f32 v4, v7;
	(pc) =	sbr.rel @p0 .LBB2_12-.Ltmp5, $4  }
0x241: {  	s1 =	smov.u32 s0;
	v4 =	vld [tilespmem:s12+$0xC130];
	s0 =	smov.u32 s12  }
0x242: {  	v6 =	vld [tilespmem:s0+$0xC120];
	[tilespmem:s1+$0x8130] =	vst v7  }
0x243: {  	v7 =	vld [tilespmem:s0+$0x8130];
	v10 =	vadd.f32 v11, v10  }
0x244: {  	s19 =	sadd.s32 $0x40, s19;
	s4 =	sadd.s32 $0x200, s4;
	s5 =	smov.u32 s13;
	v9 =	vadd.f32 v5, v9;
	v5 =	vld [tilespmem:s0+$0xC100]  }
0x245: {  	v11 =	vld [tilespmem:s0+$0xC110];
	[tilespmem:s1+$0x8120] =	vst v10;
	v3 =	vadd.f32 v3, v8  }
0x246: {  	v10 =	vld [tilespmem:s0+$0x8120];
	[tilespmem:s1+$0x8100] =	vst v9  }
0x247: {  	v8 =	vld [tilespmem:s0+$0x8100];
	[tilespmem:s1+$0x8110] =	vst v3  }
0x248: {  	v3 =	vld [tilespmem:s0+$0x8110];
	_ =	sdelay $0x1  }
0x249: {  	v4 =	vadd.f32 v4, v7  }
0x24a: {  	v6 =	vadd.f32 v6, v10  }
0x24b: {  	[tilespmem:s0+$0x8130] =	vst v4;
	v4 =	vadd.f32 v5, v8  }
0x24c: {  	v3 =	vadd.f32 v11, v3;
	[tilespmem:s0+$0x8120] =	vst v6  }
0x24d: {  	[tilespmem:s0+$0x8100] =	vst v4  }
0x24e: {  	s5 =	rddreg [dreg:$0xa];
	[tilespmem:s0+$0x8110] =	vst v3;
	s0 =	simm.s32 $0x0  }
0x24f: {  	[hbm4b:s5+s0] =	stream.linear.scatter [tilespmem:s11], [sflag:$0x2], $0x4000, $0x38;
	[tilespmem:$0x10100] =	vst v63  }
0x250: {  	_ =	swait.ge [sflag:s10], $0x4000  }
0x251: {  	[sflag:s10] =	ssyncset.done $0x0  }
0x252: {  	[sflag:s10] =	ssyncadd.s32 $0xFFFFC000  }
0x253: {  	_ =	swait.ge [sflag:s10], $0x4000  }
0x254: {  	[sflag:s10] =	ssyncset.done $0x0  }
0x255: {  	[sflag:s10] =	ssyncadd.s32 $0xFFFFC000  }
0x256: {  	_ =	swait.ge [sflag:s30], $0x4000  }
0x257: {  	[sflag:s30] =	ssyncset.done $0x0  }
0x258: {  	[sflag:s30] =	ssyncadd.s32 $0xFFFFC000  }
0x259: {  	v3 =	vld [tilespmem:$0x70];
	_ =	sdelay $0x4  }
0x25a: {  	v4 =	vshll.u32 v3, $0x3  }
0x25b: {  	v3 =	vand.u32 $0x7, v3;
	v4 =	vand.u32 $0xFFFFFFC0, v4  }
0x25c: {  	v3 =	vor.u32 v3, v4  }
0x25d: {  	v4 =	vperm.xlane v3, v0;
	_ =	sdelay $0x1  }
0x25e: {  	v4 =	vadd.s32 v1, v4;
	_ =	sdelay $0x4  }
0x25f: {  	[tilespmem:s11], [sflag:$0x1] =	stream.indirect_vreg.gather [hbm4b:s3+s0], $0x80, v4, vm0, $0xb8;
	[tilespmem:$0x10100] =	vst v63  }
0x260: {  	s12 =	simm.s32 $0x8900;
	v3 =	vperm.xlane v3, v2  }
0x261: {  	[tilespmem:s12], [sflag:$0x1] =	stream.indirect_vreg.gather [hbm4b:s6+s0], $0x80, v4, vm0, $0xb8;
	[tilespmem:$0x10100] =	vst v63  }
0x262: {  	s13 =	simm.s32 $0x9100;
	v3 =	vadd.s32 v1, v3  }
0x263: {  	[tilespmem:s13], [sflag:$0x1] =	stream.indirect_vreg.gather [hbm4b:s7+s0], $0x80, v4, vm0, $0xb8;
	[tilespmem:$0x10100] =	vst v63  }
0x264: {  	s14 =	simm.s32 $0x9900  }
0x265: {  	[tilespmem:s14], [sflag:$0x1] =	stream.indirect_vreg.gather [hbm4b:s8+s0], $0x80, v4, vm0, $0xb8;
	[tilespmem:$0x10100] =	vst v63  }
0x266: {  	s15 =	simm.s32 $0xA100  }
0x267: {  	[tilespmem:s15], [sflag:$0x1] =	stream.indirect_vreg.gather [hbm4b:s3+s0], $0x80, v3, vm0, $0xb8;
	[tilespmem:$0x10100] =	vst v63  }
0x268: {  	_ = 	snop  }
0x269: {  	[tilespmem:s16], [sflag:$0x1] =	stream.indirect_vreg.gather [hbm4b:s6+s0], $0x80, v3, vm0, $0xb8;
	[tilespmem:$0x10100] =	vst v63  }
0x26a: {  	_ = 	snop  }
0x26b: {  	[tilespmem:s17], [sflag:$0x1] =	stream.indirect_vreg.gather [hbm4b:s7+s0], $0x80, v3, vm0, $0xb8;
	[tilespmem:$0x10100] =	vst v63  }
0x26c: {  	_ = 	snop  }
0x26d: {  	[tilespmem:s9], [sflag:$0x1] =	stream.indirect_vreg.gather [hbm4b:s8+s0], $0x80, v3, vm0, $0xb8;
	[tilespmem:$0x10100] =	vst v63  }
0x26e: {  	v3 =	vld [tilespmem:$0xF0];
	_ =	sdelay $0x4  }
0x26f: {  	v4 =	vshll.u32 v3, $0x3  }
0x270: {  	v3 =	vand.u32 $0x7, v3;
	v4 =	vand.u32 $0xFFFFFFC0, v4  }
0x271: {  	v3 =	vor.u32 v3, v4  }
0x272: {  	v4 =	vperm.xlane v3, v0;
	_ =	sdelay $0x1  }
0x273: {  	v4 =	vadd.s32 v1, v4;
	_ =	sdelay $0x4  }
0x274: {  	[tilespmem:s21], [sflag:$0x1] =	stream.indirect_vreg.gather [hbm4b:s3+s0], $0x80, v4, vm0, $0xb8;
	[tilespmem:$0x10100] =	vst v63  }
0x275: {  	v3 =	vperm.xlane v3, v2  }
0x276: {  	[tilespmem:s22], [sflag:$0x1] =	stream.indirect_vreg.gather [hbm4b:s6+s0], $0x80, v4, vm0, $0xb8;
	[tilespmem:$0x10100] =	vst v63  }
0x277: {  	v3 =	vadd.s32 v1, v3  }
0x278: {  	[tilespmem:s23], [sflag:$0x1] =	stream.indirect_vreg.gather [hbm4b:s7+s0], $0x80, v4, vm0, $0xb8;
	[tilespmem:$0x10100] =	vst v63  }
0x279: {  	_ = 	snop  }
0x27a: {  	[tilespmem:s24], [sflag:$0x1] =	stream.indirect_vreg.gather [hbm4b:s8+s0], $0x80, v4, vm0, $0xb8;
	[tilespmem:$0x10100] =	vst v63  }
0x27b: {  	_ = 	snop  }
0x27c: {  	[tilespmem:s25], [sflag:$0x1] =	stream.indirect_vreg.gather [hbm4b:s3+s0], $0x80, v3, vm0, $0xb8;
	[tilespmem:$0x10100] =	vst v63  }
0x27d: {  	_ = 	snop  }
0x27e: {  	[tilespmem:s26], [sflag:$0x1] =	stream.indirect_vreg.gather [hbm4b:s6+s0], $0x80, v3, vm0, $0xb8;
	[tilespmem:$0x10100] =	vst v63  }
0x27f: {  	_ = 	snop  }
0x280: {  	[tilespmem:s28], [sflag:$0x1] =	stream.indirect_vreg.gather [hbm4b:s7+s0], $0x80, v3, vm0, $0xb8;
	[tilespmem:$0x10100] =	vst v63  }
0x281: {  	_ = 	snop  }
0x282: {  	[tilespmem:s29], [sflag:$0x1] =	stream.indirect_vreg.gather [hbm4b:s8+s0], $0x80, v3, vm0, $0xb8;
	[tilespmem:$0x10100] =	vst v63  }
0x283: {  	s4 =	simm.s32 $0x0;
	s19 =	sand.u32 $0x40, s0;
	s0 =	sand.u32 $0x1C00, s0  }
0x284: {  	s4 =	sand.u32 $0x2000, s4;
	s5 =	simm.s32 $0x0;
	s0 =	sor.u32 s19, s0  }
0x285: {  	s12 =	sand.u32 $0x380, s5;
	s0 =	sor.u32 s4, s0  }
0x286: {  	s1 =	sor.u32 s12, s0  }
0x287: {  	v4 =	vld [tilespmem:s1+$0x4130]  }
0x288: {  	v5 =	vld [tilespmem:s1+$0x4120]  }
0x289: {  	v6 =	vld [tilespmem:s1+$0x130]  }
0x28a: {  	s13 =	simm.s32 $0x40;
	s14 =	simm.s32 $0x200;
	v9 =	vld [tilespmem:s1+$0x4100]  }
0x28b: {  	s15 =	simm.s32 $0x40;
	s4 =	sand.u32 $0x1C00, s14;
	s0 =	sand.u32 $0x40, s13;
	v3 =	vld [tilespmem:s1+$0x4110]  }
0x28c: {  	s5 =	sand.u32 $0x2000, s15;
	s12 =	simm.s32 $0x8;
	s0 =	sor.u32 s0, s4;
	v10 =	vld [tilespmem:s1+$0x120]  }
0x28d: {  	s19 =	sand.u32 $0x380, s12;
	v11 =	vld [tilespmem:s1+$0x100];
	s0 =	sor.u32 s5, s0  }
0x28e: {  	v8 =	vld [tilespmem:s1+$0x110];
	s0 =	sor.u32 s19, s0;
	v7 =	vadd.f32 v4, v6  }
0x28f: {  	v4 =	vld [tilespmem:s0+$0x4130]  }
0x290: {  	v6 =	vld [tilespmem:s0+$0x4120];
	[tilespmem:s1+$0x130] =	vst v7  }
0x291: {  	v7 =	vld [tilespmem:s0+$0x130]  }
0x292: {  	s4 =	simm.s32 $0x400;
	s5 =	simm.s32 $0x2;
	s19 =	simm.s32 $0x80;
	v10 =	vadd.f32 v5, v10;
	v9 =	vadd.f32 v9, v11;
	v5 =	vld [tilespmem:s0+$0x4100]  }
.LBB2_14:
0x293: {  	s12 =	sand.u32 $0x40, s19;
	s13 =	sshll.u32 s5, $0x6  }
0x294: {  	s14 =	sand.u32 $0x1C00, s4;
	v8 =	vadd.f32 v3, v8;
	v3 =	vld [tilespmem:s0+$0x4110];
	[tilespmem:s1+$0x120] =	vst v10;
	s15 =	smov.u32 s5;
	p0 =	sne.s32 s5, $0xFF  }
0x295: {  	s13 =	sand.u32 $0x2000, s13;
	s15 =	sshll.u32 s5, $0x3;
	s12 =	sor.u32 s12, s14;
	v10 =	vld [tilespmem:s0+$0x120];
	[tilespmem:s1+$0x100] =	vst v9  }
0x296: {  	s14 =	sand.u32 $0x380, s15;
	s12 =	sor.u32 s13, s12;
	s13 =	sadd.s32 $0x1, s5;
	v9 =	vld [tilespmem:s0+$0x100];
	[tilespmem:s1+$0x110] =	vst v8;
	v11 =	vmov v6  }
.Ltmp6:
0x297: {  	s12 =	sor.u32 s14, s12;
	v8 =	vld [tilespmem:s0+$0x110];
	v7 =	vadd.f32 v4, v7;
	(pc) =	sbr.rel @p0 .LBB2_14-.Ltmp6, $4  }
0x298: {  	s1 =	smov.u32 s0;
	v4 =	vld [tilespmem:s12+$0x4130];
	s0 =	smov.u32 s12  }
0x299: {  	v6 =	vld [tilespmem:s0+$0x4120];
	[tilespmem:s1+$0x130] =	vst v7  }
0x29a: {  	v7 =	vld [tilespmem:s0+$0x130];
	v10 =	vadd.f32 v11, v10  }
0x29b: {  	s19 =	sadd.s32 $0x40, s19;
	s4 =	sadd.s32 $0x200, s4;
	s5 =	smov.u32 s13;
	v9 =	vadd.f32 v5, v9;
	v5 =	vld [tilespmem:s0+$0x4100]  }
0x29c: {  	v11 =	vld [tilespmem:s0+$0x4110];
	[tilespmem:s1+$0x120] =	vst v10;
	v3 =	vadd.f32 v3, v8  }
0x29d: {  	v10 =	vld [tilespmem:s0+$0x120];
	[tilespmem:s1+$0x100] =	vst v9  }
0x29e: {  	v8 =	vld [tilespmem:s0+$0x100];
	[tilespmem:s1+$0x110] =	vst v3  }
0x29f: {  	v3 =	vld [tilespmem:s0+$0x110];
	_ =	sdelay $0x1  }
0x2a0: {  	v4 =	vadd.f32 v4, v7  }
0x2a1: {  	v6 =	vadd.f32 v6, v10  }
0x2a2: {  	[tilespmem:s0+$0x130] =	vst v4;
	v4 =	vadd.f32 v5, v8  }
0x2a3: {  	v3 =	vadd.f32 v11, v3;
	[tilespmem:s0+$0x120] =	vst v6  }
0x2a4: {  	[tilespmem:s0+$0x100] =	vst v4  }
0x2a5: {  	s14 =	simm.s32 $0x0;
	s15 =	rddreg [dreg:$0xb];
	[tilespmem:s0+$0x110] =	vst v3  }
0x2a6: {  	[hbm4b:s15+s14] =	stream.linear.scatter [tilespmem:s20], [sflag:$0x2], $0x4000, $0x38;
	[tilespmem:$0x10100] =	vst v63  }
0x2a7: {  	_ =	swait.ge [sflag:s10], $0x4000  }
0x2a8: {  	[sflag:s10] =	ssyncset.done $0x0  }
0x2a9: {  	[sflag:s10] =	ssyncadd.s32 $0xFFFFC000  }
0x2aa: {  	_ =	swait.ge [sflag:s10], $0x4000  }
0x2ab: {  	s4 =	simm.s32 $0x0;
	s5 =	simm.s32 $0x0;
	[sflag:s10] =	ssyncset.done $0x0  }
0x2ac: {  	s19 =	sand.u32 $0x40, s14;
	s0 =	sand.u32 $0x1C00, s14;
	[sflag:s10] =	ssyncadd.s32 $0xFFFFC000  }
0x2ad: {  	s4 =	sand.u32 $0x2000, s4;
	s0 =	sor.u32 s19, s0;
	_ =	swait.ge [sflag:s30], $0x4000  }
0x2ae: {  	s12 =	sand.u32 $0x380, s5;
	s0 =	sor.u32 s4, s0;
	[sflag:s30] =	ssyncset.done $0x0  }
0x2af: {  	s1 =	sor.u32 s12, s0;
	[sflag:s30] =	ssyncadd.s32 $0xFFFFC000  }
0x2b0: {  	v4 =	vld [tilespmem:s1+$0xC130]  }
0x2b1: {  	v5 =	vld [tilespmem:s1+$0xC120]  }
0x2b2: {  	v6 =	vld [tilespmem:s1+$0x8130]  }
0x2b3: {  	s13 =	simm.s32 $0x40;
	s14 =	simm.s32 $0x200;
	v9 =	vld [tilespmem:s1+$0xC100]  }
0x2b4: {  	s15 =	simm.s32 $0x40;
	s4 =	sand.u32 $0x1C00, s14;
	s0 =	sand.u32 $0x40, s13;
	v3 =	vld [tilespmem:s1+$0xC110]  }
0x2b5: {  	s5 =	sand.u32 $0x2000, s15;
	s12 =	simm.s32 $0x8;
	s0 =	sor.u32 s0, s4;
	v10 =	vld [tilespmem:s1+$0x8120]  }
0x2b6: {  	s19 =	sand.u32 $0x380, s12;
	s0 =	sor.u32 s5, s0;
	v11 =	vld [tilespmem:s1+$0x8100]  }
0x2b7: {  	s0 =	sor.u32 s19, s0;
	v8 =	vld [tilespmem:s1+$0x8110];
	v7 =	vadd.f32 v4, v6  }
0x2b8: {  	v4 =	vld [tilespmem:s0+$0xC130]  }
0x2b9: {  	v6 =	vld [tilespmem:s0+$0xC120];
	[tilespmem:s1+$0x8130] =	vst v7  }
0x2ba: {  	v7 =	vld [tilespmem:s0+$0x8130]  }
0x2bb: {  	s4 =	simm.s32 $0x400;
	s5 =	simm.s32 $0x2;
	s19 =	simm.s32 $0x80;
	v10 =	vadd.f32 v5, v10;
	v9 =	vadd.f32 v9, v11;
	v5 =	vld [tilespmem:s0+$0xC100]  }
.LBB2_16:
0x2bc: {  	s12 =	sand.u32 $0x40, s19;
	s13 =	sshll.u32 s5, $0x6  }
0x2bd: {  	s14 =	sand.u32 $0x1C00, s4;
	v8 =	vadd.f32 v3, v8;
	v3 =	vld [tilespmem:s0+$0xC110];
	[tilespmem:s1+$0x8120] =	vst v10;
	s15 =	smov.u32 s5;
	p0 =	sne.s32 s5, $0xFF  }
0x2be: {  	s13 =	sand.u32 $0x2000, s13;
	s15 =	sshll.u32 s5, $0x3;
	s12 =	sor.u32 s12, s14;
	v10 =	vld [tilespmem:s0+$0x8120];
	[tilespmem:s1+$0x8100] =	vst v9  }
0x2bf: {  	s14 =	sand.u32 $0x380, s15;
	s12 =	sor.u32 s13, s12;
	s13 =	sadd.s32 $0x1, s5;
	v9 =	vld [tilespmem:s0+$0x8100];
	[tilespmem:s1+$0x8110] =	vst v8;
	v11 =	vmov v6  }
.Ltmp7:
0x2c0: {  	s12 =	sor.u32 s14, s12;
	v8 =	vld [tilespmem:s0+$0x8110];
	v7 =	vadd.f32 v4, v7;
	(pc) =	sbr.rel @p0 .LBB2_16-.Ltmp7, $4  }
0x2c1: {  	s1 =	smov.u32 s0;
	v4 =	vld [tilespmem:s12+$0xC130];
	s0 =	smov.u32 s12  }
0x2c2: {  	v6 =	vld [tilespmem:s0+$0xC120];
	[tilespmem:s1+$0x8130] =	vst v7  }
0x2c3: {  	v7 =	vld [tilespmem:s0+$0x8130];
	v10 =	vadd.f32 v11, v10  }
0x2c4: {  	s19 =	sadd.s32 $0x40, s19;
	s4 =	sadd.s32 $0x200, s4;
	s5 =	smov.u32 s13;
	v9 =	vadd.f32 v5, v9;
	v5 =	vld [tilespmem:s0+$0xC100]  }
0x2c5: {  	v11 =	vld [tilespmem:s0+$0xC110];
	[tilespmem:s1+$0x8120] =	vst v10;
	v3 =	vadd.f32 v3, v8  }
0x2c6: {  	v10 =	vld [tilespmem:s0+$0x8120];
	[tilespmem:s1+$0x8100] =	vst v9  }
0x2c7: {  	v62 =	vld [tilespmem:s0+$0x8100];
	[tilespmem:s1+$0x8110] =	vst v3  }
0x2c8: {  	v3 =	vld [tilespmem:s0+$0x8110];
	_ =	sdelay $0x1  }
0x2c9: {  	v4 =	vadd.f32 v4, v7  }
0x2ca: {  	v6 =	vadd.f32 v6, v10  }
0x2cb: {  	[tilespmem:s0+$0x8130] =	vst v4;
	v63 =	vadd.f32 v5, v62  }
0x2cc: {  	v3 =	vadd.f32 v11, v3;
	[tilespmem:s0+$0x8120] =	vst v6  }
0x2cd: {  	[tilespmem:s0+$0x8100] =	vst v63  }
0x2ce: {  	s15 =	rddreg [dreg:$0xc];
	[tilespmem:s0+$0x8110] =	vst v3  }
0x2cf: {  	[hbm4b:s15+s2] =	stream.linear.scatter [tilespmem:s11], [sflag:$0x2], $0x4000, $0x38;
	[tilespmem:$0x10100] =	vst v63  }
0x2d0: {  	_ =	swait.ge [sflag:s30], $0x4000  }
0x2d1: {  	s31 =	sadd.s32 $0x1, s31;
	s19 =	rddreg [dreg:$0xd]  }
0x2d2: {  	p0 =	sne.s32 s31, s19  }
.Ltmp8:
0x2d3: {  	_ = 	snop;
	(pc) =	sbr.rel @p0 .LBB2_1-.Ltmp8, $3  }
0x2d4: {  	_ =	sdelay $0x1  }
0x2d5: {  	[sflag:s30] =	ssyncset.done $0x0  }
0x2d6: {  	[sflag:s30] =	ssyncadd.s32 $0xFFFFC000  }
0x2d7: {  	_ =	sfence.sel $0x180000  }
0x2d8: {  	[bflag:$0x0] =	sbarrier.arrive $0xFFFF  }
0x2d9: {  	_ =	strace $0x9000004D  }
0x2da: {  	s0 =	stileid.u32;
	[bflag:$0x2] =	sbarrier.arrive $0xFFFF  }
0x2db: {  	p0 =	sne.s32 s0, $0x0;
	s0 =	rddreg [dreg:$0x2]  }
0x2dc: {  	s0 =	sadd.s32 @!p0 $0x100000, s0  }
0x2dd: {  	[sflag:s0] =	ssyncadd.tile.s32 @!p0 $0x1;
	_ =	shalt  }
.Lfunc_end2:
_tile_overlayer_lowered:
.L_overlay_start_2:
0x2de: {  	(tag) =	ssettag $0x2  }
0x2df: {  	s0 =	rddreg [dreg:$0x0];
	s2 =	stileid.u32  }
0x2e0: {  	s1 =	rddreg [dreg:$0x1];
	p0 =	sne.s32 s2, $0x0  }
0x2e1: {  	s3 =	rddreg [dreg:$0x2];
	[bflag:$0x3] =	sbarrier.arrive $0xFFFF;
	s2 =	simm.s32 @!p0 $0x1C03  }
0x2e2: {  	[timem:s3], [sflag:s2] =	dma.local @!p0 [hbm:s0], s1  }
0x2e3: {  	s0 =	simm.s32 @!p0 $0x3  }
0x2e4: {  	_ =	swait.ge @!p0 [sflag:s0], s1  }
0x2e5: {  	s1 =	ssub.s32 @!p0 $0x0, s1;
	[sflag:s0] =	ssyncset.done @!p0 $0x0  }
0x2e6: {  	[sflag:s0] =	ssyncadd.s32 @!p0 s1  }
0x2e7: {  	[bflag:$0x3] =	sbarrier.arrive $0xFFFF  }
0x2e8: {  	_ =	shalt  }

// kernel: kernel.8.cloned.1.call-start
scs
__scs_entry_jumppad:
0x0: {  	(pc) =	sbr.rel $0x88, $3  }
0x1: {  	(tag) =	ssettag $0x0;
	lr =	simm.s32 $0x1  }
0x2: {  	[smem:$0x3F9C] =	sst lr;
	_ =	strace $0xD0000000  }
0x3: {  	_ = 	snop  }
0x4: {  	_ = 	snop  }
0x5: {  	_ = 	snop  }
0x6: {  	_ = 	snop  }
0x7: {  	_ = 	snop  }
__scs_overlays_trampoline_lowered:
0x8: {  	[smem:$0x3FAB] =	sst s0  }
0x9: {  	[smem:$0x3FAC] =	sst s1  }
0xa: {  	[smem:$0x3FAD] =	sst s2  }
0xb: {  	[smem:$0x3FAE] =	sst s3  }
0xc: {  	[smem:$0x3FAF] =	sst s4  }
0xd: {  	[smem:$0x3FB0] =	sst s5  }
0xe: {  	[smem:$0x3FB1] =	sst s6  }
0xf: {  	[smem:$0x3FB2] =	sst s7  }
0x10: {  	[smem:$0x3FB3] =	sst s8  }
0x11: {  	[smem:$0x3FB4] =	sst s9;
	s0 =	simm.s32 @!p0 $0x0  }
0x12: {  	s1 =	sld [smem:$0x3F9A];
	s0 =	simm.s32 @p0 $0x1  }
0x13: {  	[smem:$0x3FB5] =	sst s0;
	s0 =	simm.s32 @!p1 $0x0  }
0x14: {  	s2 =	sld [smem:$0x3F99];
	s0 =	simm.s32 @p1 $0x1  }
0x15: {  	[smem:$0x3FB6] =	sst s0;
	s0 =	simm.s32 @!p2 $0x0  }
0x16: {  	s3 =	sld [smem:$0x3FDB];
	s0 =	simm.s32 @p2 $0x1  }
0x17: {  	s4 =	simm.s32 $0x1BF5;
	[smem:$0x3FB8] =	sst s0  }
0x18: {  	s0 =	sld [smem:$0x3F9B];
	_ =	swait.ge [sflag:s4], $0x0  }
0x19: {  	s7 =	sld [smem:$0x3F9C]  }
0x1a: {  	s8 =	sadd.s32 $0xFFFFE003, lr  }
0x1b: {  	s9 =	sadd.s32 $0xFFFFFEF7, lr;
	s5 =	simm.s32 $0xFFFFFFFF;
	p2 =	slt.u32 s8, $0xFFFFF086  }
0x1c: {  	p1 =	slt.u32 s9, $0xF7A;
	s5 =	simm.s32 @!p2 $0x0  }
0x1d: {  	s5 =	simm.s32 @p1 $0x1;
	p0 =	seq.s32 s7, s2  }
0x1e: {  	s7 =	smul.u32 @!p0 $0xF7A, s2;
	p2 =	seq.s32 @!p0 s5, $0x0  }
0x1f: {  	s9 =	smul.u32 $0xF7A, s1;
	s8 =	simm.s32 @!p0 $0x1BF5;
	p2 =	por !p2, p0  }
0x20: {  	[sflag:s8] =	ssyncset.s32 @!p0 $0xFFFFF086;
	s6 =	sadd.s32 @!p0 s3, s7;
	s7 =	simm.s32 @!p0 $0x108  }
0x21: {  	s3 =	sadd.s32 s3, s9;
	s6 =	sadd.s32 @!p0 $0x88, s6;
	s7 =	simm.s32 @p2 $0x1082  }
0x22: {  	[simem:s7], [sflag:s8] =	dma.local @!p0 [hbm:s6], $0xF7A  }
0x23: {  	s9 =	sor.u32 $0xD0000000, s2;
	s6 =	simm.s32 $0x108;
	_ =	swait.ge @!p0 [sflag:s8], $0x0  }
0x24: {  	s3 =	sadd.s32 $0x88, s3;
	s6 =	simm.s32 @!p1 $0x1082;
	[sflag:s4] =	ssyncset.s32 $0xFFFFF086  }
0x25: {  	[simem:s6], [sflag:s4] =	dma.local [hbm:s3], $0xF7A  }
0x26: {  	[smem:$0x3F9C] =	sst s1;
	(tag) =	ssettag s2;
	_ =	strace s9  }
0x27: {  	s1 =	sld [smem:$0x3FAC]  }
0x28: {  	s2 =	sld [smem:$0x3FAD]  }
0x29: {  	s4 =	sld [smem:$0x3FAF]  }
0x2a: {  	p0 =	seq.s32 s5, $0x0;
	s5 =	sld [smem:$0x3FB0]  }
0x2b: {  	s6 =	sld [smem:$0x3FB1]  }
0x2c: {  	s7 =	sld [smem:$0x3FB2]  }
0x2d: {  	s3 =	simm.s32 $0x108;
	s8 =	sld [smem:$0x3FB3]  }
0x2e: {  	s3 =	simm.s32 @!p0 $0x1082;
	s9 =	sld [smem:$0x3FB4]  }
0x2f: {  	lr =	sadd.s32 s0, s3;
	s0 =	sld [smem:$0x3FAB]  }
0x30: {  	s3 =	sld [smem:$0x3FAE]  }
0x31: {  	[smem:$0x3FB7] =	sst s10  }
0x32: {  	s10 =	sld [smem:$0x3FB5];
	_ =	sdelay $0x3  }
0x33: {  	p0 =	seq.s32 s10, $0x1;
	s10 =	sld [smem:$0x3FB7];
	_ =	sdelay $0x3  }
0x34: {  	[smem:$0x3FB7] =	sst s10  }
0x35: {  	s10 =	sld [smem:$0x3FB6];
	_ =	sdelay $0x3  }
0x36: {  	p1 =	seq.s32 s10, $0x1;
	s10 =	sld [smem:$0x3FB7];
	_ =	sdelay $0x3  }
0x37: {  	[smem:$0x3FB7] =	sst s10  }
0x38: {  	s10 =	sld [smem:$0x3FB8]  }
0x39: {  	_ = 	snop;
	(pc) =	sbr.ind lr, $3  }
0x3a: {  	_ = 	snop  }
0x3b: {  	_ = 	snop  }
0x3c: {  	p2 =	seq.s32 s10, $0x1;
	s10 =	sld [smem:$0x3FB7]  }
0x3d: {  	_ =	shalt  }
0x3e: {  	_ =	shalt  }
0x3f: {  	_ =	shalt  }
0x40: {  	_ =	shalt  }
0x41: {  	_ =	shalt  }
0x42: {  	_ =	shalt  }
0x43: {  	_ =	shalt  }
0x44: {  	_ =	shalt  }
0x45: {  	_ =	shalt  }
0x46: {  	_ =	shalt  }
0x47: {  	_ =	shalt  }
0x48: {  	_ =	shalt  }
0x49: {  	_ =	shalt  }
0x4a: {  	_ =	shalt  }
0x4b: {  	_ =	shalt  }
0x4c: {  	_ =	shalt  }
0x4d: {  	_ =	shalt  }
0x4e: {  	_ =	shalt  }
0x4f: {  	_ =	shalt  }
0x50: {  	_ =	shalt  }
0x51: {  	_ =	shalt  }
0x52: {  	_ =	shalt  }
0x53: {  	_ =	shalt  }
0x54: {  	_ =	shalt  }
0x55: {  	_ =	shalt  }
0x56: {  	_ =	shalt  }
0x57: {  	_ =	shalt  }
0x58: {  	_ =	shalt  }
0x59: {  	_ =	shalt  }
0x5a: {  	_ =	shalt  }
0x5b: {  	_ =	shalt  }
0x5c: {  	_ =	shalt  }
0x5d: {  	_ =	shalt  }
0x5e: {  	_ =	shalt  }
0x5f: {  	_ =	shalt  }
0x60: {  	_ =	shalt  }
0x61: {  	_ =	shalt  }
0x62: {  	_ =	shalt  }
0x63: {  	_ =	shalt  }
0x64: {  	_ =	shalt  }
0x65: {  	_ =	shalt  }
0x66: {  	_ =	shalt  }
0x67: {  	_ =	shalt  }
0x68: {  	_ =	shalt  }
0x69: {  	_ =	shalt  }
0x6a: {  	_ =	shalt  }
0x6b: {  	_ =	shalt  }
0x6c: {  	_ =	shalt  }
0x6d: {  	_ =	shalt  }
0x6e: {  	_ =	shalt  }
0x6f: {  	_ =	shalt  }
0x70: {  	_ =	shalt  }
0x71: {  	_ =	shalt  }
0x72: {  	_ =	shalt  }
0x73: {  	_ =	shalt  }
0x74: {  	_ =	shalt  }
0x75: {  	_ =	shalt  }
0x76: {  	_ =	shalt  }
0x77: {  	_ =	shalt  }
0x78: {  	_ =	shalt  }
0x79: {  	_ =	shalt  }
0x7a: {  	_ =	shalt  }
0x7b: {  	_ =	shalt  }
0x7c: {  	_ =	shalt  }
0x7d: {  	_ =	shalt  }
0x7e: {  	_ =	shalt  }
0x7f: {  	_ =	shalt  }
0x80: {  	_ =	shalt  }
0x81: {  	_ =	shalt  }
0x82: {  	_ =	shalt  }
0x83: {  	_ =	shalt  }
0x84: {  	_ =	shalt  }
0x85: {  	_ =	shalt  }
0x86: {  	_ =	shalt  }
0x87: {  	_ =	shalt  }
.Lfunc_end0:
.L_simem_size_0:
called_computation_lowered:
.L_overlay_start_0:
0x88: {  	s2 =	sld [smem:$0x3FD9]  }
0x89: {  	s3 =	sld [smem:$0x3FFE];
	_ =	sdelay $0x1  }
0x8a: {  	s1 =	srdreg.scid  }
0x8b: {  	s0 =	sand.u32 $0x1, s1  }
0x8c: {  	s14 =	sshll.u32 s0, $0xA;
	s2 =	sadd.s32 s3, s2  }
0x8d: {  	s2 =	sadd.s32 s2, s14  }
0x8e: {  	[smem:$0x3FC3] =	sst s2  }
0x8f: {  	_ = 	snop  }
0x90: {  	s2 =	sld [smem:$0x3FD0];
	_ =	sdelay $0x2  }
0x91: {  	s15 =	simm.s32 $0xA;
	s4 =	simm.s32 $0x10  }
0x92: {  	[smem:s4], [sflag:s15] =	dma.local [hbm:s2], $0x1  }
0x93: {  	_ =	swait.eq [sflag:s15], $0x1  }
0x94: {  	[sflag:s15] =	ssyncset.done $0x0  }
0x95: {  	s16 =	sld [smem:$0x10];
	[sflag:s15] =	ssyncadd.s32 $0xFFFFFFFF  }
0x96: {  	s17 =	sld [smem:$0x11];
	(tm) =	ssettm $0x1  }
0x97: {  	s18 =	sld [smem:$0x3FFB];
	_ =	sdelay $0x3  }
0x98: {  	_ =	strace s18  }
0x99: {  	s4 =	sld [smem:$0x3FFC];
	_ =	sdelay $0x3  }
0x9a: {  	_ =	strace s4  }
0x9b: {  	s4 =	sld [smem:$0x3FFD];
	_ =	sdelay $0x3  }
0x9c: {  	_ =	strace s4  }
0x9d: {  	_ =	strace $0x8FFFFFFF  }
0x9e: {  	s19 =	sld [smem:$0x3FDB];
	_ =	sdelay $0x1  }
0x9f: {  	s5 =	simm.s32 $_scs_section_size  }
0xa0: {  	s6 =	simm.s32 $_size__tile_overlayer_lowered;
	s7 =	simm.s32 $_tile_overlayer_lowered  }
0xa1: {  	s22 =	simm.s32 $0x1BFF;
	s21 =	sshll.u32 s7, $0x1;
	s4 =	sadd.s32 s5, s19  }
0xa2: {  	s8 =	simm.s32 $0x0;
	s20 =	sshll.u32 s6, $0x1;
	s6 =	sadd.s32 s21, s4  }
0xa3: {  	[timem:s8], [sflag:s22] =	dma.local [hbm:s6], s20  }
0xa4: {  	_ =	swait.ge [sflag:s22], s20  }
0xa5: {  	s5 =	ssub.s32 $0x0, s20;
	[sflag:s22] =	ssyncset.done $0x0  }
0xa6: {  	[sflag:s22] =	ssyncadd.s32 s5;
	_ =	sdelay $0x1  }
0xa7: {  	s23 =	simm.s32 $0x1B8B  }
0xa8: {  	_ =	swait.ge [sflag:s23], $0x1  }
0xa9: {  	[sflag:s23] =	ssyncset.done $0x0  }
0xaa: {  	s25 =	simm.s32 $0x1B8E;
	s24 =	sld [smem:$0x3FFE];
	[sflag:s23] =	ssyncadd.s32 $0xFFFFFFFF  }
0xab: {  	s26 =	simm.s32 $execute0_lowered;
	[smem:$0x3FD2] =	sst s25  }
0xac: {  	s6 =	sshll.u32 s26, $0x1;
	_ =	strace $0x80000046;
	[dreg:$0x1] =	wrdreg $0xFFFFFFFF  }
0xad: {  	s28 =	simm.s32 $_size_execute0_lowered;
	s4 =	sadd.s32 s4, s6;
	[dreg:$0x0] =	wrdreg $0x0  }
0xae: {  	s6 =	sshll.u32 s28, $0x1;
	[dreg:$0x2] =	wrdreg s4  }
0xaf: {  	[dreg:$0x3] =	wrdreg s6  }
0xb0: {  	[dreg:$0x4] =	wrdreg $0xC0  }
0xb1: {  	_ =	task [dreg:s8], $0x5FFFF  }
0xb2: {  	[dreg:$0x1] =	wrdreg $0xFFFFFFFF  }
0xb3: {  	[dreg:$0x0] =	wrdreg $0x60  }
0xb4: {  	[dreg:$0x2] =	wrdreg s24  }
0xb5: {  	[dreg:$0x3] =	wrdreg s17  }
0xb6: {  	[dreg:$0x4] =	wrdreg s16  }
0xb7: {  	[dreg:$0x5] =	wrdreg $0xB000  }
0xb8: {  	[dreg:$0x6] =	wrdreg $0xD800  }
0xb9: {  	[dreg:$0x7] =	wrdreg $0x9  }
0xba: {  	_ =	task.clear_ibuf [dreg:s8], $0x8FFFF;
	_ =	strace $0x90000046  }
0xbb: {  	s29 =	simm.s32 $0x9;
	_ =	strace $0x80000048  }
0xbc: {  	_ =	swait.ge [sflag:s29], $0x1  }
0xbd: {  	[sflag:s29] =	ssyncadd.s32 $0xFFFFFFFF  }
0xbe: {  	_ =	strace $0x90000048  }
0xbf: {  	_ =	sfence  }
0xc0: {  	s30 =	sld [smem:$0x0];
	_ =	sdelay $0x2  }
0xc1: {  	s31 =	sshll.u32 s1, $0xD;
	s1 =	sshrl.u32 s1, $0x2  }
0xc2: {  	s3 =	sand.u32 $0x4000, s31;
	s1 =	sadd.s32 s1, s30  }
0xc3: {  	s0 =	sor.u32 s3, s0;
	s1 =	sshll.u32 s1, $0x11  }
0xc4: {  	s0 =	sor.u32 s1, s0  }
0xc5: {  	s0 =	sadd.s32 $0x8F2B, s0  }
0xc6: {  	[sflag:s0] =	ssyncadd.remote.s32 $0x1  }
0xc7: {  	_ =	sfence.sel $0xFFFF  }
0xc8: {  	[dreg:$0x0] =	wrdreg $0xFFFFFFFF;
	(pc) =	sbr.abs _section_cstart, $3  }
0xc9: {  	[dreg:$0x1] =	wrdreg $0xFFFFFFFF  }
0xca: {  	_ =	task.clear_ibuf [dreg:s8], $0x2FFFF;
	_ =	strace $0x9FFFFFFF  }
0xcb: {  	(tm) =	ssettm $0x7FFFFFFF  }
tec
execute0_lowered:
.L_overlay_start_1:
0x0: {  	(tag) =	ssettag $0x1  }
0x1: {  	s0 =	stileid.u32  }
0x2: {  	v31 =	vlaneseq.u32;
	s9 =	sshll.u32 s0, $0x9  }
0x3: {  	s5 =	rddreg [dreg:$0x0];
	v32 =	vimm.s32 $0x0;
	v33 =	vimm.f32 $0.0e+00;
	v0 =	vor.u32 s9, v31;
	s1 =	sor.u32 $0x10, s9;
	s26 =	sor.u32 $0x20, s9  }
0x4: {  	s2 =	sor.u32 $0x30, s9;
	s28 =	sor.u32 $0x40, s9;
	s29 =	sor.u32 $0x50, s9;
	v0 =	vand.u32 $0xE0F, v0;
	v1 =	vor.u32 s1, v31;
	v2 =	vor.u32 s26, v31  }
0x5: {  	s3 =	sor.u32 $0x60, s9;
	s30 =	sor.u32 $0x70, s9;
	s6 =	sor.u32 $0x80, s9;
	v3 =	vor.u32 s2, v31;
	v4 =	vor.u32 s28, v31;
	v5 =	vor.u32 s29, v31  }
0x6: {  	s7 =	sor.u32 $0x90, s9;
	s31 =	sor.u32 $0xA0, s9;
	s8 =	sor.u32 $0xC0, s9;
	v6 =	vor.u32 s3, v31;
	v7 =	vor.u32 s30, v31;
	v8 =	vor.u32 s6, v31  }
0x7: {  	s12 =	sor.u32 $0xD0, s9;
	s14 =	sor.u32 $0xE0, s9;
	s15 =	sor.u32 $0x100, s9;
	v9 =	vor.u32 s7, v31;
	v10 =	vor.u32 s31, v31;
	v12 =	vor.u32 s8, v31  }
0x8: {  	s18 =	sor.u32 $0x110, s9;
	s19 =	sor.u32 $0x120, s9;
	s21 =	sor.u32 $0x130, s9;
	v13 =	vor.u32 s12, v31;
	v14 =	vor.u32 s14, v31;
	v16 =	vor.u32 s15, v31  }
0x9: {  	s22 =	sor.u32 $0x140, s9;
	s23 =	sor.u32 $0x150, s9;
	s24 =	sor.u32 $0x160, s9;
	v17 =	vor.u32 s18, v31;
	v18 =	vor.u32 s19, v31;
	v19 =	vor.u32 s21, v31  }
0xa: {  	s10 =	rddreg [dreg:$0x1];
	s13 =	srdreg.scid;
	s25 =	sor.u32 $0x190, s9;
	v20 =	vor.u32 s22, v31;
	v21 =	vor.u32 s23, v31;
	v22 =	vor.u32 s24, v31  }
0xb: {  	s11 =	rddreg [dreg:$0x2];
	s4 =	simm.s32 $0x0;
	s13 =	sand.u32 $0x1, s13;
	v25 =	vor.u32 s25, v31;
	v1 =	vand.u32 $0xE1F, v1;
	v2 =	vand.u32 $0xE2F, v2  }
0xc: {  	[smem:$0x7FF] =	sst s4;
	s17 =	sshll.u32 s0, $0x6;
	s16 =	ssub.s32 $0x2, s13;
	v3 =	vand.u32 $0xE3F, v3;
	v4 =	vand.u32 $0xE4F, v4;
	v5 =	vand.u32 $0xE5F, v5  }
0xd: {  	p0 =	seq.s32 s13, $0x0;
	s1 =	rddreg [dreg:$0x3];
	s7 =	sor.u32 $0xB0, s9;
	v6 =	vand.u32 $0xE6F, v6;
	v7 =	vand.u32 $0xE7F, v7;
	v8 =	vand.u32 $0xE8F, v8  }
0xe: {  	s13 =	simm.s32 $0x1;
	s3 =	rddreg [dreg:$0x4];
	s8 =	sor.u32 $0xF0, s9;
	v9 =	vand.u32 $0xE9F, v9;
	v10 =	vand.u32 $0xEAF, v10;
	v11 =	vor.u32 s7, v31  }
0xf: {  	s2 =	rddreg [dreg:$0x5];
	_ =	strace $0x80000047;
	s12 =	sadd.s32 s17, s5;
	v12 =	vand.u32 $0xECF, v12;
	v13 =	vand.u32 $0xEDF, v13;
	v15 =	vor.u32 s8, v31  }
0x10: {  	s20 =	sshrl.u32 s16, $0x1;
	s14 =	smul.u32 $0x280, s0;
	s18 =	sor.u32 $0x180, s9;
	v14 =	vand.u32 $0xEEF, v14;
	v16 =	vand.u32 $0xF0F, v16;
	v17 =	vand.u32 $0xF1F, v17  }
0x11: {  	s26 =	sor.u32 $0x1A0, s9;
	s28 =	sor.u32 $0x1B0, s9;
	s29 =	sor.u32 $0x1C0, s9;
	v18 =	vand.u32 $0xF2F, v18;
	v19 =	vand.u32 $0xF3F, v19;
	v20 =	vand.u32 $0xF4F, v20  }
0x12: {  	s19 =	sor.u32 $0x1D0, s9;
	s30 =	sor.u32 $0x1E0, s9;
	s31 =	sor.u32 $0x1F0, s9;
	v21 =	vand.u32 $0xF5F, v21;
	v22 =	vand.u32 $0xF6F, v22;
	v24 =	vor.u32 s18, v31  }
0x13: {  	s17 =	sor.u32 $0x1C01, s17;
	s15 =	ssub.s32 s16, s20;
	s7 =	sadd.s32 $0x12000, s12;
	v25 =	vand.u32 $0xF9F, v25;
	v26 =	vor.u32 s26, v31;
	v27 =	vor.u32 s28, v31  }
.Ltmp0:
0x14: {  	s16 =	sor.u32 $0x170, s9;
	s8 =	sadd.s32 $0x12400, s12;
	v28 =	vor.u32 s29, v31;
	v29 =	vor.u32 s19, v31;
	v30 =	vor.u32 s30, v31;
	(pc) =	sbr.rel .LBB2_1-.Ltmp0, $4  }
0x15: {  	v11 =	vand.u32 $0xEBF, v11;
	v15 =	vand.u32 $0xEFF, v15;
	s5 =	sadd.s32 s14, s1;
	s6 =	sadd.s32 s14, s3;
	v23 =	vor.u32 s16, v31;
	s14 =	sshrl.u32 s14, $0x3  }
0x16: {  	s12 =	simm.s32 $0x600;
	v24 =	vand.u32 $0xF8F, v24;
	v26 =	vand.u32 $0xFAF, v26;
	v27 =	vand.u32 $0xFBF, v27;
	s16 =	simm.s32 $0x400;
	s9 =	sadd.s32 s10, s14  }
0x17: {  	v28 =	vand.u32 $0xFCF, v28;
	v29 =	vand.u32 $0xFDF, v29;
	v31 =	vor.u32 s31, v31;
	s10 =	sadd.s32 s11, s14;
	s11 =	smax.u32 s15, $0x1;
	s14 =	simm.s32 $0x880  }
0x18: {  	v30 =	vand.u32 $0xFEF, v30;
	v23 =	vand.u32 $0xF7F, v23;
	s15 =	simm.s32 $0x200;
	v31 =	vand.u32 $0xFFF, v31;
	s18 =	sshrl.u32 s5, $0x3;
	s19 =	sshrl.u32 s6, $0x3  }
.LBB2_3:
0x19: {  	[tilespmem:$0x600] =	vst v32  }
0x1a: {  	[tilespmem:$0x880] =	vst v33  }
0x1b: {  	[tilespmem:$0x610] =	vst v32  }
0x1c: {  	[tilespmem:$0x890] =	vst v33  }
0x1d: {  	[tilespmem:$0x620] =	vst v32  }
0x1e: {  	[tilespmem:$0x8A0] =	vst v33  }
0x1f: {  	[tilespmem:$0x630] =	vst v32  }
0x20: {  	[tilespmem:$0x8B0] =	vst v33  }
0x21: {  	[tilespmem:$0x640] =	vst v32  }
0x22: {  	[tilespmem:$0x8C0] =	vst v33  }
0x23: {  	[tilespmem:$0x650] =	vst v32  }
0x24: {  	[tilespmem:$0x8D0] =	vst v33  }
0x25: {  	[tilespmem:$0x660] =	vst v32  }
0x26: {  	[tilespmem:$0x8E0] =	vst v33  }
0x27: {  	[tilespmem:$0x670] =	vst v32  }
0x28: {  	[tilespmem:$0x8F0] =	vst v33  }
0x29: {  	[tilespmem:$0x680] =	vst v32  }
0x2a: {  	[tilespmem:$0x900] =	vst v33  }
0x2b: {  	[tilespmem:$0x690] =	vst v32  }
0x2c: {  	[tilespmem:$0x910] =	vst v33  }
0x2d: {  	[tilespmem:$0x6A0] =	vst v32  }
0x2e: {  	[tilespmem:$0x920] =	vst v33  }
0x2f: {  	[tilespmem:$0x6B0] =	vst v32  }
0x30: {  	[tilespmem:$0x930] =	vst v33  }
0x31: {  	[tilespmem:$0x6C0] =	vst v32  }
0x32: {  	[tilespmem:$0x940] =	vst v33  }
0x33: {  	[tilespmem:$0x6D0] =	vst v32  }
0x34: {  	[tilespmem:$0x950] =	vst v33  }
0x35: {  	[tilespmem:$0x6E0] =	vst v32  }
0x36: {  	[tilespmem:$0x960] =	vst v33  }
0x37: {  	[tilespmem:$0x6F0] =	vst v32  }
0x38: {  	[tilespmem:$0x970] =	vst v33  }
0x39: {  	[tilespmem:$0x700] =	vst v32  }
0x3a: {  	[tilespmem:$0x980] =	vst v33  }
0x3b: {  	[tilespmem:$0x710] =	vst v32  }
0x3c: {  	[tilespmem:$0x990] =	vst v33  }
0x3d: {  	[tilespmem:$0x720] =	vst v32  }
0x3e: {  	[tilespmem:$0x9A0] =	vst v33  }
0x3f: {  	[tilespmem:$0x730] =	vst v32  }
0x40: {  	[tilespmem:$0x9B0] =	vst v33  }
0x41: {  	[tilespmem:$0x740] =	vst v32  }
0x42: {  	[tilespmem:$0x9C0] =	vst v33  }
0x43: {  	[tilespmem:$0x750] =	vst v32  }
0x44: {  	[tilespmem:$0x9D0] =	vst v33  }
0x45: {  	[tilespmem:$0x760] =	vst v32  }
0x46: {  	[tilespmem:$0x9E0] =	vst v33  }
0x47: {  	[tilespmem:$0x770] =	vst v32  }
0x48: {  	[tilespmem:$0x9F0] =	vst v33  }
0x49: {  	[tilespmem:$0x780] =	vst v32  }
0x4a: {  	[tilespmem:$0xA00] =	vst v33  }
0x4b: {  	[tilespmem:$0x790] =	vst v32  }
0x4c: {  	[tilespmem:$0xA10] =	vst v33  }
0x4d: {  	[tilespmem:$0x7A0] =	vst v32  }
0x4e: {  	[tilespmem:$0xA20] =	vst v33  }
0x4f: {  	[tilespmem:$0x7B0] =	vst v32  }
0x50: {  	[tilespmem:$0xA30] =	vst v33  }
0x51: {  	[tilespmem:$0x7C0] =	vst v32  }
0x52: {  	[tilespmem:$0xA40] =	vst v33  }
0x53: {  	[tilespmem:$0x7D0] =	vst v32  }
0x54: {  	[tilespmem:$0xA50] =	vst v33  }
0x55: {  	[tilespmem:$0x7E0] =	vst v32  }
0x56: {  	[tilespmem:$0xA60] =	vst v33  }
0x57: {  	[tilespmem:$0x7F0] =	vst v32  }
0x58: {  	[tilespmem:$0xA70] =	vst v33  }
0x59: {  	[tilespmem:$0x800] =	vst v32  }
0x5a: {  	[tilespmem:$0xA80] =	vst v33  }
0x5b: {  	[tilespmem:$0x810] =	vst v32  }
0x5c: {  	[tilespmem:$0xA90] =	vst v33  }
0x5d: {  	[tilespmem:$0x820] =	vst v32  }
0x5e: {  	[tilespmem:$0xAA0] =	vst v33  }
0x5f: {  	[tilespmem:$0x830] =	vst v32  }
0x60: {  	[tilespmem:$0xAB0] =	vst v33  }
0x61: {  	[tilespmem:$0x840] =	vst v32  }
0x62: {  	[tilespmem:$0xAC0] =	vst v33  }
0x63: {  	[tilespmem:$0x850] =	vst v32  }
0x64: {  	[tilespmem:$0xAD0] =	vst v33  }
0x65: {  	[tilespmem:$0x860] =	vst v32  }
0x66: {  	[tilespmem:$0xAE0] =	vst v33  }
0x67: {  	[tilespmem:$0x870] =	vst v32  }
0x68: {  	[tilespmem:$0xAF0] =	vst v33  }
0x69: {  	[spmem:s5] =	stream.linear.scatter [tilespmem:s12], [sflag:$0x1], $0x280, $0x38;
	[tilespmem:$0x1000] =	vst v63  }
0x6a: {  	_ =	swait.ge [sflag:s13], $0x280  }
0x6b: {  	[sflag:s13] =	ssyncset.done $0x0  }
0x6c: {  	[sflag:s13] =	ssyncadd.s32 $0xFFFFFD80  }
0x6d: {  	[spmem:s6] =	stream.linear.scatter [tilespmem:s14], [sflag:$0x1], $0x280, $0x38;
	[tilespmem:$0x1000] =	vst v63  }
0x6e: {  	_ =	swait.ge [sflag:s13], $0x280  }
0x6f: {  	[sflag:s13] =	ssyncset.done $0x0  }
0x70: {  	[sflag:s13] =	ssyncadd.s32 $0xFFFFFD80  }
0x71: {  	[bflag:$0x0] =	sbarrier.arrive $0xFFFF  }
0x72: {  	[tilespmem:s4], [sflag:$0x1] =	stream.linear.gather [hbm4b:s7+s4], $0x200, $0x38;
	[tilespmem:$0x1000] =	vst v63  }
0x73: {  	_ =	swait.ge [sflag:s13], $0x200  }
0x74: {  	[sflag:s13] =	ssyncset.done $0x0  }
0x75: {  	[sflag:s13] =	ssyncadd.s32 $0xFFFFFE00  }
0x76: {  	[tilespmem:s15], [sflag:$0x1] =	stream.linear.gather [hbm4b:s8+s4], $0x200, $0x38;
	[tilespmem:$0x1000] =	vst v63  }
0x77: {  	_ =	swait.ge [sflag:s13], $0x200  }
0x78: {  	[sflag:s13] =	ssyncset.done $0x0  }
0x79: {  	[sflag:s13] =	ssyncadd.s32 $0xFFFFFE00  }
0x7a: {  	[tilespmem:$0x400] =	vst v0  }
0x7b: {  	[tilespmem:$0x410] =	vst v1  }
0x7c: {  	[tilespmem:$0x420] =	vst v2  }
0x7d: {  	[tilespmem:$0x430] =	vst v3  }
0x7e: {  	[tilespmem:$0x440] =	vst v4  }
0x7f: {  	[tilespmem:$0x450] =	vst v5  }
0x80: {  	[tilespmem:$0x460] =	vst v6  }
0x81: {  	[tilespmem:$0x470] =	vst v7  }
0x82: {  	[tilespmem:$0x480] =	vst v8  }
0x83: {  	[tilespmem:$0x490] =	vst v9  }
0x84: {  	[tilespmem:$0x4A0] =	vst v10  }
0x85: {  	[tilespmem:$0x4B0] =	vst v11  }
0x86: {  	[tilespmem:$0x4C0] =	vst v12  }
0x87: {  	[tilespmem:$0x4D0] =	vst v13  }
0x88: {  	[tilespmem:$0x4E0] =	vst v14  }
0x89: {  	[tilespmem:$0x4F0] =	vst v15  }
0x8a: {  	[tilespmem:$0x500] =	vst v16  }
0x8b: {  	[tilespmem:$0x510] =	vst v17  }
0x8c: {  	[tilespmem:$0x520] =	vst v18  }
0x8d: {  	[tilespmem:$0x530] =	vst v19  }
0x8e: {  	[tilespmem:$0x540] =	vst v20  }
0x8f: {  	[tilespmem:$0x550] =	vst v21  }
0x90: {  	[tilespmem:$0x560] =	vst v22  }
0x91: {  	[tilespmem:$0x570] =	vst v23  }
0x92: {  	[tilespmem:$0x580] =	vst v24  }
0x93: {  	[tilespmem:$0x590] =	vst v25  }
0x94: {  	[tilespmem:$0x5A0] =	vst v26  }
0x95: {  	[tilespmem:$0x5B0] =	vst v27  }
0x96: {  	[tilespmem:$0x5C0] =	vst v28  }
0x97: {  	[tilespmem:$0x5D0] =	vst v29  }
0x98: {  	[tilespmem:$0x5E0] =	vst v30  }
0x99: {  	[tilespmem:$0x5F0] =	vst v31  }
0x9a: {  	[spmem:s1] =	stream.indirect.scatter.add.s32 [tilespmem:s16], [sflag:$0x1], $0x1, s4, s15, $0xb8;
	[tilespmem:$0x1000] =	vst v63  }
0x9b: {  	_ =	swait.ge [sflag:s13], $0x200  }
0x9c: {  	[sflag:s13] =	ssyncset.done $0x0  }
0x9d: {  	[sflag:s13] =	ssyncadd.s32 $0xFFFFFE00  }
0x9e: {  	[spmem:s3] =	stream.indirect.scatter.add.f32 [tilespmem:s15], [sflag:$0x1], $0x1, s4, s15, $0xb8;
	[tilespmem:$0x1000] =	vst v63  }
0x9f: {  	_ =	swait.ge [sflag:s13], $0x200  }
0xa0: {  	[sflag:s13] =	ssyncset.done $0x0  }
0xa1: {  	[sflag:s13] =	ssyncadd.s32 $0xFFFFFE00  }
0xa2: {  	[bflag:$0x0] =	sbarrier.arrive $0xFFFF  }
0xa3: {  	[hbm:s9], [sflag:s17] =	dma.local [spmem:s18], $0x50  }
0xa4: {  	_ =	swait.ge [sflag:s13], $0x50  }
0xa5: {  	[sflag:s13] =	ssyncset.done $0x0  }
0xa6: {  	[sflag:s13] =	ssyncadd.s32 $0xFFFFFFB0  }
0xa7: {  	[hbm:s10], [sflag:s17] =	dma.local [spmem:s19], $0x50  }
0xa8: {  	_ =	swait.ge [sflag:s13], $0x50  }
0xa9: {  	[sflag:s13] =	ssyncset.done $0x0  }
0xaa: {  	[sflag:s13] =	ssyncadd.s32 $0xFFFFFFB0  }
.LBB2_4:
0xab: {  	s11 =	sadd.s32 $0xFFFFFFFF, s11  }
0xac: {  	p1 =	sne.s32 s11, $0x0  }
.Ltmp1:
0xad: {  	_ = 	snop;
	(pc) =	sbr.rel @!p1 .LBB2_5-.Ltmp1, $1  }
0xae: {  	_ =	sdelay $0x3  }
.LBB2_1:
.Ltmp2:
0xaf: {  	(pc) =	sbr.rel @p0 .LBB2_3-.Ltmp2, $1  }
0xb0: {  	_ =	sdelay $0x3  }
.Ltmp3:
0xb1: {  	(pc) =	sbr.rel .LBB2_4-.Ltmp3, $3  }
0xb2: {  	_ = 	snop  }
0xb3: {  	[bflag:$0x0] =	sbarrier.arrive $0xFFFF  }
0xb4: {  	[bflag:$0x0] =	sbarrier.arrive $0xFFFF;
	_ =	sdelay $0x1  }
.LBB2_5:
0xb5: {  	_ =	sfence.sel $0x180000  }
0xb6: {  	[bflag:$0x0] =	sbarrier.arrive $0xFFFF  }
0xb7: {  	p0 =	sne.s32 s0, $0x0;
	_ =	strace $0x90000047  }
0xb8: {  	s0 =	sadd.s32 @!p0 $0x100000, s2;
	[bflag:$0x2] =	sbarrier.arrive $0xFFFF  }
0xb9: {  	[sflag:s0] =	ssyncadd.tile.s32 @!p0 $0x1;
	_ =	shalt  }
.Lfunc_end2:
_tile_overlayer_lowered:
.L_overlay_start_2:
0xba: {  	(tag) =	ssettag $0x2  }
0xbb: {  	s0 =	rddreg [dreg:$0x0];
	s2 =	stileid.u32  }
0xbc: {  	s1 =	rddreg [dreg:$0x1];
	p0 =	sne.s32 s2, $0x0  }
0xbd: {  	s3 =	rddreg [dreg:$0x2];
	[bflag:$0x3] =	sbarrier.arrive $0xFFFF;
	s2 =	simm.s32 @!p0 $0x1C01  }
0xbe: {  	[timem:s3], [sflag:s2] =	dma.local @!p0 [hbm:s0], s1  }
0xbf: {  	s0 =	simm.s32 @!p0 $0x1  }
0xc0: {  	_ =	swait.ge @!p0 [sflag:s0], s1  }
0xc1: {  	s1 =	ssub.s32 @!p0 $0x0, s1;
	[sflag:s0] =	ssyncset.done @!p0 $0x0  }
0xc2: {  	[sflag:s0] =	ssyncadd.s32 @!p0 s1  }
0xc3: {  	[bflag:$0x3] =	sbarrier.arrive $0xFFFF  }
0xc4: {  	_ =	shalt  }

</sc_bundles>
